<compile_context>
chip_gen: v7x
topology: tpu7x:2x2x1
jax: 0.10.2.dev20260603
libtpu: 0.0.44.dev20260713+nightly
codegen_flags: <defaults>
</compile_context>

<pallas_src>
import functools
import math

import jax
import jax.numpy as jnp
from jax import lax
from jax.experimental import pallas as pl
from jax.experimental.pallas import tpu as pltpu
from jax.experimental.pallas import tpu_sc as plsc

_VOCAB = 100000
_D = 64
_B = 4096
_S = 200
_SCALE = math.sqrt(float(_D))

_NC = 2
_NS = 16
_NW = _NC * _NS
_W = 256
_NH = _B // _W
_NM = _NW // _NH
_NT = _S // _NM
_DI = _D // 8
_JB = _B // 128


def _sc_body(tok_hbm, table_hbm, pe_hbm, out_hbm, idx_v, pe_v, bidx_v,
             rot_v, div_v, rm_v, rows_v, obuf_v,
             semi, semg0, semg1, sems0, sems1):
    cid = lax.axis_index("c")
    sid = lax.axis_index("s")
    wid = sid * _NC + cid
    h = wid // _NM
    m = wid % _NM

    pltpu.sync_copy(pe_hbm, pe_v)
    iota = lax.iota(jnp.int32, 16)
    for c0 in range(16):
        bidx_v[c0, :] = iota + (c0 * 16)
    for t in range(16):
        rot = lax.rem(iota + t, jnp.full((16,), 16, jnp.int32))
        rot_v[t, :] = rot
        div_v[t, :] = lax.shift_right_logical(rot, jnp.full((16,), 3, jnp.int32))
        rm_v[t, :] = lax.rem(rot, jnp.full((16,), 8, jnp.int32))

    def s_of(k):
        return k * _NM + m

    def start_idx(k, q):
        pltpu.async_copy(tok_hbm.at[s_of(k), pl.ds(h * _W, _W)],
                         idx_v.at[q], semi)

    def wait_idx(k, q):
        pltpu.make_async_copy(tok_hbm.at[s_of(k), pl.ds(h * _W, _W)],
                              idx_v.at[q], semi).wait()

    def gsem(p):
        return (semg0, semg1)[p]

    def start_gather(k, p):
        for half in range(2):
            pltpu.async_copy(
                table_hbm.at[idx_v.at[p, pl.ds(half * 128, 128)]],
                rows_v.at[p, pl.ds(half * 128, 128)], gsem(p))

    def wait_gather(k, p):
        for half in range(2):
            pltpu.make_async_copy(
                table_hbm.at[idx_v.at[p, pl.ds(half * 128, 128)]],
                rows_v.at[p, pl.ds(half * 128, 128)], gsem(p)).wait()

    def ssem(p):
        return (sems0, sems1)[p]

    def start_store(k, p):
        pltpu.async_copy(obuf_v.at[p],
                         out_hbm.at[s_of(k), :, pl.ds(2 * h, 2)], ssem(p))

    def wait_store(k, p):
        pltpu.make_async_copy(obuf_v.at[p],
                              out_hbm.at[s_of(k), :, pl.ds(2 * h, 2)],
                              ssem(p)).wait()

    def compute(k, rows_p, obuf_p):
        rp = rows_v.at[rows_p]
        ob = obuf_v.at[obuf_p]
        s_idx = lax.broadcast(s_of(k), (16,))
        pats = tuple(bidx_v[c0, :] for c0 in range(16))

        @plsc.parallel_loop(0, 64, 1, unroll=1)
        def body_q(q):
            t = lax.rem(q, 16)
            d0i = lax.div(q, 16)
            rot = rot_v[t, :]
            dpat = rot + d0i * 16
            peb = plsc.load_gather(pe_v, [s_idx, dpat])
            iidx = div_v[t, :] + d0i * 2
            ridx = rm_v[t, :]
            for c in range(16):
                vals = plsc.load_gather(rp, [pats[c], dpat])
                jj = lax.broadcast(jnp.int32(c // 8), (16,))
                plsc.store_scatter(ob, [iidx, jj, ridx, pats[c % 8]],
                                   vals * _SCALE + peb)

    start_idx(0, 0)
    start_idx(1, 1)
    wait_idx(0, 0)
    for c0 in range(16):
        sl = pl.ds(c0 * 16, 16)
        idx_v[0, sl] = idx_v[0, sl] * 2
    start_gather(0, 0)

    def pair(k2, carry):
        for kk in range(2):
            k = k2 * 2 + kk

            wait_gather(k, kk)

            @pl.when(k + 2 < _NT)
            def _():
                start_idx(k + 2, kk)

            @pl.when(k + 1 < _NT)
            def _():
                wait_idx(k + 1, 1 - kk)
                for c0 in range(16):
                    sl = pl.ds(c0 * 16, 16)
                    idx_v[1 - kk, sl] = idx_v[1 - kk, sl] * 2
                start_gather(k + 1, 1 - kk)

            @pl.when(k >= 2)
            def _():
                wait_store(k - 2, kk)

            compute(k, kk, kk)
            start_store(k, kk)
        return carry

    lax.fori_loop(0, _NT // 2, pair, 0, unroll=False)
    wait_store(_NT - 2, 0)
    wait_store(_NT - 1, 1)


def kernel(token_ids, table, pe):
    tok_t = token_ids.astype(jnp.int32).T
    pe_s = pe[:_S].astype(jnp.float32)

    mesh = plsc.VectorSubcoreMesh(core_axis_name="c", subcore_axis_name="s")
    run = functools.partial(
        pl.kernel,
        mesh=mesh,
        compiler_params=pltpu.CompilerParams(use_tc_tiling_on_sc=False,
                                             needs_layout_passes=False),
        out_type=jax.ShapeDtypeStruct((_S, _DI, _JB, 8, 128), jnp.float32),
        scratch_types=[
            pltpu.VMEM((2, _W), jnp.int32),
            pltpu.VMEM((_S, _D), jnp.float32),
            pltpu.VMEM((16, 16), jnp.int32),
            pltpu.VMEM((16, 16), jnp.int32),
            pltpu.VMEM((16, 16), jnp.int32),
            pltpu.VMEM((16, 16), jnp.int32),
            pltpu.VMEM((2, _W, _D), jnp.float32),
            pltpu.VMEM((2, _DI, 2, 8, 128), jnp.float32),
            pltpu.SemaphoreType.DMA,
            pltpu.SemaphoreType.DMA,
            pltpu.SemaphoreType.DMA,
            pltpu.SemaphoreType.DMA,
            pltpu.SemaphoreType.DMA,
        ],
    )(_sc_body)
    table_p = jnp.pad(table, ((0, 0), (0, _D))).reshape(2 * _VOCAB, _D)
    out5 = run(tok_t, table_p, pe_s)
    return out5.transpose(2, 4, 0, 1, 3).reshape(_B, _S, _D)

# --- scband reference (transcript-rebuilt; emitter-appended) ---
"""Pipeline reference for scband-music-embedding-16088947491394 (READ-ONLY COPY).

The authoritative reference and input builder live on the scoring server;
editing this copy changes nothing except your own understanding.
"""

import jax, jax.numpy as jnp
import numpy as np
import math

VOCAB_SIZE = 100000
HIDDEN_DIM = 64
MAX_LEN = 2048
BATCH = 4096
SEQ_LEN = 200


def _make_pe(max_len, hidden_dim):
    pe = np.zeros((max_len, hidden_dim), dtype=np.float32)
    position = np.arange(0, max_len, dtype=np.float32)[:, None]
    div_term = np.exp(np.arange(0, hidden_dim, 2, dtype=np.float32) * (-math.log(10000.0) / hidden_dim))
    pe[:, 0::2] = np.sin(position * div_term)
    pe[:, 1::2] = np.cos(position * div_term)
    return jnp.asarray(pe)


def setup_inputs(seed: int = 0) -> dict:
    key = jax.random.key(seed)
    k_idx, k_tab = jax.random.split(key)
    token_ids = jax.random.randint(k_idx, (BATCH, SEQ_LEN), 0, VOCAB_SIZE, dtype=jnp.int64 if jax.config.jax_enable_x64 else jnp.int32)
    # Xavier-uniform init for the embedding table, matching nn.init.xavier_uniform_
    bound = math.sqrt(6.0 / (VOCAB_SIZE + HIDDEN_DIM))
    table = jax.random.uniform(k_tab, (VOCAB_SIZE, HIDDEN_DIM), minval=-bound, maxval=bound, dtype=jnp.float32)
    pe = _make_pe(MAX_LEN, HIDDEN_DIM)
    return {"token_ids": token_ids, "table": table, "pe": pe}


def reference(token_ids, table, pe):
    # TokenEmbedding: gather rows from the table
    tok_emb = jnp.take(table, token_ids, axis=0)  # [B, S, D]
    scale = math.sqrt(HIDDEN_DIM)
    tok_emb = tok_emb * scale
    # PositionalEncoding: add sinusoidal PE (dropout p=0.0 -> identity)
    seq_len = token_ids.shape[1]
    out = tok_emb + pe[None, :seq_len, :]
    return out

if __name__ == "__main__":
    import jax
    _d = setup_inputs()
    print(jax.jit(kernel)(*tuple(_d.values())))

</pallas_src>

<mosaic_0001>
#map = affine_map<(d0, d1) -> (0, 0)>
#map1 = affine_map<(d0, d1) -> (0, 0, 0, 0, 0)>
module attributes {stable_mosaic.version = 14 : i64} {
  func.func @_sc_body(%arg0: i32, %arg1: i32, %arg2: memref<200x4096xi32, #tpu.memory_space<hbm>>, %arg3: memref<200000x64xf32, #tpu.memory_space<hbm>>, %arg4: memref<200x64xf32, #tpu.memory_space<hbm>>, %arg5: memref<200x8x32x8x128xf32, #tpu.memory_space<hbm>>, %arg6: memref<2x256xi32, #tpu.memory_space<vmem>>, %arg7: memref<200x64xf32, #tpu.memory_space<vmem>>, %arg8: memref<16x16xi32, #tpu.memory_space<vmem>>, %arg9: memref<16x16xi32, #tpu.memory_space<vmem>>, %arg10: memref<16x16xi32, #tpu.memory_space<vmem>>, %arg11: memref<16x16xi32, #tpu.memory_space<vmem>>, %arg12: memref<2x256x64xf32, #tpu.memory_space<vmem>>, %arg13: memref<2x8x2x8x128xf32, #tpu.memory_space<vmem>>, %arg14: memref<!tpu.dma_semaphore, #tpu.memory_space<semaphore_mem>>, %arg15: memref<!tpu.dma_semaphore, #tpu.memory_space<semaphore_mem>>, %arg16: memref<!tpu.dma_semaphore, #tpu.memory_space<semaphore_mem>>, %arg17: memref<!tpu.dma_semaphore, #tpu.memory_space<semaphore_mem>>, %arg18: memref<!tpu.dma_semaphore, #tpu.memory_space<semaphore_mem>>) attributes {dimension_semantics = [#tpu.dimension_semantics<core_parallel>, #tpu.dimension_semantics<subcore_parallel>], iteration_bounds = array<i64: 2, 16>, scalar_prefetch = 0 : i64, scratch_operands = 13 : i64, tpu.core_type = #tpu.core_type<sc_vector_subcore>, window_params = [{transform_indices = #map}, {transform_indices = #map}, {transform_indices = #map}, {transform_indices = #map1}]} {
    %mul3A = arith.constant 2 : i32
    %mul3A_0 = arith.muli %arg1, %mul3A : i32
    %add3A = arith.addi %mul3A_0, %arg0 : i32
    %jit3A = arith.constant 2 : i32
    %div3A = arith.divsi %add3A, %jit3A : i32
    %sign3A = arith.constant 0 : i32
    %sign3A_1 = arith.cmpi sgt, %add3A, %sign3A : i32
    %sign3A_2 = arith.extui %sign3A_1 : i1 to i32
    %sign3A_3 = arith.constant 0 : i32
    %sign3A_4 = arith.cmpi slt, %add3A, %sign3A_3 : i32
    %sign3A_5 = arith.extui %sign3A_4 : i1 to i32
    %sign3A_6 = arith.subi %sign3A_2, %sign3A_5 : i32
    %sign3A_7 = arith.constant 0 : i32
    %sign3A_8 = arith.cmpi sgt, %jit3A, %sign3A_7 : i32
    %sign3A_9 = arith.extui %sign3A_8 : i1 to i32
    %sign3A_10 = arith.constant 0 : i32
    %sign3A_11 = arith.cmpi slt, %jit3A, %sign3A_10 : i32
    %sign3A_12 = arith.extui %sign3A_11 : i1 to i32
    %sign3A_13 = arith.subi %sign3A_9, %sign3A_12 : i32
    %ne3A = arith.cmpi ne, %sign3A_6, %sign3A_13 : i32
    %rem3A = arith.remsi %add3A, %jit3A : i32
    %ne3A_14 = arith.constant 0 : i32
    %ne3A_15 = arith.cmpi ne, %rem3A, %ne3A_14 : i32
    %and3A = arith.andi %ne3A, %ne3A_15 : i1
    %sub3A = arith.constant 1 : i32
    %sub3A_16 = arith.subi %div3A, %sub3A : i32
    %select_n3A = arith.select %and3A, %sub3A_16, %div3A : i32
    %jit3A_17 = arith.constant 2 : i32
    %eq3A = arith.constant 0 : i32
    %eq3A_18 = arith.cmpi eq, %jit3A_17, %eq3A : i32
    %jit3A_19 = arith.constant 1 : i32
    %select_n3A_20 = arith.select %eq3A_18, %jit3A_19, %jit3A_17 : i32
    %rem3A_21 = arith.remsi %add3A, %select_n3A_20 : i32
    %ne3A_22 = arith.constant 0 : i32
    %ne3A_23 = arith.cmpi ne, %rem3A_21, %ne3A_22 : i32
    %lt3A = arith.constant 0 : i32
    %lt3A_24 = arith.cmpi slt, %rem3A_21, %lt3A : i32
    %lt3A_25 = arith.constant 0 : i32
    %lt3A_26 = arith.cmpi slt, %select_n3A_20, %lt3A_25 : i32
    %ne3A_27 = arith.xori %lt3A_24, %lt3A_26 : i1
    %and3A_28 = arith.andi %ne3A_27, %ne3A_23 : i1
    %add3A_29 = arith.addi %rem3A_21, %select_n3A_20 : i32
    %select_n3A_30 = arith.select %and3A_28, %add3A_29, %rem3A_21 : i32
    "tpu.region"() ({
      %run_scoped3A = tpu.sem_alloc : memref<!tpu.dma_semaphore, #tpu.memory_space<semaphore_mem>>
      tpu.enqueue_dma source(%arg4 : memref<200x64xf32, #tpu.memory_space<hbm>>) target(%arg7 : memref<200x64xf32, #tpu.memory_space<vmem>>) target_semaphore(%run_scoped3A : memref<!tpu.dma_semaphore, #tpu.memory_space<semaphore_mem>>)
      tpu.wait_dma2 semaphore(%run_scoped3A : memref<!tpu.dma_semaphore, #tpu.memory_space<semaphore_mem>>) src(%arg4 : memref<200x64xf32, #tpu.memory_space<hbm>>) dst(%arg7 : memref<200x64xf32, #tpu.memory_space<vmem>>)
      tpu.yield
    }) : () -> ()
    %iota3A = tpu.iota {dimensions = array<i32: 0>} : vector<16xi32>
    %add3A_31 = arith.constant 0 : i32
    %add3A_32 = vector.broadcast %add3A_31 : i32 to vector<16xi32>
    %add3A_33 = arith.addi %iota3A, %add3A_32 : vector<16xi32>
    %swap3A = arith.constant 0 : i32
    %swap3A_34 = arith.index_cast %swap3A : i32 to index
    %swap3A_35 = arith.constant 0 : index
    %swap3A_36 = tpu.vector_load %arg8[%swap3A_34, %swap3A_35] {strides = array<i32>} : memref<16x16xi32, #tpu.memory_space<vmem>>, vector<16xi32>,
    tpu.vector_store %arg8[%swap3A_34, %swap3A_35], %add3A_33 {strides = array<i32>} : memref<16x16xi32, #tpu.memory_space<vmem>>, vector<16xi32>,
    %add3A_37 = arith.constant 16 : i32
    %add3A_38 = vector.broadcast %add3A_37 : i32 to vector<16xi32>
    %add3A_39 = arith.addi %iota3A, %add3A_38 : vector<16xi32>
    %swap3A_40 = arith.constant 1 : i32
    %swap3A_41 = arith.index_cast %swap3A_40 : i32 to index
    %swap3A_42 = arith.constant 0 : index
    %swap3A_43 = tpu.vector_load %arg8[%swap3A_41, %swap3A_42] {strides = array<i32>} : memref<16x16xi32, #tpu.memory_space<vmem>>, vector<16xi32>,
    tpu.vector_store %arg8[%swap3A_41, %swap3A_42], %add3A_39 {strides = array<i32>} : memref<16x16xi32, #tpu.memory_space<vmem>>, vector<16xi32>,
    %add3A_44 = arith.constant 32 : i32
    %add3A_45 = vector.broadcast %add3A_44 : i32 to vector<16xi32>
    %add3A_46 = arith.addi %iota3A, %add3A_45 : vector<16xi32>
    %swap3A_47 = arith.constant 2 : i32
    %swap3A_48 = arith.index_cast %swap3A_47 : i32 to index
    %swap3A_49 = arith.constant 0 : index
    %swap3A_50 = tpu.vector_load %arg8[%swap3A_48, %swap3A_49] {strides = array<i32>} : memref<16x16xi32, #tpu.memory_space<vmem>>, vector<16xi32>,
    tpu.vector_store %arg8[%swap3A_48, %swap3A_49], %add3A_46 {strides = array<i32>} : memref<16x16xi32, #tpu.memory_space<vmem>>, vector<16xi32>,
    %add3A_51 = arith.constant 48 : i32
    %add3A_52 = vector.broadcast %add3A_51 : i32 to vector<16xi32>
    %add3A_53 = arith.addi %iota3A, %add3A_52 : vector<16xi32>
    %swap3A_54 = arith.constant 3 : i32
    %swap3A_55 = arith.index_cast %swap3A_54 : i32 to index
    %swap3A_56 = arith.constant 0 : index
    %swap3A_57 = tpu.vector_load %arg8[%swap3A_55, %swap3A_56] {strides = array<i32>} : memref<16x16xi32, #tpu.memory_space<vmem>>, vector<16xi32>,
    tpu.vector_store %arg8[%swap3A_55, %swap3A_56], %add3A_53 {strides = array<i32>} : memref<16x16xi32, #tpu.memory_space<vmem>>, vector<16xi32>,
    %add3A_58 = arith.constant 64 : i32
    %add3A_59 = vector.broadcast %add3A_58 : i32 to vector<16xi32>
    %add3A_60 = arith.addi %iota3A, %add3A_59 : vector<16xi32>
    %swap3A_61 = arith.constant 4 : i32
    %swap3A_62 = arith.index_cast %swap3A_61 : i32 to index
    %swap3A_63 = arith.constant 0 : index
    %swap3A_64 = tpu.vector_load %arg8[%swap3A_62, %swap3A_63] {strides = array<i32>} : memref<16x16xi32, #tpu.memory_space<vmem>>, vector<16xi32>,
    tpu.vector_store %arg8[%swap3A_62, %swap3A_63], %add3A_60 {strides = array<i32>} : memref<16x16xi32, #tpu.memory_space<vmem>>, vector<16xi32>,
    %add3A_65 = arith.constant 80 : i32
    %add3A_66 = vector.broadcast %add3A_65 : i32 to vector<16xi32>
    %add3A_67 = arith.addi %iota3A, %add3A_66 : vector<16xi32>
    %swap3A_68 = arith.constant 5 : i32
    %swap3A_69 = arith.index_cast %swap3A_68 : i32 to index
    %swap3A_70 = arith.constant 0 : index
    %swap3A_71 = tpu.vector_load %arg8[%swap3A_69, %swap3A_70] {strides = array<i32>} : memref<16x16xi32, #tpu.memory_space<vmem>>, vector<16xi32>,
    tpu.vector_store %arg8[%swap3A_69, %swap3A_70], %add3A_67 {strides = array<i32>} : memref<16x16xi32, #tpu.memory_space<vmem>>, vector<16xi32>,
    %add3A_72 = arith.constant 96 : i32
    %add3A_73 = vector.broadcast %add3A_72 : i32 to vector<16xi32>
    %add3A_74 = arith.addi %iota3A, %add3A_73 : vector<16xi32>
    %swap3A_75 = arith.constant 6 : i32
    %swap3A_76 = arith.index_cast %swap3A_75 : i32 to index
    %swap3A_77 = arith.constant 0 : index
    %swap3A_78 = tpu.vector_load %arg8[%swap3A_76, %swap3A_77] {strides = array<i32>} : memref<16x16xi32, #tpu.memory_space<vmem>>, vector<16xi32>,
    tpu.vector_store %arg8[%swap3A_76, %swap3A_77], %add3A_74 {strides = array<i32>} : memref<16x16xi32, #tpu.memory_space<vmem>>, vector<16xi32>,
    %add3A_79 = arith.constant 112 : i32
    %add3A_80 = vector.broadcast %add3A_79 : i32 to vector<16xi32>
    %add3A_81 = arith.addi %iota3A, %add3A_80 : vector<16xi32>
    %swap3A_82 = arith.constant 7 : i32
    %swap3A_83 = arith.index_cast %swap3A_82 : i32 to index
    %swap3A_84 = arith.constant 0 : index
    %swap3A_85 = tpu.vector_load %arg8[%swap3A_83, %swap3A_84] {strides = array<i32>} : memref<16x16xi32, #tpu.memory_space<vmem>>, vector<16xi32>,
    tpu.vector_store %arg8[%swap3A_83, %swap3A_84], %add3A_81 {strides = array<i32>} : memref<16x16xi32, #tpu.memory_space<vmem>>, vector<16xi32>,
    %add3A_86 = arith.constant 128 : i32
    %add3A_87 = vector.broadcast %add3A_86 : i32 to vector<16xi32>
    %add3A_88 = arith.addi %iota3A, %add3A_87 : vector<16xi32>
    %swap3A_89 = arith.constant 8 : i32
    %swap3A_90 = arith.index_cast %swap3A_89 : i32 to index
    %swap3A_91 = arith.constant 0 : index
    %swap3A_92 = tpu.vector_load %arg8[%swap3A_90, %swap3A_91] {strides = array<i32>} : memref<16x16xi32, #tpu.memory_space<vmem>>, vector<16xi32>,
    tpu.vector_store %arg8[%swap3A_90, %swap3A_91], %add3A_88 {strides = array<i32>} : memref<16x16xi32, #tpu.memory_space<vmem>>, vector<16xi32>,
    %add3A_93 = arith.constant 144 : i32
    %add3A_94 = vector.broadcast %add3A_93 : i32 to vector<16xi32>
    %add3A_95 = arith.addi %iota3A, %add3A_94 : vector<16xi32>
    %swap3A_96 = arith.constant 9 : i32
    %swap3A_97 = arith.index_cast %swap3A_96 : i32 to index
    %swap3A_98 = arith.constant 0 : index
    %swap3A_99 = tpu.vector_load %arg8[%swap3A_97, %swap3A_98] {strides = array<i32>} : memref<16x16xi32, #tpu.memory_space<vmem>>, vector<16xi32>,
    tpu.vector_store %arg8[%swap3A_97, %swap3A_98], %add3A_95 {strides = array<i32>} : memref<16x16xi32, #tpu.memory_space<vmem>>, vector<16xi32>,
    %add3A_100 = arith.constant 160 : i32
    %add3A_101 = vector.broadcast %add3A_100 : i32 to vector<16xi32>
    %add3A_102 = arith.addi %iota3A, %add3A_101 : vector<16xi32>
    %swap3A_103 = arith.constant 10 : i32
    %swap3A_104 = arith.index_cast %swap3A_103 : i32 to index
    %swap3A_105 = arith.constant 0 : index
    %swap3A_106 = tpu.vector_load %arg8[%swap3A_104, %swap3A_105] {strides = array<i32>} : memref<16x16xi32, #tpu.memory_space<vmem>>, vector<16xi32>,
    tpu.vector_store %arg8[%swap3A_104, %swap3A_105], %add3A_102 {strides = array<i32>} : memref<16x16xi32, #tpu.memory_space<vmem>>, vector<16xi32>,
    %add3A_107 = arith.constant 176 : i32
    %add3A_108 = vector.broadcast %add3A_107 : i32 to vector<16xi32>
    %add3A_109 = arith.addi %iota3A, %add3A_108 : vector<16xi32>
    %swap3A_110 = arith.constant 11 : i32
    %swap3A_111 = arith.index_cast %swap3A_110 : i32 to index
    %swap3A_112 = arith.constant 0 : index
    %swap3A_113 = tpu.vector_load %arg8[%swap3A_111, %swap3A_112] {strides = array<i32>} : memref<16x16xi32, #tpu.memory_space<vmem>>, vector<16xi32>,
    tpu.vector_store %arg8[%swap3A_111, %swap3A_112], %add3A_109 {strides = array<i32>} : memref<16x16xi32, #tpu.memory_space<vmem>>, vector<16xi32>,
    %add3A_114 = arith.constant 192 : i32
    %add3A_115 = vector.broadcast %add3A_114 : i32 to vector<16xi32>
    %add3A_116 = arith.addi %iota3A, %add3A_115 : vector<16xi32>
    %swap3A_117 = arith.constant 12 : i32
    %swap3A_118 = arith.index_cast %swap3A_117 : i32 to index
    %swap3A_119 = arith.constant 0 : index
    %swap3A_120 = tpu.vector_load %arg8[%swap3A_118, %swap3A_119] {strides = array<i32>} : memref<16x16xi32, #tpu.memory_space<vmem>>, vector<16xi32>,
    tpu.vector_store %arg8[%swap3A_118, %swap3A_119], %add3A_116 {strides = array<i32>} : memref<16x16xi32, #tpu.memory_space<vmem>>, vector<16xi32>,
    %add3A_121 = arith.constant 208 : i32
    %add3A_122 = vector.broadcast %add3A_121 : i32 to vector<16xi32>
    %add3A_123 = arith.addi %iota3A, %add3A_122 : vector<16xi32>
    %swap3A_124 = arith.constant 13 : i32
    %swap3A_125 = arith.index_cast %swap3A_124 : i32 to index
    %swap3A_126 = arith.constant 0 : index
    %swap3A_127 = tpu.vector_load %arg8[%swap3A_125, %swap3A_126] {strides = array<i32>} : memref<16x16xi32, #tpu.memory_space<vmem>>, vector<16xi32>,
    tpu.vector_store %arg8[%swap3A_125, %swap3A_126], %add3A_123 {strides = array<i32>} : memref<16x16xi32, #tpu.memory_space<vmem>>, vector<16xi32>,
    %add3A_128 = arith.constant 224 : i32
    %add3A_129 = vector.broadcast %add3A_128 : i32 to vector<16xi32>
    %add3A_130 = arith.addi %iota3A, %add3A_129 : vector<16xi32>
    %swap3A_131 = arith.constant 14 : i32
    %swap3A_132 = arith.index_cast %swap3A_131 : i32 to index
    %swap3A_133 = arith.constant 0 : index
    %swap3A_134 = tpu.vector_load %arg8[%swap3A_132, %swap3A_133] {strides = array<i32>} : memref<16x16xi32, #tpu.memory_space<vmem>>, vector<16xi32>,
    tpu.vector_store %arg8[%swap3A_132, %swap3A_133], %add3A_130 {strides = array<i32>} : memref<16x16xi32, #tpu.memory_space<vmem>>, vector<16xi32>,
    %add3A_135 = arith.constant 240 : i32
    %add3A_136 = vector.broadcast %add3A_135 : i32 to vector<16xi32>
    %add3A_137 = arith.addi %iota3A, %add3A_136 : vector<16xi32>
    %swap3A_138 = arith.constant 15 : i32
    %swap3A_139 = arith.index_cast %swap3A_138 : i32 to index
    %swap3A_140 = arith.constant 0 : index
    %swap3A_141 = tpu.vector_load %arg8[%swap3A_139, %swap3A_140] {strides = array<i32>} : memref<16x16xi32, #tpu.memory_space<vmem>>, vector<16xi32>,
    tpu.vector_store %arg8[%swap3A_139, %swap3A_140], %add3A_137 {strides = array<i32>} : memref<16x16xi32, #tpu.memory_space<vmem>>, vector<16xi32>,
    %add3A_142 = arith.constant 0 : i32
    %add3A_143 = vector.broadcast %add3A_142 : i32 to vector<16xi32>
    %add3A_144 = arith.addi %iota3A, %add3A_143 : vector<16xi32>
    %broadcast_in_dim3A = arith.constant 16 : i32
    %broadcast_in_dim3A_145 = vector.broadcast %broadcast_in_dim3A : i32 to vector<16xi32>
    %rem3A_146 = arith.remsi %add3A_144, %broadcast_in_dim3A_145 : vector<16xi32>
    %swap3A_147 = arith.constant 0 : i32
    %swap3A_148 = arith.index_cast %swap3A_147 : i32 to index
    %swap3A_149 = arith.constant 0 : index
    %swap3A_150 = tpu.vector_load %arg9[%swap3A_148, %swap3A_149] {strides = array<i32>} : memref<16x16xi32, #tpu.memory_space<vmem>>, vector<16xi32>,
    tpu.vector_store %arg9[%swap3A_148, %swap3A_149], %rem3A_146 {strides = array<i32>} : memref<16x16xi32, #tpu.memory_space<vmem>>, vector<16xi32>,
    %broadcast_in_dim3A_151 = arith.constant 3 : i32
    %broadcast_in_dim3A_152 = vector.broadcast %broadcast_in_dim3A_151 : i32 to vector<16xi32>
    %shift_right_logical3A = arith.shrui %rem3A_146, %broadcast_in_dim3A_152 : vector<16xi32>
    %swap3A_153 = arith.constant 0 : i32
    %swap3A_154 = arith.index_cast %swap3A_153 : i32 to index
    %swap3A_155 = arith.constant 0 : index
    %swap3A_156 = tpu.vector_load %arg10[%swap3A_154, %swap3A_155] {strides = array<i32>} : memref<16x16xi32, #tpu.memory_space<vmem>>, vector<16xi32>,
    tpu.vector_store %arg10[%swap3A_154, %swap3A_155], %shift_right_logical3A {strides = array<i32>} : memref<16x16xi32, #tpu.memory_space<vmem>>, vector<16xi32>,
    %broadcast_in_dim3A_157 = arith.constant 8 : i32
    %broadcast_in_dim3A_158 = vector.broadcast %broadcast_in_dim3A_157 : i32 to vector<16xi32>
    %rem3A_159 = arith.remsi %rem3A_146, %broadcast_in_dim3A_158 : vector<16xi32>
    %swap3A_160 = arith.constant 0 : i32
    %swap3A_161 = arith.index_cast %swap3A_160 : i32 to index
    %swap3A_162 = arith.constant 0 : index
    %swap3A_163 = tpu.vector_load %arg11[%swap3A_161, %swap3A_162] {strides = array<i32>} : memref<16x16xi32, #tpu.memory_space<vmem>>, vector<16xi32>,
    tpu.vector_store %arg11[%swap3A_161, %swap3A_162], %rem3A_159 {strides = array<i32>} : memref<16x16xi32, #tpu.memory_space<vmem>>, vector<16xi32>,
    %add3A_164 = arith.constant 1 : i32
    %add3A_165 = vector.broadcast %add3A_164 : i32 to vector<16xi32>
    %add3A_166 = arith.addi %iota3A, %add3A_165 : vector<16xi32>
    %broadcast_in_dim3A_167 = arith.constant 16 : i32
    %broadcast_in_dim3A_168 = vector.broadcast %broadcast_in_dim3A_167 : i32 to vector<16xi32>
    %rem3A_169 = arith.remsi %add3A_166, %broadcast_in_dim3A_168 : vector<16xi32>
    %swap3A_170 = arith.constant 1 : i32
    %swap3A_171 = arith.index_cast %swap3A_170 : i32 to index
    %swap3A_172 = arith.constant 0 : index
    %swap3A_173 = tpu.vector_load %arg9[%swap3A_171, %swap3A_172] {strides = array<i32>} : memref<16x16xi32, #tpu.memory_space<vmem>>, vector<16xi32>,
    tpu.vector_store %arg9[%swap3A_171, %swap3A_172], %rem3A_169 {strides = array<i32>} : memref<16x16xi32, #tpu.memory_space<vmem>>, vector<16xi32>,
    %broadcast_in_dim3A_174 = arith.constant 3 : i32
    %broadcast_in_dim3A_175 = vector.broadcast %broadcast_in_dim3A_174 : i32 to vector<16xi32>
    %shift_right_logical3A_176 = arith.shrui %rem3A_169, %broadcast_in_dim3A_175 : vector<16xi32>
    %swap3A_177 = arith.constant 1 : i32
    %swap3A_178 = arith.index_cast %swap3A_177 : i32 to index
    %swap3A_179 = arith.constant 0 : index
    %swap3A_180 = tpu.vector_load %arg10[%swap3A_178, %swap3A_179] {strides = array<i32>} : memref<16x16xi32, #tpu.memory_space<vmem>>, vector<16xi32>,
    tpu.vector_store %arg10[%swap3A_178, %swap3A_179], %shift_right_logical3A_176 {strides = array<i32>} : memref<16x16xi32, #tpu.memory_space<vmem>>, vector<16xi32>,
    %broadcast_in_dim3A_181 = arith.constant 8 : i32
    %broadcast_in_dim3A_182 = vector.broadcast %broadcast_in_dim3A_181 : i32 to vector<16xi32>
    %rem3A_183 = arith.remsi %rem3A_169, %broadcast_in_dim3A_182 : vector<16xi32>
    %swap3A_184 = arith.constant 1 : i32
    %swap3A_185 = arith.index_cast %swap3A_184 : i32 to index
    %swap3A_186 = arith.constant 0 : index
    %swap3A_187 = tpu.vector_load %arg11[%swap3A_185, %swap3A_186] {strides = array<i32>} : memref<16x16xi32, #tpu.memory_space<vmem>>, vector<16xi32>,
    tpu.vector_store %arg11[%swap3A_185, %swap3A_186], %rem3A_183 {strides = array<i32>} : memref<16x16xi32, #tpu.memory_space<vmem>>, vector<16xi32>,
    %add3A_188 = arith.constant 2 : i32
    %add3A_189 = vector.broadcast %add3A_188 : i32 to vector<16xi32>
    %add3A_190 = arith.addi %iota3A, %add3A_189 : vector<16xi32>
    %broadcast_in_dim3A_191 = arith.constant 16 : i32
    %broadcast_in_dim3A_192 = vector.broadcast %broadcast_in_dim3A_191 : i32 to vector<16xi32>
    %rem3A_193 = arith.remsi %add3A_190, %broadcast_in_dim3A_192 : vector<16xi32>
    %swap3A_194 = arith.constant 2 : i32
    %swap3A_195 = arith.index_cast %swap3A_194 : i32 to index
    %swap3A_196 = arith.constant 0 : index
    %swap3A_197 = tpu.vector_load %arg9[%swap3A_195, %swap3A_196] {strides = array<i32>} : memref<16x16xi32, #tpu.memory_space<vmem>>, vector<16xi32>,
    tpu.vector_store %arg9[%swap3A_195, %swap3A_196], %rem3A_193 {strides = array<i32>} : memref<16x16xi32, #tpu.memory_space<vmem>>, vector<16xi32>,
    %broadcast_in_dim3A_198 = arith.constant 3 : i32
    %broadcast_in_dim3A_199 = vector.broadcast %broadcast_in_dim3A_198 : i32 to vector<16xi32>
    %shift_right_logical3A_200 = arith.shrui %rem3A_193, %broadcast_in_dim3A_199 : vector<16xi32>
    %swap3A_201 = arith.constant 2 : i32
    %swap3A_202 = arith.index_cast %swap3A_201 : i32 to index
    %swap3A_203 = arith.constant 0 : index
    %swap3A_204 = tpu.vector_load %arg10[%swap3A_202, %swap3A_203] {strides = array<i32>} : memref<16x16xi32, #tpu.memory_space<vmem>>, vector<16xi32>,
    tpu.vector_store %arg10[%swap3A_202, %swap3A_203], %shift_right_logical3A_200 {strides = array<i32>} : memref<16x16xi32, #tpu.memory_space<vmem>>, vector<16xi32>,
    %broadcast_in_dim3A_205 = arith.constant 8 : i32
    %broadcast_in_dim3A_206 = vector.broadcast %broadcast_in_dim3A_205 : i32 to vector<16xi32>
    %rem3A_207 = arith.remsi %rem3A_193, %broadcast_in_dim3A_206 : vector<16xi32>
    %swap3A_208 = arith.constant 2 : i32
    %swap3A_209 = arith.index_cast %swap3A_208 : i32 to index
    %swap3A_210 = arith.constant 0 : index
    %swap3A_211 = tpu.vector_load %arg11[%swap3A_209, %swap3A_210] {strides = array<i32>} : memref<16x16xi32, #tpu.memory_space<vmem>>, vector<16xi32>,
    tpu.vector_store %arg11[%swap3A_209, %swap3A_210], %rem3A_207 {strides = array<i32>} : memref<16x16xi32, #tpu.memory_space<vmem>>, vector<16xi32>,
    %add3A_212 = arith.constant 3 : i32
    %add3A_213 = vector.broadcast %add3A_212 : i32 to vector<16xi32>
    %add3A_214 = arith.addi %iota3A, %add3A_213 : vector<16xi32>
    %broadcast_in_dim3A_215 = arith.constant 16 : i32
    %broadcast_in_dim3A_216 = vector.broadcast %broadcast_in_dim3A_215 : i32 to vector<16xi32>
    %rem3A_217 = arith.remsi %add3A_214, %broadcast_in_dim3A_216 : vector<16xi32>
    %swap3A_218 = arith.constant 3 : i32
    %swap3A_219 = arith.index_cast %swap3A_218 : i32 to index
    %swap3A_220 = arith.constant 0 : index
    %swap3A_221 = tpu.vector_load %arg9[%swap3A_219, %swap3A_220] {strides = array<i32>} : memref<16x16xi32, #tpu.memory_space<vmem>>, vector<16xi32>,
    tpu.vector_store %arg9[%swap3A_219, %swap3A_220], %rem3A_217 {strides = array<i32>} : memref<16x16xi32, #tpu.memory_space<vmem>>, vector<16xi32>,
    %broadcast_in_dim3A_222 = arith.constant 3 : i32
    %broadcast_in_dim3A_223 = vector.broadcast %broadcast_in_dim3A_222 : i32 to vector<16xi32>
    %shift_right_logical3A_224 = arith.shrui %rem3A_217, %broadcast_in_dim3A_223 : vector<16xi32>
    %swap3A_225 = arith.constant 3 : i32
    %swap3A_226 = arith.index_cast %swap3A_225 : i32 to index
    %swap3A_227 = arith.constant 0 : index
    %swap3A_228 = tpu.vector_load %arg10[%swap3A_226, %swap3A_227] {strides = array<i32>} : memref<16x16xi32, #tpu.memory_space<vmem>>, vector<16xi32>,
    tpu.vector_store %arg10[%swap3A_226, %swap3A_227], %shift_right_logical3A_224 {strides = array<i32>} : memref<16x16xi32, #tpu.memory_space<vmem>>, vector<16xi32>,
    %broadcast_in_dim3A_229 = arith.constant 8 : i32
    %broadcast_in_dim3A_230 = vector.broadcast %broadcast_in_dim3A_229 : i32 to vector<16xi32>
    %rem3A_231 = arith.remsi %rem3A_217, %broadcast_in_dim3A_230 : vector<16xi32>
    %swap3A_232 = arith.constant 3 : i32
    %swap3A_233 = arith.index_cast %swap3A_232 : i32 to index
    %swap3A_234 = arith.constant 0 : index
    %swap3A_235 = tpu.vector_load %arg11[%swap3A_233, %swap3A_234] {strides = array<i32>} : memref<16x16xi32, #tpu.memory_space<vmem>>, vector<16xi32>,
    tpu.vector_store %arg11[%swap3A_233, %swap3A_234], %rem3A_231 {strides = array<i32>} : memref<16x16xi32, #tpu.memory_space<vmem>>, vector<16xi32>,
    %add3A_236 = arith.constant 4 : i32
    %add3A_237 = vector.broadcast %add3A_236 : i32 to vector<16xi32>
    %add3A_238 = arith.addi %iota3A, %add3A_237 : vector<16xi32>
    %broadcast_in_dim3A_239 = arith.constant 16 : i32
    %broadcast_in_dim3A_240 = vector.broadcast %broadcast_in_dim3A_239 : i32 to vector<16xi32>
    %rem3A_241 = arith.remsi %add3A_238, %broadcast_in_dim3A_240 : vector<16xi32>
    %swap3A_242 = arith.constant 4 : i32
    %swap3A_243 = arith.index_cast %swap3A_242 : i32 to index
    %swap3A_244 = arith.constant 0 : index
    %swap3A_245 = tpu.vector_load %arg9[%swap3A_243, %swap3A_244] {strides = array<i32>} : memref<16x16xi32, #tpu.memory_space<vmem>>, vector<16xi32>,
    tpu.vector_store %arg9[%swap3A_243, %swap3A_244], %rem3A_241 {strides = array<i32>} : memref<16x16xi32, #tpu.memory_space<vmem>>, vector<16xi32>,
    %broadcast_in_dim3A_246 = arith.constant 3 : i32
    %broadcast_in_dim3A_247 = vector.broadcast %broadcast_in_dim3A_246 : i32 to vector<16xi32>
    %shift_right_logical3A_248 = arith.shrui %rem3A_241, %broadcast_in_dim3A_247 : vector<16xi32>
    %swap3A_249 = arith.constant 4 : i32
    %swap3A_250 = arith.index_cast %swap3A_249 : i32 to index
    %swap3A_251 = arith.constant 0 : index
    %swap3A_252 = tpu.vector_load %arg10[%swap3A_250, %swap3A_251] {strides = array<i32>} : memref<16x16xi32, #tpu.memory_space<vmem>>, vector<16xi32>,
    tpu.vector_store %arg10[%swap3A_250, %swap3A_251], %shift_right_logical3A_248 {strides = array<i32>} : memref<16x16xi32, #tpu.memory_space<vmem>>, vector<16xi32>,
    %broadcast_in_dim3A_253 = arith.constant 8 : i32
    %broadcast_in_dim3A_254 = vector.broadcast %broadcast_in_dim3A_253 : i32 to vector<16xi32>
    %rem3A_255 = arith.remsi %rem3A_241, %broadcast_in_dim3A_254 : vector<16xi32>
    %swap3A_256 = arith.constant 4 : i32
    %swap3A_257 = arith.index_cast %swap3A_256 : i32 to index
    %swap3A_258 = arith.constant 0 : index
    %swap3A_259 = tpu.vector_load %arg11[%swap3A_257, %swap3A_258] {strides = array<i32>} : memref<16x16xi32, #tpu.memory_space<vmem>>, vector<16xi32>,
    tpu.vector_store %arg11[%swap3A_257, %swap3A_258], %rem3A_255 {strides = array<i32>} : memref<16x16xi32, #tpu.memory_space<vmem>>, vector<16xi32>,
    %add3A_260 = arith.constant 5 : i32
    %add3A_261 = vector.broadcast %add3A_260 : i32 to vector<16xi32>
    %add3A_262 = arith.addi %iota3A, %add3A_261 : vector<16xi32>
    %broadcast_in_dim3A_263 = arith.constant 16 : i32
    %broadcast_in_dim3A_264 = vector.broadcast %broadcast_in_dim3A_263 : i32 to vector<16xi32>
    %rem3A_265 = arith.remsi %add3A_262, %broadcast_in_dim3A_264 : vector<16xi32>
    %swap3A_266 = arith.constant 5 : i32
    %swap3A_267 = arith.index_cast %swap3A_266 : i32 to index
    %swap3A_268 = arith.constant 0 : index
    %swap3A_269 = tpu.vector_load %arg9[%swap3A_267, %swap3A_268] {strides = array<i32>} : memref<16x16xi32, #tpu.memory_space<vmem>>, vector<16xi32>,
    tpu.vector_store %arg9[%swap3A_267, %swap3A_268], %rem3A_265 {strides = array<i32>} : memref<16x16xi32, #tpu.memory_space<vmem>>, vector<16xi32>,
    %broadcast_in_dim3A_270 = arith.constant 3 : i32
    %broadcast_in_dim3A_271 = vector.broadcast %broadcast_in_dim3A_270 : i32 to vector<16xi32>
    %shift_right_logical3A_272 = arith.shrui %rem3A_265, %broadcast_in_dim3A_271 : vector<16xi32>
    %swap3A_273 = arith.constant 5 : i32
    %swap3A_274 = arith.index_cast %swap3A_273 : i32 to index
    %swap3A_275 = arith.constant 0 : index
    %swap3A_276 = tpu.vector_load %arg10[%swap3A_274, %swap3A_275] {strides = array<i32>} : memref<16x16xi32, #tpu.memory_space<vmem>>, vector<16xi32>,
    tpu.vector_store %arg10[%swap3A_274, %swap3A_275], %shift_right_logical3A_272 {strides = array<i32>} : memref<16x16xi32, #tpu.memory_space<vmem>>, vector<16xi32>,
    %broadcast_in_dim3A_277 = arith.constant 8 : i32
    %broadcast_in_dim3A_278 = vector.broadcast %broadcast_in_dim3A_277 : i32 to vector<16xi32>
    %rem3A_279 = arith.remsi %rem3A_265, %broadcast_in_dim3A_278 : vector<16xi32>
    %swap3A_280 = arith.constant 5 : i32
    %swap3A_281 = arith.index_cast %swap3A_280 : i32 to index
    %swap3A_282 = arith.constant 0 : index
    %swap3A_283 = tpu.vector_load %arg11[%swap3A_281, %swap3A_282] {strides = array<i32>} : memref<16x16xi32, #tpu.memory_space<vmem>>, vector<16xi32>,
    tpu.vector_store %arg11[%swap3A_281, %swap3A_282], %rem3A_279 {strides = array<i32>} : memref<16x16xi32, #tpu.memory_space<vmem>>, vector<16xi32>,
    %add3A_284 = arith.constant 6 : i32
    %add3A_285 = vector.broadcast %add3A_284 : i32 to vector<16xi32>
    %add3A_286 = arith.addi %iota3A, %add3A_285 : vector<16xi32>
    %broadcast_in_dim3A_287 = arith.constant 16 : i32
    %broadcast_in_dim3A_288 = vector.broadcast %broadcast_in_dim3A_287 : i32 to vector<16xi32>
    %rem3A_289 = arith.remsi %add3A_286, %broadcast_in_dim3A_288 : vector<16xi32>
    %swap3A_290 = arith.constant 6 : i32
    %swap3A_291 = arith.index_cast %swap3A_290 : i32 to index
    %swap3A_292 = arith.constant 0 : index
    %swap3A_293 = tpu.vector_load %arg9[%swap3A_291, %swap3A_292] {strides = array<i32>} : memref<16x16xi32, #tpu.memory_space<vmem>>, vector<16xi32>,
    tpu.vector_store %arg9[%swap3A_291, %swap3A_292], %rem3A_289 {strides = array<i32>} : memref<16x16xi32, #tpu.memory_space<vmem>>, vector<16xi32>,
    %broadcast_in_dim3A_294 = arith.constant 3 : i32
    %broadcast_in_dim3A_295 = vector.broadcast %broadcast_in_dim3A_294 : i32 to vector<16xi32>
    %shift_right_logical3A_296 = arith.shrui %rem3A_289, %broadcast_in_dim3A_295 : vector<16xi32>
    %swap3A_297 = arith.constant 6 : i32
    %swap3A_298 = arith.index_cast %swap3A_297 : i32 to index
    %swap3A_299 = arith.constant 0 : index
    %swap3A_300 = tpu.vector_load %arg10[%swap3A_298, %swap3A_299] {strides = array<i32>} : memref<16x16xi32, #tpu.memory_space<vmem>>, vector<16xi32>,
    tpu.vector_store %arg10[%swap3A_298, %swap3A_299], %shift_right_logical3A_296 {strides = array<i32>} : memref<16x16xi32, #tpu.memory_space<vmem>>, vector<16xi32>,
    %broadcast_in_dim3A_301 = arith.constant 8 : i32
    %broadcast_in_dim3A_302 = vector.broadcast %broadcast_in_dim3A_301 : i32 to vector<16xi32>
    %rem3A_303 = arith.remsi %rem3A_289, %broadcast_in_dim3A_302 : vector<16xi32>
    %swap3A_304 = arith.constant 6 : i32
    %swap3A_305 = arith.index_cast %swap3A_304 : i32 to index
    %swap3A_306 = arith.constant 0 : index
    %swap3A_307 = tpu.vector_load %arg11[%swap3A_305, %swap3A_306] {strides = array<i32>} : memref<16x16xi32, #tpu.memory_space<vmem>>, vector<16xi32>,
    tpu.vector_store %arg11[%swap3A_305, %swap3A_306], %rem3A_303 {strides = array<i32>} : memref<16x16xi32, #tpu.memory_space<vmem>>, vector<16xi32>,
    %add3A_308 = arith.constant 7 : i32
    %add3A_309 = vector.broadcast %add3A_308 : i32 to vector<16xi32>
    %add3A_310 = arith.addi %iota3A, %add3A_309 : vector<16xi32>
    %broadcast_in_dim3A_311 = arith.constant 16 : i32
    %broadcast_in_dim3A_312 = vector.broadcast %broadcast_in_dim3A_311 : i32 to vector<16xi32>
    %rem3A_313 = arith.remsi %add3A_310, %broadcast_in_dim3A_312 : vector<16xi32>
    %swap3A_314 = arith.constant 7 : i32
    %swap3A_315 = arith.index_cast %swap3A_314 : i32 to index
    %swap3A_316 = arith.constant 0 : index
    %swap3A_317 = tpu.vector_load %arg9[%swap3A_315, %swap3A_316] {strides = array<i32>} : memref<16x16xi32, #tpu.memory_space<vmem>>, vector<16xi32>,
    tpu.vector_store %arg9[%swap3A_315, %swap3A_316], %rem3A_313 {strides = array<i32>} : memref<16x16xi32, #tpu.memory_space<vmem>>, vector<16xi32>,
    %broadcast_in_dim3A_318 = arith.constant 3 : i32
    %broadcast_in_dim3A_319 = vector.broadcast %broadcast_in_dim3A_318 : i32 to vector<16xi32>
    %shift_right_logical3A_320 = arith.shrui %rem3A_313, %broadcast_in_dim3A_319 : vector<16xi32>
    %swap3A_321 = arith.constant 7 : i32
    %swap3A_322 = arith.index_cast %swap3A_321 : i32 to index
    %swap3A_323 = arith.constant 0 : index
    %swap3A_324 = tpu.vector_load %arg10[%swap3A_322, %swap3A_323] {strides = array<i32>} : memref<16x16xi32, #tpu.memory_space<vmem>>, vector<16xi32>,
    tpu.vector_store %arg10[%swap3A_322, %swap3A_323], %shift_right_logical3A_320 {strides = array<i32>} : memref<16x16xi32, #tpu.memory_space<vmem>>, vector<16xi32>,
    %broadcast_in_dim3A_325 = arith.constant 8 : i32
    %broadcast_in_dim3A_326 = vector.broadcast %broadcast_in_dim3A_325 : i32 to vector<16xi32>
    %rem3A_327 = arith.remsi %rem3A_313, %broadcast_in_dim3A_326 : vector<16xi32>
    %swap3A_328 = arith.constant 7 : i32
    %swap3A_329 = arith.index_cast %swap3A_328 : i32 to index
    %swap3A_330 = arith.constant 0 : index
    %swap3A_331 = tpu.vector_load %arg11[%swap3A_329, %swap3A_330] {strides = array<i32>} : memref<16x16xi32, #tpu.memory_space<vmem>>, vector<16xi32>,
    tpu.vector_store %arg11[%swap3A_329, %swap3A_330], %rem3A_327 {strides = array<i32>} : memref<16x16xi32, #tpu.memory_space<vmem>>, vector<16xi32>,
    %add3A_332 = arith.constant 8 : i32
    %add3A_333 = vector.broadcast %add3A_332 : i32 to vector<16xi32>
    %add3A_334 = arith.addi %iota3A, %add3A_333 : vector<16xi32>
    %broadcast_in_dim3A_335 = arith.constant 16 : i32
    %broadcast_in_dim3A_336 = vector.broadcast %broadcast_in_dim3A_335 : i32 to vector<16xi32>
    %rem3A_337 = arith.remsi %add3A_334, %broadcast_in_dim3A_336 : vector<16xi32>
    %swap3A_338 = arith.constant 8 : i32
    %swap3A_339 = arith.index_cast %swap3A_338 : i32 to index
    %swap3A_340 = arith.constant 0 : index
    %swap3A_341 = tpu.vector_load %arg9[%swap3A_339, %swap3A_340] {strides = array<i32>} : memref<16x16xi32, #tpu.memory_space<vmem>>, vector<16xi32>,
    tpu.vector_store %arg9[%swap3A_339, %swap3A_340], %rem3A_337 {strides = array<i32>} : memref<16x16xi32, #tpu.memory_space<vmem>>, vector<16xi32>,
    %broadcast_in_dim3A_342 = arith.constant 3 : i32
    %broadcast_in_dim3A_343 = vector.broadcast %broadcast_in_dim3A_342 : i32 to vector<16xi32>
    %shift_right_logical3A_344 = arith.shrui %rem3A_337, %broadcast_in_dim3A_343 : vector<16xi32>
    %swap3A_345 = arith.constant 8 : i32
    %swap3A_346 = arith.index_cast %swap3A_345 : i32 to index
    %swap3A_347 = arith.constant 0 : index
    %swap3A_348 = tpu.vector_load %arg10[%swap3A_346, %swap3A_347] {strides = array<i32>} : memref<16x16xi32, #tpu.memory_space<vmem>>, vector<16xi32>,
    tpu.vector_store %arg10[%swap3A_346, %swap3A_347], %shift_right_logical3A_344 {strides = array<i32>} : memref<16x16xi32, #tpu.memory_space<vmem>>, vector<16xi32>,
    %broadcast_in_dim3A_349 = arith.constant 8 : i32
    %broadcast_in_dim3A_350 = vector.broadcast %broadcast_in_dim3A_349 : i32 to vector<16xi32>
    %rem3A_351 = arith.remsi %rem3A_337, %broadcast_in_dim3A_350 : vector<16xi32>
    %swap3A_352 = arith.constant 8 : i32
    %swap3A_353 = arith.index_cast %swap3A_352 : i32 to index
    %swap3A_354 = arith.constant 0 : index
    %swap3A_355 = tpu.vector_load %arg11[%swap3A_353, %swap3A_354] {strides = array<i32>} : memref<16x16xi32, #tpu.memory_space<vmem>>, vector<16xi32>,
    tpu.vector_store %arg11[%swap3A_353, %swap3A_354], %rem3A_351 {strides = array<i32>} : memref<16x16xi32, #tpu.memory_space<vmem>>, vector<16xi32>,
    %add3A_356 = arith.constant 9 : i32
    %add3A_357 = vector.broadcast %add3A_356 : i32 to vector<16xi32>
    %add3A_358 = arith.addi %iota3A, %add3A_357 : vector<16xi32>
    %broadcast_in_dim3A_359 = arith.constant 16 : i32
    %broadcast_in_dim3A_360 = vector.broadcast %broadcast_in_dim3A_359 : i32 to vector<16xi32>
    %rem3A_361 = arith.remsi %add3A_358, %broadcast_in_dim3A_360 : vector<16xi32>
    %swap3A_362 = arith.constant 9 : i32
    %swap3A_363 = arith.index_cast %swap3A_362 : i32 to index
    %swap3A_364 = arith.constant 0 : index
    %swap3A_365 = tpu.vector_load %arg9[%swap3A_363, %swap3A_364] {strides = array<i32>} : memref<16x16xi32, #tpu.memory_space<vmem>>, vector<16xi32>,
    tpu.vector_store %arg9[%swap3A_363, %swap3A_364], %rem3A_361 {strides = array<i32>} : memref<16x16xi32, #tpu.memory_space<vmem>>, vector<16xi32>,
    %broadcast_in_dim3A_366 = arith.constant 3 : i32
    %broadcast_in_dim3A_367 = vector.broadcast %broadcast_in_dim3A_366 : i32 to vector<16xi32>
    %shift_right_logical3A_368 = arith.shrui %rem3A_361, %broadcast_in_dim3A_367 : vector<16xi32>
    %swap3A_369 = arith.constant 9 : i32
    %swap3A_370 = arith.index_cast %swap3A_369 : i32 to index
    %swap3A_371 = arith.constant 0 : index
    %swap3A_372 = tpu.vector_load %arg10[%swap3A_370, %swap3A_371] {strides = array<i32>} : memref<16x16xi32, #tpu.memory_space<vmem>>, vector<16xi32>,
    tpu.vector_store %arg10[%swap3A_370, %swap3A_371], %shift_right_logical3A_368 {strides = array<i32>} : memref<16x16xi32, #tpu.memory_space<vmem>>, vector<16xi32>,
    %broadcast_in_dim3A_373 = arith.constant 8 : i32
    %broadcast_in_dim3A_374 = vector.broadcast %broadcast_in_dim3A_373 : i32 to vector<16xi32>
    %rem3A_375 = arith.remsi %rem3A_361, %broadcast_in_dim3A_374 : vector<16xi32>
    %swap3A_376 = arith.constant 9 : i32
    %swap3A_377 = arith.index_cast %swap3A_376 : i32 to index
    %swap3A_378 = arith.constant 0 : index
    %swap3A_379 = tpu.vector_load %arg11[%swap3A_377, %swap3A_378] {strides = array<i32>} : memref<16x16xi32, #tpu.memory_space<vmem>>, vector<16xi32>,
    tpu.vector_store %arg11[%swap3A_377, %swap3A_378], %rem3A_375 {strides = array<i32>} : memref<16x16xi32, #tpu.memory_space<vmem>>, vector<16xi32>,
    %add3A_380 = arith.constant 10 : i32
    %add3A_381 = vector.broadcast %add3A_380 : i32 to vector<16xi32>
    %add3A_382 = arith.addi %iota3A, %add3A_381 : vector<16xi32>
    %broadcast_in_dim3A_383 = arith.constant 16 : i32
    %broadcast_in_dim3A_384 = vector.broadcast %broadcast_in_dim3A_383 : i32 to vector<16xi32>
    %rem3A_385 = arith.remsi %add3A_382, %broadcast_in_dim3A_384 : vector<16xi32>
    %swap3A_386 = arith.constant 10 : i32
    %swap3A_387 = arith.index_cast %swap3A_386 : i32 to index
    %swap3A_388 = arith.constant 0 : index
    %swap3A_389 = tpu.vector_load %arg9[%swap3A_387, %swap3A_388] {strides = array<i32>} : memref<16x16xi32, #tpu.memory_space<vmem>>, vector<16xi32>,
    tpu.vector_store %arg9[%swap3A_387, %swap3A_388], %rem3A_385 {strides = array<i32>} : memref<16x16xi32, #tpu.memory_space<vmem>>, vector<16xi32>,
    %broadcast_in_dim3A_390 = arith.constant 3 : i32
    %broadcast_in_dim3A_391 = vector.broadcast %broadcast_in_dim3A_390 : i32 to vector<16xi32>
    %shift_right_logical3A_392 = arith.shrui %rem3A_385, %broadcast_in_dim3A_391 : vector<16xi32>
    %swap3A_393 = arith.constant 10 : i32
    %swap3A_394 = arith.index_cast %swap3A_393 : i32 to index
    %swap3A_395 = arith.constant 0 : index
    %swap3A_396 = tpu.vector_load %arg10[%swap3A_394, %swap3A_395] {strides = array<i32>} : memref<16x16xi32, #tpu.memory_space<vmem>>, vector<16xi32>,
    tpu.vector_store %arg10[%swap3A_394, %swap3A_395], %shift_right_logical3A_392 {strides = array<i32>} : memref<16x16xi32, #tpu.memory_space<vmem>>, vector<16xi32>,
    %broadcast_in_dim3A_397 = arith.constant 8 : i32
    %broadcast_in_dim3A_398 = vector.broadcast %broadcast_in_dim3A_397 : i32 to vector<16xi32>
    %rem3A_399 = arith.remsi %rem3A_385, %broadcast_in_dim3A_398 : vector<16xi32>
    %swap3A_400 = arith.constant 10 : i32
    %swap3A_401 = arith.index_cast %swap3A_400 : i32 to index
    %swap3A_402 = arith.constant 0 : index
    %swap3A_403 = tpu.vector_load %arg11[%swap3A_401, %swap3A_402] {strides = array<i32>} : memref<16x16xi32, #tpu.memory_space<vmem>>, vector<16xi32>,
    tpu.vector_store %arg11[%swap3A_401, %swap3A_402], %rem3A_399 {strides = array<i32>} : memref<16x16xi32, #tpu.memory_space<vmem>>, vector<16xi32>,
    %add3A_404 = arith.constant 11 : i32
    %add3A_405 = vector.broadcast %add3A_404 : i32 to vector<16xi32>
    %add3A_406 = arith.addi %iota3A, %add3A_405 : vector<16xi32>
    %broadcast_in_dim3A_407 = arith.constant 16 : i32
    %broadcast_in_dim3A_408 = vector.broadcast %broadcast_in_dim3A_407 : i32 to vector<16xi32>
    %rem3A_409 = arith.remsi %add3A_406, %broadcast_in_dim3A_408 : vector<16xi32>
    %swap3A_410 = arith.constant 11 : i32
    %swap3A_411 = arith.index_cast %swap3A_410 : i32 to index
    %swap3A_412 = arith.constant 0 : index
    %swap3A_413 = tpu.vector_load %arg9[%swap3A_411, %swap3A_412] {strides = array<i32>} : memref<16x16xi32, #tpu.memory_space<vmem>>, vector<16xi32>,
    tpu.vector_store %arg9[%swap3A_411, %swap3A_412], %rem3A_409 {strides = array<i32>} : memref<16x16xi32, #tpu.memory_space<vmem>>, vector<16xi32>,
    %broadcast_in_dim3A_414 = arith.constant 3 : i32
    %broadcast_in_dim3A_415 = vector.broadcast %broadcast_in_dim3A_414 : i32 to vector<16xi32>
    %shift_right_logical3A_416 = arith.shrui %rem3A_409, %broadcast_in_dim3A_415 : vector<16xi32>
    %swap3A_417 = arith.constant 11 : i32
    %swap3A_418 = arith.index_cast %swap3A_417 : i32 to index
    %swap3A_419 = arith.constant 0 : index
    %swap3A_420 = tpu.vector_load %arg10[%swap3A_418, %swap3A_419] {strides = array<i32>} : memref<16x16xi32, #tpu.memory_space<vmem>>, vector<16xi32>,
    tpu.vector_store %arg10[%swap3A_418, %swap3A_419], %shift_right_logical3A_416 {strides = array<i32>} : memref<16x16xi32, #tpu.memory_space<vmem>>, vector<16xi32>,
    %broadcast_in_dim3A_421 = arith.constant 8 : i32
    %broadcast_in_dim3A_422 = vector.broadcast %broadcast_in_dim3A_421 : i32 to vector<16xi32>
    %rem3A_423 = arith.remsi %rem3A_409, %broadcast_in_dim3A_422 : vector<16xi32>
    %swap3A_424 = arith.constant 11 : i32
    %swap3A_425 = arith.index_cast %swap3A_424 : i32 to index
    %swap3A_426 = arith.constant 0 : index
    %swap3A_427 = tpu.vector_load %arg11[%swap3A_425, %swap3A_426] {strides = array<i32>} : memref<16x16xi32, #tpu.memory_space<vmem>>, vector<16xi32>,
    tpu.vector_store %arg11[%swap3A_425, %swap3A_426], %rem3A_423 {strides = array<i32>} : memref<16x16xi32, #tpu.memory_space<vmem>>, vector<16xi32>,
    %add3A_428 = arith.constant 12 : i32
    %add3A_429 = vector.broadcast %add3A_428 : i32 to vector<16xi32>
    %add3A_430 = arith.addi %iota3A, %add3A_429 : vector<16xi32>
    %broadcast_in_dim3A_431 = arith.constant 16 : i32
    %broadcast_in_dim3A_432 = vector.broadcast %broadcast_in_dim3A_431 : i32 to vector<16xi32>
    %rem3A_433 = arith.remsi %add3A_430, %broadcast_in_dim3A_432 : vector<16xi32>
    %swap3A_434 = arith.constant 12 : i32
    %swap3A_435 = arith.index_cast %swap3A_434 : i32 to index
    %swap3A_436 = arith.constant 0 : index
    %swap3A_437 = tpu.vector_load %arg9[%swap3A_435, %swap3A_436] {strides = array<i32>} : memref<16x16xi32, #tpu.memory_space<vmem>>, vector<16xi32>,
    tpu.vector_store %arg9[%swap3A_435, %swap3A_436], %rem3A_433 {strides = array<i32>} : memref<16x16xi32, #tpu.memory_space<vmem>>, vector<16xi32>,
    %broadcast_in_dim3A_438 = arith.constant 3 : i32
    %broadcast_in_dim3A_439 = vector.broadcast %broadcast_in_dim3A_438 : i32 to vector<16xi32>
    %shift_right_logical3A_440 = arith.shrui %rem3A_433, %broadcast_in_dim3A_439 : vector<16xi32>
    %swap3A_441 = arith.constant 12 : i32
    %swap3A_442 = arith.index_cast %swap3A_441 : i32 to index
    %swap3A_443 = arith.constant 0 : index
    %swap3A_444 = tpu.vector_load %arg10[%swap3A_442, %swap3A_443] {strides = array<i32>} : memref<16x16xi32, #tpu.memory_space<vmem>>, vector<16xi32>,
    tpu.vector_store %arg10[%swap3A_442, %swap3A_443], %shift_right_logical3A_440 {strides = array<i32>} : memref<16x16xi32, #tpu.memory_space<vmem>>, vector<16xi32>,
    %broadcast_in_dim3A_445 = arith.constant 8 : i32
    %broadcast_in_dim3A_446 = vector.broadcast %broadcast_in_dim3A_445 : i32 to vector<16xi32>
    %rem3A_447 = arith.remsi %rem3A_433, %broadcast_in_dim3A_446 : vector<16xi32>
    %swap3A_448 = arith.constant 12 : i32
    %swap3A_449 = arith.index_cast %swap3A_448 : i32 to index
    %swap3A_450 = arith.constant 0 : index
    %swap3A_451 = tpu.vector_load %arg11[%swap3A_449, %swap3A_450] {strides = array<i32>} : memref<16x16xi32, #tpu.memory_space<vmem>>, vector<16xi32>,
    tpu.vector_store %arg11[%swap3A_449, %swap3A_450], %rem3A_447 {strides = array<i32>} : memref<16x16xi32, #tpu.memory_space<vmem>>, vector<16xi32>,
    %add3A_452 = arith.constant 13 : i32
    %add3A_453 = vector.broadcast %add3A_452 : i32 to vector<16xi32>
    %add3A_454 = arith.addi %iota3A, %add3A_453 : vector<16xi32>
    %broadcast_in_dim3A_455 = arith.constant 16 : i32
    %broadcast_in_dim3A_456 = vector.broadcast %broadcast_in_dim3A_455 : i32 to vector<16xi32>
    %rem3A_457 = arith.remsi %add3A_454, %broadcast_in_dim3A_456 : vector<16xi32>
    %swap3A_458 = arith.constant 13 : i32
    %swap3A_459 = arith.index_cast %swap3A_458 : i32 to index
    %swap3A_460 = arith.constant 0 : index
    %swap3A_461 = tpu.vector_load %arg9[%swap3A_459, %swap3A_460] {strides = array<i32>} : memref<16x16xi32, #tpu.memory_space<vmem>>, vector<16xi32>,
    tpu.vector_store %arg9[%swap3A_459, %swap3A_460], %rem3A_457 {strides = array<i32>} : memref<16x16xi32, #tpu.memory_space<vmem>>, vector<16xi32>,
    %broadcast_in_dim3A_462 = arith.constant 3 : i32
    %broadcast_in_dim3A_463 = vector.broadcast %broadcast_in_dim3A_462 : i32 to vector<16xi32>
    %shift_right_logical3A_464 = arith.shrui %rem3A_457, %broadcast_in_dim3A_463 : vector<16xi32>
    %swap3A_465 = arith.constant 13 : i32
    %swap3A_466 = arith.index_cast %swap3A_465 : i32 to index
    %swap3A_467 = arith.constant 0 : index
    %swap3A_468 = tpu.vector_load %arg10[%swap3A_466, %swap3A_467] {strides = array<i32>} : memref<16x16xi32, #tpu.memory_space<vmem>>, vector<16xi32>,
    tpu.vector_store %arg10[%swap3A_466, %swap3A_467], %shift_right_logical3A_464 {strides = array<i32>} : memref<16x16xi32, #tpu.memory_space<vmem>>, vector<16xi32>,
    %broadcast_in_dim3A_469 = arith.constant 8 : i32
    %broadcast_in_dim3A_470 = vector.broadcast %broadcast_in_dim3A_469 : i32 to vector<16xi32>
    %rem3A_471 = arith.remsi %rem3A_457, %broadcast_in_dim3A_470 : vector<16xi32>
    %swap3A_472 = arith.constant 13 : i32
    %swap3A_473 = arith.index_cast %swap3A_472 : i32 to index
    %swap3A_474 = arith.constant 0 : index
    %swap3A_475 = tpu.vector_load %arg11[%swap3A_473, %swap3A_474] {strides = array<i32>} : memref<16x16xi32, #tpu.memory_space<vmem>>, vector<16xi32>,
    tpu.vector_store %arg11[%swap3A_473, %swap3A_474], %rem3A_471 {strides = array<i32>} : memref<16x16xi32, #tpu.memory_space<vmem>>, vector<16xi32>,
    %add3A_476 = arith.constant 14 : i32
    %add3A_477 = vector.broadcast %add3A_476 : i32 to vector<16xi32>
    %add3A_478 = arith.addi %iota3A, %add3A_477 : vector<16xi32>
    %broadcast_in_dim3A_479 = arith.constant 16 : i32
    %broadcast_in_dim3A_480 = vector.broadcast %broadcast_in_dim3A_479 : i32 to vector<16xi32>
    %rem3A_481 = arith.remsi %add3A_478, %broadcast_in_dim3A_480 : vector<16xi32>
    %swap3A_482 = arith.constant 14 : i32
    %swap3A_483 = arith.index_cast %swap3A_482 : i32 to index
    %swap3A_484 = arith.constant 0 : index
    %swap3A_485 = tpu.vector_load %arg9[%swap3A_483, %swap3A_484] {strides = array<i32>} : memref<16x16xi32, #tpu.memory_space<vmem>>, vector<16xi32>,
    tpu.vector_store %arg9[%swap3A_483, %swap3A_484], %rem3A_481 {strides = array<i32>} : memref<16x16xi32, #tpu.memory_space<vmem>>, vector<16xi32>,
    %broadcast_in_dim3A_486 = arith.constant 3 : i32
    %broadcast_in_dim3A_487 = vector.broadcast %broadcast_in_dim3A_486 : i32 to vector<16xi32>
    %shift_right_logical3A_488 = arith.shrui %rem3A_481, %broadcast_in_dim3A_487 : vector<16xi32>
    %swap3A_489 = arith.constant 14 : i32
    %swap3A_490 = arith.index_cast %swap3A_489 : i32 to index
    %swap3A_491 = arith.constant 0 : index
    %swap3A_492 = tpu.vector_load %arg10[%swap3A_490, %swap3A_491] {strides = array<i32>} : memref<16x16xi32, #tpu.memory_space<vmem>>, vector<16xi32>,
    tpu.vector_store %arg10[%swap3A_490, %swap3A_491], %shift_right_logical3A_488 {strides = array<i32>} : memref<16x16xi32, #tpu.memory_space<vmem>>, vector<16xi32>,
    %broadcast_in_dim3A_493 = arith.constant 8 : i32
    %broadcast_in_dim3A_494 = vector.broadcast %broadcast_in_dim3A_493 : i32 to vector<16xi32>
    %rem3A_495 = arith.remsi %rem3A_481, %broadcast_in_dim3A_494 : vector<16xi32>
    %swap3A_496 = arith.constant 14 : i32
    %swap3A_497 = arith.index_cast %swap3A_496 : i32 to index
    %swap3A_498 = arith.constant 0 : index
    %swap3A_499 = tpu.vector_load %arg11[%swap3A_497, %swap3A_498] {strides = array<i32>} : memref<16x16xi32, #tpu.memory_space<vmem>>, vector<16xi32>,
    tpu.vector_store %arg11[%swap3A_497, %swap3A_498], %rem3A_495 {strides = array<i32>} : memref<16x16xi32, #tpu.memory_space<vmem>>, vector<16xi32>,
    %add3A_500 = arith.constant 15 : i32
    %add3A_501 = vector.broadcast %add3A_500 : i32 to vector<16xi32>
    %add3A_502 = arith.addi %iota3A, %add3A_501 : vector<16xi32>
    %broadcast_in_dim3A_503 = arith.constant 16 : i32
    %broadcast_in_dim3A_504 = vector.broadcast %broadcast_in_dim3A_503 : i32 to vector<16xi32>
    %rem3A_505 = arith.remsi %add3A_502, %broadcast_in_dim3A_504 : vector<16xi32>
    %swap3A_506 = arith.constant 15 : i32
    %swap3A_507 = arith.index_cast %swap3A_506 : i32 to index
    %swap3A_508 = arith.constant 0 : index
    %swap3A_509 = tpu.vector_load %arg9[%swap3A_507, %swap3A_508] {strides = array<i32>} : memref<16x16xi32, #tpu.memory_space<vmem>>, vector<16xi32>,
    tpu.vector_store %arg9[%swap3A_507, %swap3A_508], %rem3A_505 {strides = array<i32>} : memref<16x16xi32, #tpu.memory_space<vmem>>, vector<16xi32>,
    %broadcast_in_dim3A_510 = arith.constant 3 : i32
    %broadcast_in_dim3A_511 = vector.broadcast %broadcast_in_dim3A_510 : i32 to vector<16xi32>
    %shift_right_logical3A_512 = arith.shrui %rem3A_505, %broadcast_in_dim3A_511 : vector<16xi32>
    %swap3A_513 = arith.constant 15 : i32
    %swap3A_514 = arith.index_cast %swap3A_513 : i32 to index
    %swap3A_515 = arith.constant 0 : index
    %swap3A_516 = tpu.vector_load %arg10[%swap3A_514, %swap3A_515] {strides = array<i32>} : memref<16x16xi32, #tpu.memory_space<vmem>>, vector<16xi32>,
    tpu.vector_store %arg10[%swap3A_514, %swap3A_515], %shift_right_logical3A_512 {strides = array<i32>} : memref<16x16xi32, #tpu.memory_space<vmem>>, vector<16xi32>,
    %broadcast_in_dim3A_517 = arith.constant 8 : i32
    %broadcast_in_dim3A_518 = vector.broadcast %broadcast_in_dim3A_517 : i32 to vector<16xi32>
    %rem3A_519 = arith.remsi %rem3A_505, %broadcast_in_dim3A_518 : vector<16xi32>
    %swap3A_520 = arith.constant 15 : i32
    %swap3A_521 = arith.index_cast %swap3A_520 : i32 to index
    %swap3A_522 = arith.constant 0 : index
    %swap3A_523 = tpu.vector_load %arg11[%swap3A_521, %swap3A_522] {strides = array<i32>} : memref<16x16xi32, #tpu.memory_space<vmem>>, vector<16xi32>,
    tpu.vector_store %arg11[%swap3A_521, %swap3A_522], %rem3A_519 {strides = array<i32>} : memref<16x16xi32, #tpu.memory_space<vmem>>, vector<16xi32>,
    %add3A_524 = arith.constant 0 : i32
    %add3A_525 = arith.addi %add3A_524, %select_n3A_30 : i32
    %mul3A_526 = arith.constant 256 : i32
    %mul3A_527 = arith.muli %select_n3A, %mul3A_526 : i32
    %dma_start3A = arith.constant 0 : i32
    %dma_start3A_528 = arith.constant 0 : i32
    %dma_start3A_529 = tpu.memref_slice %arg6[%dma_start3A, %dma_start3A_528] : memref<2x256xi32, #tpu.memory_space<vmem>> -> memref<1x256xi32, #tpu.memory_space<vmem>>
    %dma_start3A_530 = tpu.memref_squeeze %dma_start3A_529 : memref<1x256xi32, #tpu.memory_space<vmem>> -> memref<256xi32, #tpu.memory_space<vmem>>
    %dma_start3A_531 = tpu.memref_slice %arg2[%add3A_525, %mul3A_527] : memref<200x4096xi32, #tpu.memory_space<hbm>> -> memref<1x256xi32, #tpu.memory_space<hbm>>
    %dma_start3A_532 = tpu.memref_squeeze %dma_start3A_531 : memref<1x256xi32, #tpu.memory_space<hbm>> -> memref<256xi32, #tpu.memory_space<hbm>>
    %dma_start3A_533 = arith.constant 0 : i32
    %dma_start3A_534 = tpu.memref_slice %arg6[%dma_start3A, %dma_start3A_533] : memref<2x256xi32, #tpu.memory_space<vmem>> -> memref<1x256xi32, #tpu.memory_space<vmem>>
    %dma_start3A_535 = tpu.memref_squeeze %dma_start3A_534 : memref<1x256xi32, #tpu.memory_space<vmem>> -> memref<256xi32, #tpu.memory_space<vmem>>
    %dma_start3A_536 = tpu.memref_slice %arg2[%add3A_525, %mul3A_527] : memref<200x4096xi32, #tpu.memory_space<hbm>> -> memref<1x256xi32, #tpu.memory_space<hbm>>
    %dma_start3A_537 = tpu.memref_squeeze %dma_start3A_536 : memref<1x256xi32, #tpu.memory_space<hbm>> -> memref<256xi32, #tpu.memory_space<hbm>>
    tpu.enqueue_dma source(%dma_start3A_537 : memref<256xi32, #tpu.memory_space<hbm>>) target(%dma_start3A_535 : memref<256xi32, #tpu.memory_space<vmem>>) target_semaphore(%arg14 : memref<!tpu.dma_semaphore, #tpu.memory_space<semaphore_mem>>)
    %add3A_538 = arith.constant 2 : i32
    %add3A_539 = arith.addi %add3A_538, %select_n3A_30 : i32
    %mul3A_540 = arith.constant 256 : i32
    %mul3A_541 = arith.muli %select_n3A, %mul3A_540 : i32
    %dma_start3A_542 = arith.constant 1 : i32
    %dma_start3A_543 = arith.constant 0 : i32
    %dma_start3A_544 = tpu.memref_slice %arg6[%dma_start3A_542, %dma_start3A_543] : memref<2x256xi32, #tpu.memory_space<vmem>> -> memref<1x256xi32, #tpu.memory_space<vmem>>
    %dma_start3A_545 = tpu.memref_squeeze %dma_start3A_544 : memref<1x256xi32, #tpu.memory_space<vmem>> -> memref<256xi32, #tpu.memory_space<vmem>>
    %dma_start3A_546 = tpu.memref_slice %arg2[%add3A_539, %mul3A_541] : memref<200x4096xi32, #tpu.memory_space<hbm>> -> memref<1x256xi32, #tpu.memory_space<hbm>>
    %dma_start3A_547 = tpu.memref_squeeze %dma_start3A_546 : memref<1x256xi32, #tpu.memory_space<hbm>> -> memref<256xi32, #tpu.memory_space<hbm>>
    %dma_start3A_548 = arith.constant 0 : i32
    %dma_start3A_549 = tpu.memref_slice %arg6[%dma_start3A_542, %dma_start3A_548] : memref<2x256xi32, #tpu.memory_space<vmem>> -> memref<1x256xi32, #tpu.memory_space<vmem>>
    %dma_start3A_550 = tpu.memref_squeeze %dma_start3A_549 : memref<1x256xi32, #tpu.memory_space<vmem>> -> memref<256xi32, #tpu.memory_space<vmem>>
    %dma_start3A_551 = tpu.memref_slice %arg2[%add3A_539, %mul3A_541] : memref<200x4096xi32, #tpu.memory_space<hbm>> -> memref<1x256xi32, #tpu.memory_space<hbm>>
    %dma_start3A_552 = tpu.memref_squeeze %dma_start3A_551 : memref<1x256xi32, #tpu.memory_space<hbm>> -> memref<256xi32, #tpu.memory_space<hbm>>
    tpu.enqueue_dma source(%dma_start3A_552 : memref<256xi32, #tpu.memory_space<hbm>>) target(%dma_start3A_550 : memref<256xi32, #tpu.memory_space<vmem>>) target_semaphore(%arg14 : memref<!tpu.dma_semaphore, #tpu.memory_space<semaphore_mem>>)
    %add3A_553 = arith.constant 0 : i32
    %add3A_554 = arith.addi %add3A_553, %select_n3A_30 : i32
    %mul3A_555 = arith.constant 256 : i32
    %mul3A_556 = arith.muli %select_n3A, %mul3A_555 : i32
    %dma_wait3A = arith.constant 0 : i32
    %dma_wait3A_557 = arith.constant 0 : i32
    %dma_wait3A_558 = tpu.memref_slice %arg6[%dma_wait3A, %dma_wait3A_557] : memref<2x256xi32, #tpu.memory_space<vmem>> -> memref<1x256xi32, #tpu.memory_space<vmem>>
    %dma_wait3A_559 = tpu.memref_squeeze %dma_wait3A_558 : memref<1x256xi32, #tpu.memory_space<vmem>> -> memref<256xi32, #tpu.memory_space<vmem>>
    %dma_wait3A_560 = tpu.memref_slice %arg2[%add3A_554, %mul3A_556] : memref<200x4096xi32, #tpu.memory_space<hbm>> -> memref<1x256xi32, #tpu.memory_space<hbm>>
    %dma_wait3A_561 = tpu.memref_squeeze %dma_wait3A_560 : memref<1x256xi32, #tpu.memory_space<hbm>> -> memref<256xi32, #tpu.memory_space<hbm>>
    %dma_wait3A_562 = arith.constant 0 : i32
    %dma_wait3A_563 = tpu.memref_slice %arg6[%dma_wait3A, %dma_wait3A_562] : memref<2x256xi32, #tpu.memory_space<vmem>> -> memref<1x256xi32, #tpu.memory_space<vmem>>
    %dma_wait3A_564 = tpu.memref_squeeze %dma_wait3A_563 : memref<1x256xi32, #tpu.memory_space<vmem>> -> memref<256xi32, #tpu.memory_space<vmem>>
    %dma_wait3A_565 = tpu.memref_slice %arg2[%add3A_554, %mul3A_556] : memref<200x4096xi32, #tpu.memory_space<hbm>> -> memref<1x256xi32, #tpu.memory_space<hbm>>
    %dma_wait3A_566 = tpu.memref_squeeze %dma_wait3A_565 : memref<1x256xi32, #tpu.memory_space<hbm>> -> memref<256xi32, #tpu.memory_space<hbm>>
    tpu.wait_dma2 semaphore(%arg14 : memref<!tpu.dma_semaphore, #tpu.memory_space<semaphore_mem>>) src(%dma_wait3A_566 : memref<256xi32, #tpu.memory_space<hbm>>) dst(%dma_wait3A_564 : memref<256xi32, #tpu.memory_space<vmem>>)
    %get3A = arith.constant 0 : i32
    %get3A_567 = arith.index_cast %get3A : i32 to index
    %get3A_568 = arith.constant 0 : index
    %get3A_569 = tpu.vector_load %arg6[%get3A_567, %get3A_568] {strides = array<i32>} : memref<2x256xi32, #tpu.memory_space<vmem>>, vector<16xi32>,
    %mul3A_570 = arith.constant 2 : i32
    %mul3A_571 = vector.broadcast %mul3A_570 : i32 to vector<16xi32>
    %mul3A_572 = arith.muli %get3A_569, %mul3A_571 : vector<16xi32>
    %swap3A_573 = arith.constant 0 : i32
    %swap3A_574 = arith.index_cast %swap3A_573 : i32 to index
    %swap3A_575 = arith.constant 0 : index
    %swap3A_576 = tpu.vector_load %arg6[%swap3A_574, %swap3A_575] {strides = array<i32>} : memref<2x256xi32, #tpu.memory_space<vmem>>, vector<16xi32>,
    tpu.vector_store %arg6[%swap3A_574, %swap3A_575], %mul3A_572 {strides = array<i32>} : memref<2x256xi32, #tpu.memory_space<vmem>>, vector<16xi32>,
    %get3A_577 = arith.constant 0 : i32
    %get3A_578 = arith.index_cast %get3A_577 : i32 to index
    %get3A_579 = arith.constant 16 : index
    %get3A_580 = tpu.vector_load %arg6[%get3A_578, %get3A_579] {strides = array<i32>} : memref<2x256xi32, #tpu.memory_space<vmem>>, vector<16xi32>,
    %mul3A_581 = arith.constant 2 : i32
    %mul3A_582 = vector.broadcast %mul3A_581 : i32 to vector<16xi32>
    %mul3A_583 = arith.muli %get3A_580, %mul3A_582 : vector<16xi32>
    %swap3A_584 = arith.constant 0 : i32
    %swap3A_585 = arith.index_cast %swap3A_584 : i32 to index
    %swap3A_586 = arith.constant 16 : index
    %swap3A_587 = tpu.vector_load %arg6[%swap3A_585, %swap3A_586] {strides = array<i32>} : memref<2x256xi32, #tpu.memory_space<vmem>>, vector<16xi32>,
    tpu.vector_store %arg6[%swap3A_585, %swap3A_586], %mul3A_583 {strides = array<i32>} : memref<2x256xi32, #tpu.memory_space<vmem>>, vector<16xi32>,
    %get3A_588 = arith.constant 0 : i32
    %get3A_589 = arith.index_cast %get3A_588 : i32 to index
    %get3A_590 = arith.constant 32 : index
    %get3A_591 = tpu.vector_load %arg6[%get3A_589, %get3A_590] {strides = array<i32>} : memref<2x256xi32, #tpu.memory_space<vmem>>, vector<16xi32>,
    %mul3A_592 = arith.constant 2 : i32
    %mul3A_593 = vector.broadcast %mul3A_592 : i32 to vector<16xi32>
    %mul3A_594 = arith.muli %get3A_591, %mul3A_593 : vector<16xi32>
    %swap3A_595 = arith.constant 0 : i32
    %swap3A_596 = arith.index_cast %swap3A_595 : i32 to index
    %swap3A_597 = arith.constant 32 : index
    %swap3A_598 = tpu.vector_load %arg6[%swap3A_596, %swap3A_597] {strides = array<i32>} : memref<2x256xi32, #tpu.memory_space<vmem>>, vector<16xi32>,
    tpu.vector_store %arg6[%swap3A_596, %swap3A_597], %mul3A_594 {strides = array<i32>} : memref<2x256xi32, #tpu.memory_space<vmem>>, vector<16xi32>,
    %get3A_599 = arith.constant 0 : i32
    %get3A_600 = arith.index_cast %get3A_599 : i32 to index
    %get3A_601 = arith.constant 48 : index
    %get3A_602 = tpu.vector_load %arg6[%get3A_600, %get3A_601] {strides = array<i32>} : memref<2x256xi32, #tpu.memory_space<vmem>>, vector<16xi32>,
    %mul3A_603 = arith.constant 2 : i32
    %mul3A_604 = vector.broadcast %mul3A_603 : i32 to vector<16xi32>
    %mul3A_605 = arith.muli %get3A_602, %mul3A_604 : vector<16xi32>
    %swap3A_606 = arith.constant 0 : i32
    %swap3A_607 = arith.index_cast %swap3A_606 : i32 to index
    %swap3A_608 = arith.constant 48 : index
    %swap3A_609 = tpu.vector_load %arg6[%swap3A_607, %swap3A_608] {strides = array<i32>} : memref<2x256xi32, #tpu.memory_space<vmem>>, vector<16xi32>,
    tpu.vector_store %arg6[%swap3A_607, %swap3A_608], %mul3A_605 {strides = array<i32>} : memref<2x256xi32, #tpu.memory_space<vmem>>, vector<16xi32>,
    %get3A_610 = arith.constant 0 : i32
    %get3A_611 = arith.index_cast %get3A_610 : i32 to index
    %get3A_612 = arith.constant 64 : index
    %get3A_613 = tpu.vector_load %arg6[%get3A_611, %get3A_612] {strides = array<i32>} : memref<2x256xi32, #tpu.memory_space<vmem>>, vector<16xi32>,
    %mul3A_614 = arith.constant 2 : i32
    %mul3A_615 = vector.broadcast %mul3A_614 : i32 to vector<16xi32>
    %mul3A_616 = arith.muli %get3A_613, %mul3A_615 : vector<16xi32>
    %swap3A_617 = arith.constant 0 : i32
    %swap3A_618 = arith.index_cast %swap3A_617 : i32 to index
    %swap3A_619 = arith.constant 64 : index
    %swap3A_620 = tpu.vector_load %arg6[%swap3A_618, %swap3A_619] {strides = array<i32>} : memref<2x256xi32, #tpu.memory_space<vmem>>, vector<16xi32>,
    tpu.vector_store %arg6[%swap3A_618, %swap3A_619], %mul3A_616 {strides = array<i32>} : memref<2x256xi32, #tpu.memory_space<vmem>>, vector<16xi32>,
    %get3A_621 = arith.constant 0 : i32
    %get3A_622 = arith.index_cast %get3A_621 : i32 to index
    %get3A_623 = arith.constant 80 : index
    %get3A_624 = tpu.vector_load %arg6[%get3A_622, %get3A_623] {strides = array<i32>} : memref<2x256xi32, #tpu.memory_space<vmem>>, vector<16xi32>,
    %mul3A_625 = arith.constant 2 : i32
    %mul3A_626 = vector.broadcast %mul3A_625 : i32 to vector<16xi32>
    %mul3A_627 = arith.muli %get3A_624, %mul3A_626 : vector<16xi32>
    %swap3A_628 = arith.constant 0 : i32
    %swap3A_629 = arith.index_cast %swap3A_628 : i32 to index
    %swap3A_630 = arith.constant 80 : index
    %swap3A_631 = tpu.vector_load %arg6[%swap3A_629, %swap3A_630] {strides = array<i32>} : memref<2x256xi32, #tpu.memory_space<vmem>>, vector<16xi32>,
    tpu.vector_store %arg6[%swap3A_629, %swap3A_630], %mul3A_627 {strides = array<i32>} : memref<2x256xi32, #tpu.memory_space<vmem>>, vector<16xi32>,
    %get3A_632 = arith.constant 0 : i32
    %get3A_633 = arith.index_cast %get3A_632 : i32 to index
    %get3A_634 = arith.constant 96 : index
    %get3A_635 = tpu.vector_load %arg6[%get3A_633, %get3A_634] {strides = array<i32>} : memref<2x256xi32, #tpu.memory_space<vmem>>, vector<16xi32>,
    %mul3A_636 = arith.constant 2 : i32
    %mul3A_637 = vector.broadcast %mul3A_636 : i32 to vector<16xi32>
    %mul3A_638 = arith.muli %get3A_635, %mul3A_637 : vector<16xi32>
    %swap3A_639 = arith.constant 0 : i32
    %swap3A_640 = arith.index_cast %swap3A_639 : i32 to index
    %swap3A_641 = arith.constant 96 : index
    %swap3A_642 = tpu.vector_load %arg6[%swap3A_640, %swap3A_641] {strides = array<i32>} : memref<2x256xi32, #tpu.memory_space<vmem>>, vector<16xi32>,
    tpu.vector_store %arg6[%swap3A_640, %swap3A_641], %mul3A_638 {strides = array<i32>} : memref<2x256xi32, #tpu.memory_space<vmem>>, vector<16xi32>,
    %get3A_643 = arith.constant 0 : i32
    %get3A_644 = arith.index_cast %get3A_643 : i32 to index
    %get3A_645 = arith.constant 112 : index
    %get3A_646 = tpu.vector_load %arg6[%get3A_644, %get3A_645] {strides = array<i32>} : memref<2x256xi32, #tpu.memory_space<vmem>>, vector<16xi32>,
    %mul3A_647 = arith.constant 2 : i32
    %mul3A_648 = vector.broadcast %mul3A_647 : i32 to vector<16xi32>
    %mul3A_649 = arith.muli %get3A_646, %mul3A_648 : vector<16xi32>
    %swap3A_650 = arith.constant 0 : i32
    %swap3A_651 = arith.index_cast %swap3A_650 : i32 to index
    %swap3A_652 = arith.constant 112 : index
    %swap3A_653 = tpu.vector_load %arg6[%swap3A_651, %swap3A_652] {strides = array<i32>} : memref<2x256xi32, #tpu.memory_space<vmem>>, vector<16xi32>,
    tpu.vector_store %arg6[%swap3A_651, %swap3A_652], %mul3A_649 {strides = array<i32>} : memref<2x256xi32, #tpu.memory_space<vmem>>, vector<16xi32>,
    %get3A_654 = arith.constant 0 : i32
    %get3A_655 = arith.index_cast %get3A_654 : i32 to index
    %get3A_656 = arith.constant 128 : index
    %get3A_657 = tpu.vector_load %arg6[%get3A_655, %get3A_656] {strides = array<i32>} : memref<2x256xi32, #tpu.memory_space<vmem>>, vector<16xi32>,
    %mul3A_658 = arith.constant 2 : i32
    %mul3A_659 = vector.broadcast %mul3A_658 : i32 to vector<16xi32>
    %mul3A_660 = arith.muli %get3A_657, %mul3A_659 : vector<16xi32>
    %swap3A_661 = arith.constant 0 : i32
    %swap3A_662 = arith.index_cast %swap3A_661 : i32 to index
    %swap3A_663 = arith.constant 128 : index
    %swap3A_664 = tpu.vector_load %arg6[%swap3A_662, %swap3A_663] {strides = array<i32>} : memref<2x256xi32, #tpu.memory_space<vmem>>, vector<16xi32>,
    tpu.vector_store %arg6[%swap3A_662, %swap3A_663], %mul3A_660 {strides = array<i32>} : memref<2x256xi32, #tpu.memory_space<vmem>>, vector<16xi32>,
    %get3A_665 = arith.constant 0 : i32
    %get3A_666 = arith.index_cast %get3A_665 : i32 to index
    %get3A_667 = arith.constant 144 : index
    %get3A_668 = tpu.vector_load %arg6[%get3A_666, %get3A_667] {strides = array<i32>} : memref<2x256xi32, #tpu.memory_space<vmem>>, vector<16xi32>,
    %mul3A_669 = arith.constant 2 : i32
    %mul3A_670 = vector.broadcast %mul3A_669 : i32 to vector<16xi32>
    %mul3A_671 = arith.muli %get3A_668, %mul3A_670 : vector<16xi32>
    %swap3A_672 = arith.constant 0 : i32
    %swap3A_673 = arith.index_cast %swap3A_672 : i32 to index
    %swap3A_674 = arith.constant 144 : index
    %swap3A_675 = tpu.vector_load %arg6[%swap3A_673, %swap3A_674] {strides = array<i32>} : memref<2x256xi32, #tpu.memory_space<vmem>>, vector<16xi32>,
    tpu.vector_store %arg6[%swap3A_673, %swap3A_674], %mul3A_671 {strides = array<i32>} : memref<2x256xi32, #tpu.memory_space<vmem>>, vector<16xi32>,
    %get3A_676 = arith.constant 0 : i32
    %get3A_677 = arith.index_cast %get3A_676 : i32 to index
    %get3A_678 = arith.constant 160 : index
    %get3A_679 = tpu.vector_load %arg6[%get3A_677, %get3A_678] {strides = array<i32>} : memref<2x256xi32, #tpu.memory_space<vmem>>, vector<16xi32>,
    %mul3A_680 = arith.constant 2 : i32
    %mul3A_681 = vector.broadcast %mul3A_680 : i32 to vector<16xi32>
    %mul3A_682 = arith.muli %get3A_679, %mul3A_681 : vector<16xi32>
    %swap3A_683 = arith.constant 0 : i32
    %swap3A_684 = arith.index_cast %swap3A_683 : i32 to index
    %swap3A_685 = arith.constant 160 : index
    %swap3A_686 = tpu.vector_load %arg6[%swap3A_684, %swap3A_685] {strides = array<i32>} : memref<2x256xi32, #tpu.memory_space<vmem>>, vector<16xi32>,
    tpu.vector_store %arg6[%swap3A_684, %swap3A_685], %mul3A_682 {strides = array<i32>} : memref<2x256xi32, #tpu.memory_space<vmem>>, vector<16xi32>,
    %get3A_687 = arith.constant 0 : i32
    %get3A_688 = arith.index_cast %get3A_687 : i32 to index
    %get3A_689 = arith.constant 176 : index
    %get3A_690 = tpu.vector_load %arg6[%get3A_688, %get3A_689] {strides = array<i32>} : memref<2x256xi32, #tpu.memory_space<vmem>>, vector<16xi32>,
    %mul3A_691 = arith.constant 2 : i32
    %mul3A_692 = vector.broadcast %mul3A_691 : i32 to vector<16xi32>
    %mul3A_693 = arith.muli %get3A_690, %mul3A_692 : vector<16xi32>
    %swap3A_694 = arith.constant 0 : i32
    %swap3A_695 = arith.index_cast %swap3A_694 : i32 to index
    %swap3A_696 = arith.constant 176 : index
    %swap3A_697 = tpu.vector_load %arg6[%swap3A_695, %swap3A_696] {strides = array<i32>} : memref<2x256xi32, #tpu.memory_space<vmem>>, vector<16xi32>,
    tpu.vector_store %arg6[%swap3A_695, %swap3A_696], %mul3A_693 {strides = array<i32>} : memref<2x256xi32, #tpu.memory_space<vmem>>, vector<16xi32>,
    %get3A_698 = arith.constant 0 : i32
    %get3A_699 = arith.index_cast %get3A_698 : i32 to index
    %get3A_700 = arith.constant 192 : index
    %get3A_701 = tpu.vector_load %arg6[%get3A_699, %get3A_700] {strides = array<i32>} : memref<2x256xi32, #tpu.memory_space<vmem>>, vector<16xi32>,
    %mul3A_702 = arith.constant 2 : i32
    %mul3A_703 = vector.broadcast %mul3A_702 : i32 to vector<16xi32>
    %mul3A_704 = arith.muli %get3A_701, %mul3A_703 : vector<16xi32>
    %swap3A_705 = arith.constant 0 : i32
    %swap3A_706 = arith.index_cast %swap3A_705 : i32 to index
    %swap3A_707 = arith.constant 192 : index
    %swap3A_708 = tpu.vector_load %arg6[%swap3A_706, %swap3A_707] {strides = array<i32>} : memref<2x256xi32, #tpu.memory_space<vmem>>, vector<16xi32>,
    tpu.vector_store %arg6[%swap3A_706, %swap3A_707], %mul3A_704 {strides = array<i32>} : memref<2x256xi32, #tpu.memory_space<vmem>>, vector<16xi32>,
    %get3A_709 = arith.constant 0 : i32
    %get3A_710 = arith.index_cast %get3A_709 : i32 to index
    %get3A_711 = arith.constant 208 : index
    %get3A_712 = tpu.vector_load %arg6[%get3A_710, %get3A_711] {strides = array<i32>} : memref<2x256xi32, #tpu.memory_space<vmem>>, vector<16xi32>,
    %mul3A_713 = arith.constant 2 : i32
    %mul3A_714 = vector.broadcast %mul3A_713 : i32 to vector<16xi32>
    %mul3A_715 = arith.muli %get3A_712, %mul3A_714 : vector<16xi32>
    %swap3A_716 = arith.constant 0 : i32
    %swap3A_717 = arith.index_cast %swap3A_716 : i32 to index
    %swap3A_718 = arith.constant 208 : index
    %swap3A_719 = tpu.vector_load %arg6[%swap3A_717, %swap3A_718] {strides = array<i32>} : memref<2x256xi32, #tpu.memory_space<vmem>>, vector<16xi32>,
    tpu.vector_store %arg6[%swap3A_717, %swap3A_718], %mul3A_715 {strides = array<i32>} : memref<2x256xi32, #tpu.memory_space<vmem>>, vector<16xi32>,
    %get3A_720 = arith.constant 0 : i32
    %get3A_721 = arith.index_cast %get3A_720 : i32 to index
    %get3A_722 = arith.constant 224 : index
    %get3A_723 = tpu.vector_load %arg6[%get3A_721, %get3A_722] {strides = array<i32>} : memref<2x256xi32, #tpu.memory_space<vmem>>, vector<16xi32>,
    %mul3A_724 = arith.constant 2 : i32
    %mul3A_725 = vector.broadcast %mul3A_724 : i32 to vector<16xi32>
    %mul3A_726 = arith.muli %get3A_723, %mul3A_725 : vector<16xi32>
    %swap3A_727 = arith.constant 0 : i32
    %swap3A_728 = arith.index_cast %swap3A_727 : i32 to index
    %swap3A_729 = arith.constant 224 : index
    %swap3A_730 = tpu.vector_load %arg6[%swap3A_728, %swap3A_729] {strides = array<i32>} : memref<2x256xi32, #tpu.memory_space<vmem>>, vector<16xi32>,
    tpu.vector_store %arg6[%swap3A_728, %swap3A_729], %mul3A_726 {strides = array<i32>} : memref<2x256xi32, #tpu.memory_space<vmem>>, vector<16xi32>,
    %get3A_731 = arith.constant 0 : i32
    %get3A_732 = arith.index_cast %get3A_731 : i32 to index
    %get3A_733 = arith.constant 240 : index
    %get3A_734 = tpu.vector_load %arg6[%get3A_732, %get3A_733] {strides = array<i32>} : memref<2x256xi32, #tpu.memory_space<vmem>>, vector<16xi32>,
    %mul3A_735 = arith.constant 2 : i32
    %mul3A_736 = vector.broadcast %mul3A_735 : i32 to vector<16xi32>
    %mul3A_737 = arith.muli %get3A_734, %mul3A_736 : vector<16xi32>
    %swap3A_738 = arith.constant 0 : i32
    %swap3A_739 = arith.index_cast %swap3A_738 : i32 to index
    %swap3A_740 = arith.constant 240 : index
    %swap3A_741 = tpu.vector_load %arg6[%swap3A_739, %swap3A_740] {strides = array<i32>} : memref<2x256xi32, #tpu.memory_space<vmem>>, vector<16xi32>,
    tpu.vector_store %arg6[%swap3A_739, %swap3A_740], %mul3A_737 {strides = array<i32>} : memref<2x256xi32, #tpu.memory_space<vmem>>, vector<16xi32>,
    %dma_start3A_742 = arith.constant 0 : i32
    %dma_start3A_743 = arith.constant 0 : i32
    %dma_start3A_744 = arith.constant 0 : i32
    %dma_start3A_745 = arith.constant 0 : i32
    %dma_start3A_746 = tpu.memref_slice %arg12[%dma_start3A_743, %dma_start3A_744, %dma_start3A_745] : memref<2x256x64xf32, #tpu.memory_space<vmem>> -> memref<1x128x64xf32, #tpu.memory_space<vmem>>
    %dma_start3A_747 = tpu.memref_squeeze %dma_start3A_746 : memref<1x128x64xf32, #tpu.memory_space<vmem>> -> memref<128x64xf32, #tpu.memory_space<vmem>>
    %dma_start3A_748 = arith.constant 0 : i32
    %dma_start3A_749 = tpu.memref_slice %arg6[%dma_start3A_742, %dma_start3A_748] : memref<2x256xi32, #tpu.memory_space<vmem>> -> memref<1x128xi32, #tpu.memory_space<vmem>>
    %dma_start3A_750 = tpu.memref_squeeze %dma_start3A_749 : memref<1x128xi32, #tpu.memory_space<vmem>> -> memref<128xi32, #tpu.memory_space<vmem>>
    %dma_start3A_751 = arith.constant 0 : i32
    %dma_start3A_752 = arith.constant 0 : i32
    %dma_start3A_753 = tpu.memref_slice %arg3[%dma_start3A_751, %dma_start3A_752] : memref<200000x64xf32, #tpu.memory_space<hbm>> -> memref<200000x64xf32, #tpu.memory_space<hbm>>
    tpu.enqueue_indirect_dma source(%dma_start3A_753 : memref<200000x64xf32, #tpu.memory_space<hbm>>) target(%dma_start3A_747 : memref<128x64xf32, #tpu.memory_space<vmem>>) offsets(%dma_start3A_750 : memref<128xi32, #tpu.memory_space<vmem>>) semaphore(%arg15 : memref<!tpu.dma_semaphore, #tpu.memory_space<semaphore_mem>>)
    %dma_start3A_754 = arith.constant 0 : i32
    %dma_start3A_755 = arith.constant 0 : i32
    %dma_start3A_756 = arith.constant 128 : i32
    %dma_start3A_757 = arith.constant 0 : i32
    %dma_start3A_758 = tpu.memref_slice %arg12[%dma_start3A_755, %dma_start3A_756, %dma_start3A_757] : memref<2x256x64xf32, #tpu.memory_space<vmem>> -> memref<1x128x64xf32, #tpu.memory_space<vmem>>
    %dma_start3A_759 = tpu.memref_squeeze %dma_start3A_758 : memref<1x128x64xf32, #tpu.memory_space<vmem>> -> memref<128x64xf32, #tpu.memory_space<vmem>>
    %dma_start3A_760 = arith.constant 128 : i32
    %dma_start3A_761 = tpu.memref_slice %arg6[%dma_start3A_754, %dma_start3A_760] : memref<2x256xi32, #tpu.memory_space<vmem>> -> memref<1x128xi32, #tpu.memory_space<vmem>>
    %dma_start3A_762 = tpu.memref_squeeze %dma_start3A_761 : memref<1x128xi32, #tpu.memory_space<vmem>> -> memref<128xi32, #tpu.memory_space<vmem>>
    %dma_start3A_763 = arith.constant 0 : i32
    %dma_start3A_764 = arith.constant 0 : i32
    %dma_start3A_765 = tpu.memref_slice %arg3[%dma_start3A_763, %dma_start3A_764] : memref<200000x64xf32, #tpu.memory_space<hbm>> -> memref<200000x64xf32, #tpu.memory_space<hbm>>
    tpu.enqueue_indirect_dma source(%dma_start3A_765 : memref<200000x64xf32, #tpu.memory_space<hbm>>) target(%dma_start3A_759 : memref<128x64xf32, #tpu.memory_space<vmem>>) offsets(%dma_start3A_762 : memref<128xi32, #tpu.memory_space<vmem>>) semaphore(%arg15 : memref<!tpu.dma_semaphore, #tpu.memory_space<semaphore_mem>>)
    %scan3A = arith.constant 0 : i32
    %scan3A_766 = arith.constant 0 : i32
    %scan3A_767 = arith.constant 50 : i32
    %scan3A_768 = arith.addi %scan3A_766, %scan3A_767 : i32
    %scan3A_769 = arith.constant 1 : i32
    scf.for %scan3A_825 = %scan3A_766 to %scan3A_768 step %scan3A_769  : i32 {
      %mul3A_826 = arith.constant 2 : i32
      %mul3A_827 = arith.muli %scan3A_825, %mul3A_826 : i32
      %add3A_828 = arith.constant 0 : i32
      %add3A_829 = arith.addi %mul3A_827, %add3A_828 : i32
      %dma_wait3A_830 = arith.constant 0 : i32
      %dma_wait3A_831 = arith.constant 0 : i32
      %dma_wait3A_832 = arith.constant 0 : i32
      %dma_wait3A_833 = arith.constant 0 : i32
      %dma_wait3A_834 = tpu.memref_slice %arg12[%dma_wait3A_831, %dma_wait3A_832, %dma_wait3A_833] : memref<2x256x64xf32, #tpu.memory_space<vmem>> -> memref<1x128x64xf32, #tpu.memory_space<vmem>>
      %dma_wait3A_835 = tpu.memref_squeeze %dma_wait3A_834 : memref<1x128x64xf32, #tpu.memory_space<vmem>> -> memref<128x64xf32, #tpu.memory_space<vmem>>
      %dma_wait3A_836 = arith.constant 0 : i32
      %dma_wait3A_837 = tpu.memref_slice %arg6[%dma_wait3A_830, %dma_wait3A_836] : memref<2x256xi32, #tpu.memory_space<vmem>> -> memref<1x128xi32, #tpu.memory_space<vmem>>
      %dma_wait3A_838 = tpu.memref_squeeze %dma_wait3A_837 : memref<1x128xi32, #tpu.memory_space<vmem>> -> memref<128xi32, #tpu.memory_space<vmem>>
      %dma_wait3A_839 = arith.constant 0 : i32
      %dma_wait3A_840 = arith.constant 0 : i32
      %dma_wait3A_841 = tpu.memref_slice %arg3[%dma_wait3A_839, %dma_wait3A_840] : memref<200000x64xf32, #tpu.memory_space<hbm>> -> memref<200000x64xf32, #tpu.memory_space<hbm>>
      tpu.wait_indirect_dma semaphore(%arg15 : memref<!tpu.dma_semaphore, #tpu.memory_space<semaphore_mem>>) src(%dma_wait3A_841 : memref<200000x64xf32, #tpu.memory_space<hbm>>) dst(%dma_wait3A_835 : memref<128x64xf32, #tpu.memory_space<vmem>>)
      %dma_wait3A_842 = arith.constant 0 : i32
      %dma_wait3A_843 = arith.constant 0 : i32
      %dma_wait3A_844 = arith.constant 128 : i32
      %dma_wait3A_845 = arith.constant 0 : i32
      %dma_wait3A_846 = tpu.memref_slice %arg12[%dma_wait3A_843, %dma_wait3A_844, %dma_wait3A_845] : memref<2x256x64xf32, #tpu.memory_space<vmem>> -> memref<1x128x64xf32, #tpu.memory_space<vmem>>
      %dma_wait3A_847 = tpu.memref_squeeze %dma_wait3A_846 : memref<1x128x64xf32, #tpu.memory_space<vmem>> -> memref<128x64xf32, #tpu.memory_space<vmem>>
      %dma_wait3A_848 = arith.constant 128 : i32
      %dma_wait3A_849 = tpu.memref_slice %arg6[%dma_wait3A_842, %dma_wait3A_848] : memref<2x256xi32, #tpu.memory_space<vmem>> -> memref<1x128xi32, #tpu.memory_space<vmem>>
      %dma_wait3A_850 = tpu.memref_squeeze %dma_wait3A_849 : memref<1x128xi32, #tpu.memory_space<vmem>> -> memref<128xi32, #tpu.memory_space<vmem>>
      %dma_wait3A_851 = arith.constant 0 : i32
      %dma_wait3A_852 = arith.constant 0 : i32
      %dma_wait3A_853 = tpu.memref_slice %arg3[%dma_wait3A_851, %dma_wait3A_852] : memref<200000x64xf32, #tpu.memory_space<hbm>> -> memref<200000x64xf32, #tpu.memory_space<hbm>>
      tpu.wait_indirect_dma semaphore(%arg15 : memref<!tpu.dma_semaphore, #tpu.memory_space<semaphore_mem>>) src(%dma_wait3A_853 : memref<200000x64xf32, #tpu.memory_space<hbm>>) dst(%dma_wait3A_847 : memref<128x64xf32, #tpu.memory_space<vmem>>)
      %add3A_854 = arith.constant 2 : i32
      %add3A_855 = arith.addi %add3A_829, %add3A_854 : i32
      %lt3A_856 = arith.constant 100 : i32
      %lt3A_857 = arith.cmpi slt, %add3A_855, %lt3A_856 : i32
      %convert_element_type3A = arith.extui %lt3A_857 : i1 to i32
      %cond3A = arith.constant 0 : i32
      %cond3A_858 = arith.cmpi ne, %convert_element_type3A, %cond3A : i32
      scf.if %cond3A_858 {
        %add3A_1118 = arith.constant 2 : i32
        %add3A_1119 = arith.addi %add3A_829, %add3A_1118 : i32
        %mul3A_1120 = arith.constant 2 : i32
        %mul3A_1121 = arith.muli %add3A_1119, %mul3A_1120 : i32
        %add3A_1122 = arith.addi %mul3A_1121, %select_n3A_30 : i32
        %mul3A_1123 = arith.constant 256 : i32
        %mul3A_1124 = arith.muli %select_n3A, %mul3A_1123 : i32
        %dma_start3A_1125 = arith.constant 0 : i32
        %dma_start3A_1126 = arith.constant 0 : i32
        %dma_start3A_1127 = tpu.memref_slice %arg6[%dma_start3A_1125, %dma_start3A_1126] : memref<2x256xi32, #tpu.memory_space<vmem>> -> memref<1x256xi32, #tpu.memory_space<vmem>>
        %dma_start3A_1128 = tpu.memref_squeeze %dma_start3A_1127 : memref<1x256xi32, #tpu.memory_space<vmem>> -> memref<256xi32, #tpu.memory_space<vmem>>
        %dma_start3A_1129 = tpu.memref_slice %arg2[%add3A_1122, %mul3A_1124] : memref<200x4096xi32, #tpu.memory_space<hbm>> -> memref<1x256xi32, #tpu.memory_space<hbm>>
        %dma_start3A_1130 = tpu.memref_squeeze %dma_start3A_1129 : memref<1x256xi32, #tpu.memory_space<hbm>> -> memref<256xi32, #tpu.memory_space<hbm>>
        %dma_start3A_1131 = arith.constant 0 : i32
        %dma_start3A_1132 = tpu.memref_slice %arg6[%dma_start3A_1125, %dma_start3A_1131] : memref<2x256xi32, #tpu.memory_space<vmem>> -> memref<1x256xi32, #tpu.memory_space<vmem>>
        %dma_start3A_1133 = tpu.memref_squeeze %dma_start3A_1132 : memref<1x256xi32, #tpu.memory_space<vmem>> -> memref<256xi32, #tpu.memory_space<vmem>>
        %dma_start3A_1134 = tpu.memref_slice %arg2[%add3A_1122, %mul3A_1124] : memref<200x4096xi32, #tpu.memory_space<hbm>> -> memref<1x256xi32, #tpu.memory_space<hbm>>
        %dma_start3A_1135 = tpu.memref_squeeze %dma_start3A_1134 : memref<1x256xi32, #tpu.memory_space<hbm>> -> memref<256xi32, #tpu.memory_space<hbm>>
        tpu.enqueue_dma source(%dma_start3A_1135 : memref<256xi32, #tpu.memory_space<hbm>>) target(%dma_start3A_1133 : memref<256xi32, #tpu.memory_space<vmem>>) target_semaphore(%arg14 : memref<!tpu.dma_semaphore, #tpu.memory_space<semaphore_mem>>)
      } else {
      }
      %add3A_859 = arith.constant 1 : i32
      %add3A_860 = arith.addi %add3A_829, %add3A_859 : i32
      %lt3A_861 = arith.constant 100 : i32
      %lt3A_862 = arith.cmpi slt, %add3A_860, %lt3A_861 : i32
      %convert_element_type3A_863 = arith.extui %lt3A_862 : i1 to i32
      %cond3A_864 = arith.constant 0 : i32
      %cond3A_865 = arith.cmpi ne, %convert_element_type3A_863, %cond3A_864 : i32
      scf.if %cond3A_865 {
        %add3A_1118 = arith.constant 1 : i32
        %add3A_1119 = arith.addi %add3A_829, %add3A_1118 : i32
        %mul3A_1120 = arith.constant 2 : i32
        %mul3A_1121 = arith.muli %add3A_1119, %mul3A_1120 : i32
        %add3A_1122 = arith.addi %mul3A_1121, %select_n3A_30 : i32
        %mul3A_1123 = arith.constant 256 : i32
        %mul3A_1124 = arith.muli %select_n3A, %mul3A_1123 : i32
        %dma_wait3A_1125 = arith.constant 1 : i32
        %dma_wait3A_1126 = arith.constant 0 : i32
        %dma_wait3A_1127 = tpu.memref_slice %arg6[%dma_wait3A_1125, %dma_wait3A_1126] : memref<2x256xi32, #tpu.memory_space<vmem>> -> memref<1x256xi32, #tpu.memory_space<vmem>>
        %dma_wait3A_1128 = tpu.memref_squeeze %dma_wait3A_1127 : memref<1x256xi32, #tpu.memory_space<vmem>> -> memref<256xi32, #tpu.memory_space<vmem>>
        %dma_wait3A_1129 = tpu.memref_slice %arg2[%add3A_1122, %mul3A_1124] : memref<200x4096xi32, #tpu.memory_space<hbm>> -> memref<1x256xi32, #tpu.memory_space<hbm>>
        %dma_wait3A_1130 = tpu.memref_squeeze %dma_wait3A_1129 : memref<1x256xi32, #tpu.memory_space<hbm>> -> memref<256xi32, #tpu.memory_space<hbm>>
        %dma_wait3A_1131 = arith.constant 0 : i32
        %dma_wait3A_1132 = tpu.memref_slice %arg6[%dma_wait3A_1125, %dma_wait3A_1131] : memref<2x256xi32, #tpu.memory_space<vmem>> -> memref<1x256xi32, #tpu.memory_space<vmem>>
        %dma_wait3A_1133 = tpu.memref_squeeze %dma_wait3A_1132 : memref<1x256xi32, #tpu.memory_space<vmem>> -> memref<256xi32, #tpu.memory_space<vmem>>
        %dma_wait3A_1134 = tpu.memref_slice %arg2[%add3A_1122, %mul3A_1124] : memref<200x4096xi32, #tpu.memory_space<hbm>> -> memref<1x256xi32, #tpu.memory_space<hbm>>
        %dma_wait3A_1135 = tpu.memref_squeeze %dma_wait3A_1134 : memref<1x256xi32, #tpu.memory_space<hbm>> -> memref<256xi32, #tpu.memory_space<hbm>>
        tpu.wait_dma2 semaphore(%arg14 : memref<!tpu.dma_semaphore, #tpu.memory_space<semaphore_mem>>) src(%dma_wait3A_1135 : memref<256xi32, #tpu.memory_space<hbm>>) dst(%dma_wait3A_1133 : memref<256xi32, #tpu.memory_space<vmem>>)
        %get3A_1136 = arith.constant 1 : i32
        %get3A_1137 = arith.index_cast %get3A_1136 : i32 to index
        %get3A_1138 = arith.constant 0 : index
        %get3A_1139 = tpu.vector_load %arg6[%get3A_1137, %get3A_1138] {strides = array<i32>} : memref<2x256xi32, #tpu.memory_space<vmem>>, vector<16xi32>,
        %mul3A_1140 = arith.constant 2 : i32
        %mul3A_1141 = vector.broadcast %mul3A_1140 : i32 to vector<16xi32>
        %mul3A_1142 = arith.muli %get3A_1139, %mul3A_1141 : vector<16xi32>
        %swap3A_1143 = arith.constant 1 : i32
        %swap3A_1144 = arith.index_cast %swap3A_1143 : i32 to index
        %swap3A_1145 = arith.constant 0 : index
        %swap3A_1146 = tpu.vector_load %arg6[%swap3A_1144, %swap3A_1145] {strides = array<i32>} : memref<2x256xi32, #tpu.memory_space<vmem>>, vector<16xi32>,
        tpu.vector_store %arg6[%swap3A_1144, %swap3A_1145], %mul3A_1142 {strides = array<i32>} : memref<2x256xi32, #tpu.memory_space<vmem>>, vector<16xi32>,
        %get3A_1147 = arith.constant 1 : i32
        %get3A_1148 = arith.index_cast %get3A_1147 : i32 to index
        %get3A_1149 = arith.constant 16 : index
        %get3A_1150 = tpu.vector_load %arg6[%get3A_1148, %get3A_1149] {strides = array<i32>} : memref<2x256xi32, #tpu.memory_space<vmem>>, vector<16xi32>,
        %mul3A_1151 = arith.constant 2 : i32
        %mul3A_1152 = vector.broadcast %mul3A_1151 : i32 to vector<16xi32>
        %mul3A_1153 = arith.muli %get3A_1150, %mul3A_1152 : vector<16xi32>
        %swap3A_1154 = arith.constant 1 : i32
        %swap3A_1155 = arith.index_cast %swap3A_1154 : i32 to index
        %swap3A_1156 = arith.constant 16 : index
        %swap3A_1157 = tpu.vector_load %arg6[%swap3A_1155, %swap3A_1156] {strides = array<i32>} : memref<2x256xi32, #tpu.memory_space<vmem>>, vector<16xi32>,
        tpu.vector_store %arg6[%swap3A_1155, %swap3A_1156], %mul3A_1153 {strides = array<i32>} : memref<2x256xi32, #tpu.memory_space<vmem>>, vector<16xi32>,
        %get3A_1158 = arith.constant 1 : i32
        %get3A_1159 = arith.index_cast %get3A_1158 : i32 to index
        %get3A_1160 = arith.constant 32 : index
        %get3A_1161 = tpu.vector_load %arg6[%get3A_1159, %get3A_1160] {strides = array<i32>} : memref<2x256xi32, #tpu.memory_space<vmem>>, vector<16xi32>,
        %mul3A_1162 = arith.constant 2 : i32
        %mul3A_1163 = vector.broadcast %mul3A_1162 : i32 to vector<16xi32>
        %mul3A_1164 = arith.muli %get3A_1161, %mul3A_1163 : vector<16xi32>
        %swap3A_1165 = arith.constant 1 : i32
        %swap3A_1166 = arith.index_cast %swap3A_1165 : i32 to index
        %swap3A_1167 = arith.constant 32 : index
        %swap3A_1168 = tpu.vector_load %arg6[%swap3A_1166, %swap3A_1167] {strides = array<i32>} : memref<2x256xi32, #tpu.memory_space<vmem>>, vector<16xi32>,
        tpu.vector_store %arg6[%swap3A_1166, %swap3A_1167], %mul3A_1164 {strides = array<i32>} : memref<2x256xi32, #tpu.memory_space<vmem>>, vector<16xi32>,
        %get3A_1169 = arith.constant 1 : i32
        %get3A_1170 = arith.index_cast %get3A_1169 : i32 to index
        %get3A_1171 = arith.constant 48 : index
        %get3A_1172 = tpu.vector_load %arg6[%get3A_1170, %get3A_1171] {strides = array<i32>} : memref<2x256xi32, #tpu.memory_space<vmem>>, vector<16xi32>,
        %mul3A_1173 = arith.constant 2 : i32
        %mul3A_1174 = vector.broadcast %mul3A_1173 : i32 to vector<16xi32>
        %mul3A_1175 = arith.muli %get3A_1172, %mul3A_1174 : vector<16xi32>
        %swap3A_1176 = arith.constant 1 : i32
        %swap3A_1177 = arith.index_cast %swap3A_1176 : i32 to index
        %swap3A_1178 = arith.constant 48 : index
        %swap3A_1179 = tpu.vector_load %arg6[%swap3A_1177, %swap3A_1178] {strides = array<i32>} : memref<2x256xi32, #tpu.memory_space<vmem>>, vector<16xi32>,
        tpu.vector_store %arg6[%swap3A_1177, %swap3A_1178], %mul3A_1175 {strides = array<i32>} : memref<2x256xi32, #tpu.memory_space<vmem>>, vector<16xi32>,
        %get3A_1180 = arith.constant 1 : i32
        %get3A_1181 = arith.index_cast %get3A_1180 : i32 to index
        %get3A_1182 = arith.constant 64 : index
        %get3A_1183 = tpu.vector_load %arg6[%get3A_1181, %get3A_1182] {strides = array<i32>} : memref<2x256xi32, #tpu.memory_space<vmem>>, vector<16xi32>,
        %mul3A_1184 = arith.constant 2 : i32
        %mul3A_1185 = vector.broadcast %mul3A_1184 : i32 to vector<16xi32>
        %mul3A_1186 = arith.muli %get3A_1183, %mul3A_1185 : vector<16xi32>
        %swap3A_1187 = arith.constant 1 : i32
        %swap3A_1188 = arith.index_cast %swap3A_1187 : i32 to index
        %swap3A_1189 = arith.constant 64 : index
        %swap3A_1190 = tpu.vector_load %arg6[%swap3A_1188, %swap3A_1189] {strides = array<i32>} : memref<2x256xi32, #tpu.memory_space<vmem>>, vector<16xi32>,
        tpu.vector_store %arg6[%swap3A_1188, %swap3A_1189], %mul3A_1186 {strides = array<i32>} : memref<2x256xi32, #tpu.memory_space<vmem>>, vector<16xi32>,
        %get3A_1191 = arith.constant 1 : i32
        %get3A_1192 = arith.index_cast %get3A_1191 : i32 to index
        %get3A_1193 = arith.constant 80 : index
        %get3A_1194 = tpu.vector_load %arg6[%get3A_1192, %get3A_1193] {strides = array<i32>} : memref<2x256xi32, #tpu.memory_space<vmem>>, vector<16xi32>,
        %mul3A_1195 = arith.constant 2 : i32
        %mul3A_1196 = vector.broadcast %mul3A_1195 : i32 to vector<16xi32>
        %mul3A_1197 = arith.muli %get3A_1194, %mul3A_1196 : vector<16xi32>
        %swap3A_1198 = arith.constant 1 : i32
        %swap3A_1199 = arith.index_cast %swap3A_1198 : i32 to index
        %swap3A_1200 = arith.constant 80 : index
        %swap3A_1201 = tpu.vector_load %arg6[%swap3A_1199, %swap3A_1200] {strides = array<i32>} : memref<2x256xi32, #tpu.memory_space<vmem>>, vector<16xi32>,
        tpu.vector_store %arg6[%swap3A_1199, %swap3A_1200], %mul3A_1197 {strides = array<i32>} : memref<2x256xi32, #tpu.memory_space<vmem>>, vector<16xi32>,
        %get3A_1202 = arith.constant 1 : i32
        %get3A_1203 = arith.index_cast %get3A_1202 : i32 to index
        %get3A_1204 = arith.constant 96 : index
        %get3A_1205 = tpu.vector_load %arg6[%get3A_1203, %get3A_1204] {strides = array<i32>} : memref<2x256xi32, #tpu.memory_space<vmem>>, vector<16xi32>,
        %mul3A_1206 = arith.constant 2 : i32
        %mul3A_1207 = vector.broadcast %mul3A_1206 : i32 to vector<16xi32>
        %mul3A_1208 = arith.muli %get3A_1205, %mul3A_1207 : vector<16xi32>
        %swap3A_1209 = arith.constant 1 : i32
        %swap3A_1210 = arith.index_cast %swap3A_1209 : i32 to index
        %swap3A_1211 = arith.constant 96 : index
        %swap3A_1212 = tpu.vector_load %arg6[%swap3A_1210, %swap3A_1211] {strides = array<i32>} : memref<2x256xi32, #tpu.memory_space<vmem>>, vector<16xi32>,
        tpu.vector_store %arg6[%swap3A_1210, %swap3A_1211], %mul3A_1208 {strides = array<i32>} : memref<2x256xi32, #tpu.memory_space<vmem>>, vector<16xi32>,
        %get3A_1213 = arith.constant 1 : i32
        %get3A_1214 = arith.index_cast %get3A_1213 : i32 to index
        %get3A_1215 = arith.constant 112 : index
        %get3A_1216 = tpu.vector_load %arg6[%get3A_1214, %get3A_1215] {strides = array<i32>} : memref<2x256xi32, #tpu.memory_space<vmem>>, vector<16xi32>,
        %mul3A_1217 = arith.constant 2 : i32
        %mul3A_1218 = vector.broadcast %mul3A_1217 : i32 to vector<16xi32>
        %mul3A_1219 = arith.muli %get3A_1216, %mul3A_1218 : vector<16xi32>
        %swap3A_1220 = arith.constant 1 : i32
        %swap3A_1221 = arith.index_cast %swap3A_1220 : i32 to index
        %swap3A_1222 = arith.constant 112 : index
        %swap3A_1223 = tpu.vector_load %arg6[%swap3A_1221, %swap3A_1222] {strides = array<i32>} : memref<2x256xi32, #tpu.memory_space<vmem>>, vector<16xi32>,
        tpu.vector_store %arg6[%swap3A_1221, %swap3A_1222], %mul3A_1219 {strides = array<i32>} : memref<2x256xi32, #tpu.memory_space<vmem>>, vector<16xi32>,
        %get3A_1224 = arith.constant 1 : i32
        %get3A_1225 = arith.index_cast %get3A_1224 : i32 to index
        %get3A_1226 = arith.constant 128 : index
        %get3A_1227 = tpu.vector_load %arg6[%get3A_1225, %get3A_1226] {strides = array<i32>} : memref<2x256xi32, #tpu.memory_space<vmem>>, vector<16xi32>,
        %mul3A_1228 = arith.constant 2 : i32
        %mul3A_1229 = vector.broadcast %mul3A_1228 : i32 to vector<16xi32>
        %mul3A_1230 = arith.muli %get3A_1227, %mul3A_1229 : vector<16xi32>
        %swap3A_1231 = arith.constant 1 : i32
        %swap3A_1232 = arith.index_cast %swap3A_1231 : i32 to index
        %swap3A_1233 = arith.constant 128 : index
        %swap3A_1234 = tpu.vector_load %arg6[%swap3A_1232, %swap3A_1233] {strides = array<i32>} : memref<2x256xi32, #tpu.memory_space<vmem>>, vector<16xi32>,
        tpu.vector_store %arg6[%swap3A_1232, %swap3A_1233], %mul3A_1230 {strides = array<i32>} : memref<2x256xi32, #tpu.memory_space<vmem>>, vector<16xi32>,
        %get3A_1235 = arith.constant 1 : i32
        %get3A_1236 = arith.index_cast %get3A_1235 : i32 to index
        %get3A_1237 = arith.constant 144 : index
        %get3A_1238 = tpu.vector_load %arg6[%get3A_1236, %get3A_1237] {strides = array<i32>} : memref<2x256xi32, #tpu.memory_space<vmem>>, vector<16xi32>,
        %mul3A_1239 = arith.constant 2 : i32
        %mul3A_1240 = vector.broadcast %mul3A_1239 : i32 to vector<16xi32>
        %mul3A_1241 = arith.muli %get3A_1238, %mul3A_1240 : vector<16xi32>
        %swap3A_1242 = arith.constant 1 : i32
        %swap3A_1243 = arith.index_cast %swap3A_1242 : i32 to index
        %swap3A_1244 = arith.constant 144 : index
        %swap3A_1245 = tpu.vector_load %arg6[%swap3A_1243, %swap3A_1244] {strides = array<i32>} : memref<2x256xi32, #tpu.memory_space<vmem>>, vector<16xi32>,
        tpu.vector_store %arg6[%swap3A_1243, %swap3A_1244], %mul3A_1241 {strides = array<i32>} : memref<2x256xi32, #tpu.memory_space<vmem>>, vector<16xi32>,
        %get3A_1246 = arith.constant 1 : i32
        %get3A_1247 = arith.index_cast %get3A_1246 : i32 to index
        %get3A_1248 = arith.constant 160 : index
        %get3A_1249 = tpu.vector_load %arg6[%get3A_1247, %get3A_1248] {strides = array<i32>} : memref<2x256xi32, #tpu.memory_space<vmem>>, vector<16xi32>,
        %mul3A_1250 = arith.constant 2 : i32
        %mul3A_1251 = vector.broadcast %mul3A_1250 : i32 to vector<16xi32>
        %mul3A_1252 = arith.muli %get3A_1249, %mul3A_1251 : vector<16xi32>
        %swap3A_1253 = arith.constant 1 : i32
        %swap3A_1254 = arith.index_cast %swap3A_1253 : i32 to index
        %swap3A_1255 = arith.constant 160 : index
        %swap3A_1256 = tpu.vector_load %arg6[%swap3A_1254, %swap3A_1255] {strides = array<i32>} : memref<2x256xi32, #tpu.memory_space<vmem>>, vector<16xi32>,
        tpu.vector_store %arg6[%swap3A_1254, %swap3A_1255], %mul3A_1252 {strides = array<i32>} : memref<2x256xi32, #tpu.memory_space<vmem>>, vector<16xi32>,
        %get3A_1257 = arith.constant 1 : i32
        %get3A_1258 = arith.index_cast %get3A_1257 : i32 to index
        %get3A_1259 = arith.constant 176 : index
        %get3A_1260 = tpu.vector_load %arg6[%get3A_1258, %get3A_1259] {strides = array<i32>} : memref<2x256xi32, #tpu.memory_space<vmem>>, vector<16xi32>,
        %mul3A_1261 = arith.constant 2 : i32
        %mul3A_1262 = vector.broadcast %mul3A_1261 : i32 to vector<16xi32>
        %mul3A_1263 = arith.muli %get3A_1260, %mul3A_1262 : vector<16xi32>
        %swap3A_1264 = arith.constant 1 : i32
        %swap3A_1265 = arith.index_cast %swap3A_1264 : i32 to index
        %swap3A_1266 = arith.constant 176 : index
        %swap3A_1267 = tpu.vector_load %arg6[%swap3A_1265, %swap3A_1266] {strides = array<i32>} : memref<2x256xi32, #tpu.memory_space<vmem>>, vector<16xi32>,
        tpu.vector_store %arg6[%swap3A_1265, %swap3A_1266], %mul3A_1263 {strides = array<i32>} : memref<2x256xi32, #tpu.memory_space<vmem>>, vector<16xi32>,
        %get3A_1268 = arith.constant 1 : i32
        %get3A_1269 = arith.index_cast %get3A_1268 : i32 to index
        %get3A_1270 = arith.constant 192 : index
        %get3A_1271 = tpu.vector_load %arg6[%get3A_1269, %get3A_1270] {strides = array<i32>} : memref<2x256xi32, #tpu.memory_space<vmem>>, vector<16xi32>,
        %mul3A_1272 = arith.constant 2 : i32
        %mul3A_1273 = vector.broadcast %mul3A_1272 : i32 to vector<16xi32>
        %mul3A_1274 = arith.muli %get3A_1271, %mul3A_1273 : vector<16xi32>
        %swap3A_1275 = arith.constant 1 : i32
        %swap3A_1276 = arith.index_cast %swap3A_1275 : i32 to index
        %swap3A_1277 = arith.constant 192 : index
        %swap3A_1278 = tpu.vector_load %arg6[%swap3A_1276, %swap3A_1277] {strides = array<i32>} : memref<2x256xi32, #tpu.memory_space<vmem>>, vector<16xi32>,
        tpu.vector_store %arg6[%swap3A_1276, %swap3A_1277], %mul3A_1274 {strides = array<i32>} : memref<2x256xi32, #tpu.memory_space<vmem>>, vector<16xi32>,
        %get3A_1279 = arith.constant 1 : i32
        %get3A_1280 = arith.index_cast %get3A_1279 : i32 to index
        %get3A_1281 = arith.constant 208 : index
        %get3A_1282 = tpu.vector_load %arg6[%get3A_1280, %get3A_1281] {strides = array<i32>} : memref<2x256xi32, #tpu.memory_space<vmem>>, vector<16xi32>,
        %mul3A_1283 = arith.constant 2 : i32
        %mul3A_1284 = vector.broadcast %mul3A_1283 : i32 to vector<16xi32>
        %mul3A_1285 = arith.muli %get3A_1282, %mul3A_1284 : vector<16xi32>
        %swap3A_1286 = arith.constant 1 : i32
        %swap3A_1287 = arith.index_cast %swap3A_1286 : i32 to index
        %swap3A_1288 = arith.constant 208 : index
        %swap3A_1289 = tpu.vector_load %arg6[%swap3A_1287, %swap3A_1288] {strides = array<i32>} : memref<2x256xi32, #tpu.memory_space<vmem>>, vector<16xi32>,
        tpu.vector_store %arg6[%swap3A_1287, %swap3A_1288], %mul3A_1285 {strides = array<i32>} : memref<2x256xi32, #tpu.memory_space<vmem>>, vector<16xi32>,
        %get3A_1290 = arith.constant 1 : i32
        %get3A_1291 = arith.index_cast %get3A_1290 : i32 to index
        %get3A_1292 = arith.constant 224 : index
        %get3A_1293 = tpu.vector_load %arg6[%get3A_1291, %get3A_1292] {strides = array<i32>} : memref<2x256xi32, #tpu.memory_space<vmem>>, vector<16xi32>,
        %mul3A_1294 = arith.constant 2 : i32
        %mul3A_1295 = vector.broadcast %mul3A_1294 : i32 to vector<16xi32>
        %mul3A_1296 = arith.muli %get3A_1293, %mul3A_1295 : vector<16xi32>
        %swap3A_1297 = arith.constant 1 : i32
        %swap3A_1298 = arith.index_cast %swap3A_1297 : i32 to index
        %swap3A_1299 = arith.constant 224 : index
        %swap3A_1300 = tpu.vector_load %arg6[%swap3A_1298, %swap3A_1299] {strides = array<i32>} : memref<2x256xi32, #tpu.memory_space<vmem>>, vector<16xi32>,
        tpu.vector_store %arg6[%swap3A_1298, %swap3A_1299], %mul3A_1296 {strides = array<i32>} : memref<2x256xi32, #tpu.memory_space<vmem>>, vector<16xi32>,
        %get3A_1301 = arith.constant 1 : i32
        %get3A_1302 = arith.index_cast %get3A_1301 : i32 to index
        %get3A_1303 = arith.constant 240 : index
        %get3A_1304 = tpu.vector_load %arg6[%get3A_1302, %get3A_1303] {strides = array<i32>} : memref<2x256xi32, #tpu.memory_space<vmem>>, vector<16xi32>,
        %mul3A_1305 = arith.constant 2 : i32
        %mul3A_1306 = vector.broadcast %mul3A_1305 : i32 to vector<16xi32>
        %mul3A_1307 = arith.muli %get3A_1304, %mul3A_1306 : vector<16xi32>
        %swap3A_1308 = arith.constant 1 : i32
        %swap3A_1309 = arith.index_cast %swap3A_1308 : i32 to index
        %swap3A_1310 = arith.constant 240 : index
        %swap3A_1311 = tpu.vector_load %arg6[%swap3A_1309, %swap3A_1310] {strides = array<i32>} : memref<2x256xi32, #tpu.memory_space<vmem>>, vector<16xi32>,
        tpu.vector_store %arg6[%swap3A_1309, %swap3A_1310], %mul3A_1307 {strides = array<i32>} : memref<2x256xi32, #tpu.memory_space<vmem>>, vector<16xi32>,
        %add3A_1312 = arith.constant 1 : i32
        %add3A_1313 = arith.addi %add3A_829, %add3A_1312 : i32
        %dma_start3A_1314 = arith.constant 1 : i32
        %dma_start3A_1315 = arith.constant 1 : i32
        %dma_start3A_1316 = arith.constant 0 : i32
        %dma_start3A_1317 = arith.constant 0 : i32
        %dma_start3A_1318 = tpu.memref_slice %arg12[%dma_start3A_1315, %dma_start3A_1316, %dma_start3A_1317] : memref<2x256x64xf32, #tpu.memory_space<vmem>> -> memref<1x128x64xf32, #tpu.memory_space<vmem>>
        %dma_start3A_1319 = tpu.memref_squeeze %dma_start3A_1318 : memref<1x128x64xf32, #tpu.memory_space<vmem>> -> memref<128x64xf32, #tpu.memory_space<vmem>>
        %dma_start3A_1320 = arith.constant 0 : i32
        %dma_start3A_1321 = tpu.memref_slice %arg6[%dma_start3A_1314, %dma_start3A_1320] : memref<2x256xi32, #tpu.memory_space<vmem>> -> memref<1x128xi32, #tpu.memory_space<vmem>>
        %dma_start3A_1322 = tpu.memref_squeeze %dma_start3A_1321 : memref<1x128xi32, #tpu.memory_space<vmem>> -> memref<128xi32, #tpu.memory_space<vmem>>
        %dma_start3A_1323 = arith.constant 0 : i32
        %dma_start3A_1324 = arith.constant 0 : i32
        %dma_start3A_1325 = tpu.memref_slice %arg3[%dma_start3A_1323, %dma_start3A_1324] : memref<200000x64xf32, #tpu.memory_space<hbm>> -> memref<200000x64xf32, #tpu.memory_space<hbm>>
        tpu.enqueue_indirect_dma source(%dma_start3A_1325 : memref<200000x64xf32, #tpu.memory_space<hbm>>) target(%dma_start3A_1319 : memref<128x64xf32, #tpu.memory_space<vmem>>) offsets(%dma_start3A_1322 : memref<128xi32, #tpu.memory_space<vmem>>) semaphore(%arg16 : memref<!tpu.dma_semaphore, #tpu.memory_space<semaphore_mem>>)
        %dma_start3A_1326 = arith.constant 1 : i32
        %dma_start3A_1327 = arith.constant 1 : i32
        %dma_start3A_1328 = arith.constant 128 : i32
        %dma_start3A_1329 = arith.constant 0 : i32
        %dma_start3A_1330 = tpu.memref_slice %arg12[%dma_start3A_1327, %dma_start3A_1328, %dma_start3A_1329] : memref<2x256x64xf32, #tpu.memory_space<vmem>> -> memref<1x128x64xf32, #tpu.memory_space<vmem>>
        %dma_start3A_1331 = tpu.memref_squeeze %dma_start3A_1330 : memref<1x128x64xf32, #tpu.memory_space<vmem>> -> memref<128x64xf32, #tpu.memory_space<vmem>>
        %dma_start3A_1332 = arith.constant 128 : i32
        %dma_start3A_1333 = tpu.memref_slice %arg6[%dma_start3A_1326, %dma_start3A_1332] : memref<2x256xi32, #tpu.memory_space<vmem>> -> memref<1x128xi32, #tpu.memory_space<vmem>>
        %dma_start3A_1334 = tpu.memref_squeeze %dma_start3A_1333 : memref<1x128xi32, #tpu.memory_space<vmem>> -> memref<128xi32, #tpu.memory_space<vmem>>
        %dma_start3A_1335 = arith.constant 0 : i32
        %dma_start3A_1336 = arith.constant 0 : i32
        %dma_start3A_1337 = tpu.memref_slice %arg3[%dma_start3A_1335, %dma_start3A_1336] : memref<200000x64xf32, #tpu.memory_space<hbm>> -> memref<200000x64xf32, #tpu.memory_space<hbm>>
        tpu.enqueue_indirect_dma source(%dma_start3A_1337 : memref<200000x64xf32, #tpu.memory_space<hbm>>) target(%dma_start3A_1331 : memref<128x64xf32, #tpu.memory_space<vmem>>) offsets(%dma_start3A_1334 : memref<128xi32, #tpu.memory_space<vmem>>) semaphore(%arg16 : memref<!tpu.dma_semaphore, #tpu.memory_space<semaphore_mem>>)
      } else {
      }
      %ge3A = arith.constant 2 : i32
      %ge3A_866 = arith.cmpi sge, %add3A_829, %ge3A : i32
      %convert_element_type3A_867 = arith.extui %ge3A_866 : i1 to i32
      %cond3A_868 = arith.constant 0 : i32
      %cond3A_869 = arith.cmpi ne, %convert_element_type3A_867, %cond3A_868 : i32
      scf.if %cond3A_869 {
        %sub3A_1118 = arith.constant 2 : i32
        %sub3A_1119 = arith.subi %add3A_829, %sub3A_1118 : i32
        %mul3A_1120 = arith.constant 2 : i32
        %mul3A_1121 = arith.muli %sub3A_1119, %mul3A_1120 : i32
        %add3A_1122 = arith.addi %mul3A_1121, %select_n3A_30 : i32
        %mul3A_1123 = arith.constant 2 : i32
        %mul3A_1124 = arith.muli %mul3A_1123, %select_n3A : i32
        %dma_wait3A_1125 = arith.constant 0 : i32
        %dma_wait3A_1126 = arith.constant 0 : i32
        %dma_wait3A_1127 = arith.constant 0 : i32
        %dma_wait3A_1128 = arith.constant 0 : i32
        %dma_wait3A_1129 = arith.constant 0 : i32
        %dma_wait3A_1130 = tpu.memref_slice %arg13[%dma_wait3A_1125, %dma_wait3A_1126, %dma_wait3A_1127, %dma_wait3A_1128, %dma_wait3A_1129] : memref<2x8x2x8x128xf32, #tpu.memory_space<vmem>> -> memref<1x8x2x8x128xf32, #tpu.memory_space<vmem>>
        %dma_wait3A_1131 = tpu.memref_squeeze %dma_wait3A_1130 : memref<1x8x2x8x128xf32, #tpu.memory_space<vmem>> -> memref<8x2x8x128xf32, #tpu.memory_space<vmem>>
        %dma_wait3A_1132 = arith.constant 0 : i32
        %dma_wait3A_1133 = arith.constant 0 : i32
        %dma_wait3A_1134 = arith.constant 0 : i32
        %dma_wait3A_1135 = tpu.memref_slice %arg5[%add3A_1122, %dma_wait3A_1132, %mul3A_1124, %dma_wait3A_1133, %dma_wait3A_1134] : memref<200x8x32x8x128xf32, #tpu.memory_space<hbm>> -> memref<1x8x2x8x128xf32, #tpu.memory_space<hbm>>
        %dma_wait3A_1136 = tpu.memref_squeeze %dma_wait3A_1135 : memref<1x8x2x8x128xf32, #tpu.memory_space<hbm>> -> memref<8x2x8x128xf32, #tpu.memory_space<hbm>>
        %dma_wait3A_1137 = arith.constant 0 : i32
        %dma_wait3A_1138 = arith.constant 0 : i32
        %dma_wait3A_1139 = arith.constant 0 : i32
        %dma_wait3A_1140 = tpu.memref_slice %arg5[%add3A_1122, %dma_wait3A_1137, %mul3A_1124, %dma_wait3A_1138, %dma_wait3A_1139] : memref<200x8x32x8x128xf32, #tpu.memory_space<hbm>> -> memref<1x8x2x8x128xf32, #tpu.memory_space<hbm>>
        %dma_wait3A_1141 = tpu.memref_squeeze %dma_wait3A_1140 : memref<1x8x2x8x128xf32, #tpu.memory_space<hbm>> -> memref<8x2x8x128xf32, #tpu.memory_space<hbm>>
        %dma_wait3A_1142 = arith.constant 0 : i32
        %dma_wait3A_1143 = arith.constant 0 : i32
        %dma_wait3A_1144 = arith.constant 0 : i32
        %dma_wait3A_1145 = arith.constant 0 : i32
        %dma_wait3A_1146 = tpu.memref_slice %arg13[%dma_wait3A_1125, %dma_wait3A_1142, %dma_wait3A_1143, %dma_wait3A_1144, %dma_wait3A_1145] : memref<2x8x2x8x128xf32, #tpu.memory_space<vmem>> -> memref<1x8x2x8x128xf32, #tpu.memory_space<vmem>>
        %dma_wait3A_1147 = tpu.memref_squeeze %dma_wait3A_1146 : memref<1x8x2x8x128xf32, #tpu.memory_space<vmem>> -> memref<8x2x8x128xf32, #tpu.memory_space<vmem>>
        tpu.wait_dma2 semaphore(%arg17 : memref<!tpu.dma_semaphore, #tpu.memory_space<semaphore_mem>>) src(%dma_wait3A_1147 : memref<8x2x8x128xf32, #tpu.memory_space<vmem>>) dst(%dma_wait3A_1141 : memref<8x2x8x128xf32, #tpu.memory_space<hbm>>)
      } else {
      }
      %mul3A_870 = arith.constant 2 : i32
      %mul3A_871 = arith.muli %add3A_829, %mul3A_870 : i32
      %add3A_872 = arith.addi %mul3A_871, %select_n3A_30 : i32
      %broadcast_in_dim3A_873 = vector.broadcast %add3A_872 : i32 to vector<16xi32>
      %get3A_874 = arith.constant 0 : i32
      %get3A_875 = arith.index_cast %get3A_874 : i32 to index
      %get3A_876 = arith.constant 0 : index
      %get3A_877 = tpu.vector_load %arg8[%get3A_875, %get3A_876] {strides = array<i32>} : memref<16x16xi32, #tpu.memory_space<vmem>>, vector<16xi32>,
      %get3A_878 = arith.constant 1 : i32
      %get3A_879 = arith.index_cast %get3A_878 : i32 to index
      %get3A_880 = arith.constant 0 : index
      %get3A_881 = tpu.vector_load %arg8[%get3A_879, %get3A_880] {strides = array<i32>} : memref<16x16xi32, #tpu.memory_space<vmem>>, vector<16xi32>,
      %get3A_882 = arith.constant 2 : i32
      %get3A_883 = arith.index_cast %get3A_882 : i32 to index
      %get3A_884 = arith.constant 0 : index
      %get3A_885 = tpu.vector_load %arg8[%get3A_883, %get3A_884] {strides = array<i32>} : memref<16x16xi32, #tpu.memory_space<vmem>>, vector<16xi32>,
      %get3A_886 = arith.constant 3 : i32
      %get3A_887 = arith.index_cast %get3A_886 : i32 to index
      %get3A_888 = arith.constant 0 : index
      %get3A_889 = tpu.vector_load %arg8[%get3A_887, %get3A_888] {strides = array<i32>} : memref<16x16xi32, #tpu.memory_space<vmem>>, vector<16xi32>,
      %get3A_890 = arith.constant 4 : i32
      %get3A_891 = arith.index_cast %get3A_890 : i32 to index
      %get3A_892 = arith.constant 0 : index
      %get3A_893 = tpu.vector_load %arg8[%get3A_891, %get3A_892] {strides = array<i32>} : memref<16x16xi32, #tpu.memory_space<vmem>>, vector<16xi32>,
      %get3A_894 = arith.constant 5 : i32
      %get3A_895 = arith.index_cast %get3A_894 : i32 to index
      %get3A_896 = arith.constant 0 : index
      %get3A_897 = tpu.vector_load %arg8[%get3A_895, %get3A_896] {strides = array<i32>} : memref<16x16xi32, #tpu.memory_space<vmem>>, vector<16xi32>,
      %get3A_898 = arith.constant 6 : i32
      %get3A_899 = arith.index_cast %get3A_898 : i32 to index
      %get3A_900 = arith.constant 0 : index
      %get3A_901 = tpu.vector_load %arg8[%get3A_899, %get3A_900] {strides = array<i32>} : memref<16x16xi32, #tpu.memory_space<vmem>>, vector<16xi32>,
      %get3A_902 = arith.constant 7 : i32
      %get3A_903 = arith.index_cast %get3A_902 : i32 to index
      %get3A_904 = arith.constant 0 : index
      %get3A_905 = tpu.vector_load %arg8[%get3A_903, %get3A_904] {strides = array<i32>} : memref<16x16xi32, #tpu.memory_space<vmem>>, vector<16xi32>,
      %get3A_906 = arith.constant 8 : i32
      %get3A_907 = arith.index_cast %get3A_906 : i32 to index
      %get3A_908 = arith.constant 0 : index
      %get3A_909 = tpu.vector_load %arg8[%get3A_907, %get3A_908] {strides = array<i32>} : memref<16x16xi32, #tpu.memory_space<vmem>>, vector<16xi32>,
      %get3A_910 = arith.constant 9 : i32
      %get3A_911 = arith.index_cast %get3A_910 : i32 to index
      %get3A_912 = arith.constant 0 : index
      %get3A_913 = tpu.vector_load %arg8[%get3A_911, %get3A_912] {strides = array<i32>} : memref<16x16xi32, #tpu.memory_space<vmem>>, vector<16xi32>,
      %get3A_914 = arith.constant 10 : i32
      %get3A_915 = arith.index_cast %get3A_914 : i32 to index
      %get3A_916 = arith.constant 0 : index
      %get3A_917 = tpu.vector_load %arg8[%get3A_915, %get3A_916] {strides = array<i32>} : memref<16x16xi32, #tpu.memory_space<vmem>>, vector<16xi32>,
      %get3A_918 = arith.constant 11 : i32
      %get3A_919 = arith.index_cast %get3A_918 : i32 to index
      %get3A_920 = arith.constant 0 : index
      %get3A_921 = tpu.vector_load %arg8[%get3A_919, %get3A_920] {strides = array<i32>} : memref<16x16xi32, #tpu.memory_space<vmem>>, vector<16xi32>,
      %get3A_922 = arith.constant 12 : i32
      %get3A_923 = arith.index_cast %get3A_922 : i32 to index
      %get3A_924 = arith.constant 0 : index
      %get3A_925 = tpu.vector_load %arg8[%get3A_923, %get3A_924] {strides = array<i32>} : memref<16x16xi32, #tpu.memory_space<vmem>>, vector<16xi32>,
      %get3A_926 = arith.constant 13 : i32
      %get3A_927 = arith.index_cast %get3A_926 : i32 to index
      %get3A_928 = arith.constant 0 : index
      %get3A_929 = tpu.vector_load %arg8[%get3A_927, %get3A_928] {strides = array<i32>} : memref<16x16xi32, #tpu.memory_space<vmem>>, vector<16xi32>,
      %get3A_930 = arith.constant 14 : i32
      %get3A_931 = arith.index_cast %get3A_930 : i32 to index
      %get3A_932 = arith.constant 0 : index
      %get3A_933 = tpu.vector_load %arg8[%get3A_931, %get3A_932] {strides = array<i32>} : memref<16x16xi32, #tpu.memory_space<vmem>>, vector<16xi32>,
      %get3A_934 = arith.constant 15 : i32
      %get3A_935 = arith.index_cast %get3A_934 : i32 to index
      %get3A_936 = arith.constant 0 : index
      %get3A_937 = tpu.vector_load %arg8[%get3A_935, %get3A_936] {strides = array<i32>} : memref<16x16xi32, #tpu.memory_space<vmem>>, vector<16xi32>,
      %parallel_loop3A = arith.constant 0 : i32
      %parallel_loop3A_938 = arith.constant 64 : i32
      %parallel_loop3A_939 = arith.constant 1 : i32
      %parallel_loop3A_940 = arith.constant 0 : i32
      %parallel_loop3A_941 = arith.constant 0 : i32
      scf.for %parallel_loop3A_1118 = %parallel_loop3A to %parallel_loop3A_938 step %parallel_loop3A_939  : i32 {
        %parallel_loop3A_1119 = arith.constant 16 : i32
        %parallel_loop3A_1120 = arith.remsi %parallel_loop3A_1118, %parallel_loop3A_1119 : i32
        %parallel_loop3A_1121 = arith.constant 16 : i32
        %parallel_loop3A_1122 = arith.divsi %parallel_loop3A_1118, %parallel_loop3A_1121 : i32
        %parallel_loop3A_1123 = arith.index_cast %parallel_loop3A_1120 : i32 to index
        %parallel_loop3A_1124 = arith.constant 0 : index
        %parallel_loop3A_1125 = tpu.vector_load %arg9[%parallel_loop3A_1123, %parallel_loop3A_1124] {strides = array<i32>} : memref<16x16xi32, #tpu.memory_space<vmem>>, vector<16xi32>,
        %parallel_loop3A_1126 = arith.constant 16 : i32
        %parallel_loop3A_1127 = arith.muli %parallel_loop3A_1122, %parallel_loop3A_1126 : i32
        %parallel_loop3A_1128 = vector.broadcast %parallel_loop3A_1127 : i32 to vector<16xi32>
        %parallel_loop3A_1129 = arith.addi %parallel_loop3A_1125, %parallel_loop3A_1128 : vector<16xi32>
        %parallel_loop3A_1130 = tpu.vector_load_idx %arg7[%broadcast_in_dim3A_873, %parallel_loop3A_1129] : memref<200x64xf32, #tpu.memory_space<vmem>>[vector<16xi32>, vector<16xi32>], vector<16xf32>,
        %parallel_loop3A_1131 = arith.index_cast %parallel_loop3A_1120 : i32 to index
        %parallel_loop3A_1132 = arith.constant 0 : index
        %parallel_loop3A_1133 = tpu.vector_load %arg10[%parallel_loop3A_1131, %parallel_loop3A_1132] {strides = array<i32>} : memref<16x16xi32, #tpu.memory_space<vmem>>, vector<16xi32>,
        %parallel_loop3A_1134 = arith.constant 2 : i32
        %parallel_loop3A_1135 = arith.muli %parallel_loop3A_1122, %parallel_loop3A_1134 : i32
        %parallel_loop3A_1136 = vector.broadcast %parallel_loop3A_1135 : i32 to vector<16xi32>
        %parallel_loop3A_1137 = arith.addi %parallel_loop3A_1133, %parallel_loop3A_1136 : vector<16xi32>
        %parallel_loop3A_1138 = arith.index_cast %parallel_loop3A_1120 : i32 to index
        %parallel_loop3A_1139 = arith.constant 0 : index
        %parallel_loop3A_1140 = tpu.vector_load %arg11[%parallel_loop3A_1138, %parallel_loop3A_1139] {strides = array<i32>} : memref<16x16xi32, #tpu.memory_space<vmem>>, vector<16xi32>,
        %parallel_loop3A_1141 = arith.constant 0 : i32
        %parallel_loop3A_1142 = arith.constant 0 : i32
        %parallel_loop3A_1143 = tpu.memref_slice %arg12[%parallel_loop3A_940, %parallel_loop3A_1141, %parallel_loop3A_1142] : memref<2x256x64xf32, #tpu.memory_space<vmem>> -> memref<1x256x64xf32, #tpu.memory_space<vmem>>
        %parallel_loop3A_1144 = tpu.memref_squeeze %parallel_loop3A_1143 : memref<1x256x64xf32, #tpu.memory_space<vmem>> -> memref<256x64xf32, #tpu.memory_space<vmem>>
        %parallel_loop3A_1145 = tpu.vector_load_idx %parallel_loop3A_1144[%get3A_877, %parallel_loop3A_1129] : memref<256x64xf32, #tpu.memory_space<vmem>>[vector<16xi32>, vector<16xi32>], vector<16xf32>,
        %parallel_loop3A_1146 = arith.constant 0 : i32
        %parallel_loop3A_1147 = vector.broadcast %parallel_loop3A_1146 : i32 to vector<16xi32>
        %parallel_loop3A_1148 = arith.constant 8.000000e+00 : f32
        %parallel_loop3A_1149 = vector.broadcast %parallel_loop3A_1148 : f32 to vector<16xf32>
        %parallel_loop3A_1150 = arith.mulf %parallel_loop3A_1145, %parallel_loop3A_1149 : vector<16xf32>
        %parallel_loop3A_1151 = arith.addf %parallel_loop3A_1150, %parallel_loop3A_1130 : vector<16xf32>
        %parallel_loop3A_1152 = arith.constant 0 : i32
        %parallel_loop3A_1153 = arith.constant 0 : i32
        %parallel_loop3A_1154 = arith.constant 0 : i32
        %parallel_loop3A_1155 = arith.constant 0 : i32
        %parallel_loop3A_1156 = tpu.memref_slice %arg13[%parallel_loop3A_941, %parallel_loop3A_1152, %parallel_loop3A_1153, %parallel_loop3A_1154, %parallel_loop3A_1155] : memref<2x8x2x8x128xf32, #tpu.memory_space<vmem>> -> memref<1x8x2x8x128xf32, #tpu.memory_space<vmem>>
        %parallel_loop3A_1157 = tpu.memref_squeeze %parallel_loop3A_1156 : memref<1x8x2x8x128xf32, #tpu.memory_space<vmem>> -> memref<8x2x8x128xf32, #tpu.memory_space<vmem>>
        tpu.vector_store_idx %parallel_loop3A_1157[%parallel_loop3A_1137, %parallel_loop3A_1147, %parallel_loop3A_1140, %get3A_877], %parallel_loop3A_1151 : memref<8x2x8x128xf32, #tpu.memory_space<vmem>>[vector<16xi32>, vector<16xi32>, vector<16xi32>, vector<16xi32>], vector<16xf32>,
        %parallel_loop3A_1158 = arith.constant 0 : i32
        %parallel_loop3A_1159 = arith.constant 0 : i32
        %parallel_loop3A_1160 = tpu.memref_slice %arg12[%parallel_loop3A_940, %parallel_loop3A_1158, %parallel_loop3A_1159] : memref<2x256x64xf32, #tpu.memory_space<vmem>> -> memref<1x256x64xf32, #tpu.memory_space<vmem>>
        %parallel_loop3A_1161 = tpu.memref_squeeze %parallel_loop3A_1160 : memref<1x256x64xf32, #tpu.memory_space<vmem>> -> memref<256x64xf32, #tpu.memory_space<vmem>>
        %parallel_loop3A_1162 = tpu.vector_load_idx %parallel_loop3A_1161[%get3A_881, %parallel_loop3A_1129] : memref<256x64xf32, #tpu.memory_space<vmem>>[vector<16xi32>, vector<16xi32>], vector<16xf32>,
        %parallel_loop3A_1163 = arith.constant 0 : i32
        %parallel_loop3A_1164 = vector.broadcast %parallel_loop3A_1163 : i32 to vector<16xi32>
        %parallel_loop3A_1165 = arith.constant 8.000000e+00 : f32
        %parallel_loop3A_1166 = vector.broadcast %parallel_loop3A_1165 : f32 to vector<16xf32>
        %parallel_loop3A_1167 = arith.mulf %parallel_loop3A_1162, %parallel_loop3A_1166 : vector<16xf32>
        %parallel_loop3A_1168 = arith.addf %parallel_loop3A_1167, %parallel_loop3A_1130 : vector<16xf32>
        %parallel_loop3A_1169 = arith.constant 0 : i32
        %parallel_loop3A_1170 = arith.constant 0 : i32
        %parallel_loop3A_1171 = arith.constant 0 : i32
        %parallel_loop3A_1172 = arith.constant 0 : i32
        %parallel_loop3A_1173 = tpu.memref_slice %arg13[%parallel_loop3A_941, %parallel_loop3A_1169, %parallel_loop3A_1170, %parallel_loop3A_1171, %parallel_loop3A_1172] : memref<2x8x2x8x128xf32, #tpu.memory_space<vmem>> -> memref<1x8x2x8x128xf32, #tpu.memory_space<vmem>>
        %parallel_loop3A_1174 = tpu.memref_squeeze %parallel_loop3A_1173 : memref<1x8x2x8x128xf32, #tpu.memory_space<vmem>> -> memref<8x2x8x128xf32, #tpu.memory_space<vmem>>
        tpu.vector_store_idx %parallel_loop3A_1174[%parallel_loop3A_1137, %parallel_loop3A_1164, %parallel_loop3A_1140, %get3A_881], %parallel_loop3A_1168 : memref<8x2x8x128xf32, #tpu.memory_space<vmem>>[vector<16xi32>, vector<16xi32>, vector<16xi32>, vector<16xi32>], vector<16xf32>,
        %parallel_loop3A_1175 = arith.constant 0 : i32
        %parallel_loop3A_1176 = arith.constant 0 : i32
        %parallel_loop3A_1177 = tpu.memref_slice %arg12[%parallel_loop3A_940, %parallel_loop3A_1175, %parallel_loop3A_1176] : memref<2x256x64xf32, #tpu.memory_space<vmem>> -> memref<1x256x64xf32, #tpu.memory_space<vmem>>
        %parallel_loop3A_1178 = tpu.memref_squeeze %parallel_loop3A_1177 : memref<1x256x64xf32, #tpu.memory_space<vmem>> -> memref<256x64xf32, #tpu.memory_space<vmem>>
        %parallel_loop3A_1179 = tpu.vector_load_idx %parallel_loop3A_1178[%get3A_885, %parallel_loop3A_1129] : memref<256x64xf32, #tpu.memory_space<vmem>>[vector<16xi32>, vector<16xi32>], vector<16xf32>,
        %parallel_loop3A_1180 = arith.constant 0 : i32
        %parallel_loop3A_1181 = vector.broadcast %parallel_loop3A_1180 : i32 to vector<16xi32>
        %parallel_loop3A_1182 = arith.constant 8.000000e+00 : f32
        %parallel_loop3A_1183 = vector.broadcast %parallel_loop3A_1182 : f32 to vector<16xf32>
        %parallel_loop3A_1184 = arith.mulf %parallel_loop3A_1179, %parallel_loop3A_1183 : vector<16xf32>
        %parallel_loop3A_1185 = arith.addf %parallel_loop3A_1184, %parallel_loop3A_1130 : vector<16xf32>
        %parallel_loop3A_1186 = arith.constant 0 : i32
        %parallel_loop3A_1187 = arith.constant 0 : i32
        %parallel_loop3A_1188 = arith.constant 0 : i32
        %parallel_loop3A_1189 = arith.constant 0 : i32
        %parallel_loop3A_1190 = tpu.memref_slice %arg13[%parallel_loop3A_941, %parallel_loop3A_1186, %parallel_loop3A_1187, %parallel_loop3A_1188, %parallel_loop3A_1189] : memref<2x8x2x8x128xf32, #tpu.memory_space<vmem>> -> memref<1x8x2x8x128xf32, #tpu.memory_space<vmem>>
        %parallel_loop3A_1191 = tpu.memref_squeeze %parallel_loop3A_1190 : memref<1x8x2x8x128xf32, #tpu.memory_space<vmem>> -> memref<8x2x8x128xf32, #tpu.memory_space<vmem>>
        tpu.vector_store_idx %parallel_loop3A_1191[%parallel_loop3A_1137, %parallel_loop3A_1181, %parallel_loop3A_1140, %get3A_885], %parallel_loop3A_1185 : memref<8x2x8x128xf32, #tpu.memory_space<vmem>>[vector<16xi32>, vector<16xi32>, vector<16xi32>, vector<16xi32>], vector<16xf32>,
        %parallel_loop3A_1192 = arith.constant 0 : i32
        %parallel_loop3A_1193 = arith.constant 0 : i32
        %parallel_loop3A_1194 = tpu.memref_slice %arg12[%parallel_loop3A_940, %parallel_loop3A_1192, %parallel_loop3A_1193] : memref<2x256x64xf32, #tpu.memory_space<vmem>> -> memref<1x256x64xf32, #tpu.memory_space<vmem>>
        %parallel_loop3A_1195 = tpu.memref_squeeze %parallel_loop3A_1194 : memref<1x256x64xf32, #tpu.memory_space<vmem>> -> memref<256x64xf32, #tpu.memory_space<vmem>>
        %parallel_loop3A_1196 = tpu.vector_load_idx %parallel_loop3A_1195[%get3A_889, %parallel_loop3A_1129] : memref<256x64xf32, #tpu.memory_space<vmem>>[vector<16xi32>, vector<16xi32>], vector<16xf32>,
        %parallel_loop3A_1197 = arith.constant 0 : i32
        %parallel_loop3A_1198 = vector.broadcast %parallel_loop3A_1197 : i32 to vector<16xi32>
        %parallel_loop3A_1199 = arith.constant 8.000000e+00 : f32
        %parallel_loop3A_1200 = vector.broadcast %parallel_loop3A_1199 : f32 to vector<16xf32>
        %parallel_loop3A_1201 = arith.mulf %parallel_loop3A_1196, %parallel_loop3A_1200 : vector<16xf32>
        %parallel_loop3A_1202 = arith.addf %parallel_loop3A_1201, %parallel_loop3A_1130 : vector<16xf32>
        %parallel_loop3A_1203 = arith.constant 0 : i32
        %parallel_loop3A_1204 = arith.constant 0 : i32
        %parallel_loop3A_1205 = arith.constant 0 : i32
        %parallel_loop3A_1206 = arith.constant 0 : i32
        %parallel_loop3A_1207 = tpu.memref_slice %arg13[%parallel_loop3A_941, %parallel_loop3A_1203, %parallel_loop3A_1204, %parallel_loop3A_1205, %parallel_loop3A_1206] : memref<2x8x2x8x128xf32, #tpu.memory_space<vmem>> -> memref<1x8x2x8x128xf32, #tpu.memory_space<vmem>>
        %parallel_loop3A_1208 = tpu.memref_squeeze %parallel_loop3A_1207 : memref<1x8x2x8x128xf32, #tpu.memory_space<vmem>> -> memref<8x2x8x128xf32, #tpu.memory_space<vmem>>
        tpu.vector_store_idx %parallel_loop3A_1208[%parallel_loop3A_1137, %parallel_loop3A_1198, %parallel_loop3A_1140, %get3A_889], %parallel_loop3A_1202 : memref<8x2x8x128xf32, #tpu.memory_space<vmem>>[vector<16xi32>, vector<16xi32>, vector<16xi32>, vector<16xi32>], vector<16xf32>,
        %parallel_loop3A_1209 = arith.constant 0 : i32
        %parallel_loop3A_1210 = arith.constant 0 : i32
        %parallel_loop3A_1211 = tpu.memref_slice %arg12[%parallel_loop3A_940, %parallel_loop3A_1209, %parallel_loop3A_1210] : memref<2x256x64xf32, #tpu.memory_space<vmem>> -> memref<1x256x64xf32, #tpu.memory_space<vmem>>
        %parallel_loop3A_1212 = tpu.memref_squeeze %parallel_loop3A_1211 : memref<1x256x64xf32, #tpu.memory_space<vmem>> -> memref<256x64xf32, #tpu.memory_space<vmem>>
        %parallel_loop3A_1213 = tpu.vector_load_idx %parallel_loop3A_1212[%get3A_893, %parallel_loop3A_1129] : memref<256x64xf32, #tpu.memory_space<vmem>>[vector<16xi32>, vector<16xi32>], vector<16xf32>,
        %parallel_loop3A_1214 = arith.constant 0 : i32
        %parallel_loop3A_1215 = vector.broadcast %parallel_loop3A_1214 : i32 to vector<16xi32>
        %parallel_loop3A_1216 = arith.constant 8.000000e+00 : f32
        %parallel_loop3A_1217 = vector.broadcast %parallel_loop3A_1216 : f32 to vector<16xf32>
        %parallel_loop3A_1218 = arith.mulf %parallel_loop3A_1213, %parallel_loop3A_1217 : vector<16xf32>
        %parallel_loop3A_1219 = arith.addf %parallel_loop3A_1218, %parallel_loop3A_1130 : vector<16xf32>
        %parallel_loop3A_1220 = arith.constant 0 : i32
        %parallel_loop3A_1221 = arith.constant 0 : i32
        %parallel_loop3A_1222 = arith.constant 0 : i32
        %parallel_loop3A_1223 = arith.constant 0 : i32
        %parallel_loop3A_1224 = tpu.memref_slice %arg13[%parallel_loop3A_941, %parallel_loop3A_1220, %parallel_loop3A_1221, %parallel_loop3A_1222, %parallel_loop3A_1223] : memref<2x8x2x8x128xf32, #tpu.memory_space<vmem>> -> memref<1x8x2x8x128xf32, #tpu.memory_space<vmem>>
        %parallel_loop3A_1225 = tpu.memref_squeeze %parallel_loop3A_1224 : memref<1x8x2x8x128xf32, #tpu.memory_space<vmem>> -> memref<8x2x8x128xf32, #tpu.memory_space<vmem>>
        tpu.vector_store_idx %parallel_loop3A_1225[%parallel_loop3A_1137, %parallel_loop3A_1215, %parallel_loop3A_1140, %get3A_893], %parallel_loop3A_1219 : memref<8x2x8x128xf32, #tpu.memory_space<vmem>>[vector<16xi32>, vector<16xi32>, vector<16xi32>, vector<16xi32>], vector<16xf32>,
        %parallel_loop3A_1226 = arith.constant 0 : i32
        %parallel_loop3A_1227 = arith.constant 0 : i32
        %parallel_loop3A_1228 = tpu.memref_slice %arg12[%parallel_loop3A_940, %parallel_loop3A_1226, %parallel_loop3A_1227] : memref<2x256x64xf32, #tpu.memory_space<vmem>> -> memref<1x256x64xf32, #tpu.memory_space<vmem>>
        %parallel_loop3A_1229 = tpu.memref_squeeze %parallel_loop3A_1228 : memref<1x256x64xf32, #tpu.memory_space<vmem>> -> memref<256x64xf32, #tpu.memory_space<vmem>>
        %parallel_loop3A_1230 = tpu.vector_load_idx %parallel_loop3A_1229[%get3A_897, %parallel_loop3A_1129] : memref<256x64xf32, #tpu.memory_space<vmem>>[vector<16xi32>, vector<16xi32>], vector<16xf32>,
        %parallel_loop3A_1231 = arith.constant 0 : i32
        %parallel_loop3A_1232 = vector.broadcast %parallel_loop3A_1231 : i32 to vector<16xi32>
        %parallel_loop3A_1233 = arith.constant 8.000000e+00 : f32
        %parallel_loop3A_1234 = vector.broadcast %parallel_loop3A_1233 : f32 to vector<16xf32>
        %parallel_loop3A_1235 = arith.mulf %parallel_loop3A_1230, %parallel_loop3A_1234 : vector<16xf32>
        %parallel_loop3A_1236 = arith.addf %parallel_loop3A_1235, %parallel_loop3A_1130 : vector<16xf32>
        %parallel_loop3A_1237 = arith.constant 0 : i32
        %parallel_loop3A_1238 = arith.constant 0 : i32
        %parallel_loop3A_1239 = arith.constant 0 : i32
        %parallel_loop3A_1240 = arith.constant 0 : i32
        %parallel_loop3A_1241 = tpu.memref_slice %arg13[%parallel_loop3A_941, %parallel_loop3A_1237, %parallel_loop3A_1238, %parallel_loop3A_1239, %parallel_loop3A_1240] : memref<2x8x2x8x128xf32, #tpu.memory_space<vmem>> -> memref<1x8x2x8x128xf32, #tpu.memory_space<vmem>>
        %parallel_loop3A_1242 = tpu.memref_squeeze %parallel_loop3A_1241 : memref<1x8x2x8x128xf32, #tpu.memory_space<vmem>> -> memref<8x2x8x128xf32, #tpu.memory_space<vmem>>
        tpu.vector_store_idx %parallel_loop3A_1242[%parallel_loop3A_1137, %parallel_loop3A_1232, %parallel_loop3A_1140, %get3A_897], %parallel_loop3A_1236 : memref<8x2x8x128xf32, #tpu.memory_space<vmem>>[vector<16xi32>, vector<16xi32>, vector<16xi32>, vector<16xi32>], vector<16xf32>,
        %parallel_loop3A_1243 = arith.constant 0 : i32
        %parallel_loop3A_1244 = arith.constant 0 : i32
        %parallel_loop3A_1245 = tpu.memref_slice %arg12[%parallel_loop3A_940, %parallel_loop3A_1243, %parallel_loop3A_1244] : memref<2x256x64xf32, #tpu.memory_space<vmem>> -> memref<1x256x64xf32, #tpu.memory_space<vmem>>
        %parallel_loop3A_1246 = tpu.memref_squeeze %parallel_loop3A_1245 : memref<1x256x64xf32, #tpu.memory_space<vmem>> -> memref<256x64xf32, #tpu.memory_space<vmem>>
        %parallel_loop3A_1247 = tpu.vector_load_idx %parallel_loop3A_1246[%get3A_901, %parallel_loop3A_1129] : memref<256x64xf32, #tpu.memory_space<vmem>>[vector<16xi32>, vector<16xi32>], vector<16xf32>,
        %parallel_loop3A_1248 = arith.constant 0 : i32
        %parallel_loop3A_1249 = vector.broadcast %parallel_loop3A_1248 : i32 to vector<16xi32>
        %parallel_loop3A_1250 = arith.constant 8.000000e+00 : f32
        %parallel_loop3A_1251 = vector.broadcast %parallel_loop3A_1250 : f32 to vector<16xf32>
        %parallel_loop3A_1252 = arith.mulf %parallel_loop3A_1247, %parallel_loop3A_1251 : vector<16xf32>
        %parallel_loop3A_1253 = arith.addf %parallel_loop3A_1252, %parallel_loop3A_1130 : vector<16xf32>
        %parallel_loop3A_1254 = arith.constant 0 : i32
        %parallel_loop3A_1255 = arith.constant 0 : i32
        %parallel_loop3A_1256 = arith.constant 0 : i32
        %parallel_loop3A_1257 = arith.constant 0 : i32
        %parallel_loop3A_1258 = tpu.memref_slice %arg13[%parallel_loop3A_941, %parallel_loop3A_1254, %parallel_loop3A_1255, %parallel_loop3A_1256, %parallel_loop3A_1257] : memref<2x8x2x8x128xf32, #tpu.memory_space<vmem>> -> memref<1x8x2x8x128xf32, #tpu.memory_space<vmem>>
        %parallel_loop3A_1259 = tpu.memref_squeeze %parallel_loop3A_1258 : memref<1x8x2x8x128xf32, #tpu.memory_space<vmem>> -> memref<8x2x8x128xf32, #tpu.memory_space<vmem>>
        tpu.vector_store_idx %parallel_loop3A_1259[%parallel_loop3A_1137, %parallel_loop3A_1249, %parallel_loop3A_1140, %get3A_901], %parallel_loop3A_1253 : memref<8x2x8x128xf32, #tpu.memory_space<vmem>>[vector<16xi32>, vector<16xi32>, vector<16xi32>, vector<16xi32>], vector<16xf32>,
        %parallel_loop3A_1260 = arith.constant 0 : i32
        %parallel_loop3A_1261 = arith.constant 0 : i32
        %parallel_loop3A_1262 = tpu.memref_slice %arg12[%parallel_loop3A_940, %parallel_loop3A_1260, %parallel_loop3A_1261] : memref<2x256x64xf32, #tpu.memory_space<vmem>> -> memref<1x256x64xf32, #tpu.memory_space<vmem>>
        %parallel_loop3A_1263 = tpu.memref_squeeze %parallel_loop3A_1262 : memref<1x256x64xf32, #tpu.memory_space<vmem>> -> memref<256x64xf32, #tpu.memory_space<vmem>>
        %parallel_loop3A_1264 = tpu.vector_load_idx %parallel_loop3A_1263[%get3A_905, %parallel_loop3A_1129] : memref<256x64xf32, #tpu.memory_space<vmem>>[vector<16xi32>, vector<16xi32>], vector<16xf32>,
        %parallel_loop3A_1265 = arith.constant 0 : i32
        %parallel_loop3A_1266 = vector.broadcast %parallel_loop3A_1265 : i32 to vector<16xi32>
        %parallel_loop3A_1267 = arith.constant 8.000000e+00 : f32
        %parallel_loop3A_1268 = vector.broadcast %parallel_loop3A_1267 : f32 to vector<16xf32>
        %parallel_loop3A_1269 = arith.mulf %parallel_loop3A_1264, %parallel_loop3A_1268 : vector<16xf32>
        %parallel_loop3A_1270 = arith.addf %parallel_loop3A_1269, %parallel_loop3A_1130 : vector<16xf32>
        %parallel_loop3A_1271 = arith.constant 0 : i32
        %parallel_loop3A_1272 = arith.constant 0 : i32
        %parallel_loop3A_1273 = arith.constant 0 : i32
        %parallel_loop3A_1274 = arith.constant 0 : i32
        %parallel_loop3A_1275 = tpu.memref_slice %arg13[%parallel_loop3A_941, %parallel_loop3A_1271, %parallel_loop3A_1272, %parallel_loop3A_1273, %parallel_loop3A_1274] : memref<2x8x2x8x128xf32, #tpu.memory_space<vmem>> -> memref<1x8x2x8x128xf32, #tpu.memory_space<vmem>>
        %parallel_loop3A_1276 = tpu.memref_squeeze %parallel_loop3A_1275 : memref<1x8x2x8x128xf32, #tpu.memory_space<vmem>> -> memref<8x2x8x128xf32, #tpu.memory_space<vmem>>
        tpu.vector_store_idx %parallel_loop3A_1276[%parallel_loop3A_1137, %parallel_loop3A_1266, %parallel_loop3A_1140, %get3A_905], %parallel_loop3A_1270 : memref<8x2x8x128xf32, #tpu.memory_space<vmem>>[vector<16xi32>, vector<16xi32>, vector<16xi32>, vector<16xi32>], vector<16xf32>,
        %parallel_loop3A_1277 = arith.constant 0 : i32
        %parallel_loop3A_1278 = arith.constant 0 : i32
        %parallel_loop3A_1279 = tpu.memref_slice %arg12[%parallel_loop3A_940, %parallel_loop3A_1277, %parallel_loop3A_1278] : memref<2x256x64xf32, #tpu.memory_space<vmem>> -> memref<1x256x64xf32, #tpu.memory_space<vmem>>
        %parallel_loop3A_1280 = tpu.memref_squeeze %parallel_loop3A_1279 : memref<1x256x64xf32, #tpu.memory_space<vmem>> -> memref<256x64xf32, #tpu.memory_space<vmem>>
        %parallel_loop3A_1281 = tpu.vector_load_idx %parallel_loop3A_1280[%get3A_909, %parallel_loop3A_1129] : memref<256x64xf32, #tpu.memory_space<vmem>>[vector<16xi32>, vector<16xi32>], vector<16xf32>,
        %parallel_loop3A_1282 = arith.constant 1 : i32
        %parallel_loop3A_1283 = vector.broadcast %parallel_loop3A_1282 : i32 to vector<16xi32>
        %parallel_loop3A_1284 = arith.constant 8.000000e+00 : f32
        %parallel_loop3A_1285 = vector.broadcast %parallel_loop3A_1284 : f32 to vector<16xf32>
        %parallel_loop3A_1286 = arith.mulf %parallel_loop3A_1281, %parallel_loop3A_1285 : vector<16xf32>
        %parallel_loop3A_1287 = arith.addf %parallel_loop3A_1286, %parallel_loop3A_1130 : vector<16xf32>
        %parallel_loop3A_1288 = arith.constant 0 : i32
        %parallel_loop3A_1289 = arith.constant 0 : i32
        %parallel_loop3A_1290 = arith.constant 0 : i32
        %parallel_loop3A_1291 = arith.constant 0 : i32
        %parallel_loop3A_1292 = tpu.memref_slice %arg13[%parallel_loop3A_941, %parallel_loop3A_1288, %parallel_loop3A_1289, %parallel_loop3A_1290, %parallel_loop3A_1291] : memref<2x8x2x8x128xf32, #tpu.memory_space<vmem>> -> memref<1x8x2x8x128xf32, #tpu.memory_space<vmem>>
        %parallel_loop3A_1293 = tpu.memref_squeeze %parallel_loop3A_1292 : memref<1x8x2x8x128xf32, #tpu.memory_space<vmem>> -> memref<8x2x8x128xf32, #tpu.memory_space<vmem>>
        tpu.vector_store_idx %parallel_loop3A_1293[%parallel_loop3A_1137, %parallel_loop3A_1283, %parallel_loop3A_1140, %get3A_877], %parallel_loop3A_1287 : memref<8x2x8x128xf32, #tpu.memory_space<vmem>>[vector<16xi32>, vector<16xi32>, vector<16xi32>, vector<16xi32>], vector<16xf32>,
        %parallel_loop3A_1294 = arith.constant 0 : i32
        %parallel_loop3A_1295 = arith.constant 0 : i32
        %parallel_loop3A_1296 = tpu.memref_slice %arg12[%parallel_loop3A_940, %parallel_loop3A_1294, %parallel_loop3A_1295] : memref<2x256x64xf32, #tpu.memory_space<vmem>> -> memref<1x256x64xf32, #tpu.memory_space<vmem>>
        %parallel_loop3A_1297 = tpu.memref_squeeze %parallel_loop3A_1296 : memref<1x256x64xf32, #tpu.memory_space<vmem>> -> memref<256x64xf32, #tpu.memory_space<vmem>>
        %parallel_loop3A_1298 = tpu.vector_load_idx %parallel_loop3A_1297[%get3A_913, %parallel_loop3A_1129] : memref<256x64xf32, #tpu.memory_space<vmem>>[vector<16xi32>, vector<16xi32>], vector<16xf32>,
        %parallel_loop3A_1299 = arith.constant 1 : i32
        %parallel_loop3A_1300 = vector.broadcast %parallel_loop3A_1299 : i32 to vector<16xi32>
        %parallel_loop3A_1301 = arith.constant 8.000000e+00 : f32
        %parallel_loop3A_1302 = vector.broadcast %parallel_loop3A_1301 : f32 to vector<16xf32>
        %parallel_loop3A_1303 = arith.mulf %parallel_loop3A_1298, %parallel_loop3A_1302 : vector<16xf32>
        %parallel_loop3A_1304 = arith.addf %parallel_loop3A_1303, %parallel_loop3A_1130 : vector<16xf32>
        %parallel_loop3A_1305 = arith.constant 0 : i32
        %parallel_loop3A_1306 = arith.constant 0 : i32
        %parallel_loop3A_1307 = arith.constant 0 : i32
        %parallel_loop3A_1308 = arith.constant 0 : i32
        %parallel_loop3A_1309 = tpu.memref_slice %arg13[%parallel_loop3A_941, %parallel_loop3A_1305, %parallel_loop3A_1306, %parallel_loop3A_1307, %parallel_loop3A_1308] : memref<2x8x2x8x128xf32, #tpu.memory_space<vmem>> -> memref<1x8x2x8x128xf32, #tpu.memory_space<vmem>>
        %parallel_loop3A_1310 = tpu.memref_squeeze %parallel_loop3A_1309 : memref<1x8x2x8x128xf32, #tpu.memory_space<vmem>> -> memref<8x2x8x128xf32, #tpu.memory_space<vmem>>
        tpu.vector_store_idx %parallel_loop3A_1310[%parallel_loop3A_1137, %parallel_loop3A_1300, %parallel_loop3A_1140, %get3A_881], %parallel_loop3A_1304 : memref<8x2x8x128xf32, #tpu.memory_space<vmem>>[vector<16xi32>, vector<16xi32>, vector<16xi32>, vector<16xi32>], vector<16xf32>,
        %parallel_loop3A_1311 = arith.constant 0 : i32
        %parallel_loop3A_1312 = arith.constant 0 : i32
        %parallel_loop3A_1313 = tpu.memref_slice %arg12[%parallel_loop3A_940, %parallel_loop3A_1311, %parallel_loop3A_1312] : memref<2x256x64xf32, #tpu.memory_space<vmem>> -> memref<1x256x64xf32, #tpu.memory_space<vmem>>
        %parallel_loop3A_1314 = tpu.memref_squeeze %parallel_loop3A_1313 : memref<1x256x64xf32, #tpu.memory_space<vmem>> -> memref<256x64xf32, #tpu.memory_space<vmem>>
        %parallel_loop3A_1315 = tpu.vector_load_idx %parallel_loop3A_1314[%get3A_917, %parallel_loop3A_1129] : memref<256x64xf32, #tpu.memory_space<vmem>>[vector<16xi32>, vector<16xi32>], vector<16xf32>,
        %parallel_loop3A_1316 = arith.constant 1 : i32
        %parallel_loop3A_1317 = vector.broadcast %parallel_loop3A_1316 : i32 to vector<16xi32>
        %parallel_loop3A_1318 = arith.constant 8.000000e+00 : f32
        %parallel_loop3A_1319 = vector.broadcast %parallel_loop3A_1318 : f32 to vector<16xf32>
        %parallel_loop3A_1320 = arith.mulf %parallel_loop3A_1315, %parallel_loop3A_1319 : vector<16xf32>
        %parallel_loop3A_1321 = arith.addf %parallel_loop3A_1320, %parallel_loop3A_1130 : vector<16xf32>
        %parallel_loop3A_1322 = arith.constant 0 : i32
        %parallel_loop3A_1323 = arith.constant 0 : i32
        %parallel_loop3A_1324 = arith.constant 0 : i32
        %parallel_loop3A_1325 = arith.constant 0 : i32
        %parallel_loop3A_1326 = tpu.memref_slice %arg13[%parallel_loop3A_941, %parallel_loop3A_1322, %parallel_loop3A_1323, %parallel_loop3A_1324, %parallel_loop3A_1325] : memref<2x8x2x8x128xf32, #tpu.memory_space<vmem>> -> memref<1x8x2x8x128xf32, #tpu.memory_space<vmem>>
        %parallel_loop3A_1327 = tpu.memref_squeeze %parallel_loop3A_1326 : memref<1x8x2x8x128xf32, #tpu.memory_space<vmem>> -> memref<8x2x8x128xf32, #tpu.memory_space<vmem>>
        tpu.vector_store_idx %parallel_loop3A_1327[%parallel_loop3A_1137, %parallel_loop3A_1317, %parallel_loop3A_1140, %get3A_885], %parallel_loop3A_1321 : memref<8x2x8x128xf32, #tpu.memory_space<vmem>>[vector<16xi32>, vector<16xi32>, vector<16xi32>, vector<16xi32>], vector<16xf32>,
        %parallel_loop3A_1328 = arith.constant 0 : i32
        %parallel_loop3A_1329 = arith.constant 0 : i32
        %parallel_loop3A_1330 = tpu.memref_slice %arg12[%parallel_loop3A_940, %parallel_loop3A_1328, %parallel_loop3A_1329] : memref<2x256x64xf32, #tpu.memory_space<vmem>> -> memref<1x256x64xf32, #tpu.memory_space<vmem>>
        %parallel_loop3A_1331 = tpu.memref_squeeze %parallel_loop3A_1330 : memref<1x256x64xf32, #tpu.memory_space<vmem>> -> memref<256x64xf32, #tpu.memory_space<vmem>>
        %parallel_loop3A_1332 = tpu.vector_load_idx %parallel_loop3A_1331[%get3A_921, %parallel_loop3A_1129] : memref<256x64xf32, #tpu.memory_space<vmem>>[vector<16xi32>, vector<16xi32>], vector<16xf32>,
        %parallel_loop3A_1333 = arith.constant 1 : i32
        %parallel_loop3A_1334 = vector.broadcast %parallel_loop3A_1333 : i32 to vector<16xi32>
        %parallel_loop3A_1335 = arith.constant 8.000000e+00 : f32
        %parallel_loop3A_1336 = vector.broadcast %parallel_loop3A_1335 : f32 to vector<16xf32>
        %parallel_loop3A_1337 = arith.mulf %parallel_loop3A_1332, %parallel_loop3A_1336 : vector<16xf32>
        %parallel_loop3A_1338 = arith.addf %parallel_loop3A_1337, %parallel_loop3A_1130 : vector<16xf32>
        %parallel_loop3A_1339 = arith.constant 0 : i32
        %parallel_loop3A_1340 = arith.constant 0 : i32
        %parallel_loop3A_1341 = arith.constant 0 : i32
        %parallel_loop3A_1342 = arith.constant 0 : i32
        %parallel_loop3A_1343 = tpu.memref_slice %arg13[%parallel_loop3A_941, %parallel_loop3A_1339, %parallel_loop3A_1340, %parallel_loop3A_1341, %parallel_loop3A_1342] : memref<2x8x2x8x128xf32, #tpu.memory_space<vmem>> -> memref<1x8x2x8x128xf32, #tpu.memory_space<vmem>>
        %parallel_loop3A_1344 = tpu.memref_squeeze %parallel_loop3A_1343 : memref<1x8x2x8x128xf32, #tpu.memory_space<vmem>> -> memref<8x2x8x128xf32, #tpu.memory_space<vmem>>
        tpu.vector_store_idx %parallel_loop3A_1344[%parallel_loop3A_1137, %parallel_loop3A_1334, %parallel_loop3A_1140, %get3A_889], %parallel_loop3A_1338 : memref<8x2x8x128xf32, #tpu.memory_space<vmem>>[vector<16xi32>, vector<16xi32>, vector<16xi32>, vector<16xi32>], vector<16xf32>,
        %parallel_loop3A_1345 = arith.constant 0 : i32
        %parallel_loop3A_1346 = arith.constant 0 : i32
        %parallel_loop3A_1347 = tpu.memref_slice %arg12[%parallel_loop3A_940, %parallel_loop3A_1345, %parallel_loop3A_1346] : memref<2x256x64xf32, #tpu.memory_space<vmem>> -> memref<1x256x64xf32, #tpu.memory_space<vmem>>
        %parallel_loop3A_1348 = tpu.memref_squeeze %parallel_loop3A_1347 : memref<1x256x64xf32, #tpu.memory_space<vmem>> -> memref<256x64xf32, #tpu.memory_space<vmem>>
        %parallel_loop3A_1349 = tpu.vector_load_idx %parallel_loop3A_1348[%get3A_925, %parallel_loop3A_1129] : memref<256x64xf32, #tpu.memory_space<vmem>>[vector<16xi32>, vector<16xi32>], vector<16xf32>,
        %parallel_loop3A_1350 = arith.constant 1 : i32
        %parallel_loop3A_1351 = vector.broadcast %parallel_loop3A_1350 : i32 to vector<16xi32>
        %parallel_loop3A_1352 = arith.constant 8.000000e+00 : f32
        %parallel_loop3A_1353 = vector.broadcast %parallel_loop3A_1352 : f32 to vector<16xf32>
        %parallel_loop3A_1354 = arith.mulf %parallel_loop3A_1349, %parallel_loop3A_1353 : vector<16xf32>
        %parallel_loop3A_1355 = arith.addf %parallel_loop3A_1354, %parallel_loop3A_1130 : vector<16xf32>
        %parallel_loop3A_1356 = arith.constant 0 : i32
        %parallel_loop3A_1357 = arith.constant 0 : i32
        %parallel_loop3A_1358 = arith.constant 0 : i32
        %parallel_loop3A_1359 = arith.constant 0 : i32
        %parallel_loop3A_1360 = tpu.memref_slice %arg13[%parallel_loop3A_941, %parallel_loop3A_1356, %parallel_loop3A_1357, %parallel_loop3A_1358, %parallel_loop3A_1359] : memref<2x8x2x8x128xf32, #tpu.memory_space<vmem>> -> memref<1x8x2x8x128xf32, #tpu.memory_space<vmem>>
        %parallel_loop3A_1361 = tpu.memref_squeeze %parallel_loop3A_1360 : memref<1x8x2x8x128xf32, #tpu.memory_space<vmem>> -> memref<8x2x8x128xf32, #tpu.memory_space<vmem>>
        tpu.vector_store_idx %parallel_loop3A_1361[%parallel_loop3A_1137, %parallel_loop3A_1351, %parallel_loop3A_1140, %get3A_893], %parallel_loop3A_1355 : memref<8x2x8x128xf32, #tpu.memory_space<vmem>>[vector<16xi32>, vector<16xi32>, vector<16xi32>, vector<16xi32>], vector<16xf32>,
        %parallel_loop3A_1362 = arith.constant 0 : i32
        %parallel_loop3A_1363 = arith.constant 0 : i32
        %parallel_loop3A_1364 = tpu.memref_slice %arg12[%parallel_loop3A_940, %parallel_loop3A_1362, %parallel_loop3A_1363] : memref<2x256x64xf32, #tpu.memory_space<vmem>> -> memref<1x256x64xf32, #tpu.memory_space<vmem>>
        %parallel_loop3A_1365 = tpu.memref_squeeze %parallel_loop3A_1364 : memref<1x256x64xf32, #tpu.memory_space<vmem>> -> memref<256x64xf32, #tpu.memory_space<vmem>>
        %parallel_loop3A_1366 = tpu.vector_load_idx %parallel_loop3A_1365[%get3A_929, %parallel_loop3A_1129] : memref<256x64xf32, #tpu.memory_space<vmem>>[vector<16xi32>, vector<16xi32>], vector<16xf32>,
        %parallel_loop3A_1367 = arith.constant 1 : i32
        %parallel_loop3A_1368 = vector.broadcast %parallel_loop3A_1367 : i32 to vector<16xi32>
        %parallel_loop3A_1369 = arith.constant 8.000000e+00 : f32
        %parallel_loop3A_1370 = vector.broadcast %parallel_loop3A_1369 : f32 to vector<16xf32>
        %parallel_loop3A_1371 = arith.mulf %parallel_loop3A_1366, %parallel_loop3A_1370 : vector<16xf32>
        %parallel_loop3A_1372 = arith.addf %parallel_loop3A_1371, %parallel_loop3A_1130 : vector<16xf32>
        %parallel_loop3A_1373 = arith.constant 0 : i32
        %parallel_loop3A_1374 = arith.constant 0 : i32
        %parallel_loop3A_1375 = arith.constant 0 : i32
        %parallel_loop3A_1376 = arith.constant 0 : i32
        %parallel_loop3A_1377 = tpu.memref_slice %arg13[%parallel_loop3A_941, %parallel_loop3A_1373, %parallel_loop3A_1374, %parallel_loop3A_1375, %parallel_loop3A_1376] : memref<2x8x2x8x128xf32, #tpu.memory_space<vmem>> -> memref<1x8x2x8x128xf32, #tpu.memory_space<vmem>>
        %parallel_loop3A_1378 = tpu.memref_squeeze %parallel_loop3A_1377 : memref<1x8x2x8x128xf32, #tpu.memory_space<vmem>> -> memref<8x2x8x128xf32, #tpu.memory_space<vmem>>
        tpu.vector_store_idx %parallel_loop3A_1378[%parallel_loop3A_1137, %parallel_loop3A_1368, %parallel_loop3A_1140, %get3A_897], %parallel_loop3A_1372 : memref<8x2x8x128xf32, #tpu.memory_space<vmem>>[vector<16xi32>, vector<16xi32>, vector<16xi32>, vector<16xi32>], vector<16xf32>,
        %parallel_loop3A_1379 = arith.constant 0 : i32
        %parallel_loop3A_1380 = arith.constant 0 : i32
        %parallel_loop3A_1381 = tpu.memref_slice %arg12[%parallel_loop3A_940, %parallel_loop3A_1379, %parallel_loop3A_1380] : memref<2x256x64xf32, #tpu.memory_space<vmem>> -> memref<1x256x64xf32, #tpu.memory_space<vmem>>
        %parallel_loop3A_1382 = tpu.memref_squeeze %parallel_loop3A_1381 : memref<1x256x64xf32, #tpu.memory_space<vmem>> -> memref<256x64xf32, #tpu.memory_space<vmem>>
        %parallel_loop3A_1383 = tpu.vector_load_idx %parallel_loop3A_1382[%get3A_933, %parallel_loop3A_1129] : memref<256x64xf32, #tpu.memory_space<vmem>>[vector<16xi32>, vector<16xi32>], vector<16xf32>,
        %parallel_loop3A_1384 = arith.constant 1 : i32
        %parallel_loop3A_1385 = vector.broadcast %parallel_loop3A_1384 : i32 to vector<16xi32>
        %parallel_loop3A_1386 = arith.constant 8.000000e+00 : f32
        %parallel_loop3A_1387 = vector.broadcast %parallel_loop3A_1386 : f32 to vector<16xf32>
        %parallel_loop3A_1388 = arith.mulf %parallel_loop3A_1383, %parallel_loop3A_1387 : vector<16xf32>
        %parallel_loop3A_1389 = arith.addf %parallel_loop3A_1388, %parallel_loop3A_1130 : vector<16xf32>
        %parallel_loop3A_1390 = arith.constant 0 : i32
        %parallel_loop3A_1391 = arith.constant 0 : i32
        %parallel_loop3A_1392 = arith.constant 0 : i32
        %parallel_loop3A_1393 = arith.constant 0 : i32
        %parallel_loop3A_1394 = tpu.memref_slice %arg13[%parallel_loop3A_941, %parallel_loop3A_1390, %parallel_loop3A_1391, %parallel_loop3A_1392, %parallel_loop3A_1393] : memref<2x8x2x8x128xf32, #tpu.memory_space<vmem>> -> memref<1x8x2x8x128xf32, #tpu.memory_space<vmem>>
        %parallel_loop3A_1395 = tpu.memref_squeeze %parallel_loop3A_1394 : memref<1x8x2x8x128xf32, #tpu.memory_space<vmem>> -> memref<8x2x8x128xf32, #tpu.memory_space<vmem>>
        tpu.vector_store_idx %parallel_loop3A_1395[%parallel_loop3A_1137, %parallel_loop3A_1385, %parallel_loop3A_1140, %get3A_901], %parallel_loop3A_1389 : memref<8x2x8x128xf32, #tpu.memory_space<vmem>>[vector<16xi32>, vector<16xi32>, vector<16xi32>, vector<16xi32>], vector<16xf32>,
        %parallel_loop3A_1396 = arith.constant 0 : i32
        %parallel_loop3A_1397 = arith.constant 0 : i32
        %parallel_loop3A_1398 = tpu.memref_slice %arg12[%parallel_loop3A_940, %parallel_loop3A_1396, %parallel_loop3A_1397] : memref<2x256x64xf32, #tpu.memory_space<vmem>> -> memref<1x256x64xf32, #tpu.memory_space<vmem>>
        %parallel_loop3A_1399 = tpu.memref_squeeze %parallel_loop3A_1398 : memref<1x256x64xf32, #tpu.memory_space<vmem>> -> memref<256x64xf32, #tpu.memory_space<vmem>>
        %parallel_loop3A_1400 = tpu.vector_load_idx %parallel_loop3A_1399[%get3A_937, %parallel_loop3A_1129] : memref<256x64xf32, #tpu.memory_space<vmem>>[vector<16xi32>, vector<16xi32>], vector<16xf32>,
        %parallel_loop3A_1401 = arith.constant 1 : i32
        %parallel_loop3A_1402 = vector.broadcast %parallel_loop3A_1401 : i32 to vector<16xi32>
        %parallel_loop3A_1403 = arith.constant 8.000000e+00 : f32
        %parallel_loop3A_1404 = vector.broadcast %parallel_loop3A_1403 : f32 to vector<16xf32>
        %parallel_loop3A_1405 = arith.mulf %parallel_loop3A_1400, %parallel_loop3A_1404 : vector<16xf32>
        %parallel_loop3A_1406 = arith.addf %parallel_loop3A_1405, %parallel_loop3A_1130 : vector<16xf32>
        %parallel_loop3A_1407 = arith.constant 0 : i32
        %parallel_loop3A_1408 = arith.constant 0 : i32
        %parallel_loop3A_1409 = arith.constant 0 : i32
        %parallel_loop3A_1410 = arith.constant 0 : i32
        %parallel_loop3A_1411 = tpu.memref_slice %arg13[%parallel_loop3A_941, %parallel_loop3A_1407, %parallel_loop3A_1408, %parallel_loop3A_1409, %parallel_loop3A_1410] : memref<2x8x2x8x128xf32, #tpu.memory_space<vmem>> -> memref<1x8x2x8x128xf32, #tpu.memory_space<vmem>>
        %parallel_loop3A_1412 = tpu.memref_squeeze %parallel_loop3A_1411 : memref<1x8x2x8x128xf32, #tpu.memory_space<vmem>> -> memref<8x2x8x128xf32, #tpu.memory_space<vmem>>
        tpu.vector_store_idx %parallel_loop3A_1412[%parallel_loop3A_1137, %parallel_loop3A_1402, %parallel_loop3A_1140, %get3A_905], %parallel_loop3A_1406 : memref<8x2x8x128xf32, #tpu.memory_space<vmem>>[vector<16xi32>, vector<16xi32>, vector<16xi32>, vector<16xi32>], vector<16xf32>,
      } {sc.loop_unroll_factor = 1 : i64, sc.parallel_access}
      %mul3A_942 = arith.constant 2 : i32
      %mul3A_943 = arith.muli %add3A_829, %mul3A_942 : i32
      %add3A_944 = arith.addi %mul3A_943, %select_n3A_30 : i32
      %mul3A_945 = arith.constant 2 : i32
      %mul3A_946 = arith.muli %mul3A_945, %select_n3A : i32
      %dma_start3A_947 = arith.constant 0 : i32
      %dma_start3A_948 = arith.constant 0 : i32
      %dma_start3A_949 = arith.constant 0 : i32
      %dma_start3A_950 = arith.constant 0 : i32
      %dma_start3A_951 = arith.constant 0 : i32
      %dma_start3A_952 = tpu.memref_slice %arg13[%dma_start3A_947, %dma_start3A_948, %dma_start3A_949, %dma_start3A_950, %dma_start3A_951] : memref<2x8x2x8x128xf32, #tpu.memory_space<vmem>> -> memref<1x8x2x8x128xf32, #tpu.memory_space<vmem>>
      %dma_start3A_953 = tpu.memref_squeeze %dma_start3A_952 : memref<1x8x2x8x128xf32, #tpu.memory_space<vmem>> -> memref<8x2x8x128xf32, #tpu.memory_space<vmem>>
      %dma_start3A_954 = arith.constant 0 : i32
      %dma_start3A_955 = arith.constant 0 : i32
      %dma_start3A_956 = arith.constant 0 : i32
      %dma_start3A_957 = tpu.memref_slice %arg5[%add3A_944, %dma_start3A_954, %mul3A_946, %dma_start3A_955, %dma_start3A_956] : memref<200x8x32x8x128xf32, #tpu.memory_space<hbm>> -> memref<1x8x2x8x128xf32, #tpu.memory_space<hbm>>
      %dma_start3A_958 = tpu.memref_squeeze %dma_start3A_957 : memref<1x8x2x8x128xf32, #tpu.memory_space<hbm>> -> memref<8x2x8x128xf32, #tpu.memory_space<hbm>>
      %dma_start3A_959 = arith.constant 0 : i32
      %dma_start3A_960 = arith.constant 0 : i32
      %dma_start3A_961 = arith.constant 0 : i32
      %dma_start3A_962 = tpu.memref_slice %arg5[%add3A_944, %dma_start3A_959, %mul3A_946, %dma_start3A_960, %dma_start3A_961] : memref<200x8x32x8x128xf32, #tpu.memory_space<hbm>> -> memref<1x8x2x8x128xf32, #tpu.memory_space<hbm>>
      %dma_start3A_963 = tpu.memref_squeeze %dma_start3A_962 : memref<1x8x2x8x128xf32, #tpu.memory_space<hbm>> -> memref<8x2x8x128xf32, #tpu.memory_space<hbm>>
      %dma_start3A_964 = arith.constant 0 : i32
      %dma_start3A_965 = arith.constant 0 : i32
      %dma_start3A_966 = arith.constant 0 : i32
      %dma_start3A_967 = arith.constant 0 : i32
      %dma_start3A_968 = tpu.memref_slice %arg13[%dma_start3A_947, %dma_start3A_964, %dma_start3A_965, %dma_start3A_966, %dma_start3A_967] : memref<2x8x2x8x128xf32, #tpu.memory_space<vmem>> -> memref<1x8x2x8x128xf32, #tpu.memory_space<vmem>>
      %dma_start3A_969 = tpu.memref_squeeze %dma_start3A_968 : memref<1x8x2x8x128xf32, #tpu.memory_space<vmem>> -> memref<8x2x8x128xf32, #tpu.memory_space<vmem>>
      tpu.enqueue_dma source(%dma_start3A_969 : memref<8x2x8x128xf32, #tpu.memory_space<vmem>>) target(%dma_start3A_963 : memref<8x2x8x128xf32, #tpu.memory_space<hbm>>) target_semaphore(%arg17 : memref<!tpu.dma_semaphore, #tpu.memory_space<semaphore_mem>>)
      %mul3A_970 = arith.constant 2 : i32
      %mul3A_971 = arith.muli %scan3A_825, %mul3A_970 : i32
      %add3A_972 = arith.constant 1 : i32
      %add3A_973 = arith.addi %mul3A_971, %add3A_972 : i32
      %dma_wait3A_974 = arith.constant 1 : i32
      %dma_wait3A_975 = arith.constant 1 : i32
      %dma_wait3A_976 = arith.constant 0 : i32
      %dma_wait3A_977 = arith.constant 0 : i32
      %dma_wait3A_978 = tpu.memref_slice %arg12[%dma_wait3A_975, %dma_wait3A_976, %dma_wait3A_977] : memref<2x256x64xf32, #tpu.memory_space<vmem>> -> memref<1x128x64xf32, #tpu.memory_space<vmem>>
      %dma_wait3A_979 = tpu.memref_squeeze %dma_wait3A_978 : memref<1x128x64xf32, #tpu.memory_space<vmem>> -> memref<128x64xf32, #tpu.memory_space<vmem>>
      %dma_wait3A_980 = arith.constant 0 : i32
      %dma_wait3A_981 = tpu.memref_slice %arg6[%dma_wait3A_974, %dma_wait3A_980] : memref<2x256xi32, #tpu.memory_space<vmem>> -> memref<1x128xi32, #tpu.memory_space<vmem>>
      %dma_wait3A_982 = tpu.memref_squeeze %dma_wait3A_981 : memref<1x128xi32, #tpu.memory_space<vmem>> -> memref<128xi32, #tpu.memory_space<vmem>>
      %dma_wait3A_983 = arith.constant 0 : i32
      %dma_wait3A_984 = arith.constant 0 : i32
      %dma_wait3A_985 = tpu.memref_slice %arg3[%dma_wait3A_983, %dma_wait3A_984] : memref<200000x64xf32, #tpu.memory_space<hbm>> -> memref<200000x64xf32, #tpu.memory_space<hbm>>
      tpu.wait_indirect_dma semaphore(%arg16 : memref<!tpu.dma_semaphore, #tpu.memory_space<semaphore_mem>>) src(%dma_wait3A_985 : memref<200000x64xf32, #tpu.memory_space<hbm>>) dst(%dma_wait3A_979 : memref<128x64xf32, #tpu.memory_space<vmem>>)
      %dma_wait3A_986 = arith.constant 1 : i32
      %dma_wait3A_987 = arith.constant 1 : i32
      %dma_wait3A_988 = arith.constant 128 : i32
      %dma_wait3A_989 = arith.constant 0 : i32
      %dma_wait3A_990 = tpu.memref_slice %arg12[%dma_wait3A_987, %dma_wait3A_988, %dma_wait3A_989] : memref<2x256x64xf32, #tpu.memory_space<vmem>> -> memref<1x128x64xf32, #tpu.memory_space<vmem>>
      %dma_wait3A_991 = tpu.memref_squeeze %dma_wait3A_990 : memref<1x128x64xf32, #tpu.memory_space<vmem>> -> memref<128x64xf32, #tpu.memory_space<vmem>>
      %dma_wait3A_992 = arith.constant 128 : i32
      %dma_wait3A_993 = tpu.memref_slice %arg6[%dma_wait3A_986, %dma_wait3A_992] : memref<2x256xi32, #tpu.memory_space<vmem>> -> memref<1x128xi32, #tpu.memory_space<vmem>>
      %dma_wait3A_994 = tpu.memref_squeeze %dma_wait3A_993 : memref<1x128xi32, #tpu.memory_space<vmem>> -> memref<128xi32, #tpu.memory_space<vmem>>
      %dma_wait3A_995 = arith.constant 0 : i32
      %dma_wait3A_996 = arith.constant 0 : i32
      %dma_wait3A_997 = tpu.memref_slice %arg3[%dma_wait3A_995, %dma_wait3A_996] : memref<200000x64xf32, #tpu.memory_space<hbm>> -> memref<200000x64xf32, #tpu.memory_space<hbm>>
      tpu.wait_indirect_dma semaphore(%arg16 : memref<!tpu.dma_semaphore, #tpu.memory_space<semaphore_mem>>) src(%dma_wait3A_997 : memref<200000x64xf32, #tpu.memory_space<hbm>>) dst(%dma_wait3A_991 : memref<128x64xf32, #tpu.memory_space<vmem>>)
      %add3A_998 = arith.constant 2 : i32
      %add3A_999 = arith.addi %add3A_973, %add3A_998 : i32
      %lt3A_1000 = arith.constant 100 : i32
      %lt3A_1001 = arith.cmpi slt, %add3A_999, %lt3A_1000 : i32
      %convert_element_type3A_1002 = arith.extui %lt3A_1001 : i1 to i32
      %cond3A_1003 = arith.constant 0 : i32
      %cond3A_1004 = arith.cmpi ne, %convert_element_type3A_1002, %cond3A_1003 : i32
      scf.if %cond3A_1004 {
        %add3A_1118 = arith.constant 2 : i32
        %add3A_1119 = arith.addi %add3A_973, %add3A_1118 : i32
        %mul3A_1120 = arith.constant 2 : i32
        %mul3A_1121 = arith.muli %add3A_1119, %mul3A_1120 : i32
        %add3A_1122 = arith.addi %mul3A_1121, %select_n3A_30 : i32
        %mul3A_1123 = arith.constant 256 : i32
        %mul3A_1124 = arith.muli %select_n3A, %mul3A_1123 : i32
        %dma_start3A_1125 = arith.constant 1 : i32
        %dma_start3A_1126 = arith.constant 0 : i32
        %dma_start3A_1127 = tpu.memref_slice %arg6[%dma_start3A_1125, %dma_start3A_1126] : memref<2x256xi32, #tpu.memory_space<vmem>> -> memref<1x256xi32, #tpu.memory_space<vmem>>
        %dma_start3A_1128 = tpu.memref_squeeze %dma_start3A_1127 : memref<1x256xi32, #tpu.memory_space<vmem>> -> memref<256xi32, #tpu.memory_space<vmem>>
        %dma_start3A_1129 = tpu.memref_slice %arg2[%add3A_1122, %mul3A_1124] : memref<200x4096xi32, #tpu.memory_space<hbm>> -> memref<1x256xi32, #tpu.memory_space<hbm>>
        %dma_start3A_1130 = tpu.memref_squeeze %dma_start3A_1129 : memref<1x256xi32, #tpu.memory_space<hbm>> -> memref<256xi32, #tpu.memory_space<hbm>>
        %dma_start3A_1131 = arith.constant 0 : i32
        %dma_start3A_1132 = tpu.memref_slice %arg6[%dma_start3A_1125, %dma_start3A_1131] : memref<2x256xi32, #tpu.memory_space<vmem>> -> memref<1x256xi32, #tpu.memory_space<vmem>>
        %dma_start3A_1133 = tpu.memref_squeeze %dma_start3A_1132 : memref<1x256xi32, #tpu.memory_space<vmem>> -> memref<256xi32, #tpu.memory_space<vmem>>
        %dma_start3A_1134 = tpu.memref_slice %arg2[%add3A_1122, %mul3A_1124] : memref<200x4096xi32, #tpu.memory_space<hbm>> -> memref<1x256xi32, #tpu.memory_space<hbm>>
        %dma_start3A_1135 = tpu.memref_squeeze %dma_start3A_1134 : memref<1x256xi32, #tpu.memory_space<hbm>> -> memref<256xi32, #tpu.memory_space<hbm>>
        tpu.enqueue_dma source(%dma_start3A_1135 : memref<256xi32, #tpu.memory_space<hbm>>) target(%dma_start3A_1133 : memref<256xi32, #tpu.memory_space<vmem>>) target_semaphore(%arg14 : memref<!tpu.dma_semaphore, #tpu.memory_space<semaphore_mem>>)
      } else {
      }
      %add3A_1005 = arith.constant 1 : i32
      %add3A_1006 = arith.addi %add3A_973, %add3A_1005 : i32
      %lt3A_1007 = arith.constant 100 : i32
      %lt3A_1008 = arith.cmpi slt, %add3A_1006, %lt3A_1007 : i32
      %convert_element_type3A_1009 = arith.extui %lt3A_1008 : i1 to i32
      %cond3A_1010 = arith.constant 0 : i32
      %cond3A_1011 = arith.cmpi ne, %convert_element_type3A_1009, %cond3A_1010 : i32
      scf.if %cond3A_1011 {
        %add3A_1118 = arith.constant 1 : i32
        %add3A_1119 = arith.addi %add3A_973, %add3A_1118 : i32
        %mul3A_1120 = arith.constant 2 : i32
        %mul3A_1121 = arith.muli %add3A_1119, %mul3A_1120 : i32
        %add3A_1122 = arith.addi %mul3A_1121, %select_n3A_30 : i32
        %mul3A_1123 = arith.constant 256 : i32
        %mul3A_1124 = arith.muli %select_n3A, %mul3A_1123 : i32
        %dma_wait3A_1125 = arith.constant 0 : i32
        %dma_wait3A_1126 = arith.constant 0 : i32
        %dma_wait3A_1127 = tpu.memref_slice %arg6[%dma_wait3A_1125, %dma_wait3A_1126] : memref<2x256xi32, #tpu.memory_space<vmem>> -> memref<1x256xi32, #tpu.memory_space<vmem>>
        %dma_wait3A_1128 = tpu.memref_squeeze %dma_wait3A_1127 : memref<1x256xi32, #tpu.memory_space<vmem>> -> memref<256xi32, #tpu.memory_space<vmem>>
        %dma_wait3A_1129 = tpu.memref_slice %arg2[%add3A_1122, %mul3A_1124] : memref<200x4096xi32, #tpu.memory_space<hbm>> -> memref<1x256xi32, #tpu.memory_space<hbm>>
        %dma_wait3A_1130 = tpu.memref_squeeze %dma_wait3A_1129 : memref<1x256xi32, #tpu.memory_space<hbm>> -> memref<256xi32, #tpu.memory_space<hbm>>
        %dma_wait3A_1131 = arith.constant 0 : i32
        %dma_wait3A_1132 = tpu.memref_slice %arg6[%dma_wait3A_1125, %dma_wait3A_1131] : memref<2x256xi32, #tpu.memory_space<vmem>> -> memref<1x256xi32, #tpu.memory_space<vmem>>
        %dma_wait3A_1133 = tpu.memref_squeeze %dma_wait3A_1132 : memref<1x256xi32, #tpu.memory_space<vmem>> -> memref<256xi32, #tpu.memory_space<vmem>>
        %dma_wait3A_1134 = tpu.memref_slice %arg2[%add3A_1122, %mul3A_1124] : memref<200x4096xi32, #tpu.memory_space<hbm>> -> memref<1x256xi32, #tpu.memory_space<hbm>>
        %dma_wait3A_1135 = tpu.memref_squeeze %dma_wait3A_1134 : memref<1x256xi32, #tpu.memory_space<hbm>> -> memref<256xi32, #tpu.memory_space<hbm>>
        tpu.wait_dma2 semaphore(%arg14 : memref<!tpu.dma_semaphore, #tpu.memory_space<semaphore_mem>>) src(%dma_wait3A_1135 : memref<256xi32, #tpu.memory_space<hbm>>) dst(%dma_wait3A_1133 : memref<256xi32, #tpu.memory_space<vmem>>)
        %get3A_1136 = arith.constant 0 : i32
        %get3A_1137 = arith.index_cast %get3A_1136 : i32 to index
        %get3A_1138 = arith.constant 0 : index
        %get3A_1139 = tpu.vector_load %arg6[%get3A_1137, %get3A_1138] {strides = array<i32>} : memref<2x256xi32, #tpu.memory_space<vmem>>, vector<16xi32>,
        %mul3A_1140 = arith.constant 2 : i32
        %mul3A_1141 = vector.broadcast %mul3A_1140 : i32 to vector<16xi32>
        %mul3A_1142 = arith.muli %get3A_1139, %mul3A_1141 : vector<16xi32>
        %swap3A_1143 = arith.constant 0 : i32
        %swap3A_1144 = arith.index_cast %swap3A_1143 : i32 to index
        %swap3A_1145 = arith.constant 0 : index
        %swap3A_1146 = tpu.vector_load %arg6[%swap3A_1144, %swap3A_1145] {strides = array<i32>} : memref<2x256xi32, #tpu.memory_space<vmem>>, vector<16xi32>,
        tpu.vector_store %arg6[%swap3A_1144, %swap3A_1145], %mul3A_1142 {strides = array<i32>} : memref<2x256xi32, #tpu.memory_space<vmem>>, vector<16xi32>,
        %get3A_1147 = arith.constant 0 : i32
        %get3A_1148 = arith.index_cast %get3A_1147 : i32 to index
        %get3A_1149 = arith.constant 16 : index
        %get3A_1150 = tpu.vector_load %arg6[%get3A_1148, %get3A_1149] {strides = array<i32>} : memref<2x256xi32, #tpu.memory_space<vmem>>, vector<16xi32>,
        %mul3A_1151 = arith.constant 2 : i32
        %mul3A_1152 = vector.broadcast %mul3A_1151 : i32 to vector<16xi32>
        %mul3A_1153 = arith.muli %get3A_1150, %mul3A_1152 : vector<16xi32>
        %swap3A_1154 = arith.constant 0 : i32
        %swap3A_1155 = arith.index_cast %swap3A_1154 : i32 to index
        %swap3A_1156 = arith.constant 16 : index
        %swap3A_1157 = tpu.vector_load %arg6[%swap3A_1155, %swap3A_1156] {strides = array<i32>} : memref<2x256xi32, #tpu.memory_space<vmem>>, vector<16xi32>,
        tpu.vector_store %arg6[%swap3A_1155, %swap3A_1156], %mul3A_1153 {strides = array<i32>} : memref<2x256xi32, #tpu.memory_space<vmem>>, vector<16xi32>,
        %get3A_1158 = arith.constant 0 : i32
        %get3A_1159 = arith.index_cast %get3A_1158 : i32 to index
        %get3A_1160 = arith.constant 32 : index
        %get3A_1161 = tpu.vector_load %arg6[%get3A_1159, %get3A_1160] {strides = array<i32>} : memref<2x256xi32, #tpu.memory_space<vmem>>, vector<16xi32>,
        %mul3A_1162 = arith.constant 2 : i32
        %mul3A_1163 = vector.broadcast %mul3A_1162 : i32 to vector<16xi32>
        %mul3A_1164 = arith.muli %get3A_1161, %mul3A_1163 : vector<16xi32>
        %swap3A_1165 = arith.constant 0 : i32
        %swap3A_1166 = arith.index_cast %swap3A_1165 : i32 to index
        %swap3A_1167 = arith.constant 32 : index
        %swap3A_1168 = tpu.vector_load %arg6[%swap3A_1166, %swap3A_1167] {strides = array<i32>} : memref<2x256xi32, #tpu.memory_space<vmem>>, vector<16xi32>,
        tpu.vector_store %arg6[%swap3A_1166, %swap3A_1167], %mul3A_1164 {strides = array<i32>} : memref<2x256xi32, #tpu.memory_space<vmem>>, vector<16xi32>,
        %get3A_1169 = arith.constant 0 : i32
        %get3A_1170 = arith.index_cast %get3A_1169 : i32 to index
        %get3A_1171 = arith.constant 48 : index
        %get3A_1172 = tpu.vector_load %arg6[%get3A_1170, %get3A_1171] {strides = array<i32>} : memref<2x256xi32, #tpu.memory_space<vmem>>, vector<16xi32>,
        %mul3A_1173 = arith.constant 2 : i32
        %mul3A_1174 = vector.broadcast %mul3A_1173 : i32 to vector<16xi32>
        %mul3A_1175 = arith.muli %get3A_1172, %mul3A_1174 : vector<16xi32>
        %swap3A_1176 = arith.constant 0 : i32
        %swap3A_1177 = arith.index_cast %swap3A_1176 : i32 to index
        %swap3A_1178 = arith.constant 48 : index
        %swap3A_1179 = tpu.vector_load %arg6[%swap3A_1177, %swap3A_1178] {strides = array<i32>} : memref<2x256xi32, #tpu.memory_space<vmem>>, vector<16xi32>,
        tpu.vector_store %arg6[%swap3A_1177, %swap3A_1178], %mul3A_1175 {strides = array<i32>} : memref<2x256xi32, #tpu.memory_space<vmem>>, vector<16xi32>,
        %get3A_1180 = arith.constant 0 : i32
        %get3A_1181 = arith.index_cast %get3A_1180 : i32 to index
        %get3A_1182 = arith.constant 64 : index
        %get3A_1183 = tpu.vector_load %arg6[%get3A_1181, %get3A_1182] {strides = array<i32>} : memref<2x256xi32, #tpu.memory_space<vmem>>, vector<16xi32>,
        %mul3A_1184 = arith.constant 2 : i32
        %mul3A_1185 = vector.broadcast %mul3A_1184 : i32 to vector<16xi32>
        %mul3A_1186 = arith.muli %get3A_1183, %mul3A_1185 : vector<16xi32>
        %swap3A_1187 = arith.constant 0 : i32
        %swap3A_1188 = arith.index_cast %swap3A_1187 : i32 to index
        %swap3A_1189 = arith.constant 64 : index
        %swap3A_1190 = tpu.vector_load %arg6[%swap3A_1188, %swap3A_1189] {strides = array<i32>} : memref<2x256xi32, #tpu.memory_space<vmem>>, vector<16xi32>,
        tpu.vector_store %arg6[%swap3A_1188, %swap3A_1189], %mul3A_1186 {strides = array<i32>} : memref<2x256xi32, #tpu.memory_space<vmem>>, vector<16xi32>,
        %get3A_1191 = arith.constant 0 : i32
        %get3A_1192 = arith.index_cast %get3A_1191 : i32 to index
        %get3A_1193 = arith.constant 80 : index
        %get3A_1194 = tpu.vector_load %arg6[%get3A_1192, %get3A_1193] {strides = array<i32>} : memref<2x256xi32, #tpu.memory_space<vmem>>, vector<16xi32>,
        %mul3A_1195 = arith.constant 2 : i32
        %mul3A_1196 = vector.broadcast %mul3A_1195 : i32 to vector<16xi32>
        %mul3A_1197 = arith.muli %get3A_1194, %mul3A_1196 : vector<16xi32>
        %swap3A_1198 = arith.constant 0 : i32
        %swap3A_1199 = arith.index_cast %swap3A_1198 : i32 to index
        %swap3A_1200 = arith.constant 80 : index
        %swap3A_1201 = tpu.vector_load %arg6[%swap3A_1199, %swap3A_1200] {strides = array<i32>} : memref<2x256xi32, #tpu.memory_space<vmem>>, vector<16xi32>,
        tpu.vector_store %arg6[%swap3A_1199, %swap3A_1200], %mul3A_1197 {strides = array<i32>} : memref<2x256xi32, #tpu.memory_space<vmem>>, vector<16xi32>,
        %get3A_1202 = arith.constant 0 : i32
        %get3A_1203 = arith.index_cast %get3A_1202 : i32 to index
        %get3A_1204 = arith.constant 96 : index
        %get3A_1205 = tpu.vector_load %arg6[%get3A_1203, %get3A_1204] {strides = array<i32>} : memref<2x256xi32, #tpu.memory_space<vmem>>, vector<16xi32>,
        %mul3A_1206 = arith.constant 2 : i32
        %mul3A_1207 = vector.broadcast %mul3A_1206 : i32 to vector<16xi32>
        %mul3A_1208 = arith.muli %get3A_1205, %mul3A_1207 : vector<16xi32>
        %swap3A_1209 = arith.constant 0 : i32
        %swap3A_1210 = arith.index_cast %swap3A_1209 : i32 to index
        %swap3A_1211 = arith.constant 96 : index
        %swap3A_1212 = tpu.vector_load %arg6[%swap3A_1210, %swap3A_1211] {strides = array<i32>} : memref<2x256xi32, #tpu.memory_space<vmem>>, vector<16xi32>,
        tpu.vector_store %arg6[%swap3A_1210, %swap3A_1211], %mul3A_1208 {strides = array<i32>} : memref<2x256xi32, #tpu.memory_space<vmem>>, vector<16xi32>,
        %get3A_1213 = arith.constant 0 : i32
        %get3A_1214 = arith.index_cast %get3A_1213 : i32 to index
        %get3A_1215 = arith.constant 112 : index
        %get3A_1216 = tpu.vector_load %arg6[%get3A_1214, %get3A_1215] {strides = array<i32>} : memref<2x256xi32, #tpu.memory_space<vmem>>, vector<16xi32>,
        %mul3A_1217 = arith.constant 2 : i32
        %mul3A_1218 = vector.broadcast %mul3A_1217 : i32 to vector<16xi32>
        %mul3A_1219 = arith.muli %get3A_1216, %mul3A_1218 : vector<16xi32>
        %swap3A_1220 = arith.constant 0 : i32
        %swap3A_1221 = arith.index_cast %swap3A_1220 : i32 to index
        %swap3A_1222 = arith.constant 112 : index
        %swap3A_1223 = tpu.vector_load %arg6[%swap3A_1221, %swap3A_1222] {strides = array<i32>} : memref<2x256xi32, #tpu.memory_space<vmem>>, vector<16xi32>,
        tpu.vector_store %arg6[%swap3A_1221, %swap3A_1222], %mul3A_1219 {strides = array<i32>} : memref<2x256xi32, #tpu.memory_space<vmem>>, vector<16xi32>,
        %get3A_1224 = arith.constant 0 : i32
        %get3A_1225 = arith.index_cast %get3A_1224 : i32 to index
        %get3A_1226 = arith.constant 128 : index
        %get3A_1227 = tpu.vector_load %arg6[%get3A_1225, %get3A_1226] {strides = array<i32>} : memref<2x256xi32, #tpu.memory_space<vmem>>, vector<16xi32>,
        %mul3A_1228 = arith.constant 2 : i32
        %mul3A_1229 = vector.broadcast %mul3A_1228 : i32 to vector<16xi32>
        %mul3A_1230 = arith.muli %get3A_1227, %mul3A_1229 : vector<16xi32>
        %swap3A_1231 = arith.constant 0 : i32
        %swap3A_1232 = arith.index_cast %swap3A_1231 : i32 to index
        %swap3A_1233 = arith.constant 128 : index
        %swap3A_1234 = tpu.vector_load %arg6[%swap3A_1232, %swap3A_1233] {strides = array<i32>} : memref<2x256xi32, #tpu.memory_space<vmem>>, vector<16xi32>,
        tpu.vector_store %arg6[%swap3A_1232, %swap3A_1233], %mul3A_1230 {strides = array<i32>} : memref<2x256xi32, #tpu.memory_space<vmem>>, vector<16xi32>,
        %get3A_1235 = arith.constant 0 : i32
        %get3A_1236 = arith.index_cast %get3A_1235 : i32 to index
        %get3A_1237 = arith.constant 144 : index
        %get3A_1238 = tpu.vector_load %arg6[%get3A_1236, %get3A_1237] {strides = array<i32>} : memref<2x256xi32, #tpu.memory_space<vmem>>, vector<16xi32>,
        %mul3A_1239 = arith.constant 2 : i32
        %mul3A_1240 = vector.broadcast %mul3A_1239 : i32 to vector<16xi32>
        %mul3A_1241 = arith.muli %get3A_1238, %mul3A_1240 : vector<16xi32>
        %swap3A_1242 = arith.constant 0 : i32
        %swap3A_1243 = arith.index_cast %swap3A_1242 : i32 to index
        %swap3A_1244 = arith.constant 144 : index
        %swap3A_1245 = tpu.vector_load %arg6[%swap3A_1243, %swap3A_1244] {strides = array<i32>} : memref<2x256xi32, #tpu.memory_space<vmem>>, vector<16xi32>,
        tpu.vector_store %arg6[%swap3A_1243, %swap3A_1244], %mul3A_1241 {strides = array<i32>} : memref<2x256xi32, #tpu.memory_space<vmem>>, vector<16xi32>,
        %get3A_1246 = arith.constant 0 : i32
        %get3A_1247 = arith.index_cast %get3A_1246 : i32 to index
        %get3A_1248 = arith.constant 160 : index
        %get3A_1249 = tpu.vector_load %arg6[%get3A_1247, %get3A_1248] {strides = array<i32>} : memref<2x256xi32, #tpu.memory_space<vmem>>, vector<16xi32>,
        %mul3A_1250 = arith.constant 2 : i32
        %mul3A_1251 = vector.broadcast %mul3A_1250 : i32 to vector<16xi32>
        %mul3A_1252 = arith.muli %get3A_1249, %mul3A_1251 : vector<16xi32>
        %swap3A_1253 = arith.constant 0 : i32
        %swap3A_1254 = arith.index_cast %swap3A_1253 : i32 to index
        %swap3A_1255 = arith.constant 160 : index
        %swap3A_1256 = tpu.vector_load %arg6[%swap3A_1254, %swap3A_1255] {strides = array<i32>} : memref<2x256xi32, #tpu.memory_space<vmem>>, vector<16xi32>,
        tpu.vector_store %arg6[%swap3A_1254, %swap3A_1255], %mul3A_1252 {strides = array<i32>} : memref<2x256xi32, #tpu.memory_space<vmem>>, vector<16xi32>,
        %get3A_1257 = arith.constant 0 : i32
        %get3A_1258 = arith.index_cast %get3A_1257 : i32 to index
        %get3A_1259 = arith.constant 176 : index
        %get3A_1260 = tpu.vector_load %arg6[%get3A_1258, %get3A_1259] {strides = array<i32>} : memref<2x256xi32, #tpu.memory_space<vmem>>, vector<16xi32>,
        %mul3A_1261 = arith.constant 2 : i32
        %mul3A_1262 = vector.broadcast %mul3A_1261 : i32 to vector<16xi32>
        %mul3A_1263 = arith.muli %get3A_1260, %mul3A_1262 : vector<16xi32>
        %swap3A_1264 = arith.constant 0 : i32
        %swap3A_1265 = arith.index_cast %swap3A_1264 : i32 to index
        %swap3A_1266 = arith.constant 176 : index
        %swap3A_1267 = tpu.vector_load %arg6[%swap3A_1265, %swap3A_1266] {strides = array<i32>} : memref<2x256xi32, #tpu.memory_space<vmem>>, vector<16xi32>,
        tpu.vector_store %arg6[%swap3A_1265, %swap3A_1266], %mul3A_1263 {strides = array<i32>} : memref<2x256xi32, #tpu.memory_space<vmem>>, vector<16xi32>,
        %get3A_1268 = arith.constant 0 : i32
        %get3A_1269 = arith.index_cast %get3A_1268 : i32 to index
        %get3A_1270 = arith.constant 192 : index
        %get3A_1271 = tpu.vector_load %arg6[%get3A_1269, %get3A_1270] {strides = array<i32>} : memref<2x256xi32, #tpu.memory_space<vmem>>, vector<16xi32>,
        %mul3A_1272 = arith.constant 2 : i32
        %mul3A_1273 = vector.broadcast %mul3A_1272 : i32 to vector<16xi32>
        %mul3A_1274 = arith.muli %get3A_1271, %mul3A_1273 : vector<16xi32>
        %swap3A_1275 = arith.constant 0 : i32
        %swap3A_1276 = arith.index_cast %swap3A_1275 : i32 to index
        %swap3A_1277 = arith.constant 192 : index
        %swap3A_1278 = tpu.vector_load %arg6[%swap3A_1276, %swap3A_1277] {strides = array<i32>} : memref<2x256xi32, #tpu.memory_space<vmem>>, vector<16xi32>,
        tpu.vector_store %arg6[%swap3A_1276, %swap3A_1277], %mul3A_1274 {strides = array<i32>} : memref<2x256xi32, #tpu.memory_space<vmem>>, vector<16xi32>,
        %get3A_1279 = arith.constant 0 : i32
        %get3A_1280 = arith.index_cast %get3A_1279 : i32 to index
        %get3A_1281 = arith.constant 208 : index
        %get3A_1282 = tpu.vector_load %arg6[%get3A_1280, %get3A_1281] {strides = array<i32>} : memref<2x256xi32, #tpu.memory_space<vmem>>, vector<16xi32>,
        %mul3A_1283 = arith.constant 2 : i32
        %mul3A_1284 = vector.broadcast %mul3A_1283 : i32 to vector<16xi32>
        %mul3A_1285 = arith.muli %get3A_1282, %mul3A_1284 : vector<16xi32>
        %swap3A_1286 = arith.constant 0 : i32
        %swap3A_1287 = arith.index_cast %swap3A_1286 : i32 to index
        %swap3A_1288 = arith.constant 208 : index
        %swap3A_1289 = tpu.vector_load %arg6[%swap3A_1287, %swap3A_1288] {strides = array<i32>} : memref<2x256xi32, #tpu.memory_space<vmem>>, vector<16xi32>,
        tpu.vector_store %arg6[%swap3A_1287, %swap3A_1288], %mul3A_1285 {strides = array<i32>} : memref<2x256xi32, #tpu.memory_space<vmem>>, vector<16xi32>,
        %get3A_1290 = arith.constant 0 : i32
        %get3A_1291 = arith.index_cast %get3A_1290 : i32 to index
        %get3A_1292 = arith.constant 224 : index
        %get3A_1293 = tpu.vector_load %arg6[%get3A_1291, %get3A_1292] {strides = array<i32>} : memref<2x256xi32, #tpu.memory_space<vmem>>, vector<16xi32>,
        %mul3A_1294 = arith.constant 2 : i32
        %mul3A_1295 = vector.broadcast %mul3A_1294 : i32 to vector<16xi32>
        %mul3A_1296 = arith.muli %get3A_1293, %mul3A_1295 : vector<16xi32>
        %swap3A_1297 = arith.constant 0 : i32
        %swap3A_1298 = arith.index_cast %swap3A_1297 : i32 to index
        %swap3A_1299 = arith.constant 224 : index
        %swap3A_1300 = tpu.vector_load %arg6[%swap3A_1298, %swap3A_1299] {strides = array<i32>} : memref<2x256xi32, #tpu.memory_space<vmem>>, vector<16xi32>,
        tpu.vector_store %arg6[%swap3A_1298, %swap3A_1299], %mul3A_1296 {strides = array<i32>} : memref<2x256xi32, #tpu.memory_space<vmem>>, vector<16xi32>,
        %get3A_1301 = arith.constant 0 : i32
        %get3A_1302 = arith.index_cast %get3A_1301 : i32 to index
        %get3A_1303 = arith.constant 240 : index
        %get3A_1304 = tpu.vector_load %arg6[%get3A_1302, %get3A_1303] {strides = array<i32>} : memref<2x256xi32, #tpu.memory_space<vmem>>, vector<16xi32>,
        %mul3A_1305 = arith.constant 2 : i32
        %mul3A_1306 = vector.broadcast %mul3A_1305 : i32 to vector<16xi32>
        %mul3A_1307 = arith.muli %get3A_1304, %mul3A_1306 : vector<16xi32>
        %swap3A_1308 = arith.constant 0 : i32
        %swap3A_1309 = arith.index_cast %swap3A_1308 : i32 to index
        %swap3A_1310 = arith.constant 240 : index
        %swap3A_1311 = tpu.vector_load %arg6[%swap3A_1309, %swap3A_1310] {strides = array<i32>} : memref<2x256xi32, #tpu.memory_space<vmem>>, vector<16xi32>,
        tpu.vector_store %arg6[%swap3A_1309, %swap3A_1310], %mul3A_1307 {strides = array<i32>} : memref<2x256xi32, #tpu.memory_space<vmem>>, vector<16xi32>,
        %add3A_1312 = arith.constant 1 : i32
        %add3A_1313 = arith.addi %add3A_973, %add3A_1312 : i32
        %dma_start3A_1314 = arith.constant 0 : i32
        %dma_start3A_1315 = arith.constant 0 : i32
        %dma_start3A_1316 = arith.constant 0 : i32
        %dma_start3A_1317 = arith.constant 0 : i32
        %dma_start3A_1318 = tpu.memref_slice %arg12[%dma_start3A_1315, %dma_start3A_1316, %dma_start3A_1317] : memref<2x256x64xf32, #tpu.memory_space<vmem>> -> memref<1x128x64xf32, #tpu.memory_space<vmem>>
        %dma_start3A_1319 = tpu.memref_squeeze %dma_start3A_1318 : memref<1x128x64xf32, #tpu.memory_space<vmem>> -> memref<128x64xf32, #tpu.memory_space<vmem>>
        %dma_start3A_1320 = arith.constant 0 : i32
        %dma_start3A_1321 = tpu.memref_slice %arg6[%dma_start3A_1314, %dma_start3A_1320] : memref<2x256xi32, #tpu.memory_space<vmem>> -> memref<1x128xi32, #tpu.memory_space<vmem>>
        %dma_start3A_1322 = tpu.memref_squeeze %dma_start3A_1321 : memref<1x128xi32, #tpu.memory_space<vmem>> -> memref<128xi32, #tpu.memory_space<vmem>>
        %dma_start3A_1323 = arith.constant 0 : i32
        %dma_start3A_1324 = arith.constant 0 : i32
        %dma_start3A_1325 = tpu.memref_slice %arg3[%dma_start3A_1323, %dma_start3A_1324] : memref<200000x64xf32, #tpu.memory_space<hbm>> -> memref<200000x64xf32, #tpu.memory_space<hbm>>
        tpu.enqueue_indirect_dma source(%dma_start3A_1325 : memref<200000x64xf32, #tpu.memory_space<hbm>>) target(%dma_start3A_1319 : memref<128x64xf32, #tpu.memory_space<vmem>>) offsets(%dma_start3A_1322 : memref<128xi32, #tpu.memory_space<vmem>>) semaphore(%arg15 : memref<!tpu.dma_semaphore, #tpu.memory_space<semaphore_mem>>)
        %dma_start3A_1326 = arith.constant 0 : i32
        %dma_start3A_1327 = arith.constant 0 : i32
        %dma_start3A_1328 = arith.constant 128 : i32
        %dma_start3A_1329 = arith.constant 0 : i32
        %dma_start3A_1330 = tpu.memref_slice %arg12[%dma_start3A_1327, %dma_start3A_1328, %dma_start3A_1329] : memref<2x256x64xf32, #tpu.memory_space<vmem>> -> memref<1x128x64xf32, #tpu.memory_space<vmem>>
        %dma_start3A_1331 = tpu.memref_squeeze %dma_start3A_1330 : memref<1x128x64xf32, #tpu.memory_space<vmem>> -> memref<128x64xf32, #tpu.memory_space<vmem>>
        %dma_start3A_1332 = arith.constant 128 : i32
        %dma_start3A_1333 = tpu.memref_slice %arg6[%dma_start3A_1326, %dma_start3A_1332] : memref<2x256xi32, #tpu.memory_space<vmem>> -> memref<1x128xi32, #tpu.memory_space<vmem>>
        %dma_start3A_1334 = tpu.memref_squeeze %dma_start3A_1333 : memref<1x128xi32, #tpu.memory_space<vmem>> -> memref<128xi32, #tpu.memory_space<vmem>>
        %dma_start3A_1335 = arith.constant 0 : i32
        %dma_start3A_1336 = arith.constant 0 : i32
        %dma_start3A_1337 = tpu.memref_slice %arg3[%dma_start3A_1335, %dma_start3A_1336] : memref<200000x64xf32, #tpu.memory_space<hbm>> -> memref<200000x64xf32, #tpu.memory_space<hbm>>
        tpu.enqueue_indirect_dma source(%dma_start3A_1337 : memref<200000x64xf32, #tpu.memory_space<hbm>>) target(%dma_start3A_1331 : memref<128x64xf32, #tpu.memory_space<vmem>>) offsets(%dma_start3A_1334 : memref<128xi32, #tpu.memory_space<vmem>>) semaphore(%arg15 : memref<!tpu.dma_semaphore, #tpu.memory_space<semaphore_mem>>)
      } else {
      }
      %ge3A_1012 = arith.constant 2 : i32
      %ge3A_1013 = arith.cmpi sge, %add3A_973, %ge3A_1012 : i32
      %convert_element_type3A_1014 = arith.extui %ge3A_1013 : i1 to i32
      %cond3A_1015 = arith.constant 0 : i32
      %cond3A_1016 = arith.cmpi ne, %convert_element_type3A_1014, %cond3A_1015 : i32
      scf.if %cond3A_1016 {
        %sub3A_1118 = arith.constant 2 : i32
        %sub3A_1119 = arith.subi %add3A_973, %sub3A_1118 : i32
        %mul3A_1120 = arith.constant 2 : i32
        %mul3A_1121 = arith.muli %sub3A_1119, %mul3A_1120 : i32
        %add3A_1122 = arith.addi %mul3A_1121, %select_n3A_30 : i32
        %mul3A_1123 = arith.constant 2 : i32
        %mul3A_1124 = arith.muli %mul3A_1123, %select_n3A : i32
        %dma_wait3A_1125 = arith.constant 1 : i32
        %dma_wait3A_1126 = arith.constant 0 : i32
        %dma_wait3A_1127 = arith.constant 0 : i32
        %dma_wait3A_1128 = arith.constant 0 : i32
        %dma_wait3A_1129 = arith.constant 0 : i32
        %dma_wait3A_1130 = tpu.memref_slice %arg13[%dma_wait3A_1125, %dma_wait3A_1126, %dma_wait3A_1127, %dma_wait3A_1128, %dma_wait3A_1129] : memref<2x8x2x8x128xf32, #tpu.memory_space<vmem>> -> memref<1x8x2x8x128xf32, #tpu.memory_space<vmem>>
        %dma_wait3A_1131 = tpu.memref_squeeze %dma_wait3A_1130 : memref<1x8x2x8x128xf32, #tpu.memory_space<vmem>> -> memref<8x2x8x128xf32, #tpu.memory_space<vmem>>
        %dma_wait3A_1132 = arith.constant 0 : i32
        %dma_wait3A_1133 = arith.constant 0 : i32
        %dma_wait3A_1134 = arith.constant 0 : i32
        %dma_wait3A_1135 = tpu.memref_slice %arg5[%add3A_1122, %dma_wait3A_1132, %mul3A_1124, %dma_wait3A_1133, %dma_wait3A_1134] : memref<200x8x32x8x128xf32, #tpu.memory_space<hbm>> -> memref<1x8x2x8x128xf32, #tpu.memory_space<hbm>>
        %dma_wait3A_1136 = tpu.memref_squeeze %dma_wait3A_1135 : memref<1x8x2x8x128xf32, #tpu.memory_space<hbm>> -> memref<8x2x8x128xf32, #tpu.memory_space<hbm>>
        %dma_wait3A_1137 = arith.constant 0 : i32
        %dma_wait3A_1138 = arith.constant 0 : i32
        %dma_wait3A_1139 = arith.constant 0 : i32
        %dma_wait3A_1140 = tpu.memref_slice %arg5[%add3A_1122, %dma_wait3A_1137, %mul3A_1124, %dma_wait3A_1138, %dma_wait3A_1139] : memref<200x8x32x8x128xf32, #tpu.memory_space<hbm>> -> memref<1x8x2x8x128xf32, #tpu.memory_space<hbm>>
        %dma_wait3A_1141 = tpu.memref_squeeze %dma_wait3A_1140 : memref<1x8x2x8x128xf32, #tpu.memory_space<hbm>> -> memref<8x2x8x128xf32, #tpu.memory_space<hbm>>
        %dma_wait3A_1142 = arith.constant 0 : i32
        %dma_wait3A_1143 = arith.constant 0 : i32
        %dma_wait3A_1144 = arith.constant 0 : i32
        %dma_wait3A_1145 = arith.constant 0 : i32
        %dma_wait3A_1146 = tpu.memref_slice %arg13[%dma_wait3A_1125, %dma_wait3A_1142, %dma_wait3A_1143, %dma_wait3A_1144, %dma_wait3A_1145] : memref<2x8x2x8x128xf32, #tpu.memory_space<vmem>> -> memref<1x8x2x8x128xf32, #tpu.memory_space<vmem>>
        %dma_wait3A_1147 = tpu.memref_squeeze %dma_wait3A_1146 : memref<1x8x2x8x128xf32, #tpu.memory_space<vmem>> -> memref<8x2x8x128xf32, #tpu.memory_space<vmem>>
        tpu.wait_dma2 semaphore(%arg18 : memref<!tpu.dma_semaphore, #tpu.memory_space<semaphore_mem>>) src(%dma_wait3A_1147 : memref<8x2x8x128xf32, #tpu.memory_space<vmem>>) dst(%dma_wait3A_1141 : memref<8x2x8x128xf32, #tpu.memory_space<hbm>>)
      } else {
      }
      %mul3A_1017 = arith.constant 2 : i32
      %mul3A_1018 = arith.muli %add3A_973, %mul3A_1017 : i32
      %add3A_1019 = arith.addi %mul3A_1018, %select_n3A_30 : i32
      %broadcast_in_dim3A_1020 = vector.broadcast %add3A_1019 : i32 to vector<16xi32>
      %get3A_1021 = arith.constant 0 : i32
      %get3A_1022 = arith.index_cast %get3A_1021 : i32 to index
      %get3A_1023 = arith.constant 0 : index
      %get3A_1024 = tpu.vector_load %arg8[%get3A_1022, %get3A_1023] {strides = array<i32>} : memref<16x16xi32, #tpu.memory_space<vmem>>, vector<16xi32>,
      %get3A_1025 = arith.constant 1 : i32
      %get3A_1026 = arith.index_cast %get3A_1025 : i32 to index
      %get3A_1027 = arith.constant 0 : index
      %get3A_1028 = tpu.vector_load %arg8[%get3A_1026, %get3A_1027] {strides = array<i32>} : memref<16x16xi32, #tpu.memory_space<vmem>>, vector<16xi32>,
      %get3A_1029 = arith.constant 2 : i32
      %get3A_1030 = arith.index_cast %get3A_1029 : i32 to index
      %get3A_1031 = arith.constant 0 : index
      %get3A_1032 = tpu.vector_load %arg8[%get3A_1030, %get3A_1031] {strides = array<i32>} : memref<16x16xi32, #tpu.memory_space<vmem>>, vector<16xi32>,
      %get3A_1033 = arith.constant 3 : i32
      %get3A_1034 = arith.index_cast %get3A_1033 : i32 to index
      %get3A_1035 = arith.constant 0 : index
      %get3A_1036 = tpu.vector_load %arg8[%get3A_1034, %get3A_1035] {strides = array<i32>} : memref<16x16xi32, #tpu.memory_space<vmem>>, vector<16xi32>,
      %get3A_1037 = arith.constant 4 : i32
      %get3A_1038 = arith.index_cast %get3A_1037 : i32 to index
      %get3A_1039 = arith.constant 0 : index
      %get3A_1040 = tpu.vector_load %arg8[%get3A_1038, %get3A_1039] {strides = array<i32>} : memref<16x16xi32, #tpu.memory_space<vmem>>, vector<16xi32>,
      %get3A_1041 = arith.constant 5 : i32
      %get3A_1042 = arith.index_cast %get3A_1041 : i32 to index
      %get3A_1043 = arith.constant 0 : index
      %get3A_1044 = tpu.vector_load %arg8[%get3A_1042, %get3A_1043] {strides = array<i32>} : memref<16x16xi32, #tpu.memory_space<vmem>>, vector<16xi32>,
      %get3A_1045 = arith.constant 6 : i32
      %get3A_1046 = arith.index_cast %get3A_1045 : i32 to index
      %get3A_1047 = arith.constant 0 : index
      %get3A_1048 = tpu.vector_load %arg8[%get3A_1046, %get3A_1047] {strides = array<i32>} : memref<16x16xi32, #tpu.memory_space<vmem>>, vector<16xi32>,
      %get3A_1049 = arith.constant 7 : i32
      %get3A_1050 = arith.index_cast %get3A_1049 : i32 to index
      %get3A_1051 = arith.constant 0 : index
      %get3A_1052 = tpu.vector_load %arg8[%get3A_1050, %get3A_1051] {strides = array<i32>} : memref<16x16xi32, #tpu.memory_space<vmem>>, vector<16xi32>,
      %get3A_1053 = arith.constant 8 : i32
      %get3A_1054 = arith.index_cast %get3A_1053 : i32 to index
      %get3A_1055 = arith.constant 0 : index
      %get3A_1056 = tpu.vector_load %arg8[%get3A_1054, %get3A_1055] {strides = array<i32>} : memref<16x16xi32, #tpu.memory_space<vmem>>, vector<16xi32>,
      %get3A_1057 = arith.constant 9 : i32
      %get3A_1058 = arith.index_cast %get3A_1057 : i32 to index
      %get3A_1059 = arith.constant 0 : index
      %get3A_1060 = tpu.vector_load %arg8[%get3A_1058, %get3A_1059] {strides = array<i32>} : memref<16x16xi32, #tpu.memory_space<vmem>>, vector<16xi32>,
      %get3A_1061 = arith.constant 10 : i32
      %get3A_1062 = arith.index_cast %get3A_1061 : i32 to index
      %get3A_1063 = arith.constant 0 : index
      %get3A_1064 = tpu.vector_load %arg8[%get3A_1062, %get3A_1063] {strides = array<i32>} : memref<16x16xi32, #tpu.memory_space<vmem>>, vector<16xi32>,
      %get3A_1065 = arith.constant 11 : i32
      %get3A_1066 = arith.index_cast %get3A_1065 : i32 to index
      %get3A_1067 = arith.constant 0 : index
      %get3A_1068 = tpu.vector_load %arg8[%get3A_1066, %get3A_1067] {strides = array<i32>} : memref<16x16xi32, #tpu.memory_space<vmem>>, vector<16xi32>,
      %get3A_1069 = arith.constant 12 : i32
      %get3A_1070 = arith.index_cast %get3A_1069 : i32 to index
      %get3A_1071 = arith.constant 0 : index
      %get3A_1072 = tpu.vector_load %arg8[%get3A_1070, %get3A_1071] {strides = array<i32>} : memref<16x16xi32, #tpu.memory_space<vmem>>, vector<16xi32>,
      %get3A_1073 = arith.constant 13 : i32
      %get3A_1074 = arith.index_cast %get3A_1073 : i32 to index
      %get3A_1075 = arith.constant 0 : index
      %get3A_1076 = tpu.vector_load %arg8[%get3A_1074, %get3A_1075] {strides = array<i32>} : memref<16x16xi32, #tpu.memory_space<vmem>>, vector<16xi32>,
      %get3A_1077 = arith.constant 14 : i32
      %get3A_1078 = arith.index_cast %get3A_1077 : i32 to index
      %get3A_1079 = arith.constant 0 : index
      %get3A_1080 = tpu.vector_load %arg8[%get3A_1078, %get3A_1079] {strides = array<i32>} : memref<16x16xi32, #tpu.memory_space<vmem>>, vector<16xi32>,
      %get3A_1081 = arith.constant 15 : i32
      %get3A_1082 = arith.index_cast %get3A_1081 : i32 to index
      %get3A_1083 = arith.constant 0 : index
      %get3A_1084 = tpu.vector_load %arg8[%get3A_1082, %get3A_1083] {strides = array<i32>} : memref<16x16xi32, #tpu.memory_space<vmem>>, vector<16xi32>,
      %parallel_loop3A_1085 = arith.constant 0 : i32
      %parallel_loop3A_1086 = arith.constant 64 : i32
      %parallel_loop3A_1087 = arith.constant 1 : i32
      %parallel_loop3A_1088 = arith.constant 1 : i32
      %parallel_loop3A_1089 = arith.constant 1 : i32
      scf.for %parallel_loop3A_1118 = %parallel_loop3A_1085 to %parallel_loop3A_1086 step %parallel_loop3A_1087  : i32 {
        %parallel_loop3A_1119 = arith.constant 16 : i32
        %parallel_loop3A_1120 = arith.remsi %parallel_loop3A_1118, %parallel_loop3A_1119 : i32
        %parallel_loop3A_1121 = arith.constant 16 : i32
        %parallel_loop3A_1122 = arith.divsi %parallel_loop3A_1118, %parallel_loop3A_1121 : i32
        %parallel_loop3A_1123 = arith.index_cast %parallel_loop3A_1120 : i32 to index
        %parallel_loop3A_1124 = arith.constant 0 : index
        %parallel_loop3A_1125 = tpu.vector_load %arg9[%parallel_loop3A_1123, %parallel_loop3A_1124] {strides = array<i32>} : memref<16x16xi32, #tpu.memory_space<vmem>>, vector<16xi32>,
        %parallel_loop3A_1126 = arith.constant 16 : i32
        %parallel_loop3A_1127 = arith.muli %parallel_loop3A_1122, %parallel_loop3A_1126 : i32
        %parallel_loop3A_1128 = vector.broadcast %parallel_loop3A_1127 : i32 to vector<16xi32>
        %parallel_loop3A_1129 = arith.addi %parallel_loop3A_1125, %parallel_loop3A_1128 : vector<16xi32>
        %parallel_loop3A_1130 = tpu.vector_load_idx %arg7[%broadcast_in_dim3A_1020, %parallel_loop3A_1129] : memref<200x64xf32, #tpu.memory_space<vmem>>[vector<16xi32>, vector<16xi32>], vector<16xf32>,
        %parallel_loop3A_1131 = arith.index_cast %parallel_loop3A_1120 : i32 to index
        %parallel_loop3A_1132 = arith.constant 0 : index
        %parallel_loop3A_1133 = tpu.vector_load %arg10[%parallel_loop3A_1131, %parallel_loop3A_1132] {strides = array<i32>} : memref<16x16xi32, #tpu.memory_space<vmem>>, vector<16xi32>,
        %parallel_loop3A_1134 = arith.constant 2 : i32
        %parallel_loop3A_1135 = arith.muli %parallel_loop3A_1122, %parallel_loop3A_1134 : i32
        %parallel_loop3A_1136 = vector.broadcast %parallel_loop3A_1135 : i32 to vector<16xi32>
        %parallel_loop3A_1137 = arith.addi %parallel_loop3A_1133, %parallel_loop3A_1136 : vector<16xi32>
        %parallel_loop3A_1138 = arith.index_cast %parallel_loop3A_1120 : i32 to index
        %parallel_loop3A_1139 = arith.constant 0 : index
        %parallel_loop3A_1140 = tpu.vector_load %arg11[%parallel_loop3A_1138, %parallel_loop3A_1139] {strides = array<i32>} : memref<16x16xi32, #tpu.memory_space<vmem>>, vector<16xi32>,
        %parallel_loop3A_1141 = arith.constant 0 : i32
        %parallel_loop3A_1142 = arith.constant 0 : i32
        %parallel_loop3A_1143 = tpu.memref_slice %arg12[%parallel_loop3A_1088, %parallel_loop3A_1141, %parallel_loop3A_1142] : memref<2x256x64xf32, #tpu.memory_space<vmem>> -> memref<1x256x64xf32, #tpu.memory_space<vmem>>
        %parallel_loop3A_1144 = tpu.memref_squeeze %parallel_loop3A_1143 : memref<1x256x64xf32, #tpu.memory_space<vmem>> -> memref<256x64xf32, #tpu.memory_space<vmem>>
        %parallel_loop3A_1145 = tpu.vector_load_idx %parallel_loop3A_1144[%get3A_1024, %parallel_loop3A_1129] : memref<256x64xf32, #tpu.memory_space<vmem>>[vector<16xi32>, vector<16xi32>], vector<16xf32>,
        %parallel_loop3A_1146 = arith.constant 0 : i32
        %parallel_loop3A_1147 = vector.broadcast %parallel_loop3A_1146 : i32 to vector<16xi32>
        %parallel_loop3A_1148 = arith.constant 8.000000e+00 : f32
        %parallel_loop3A_1149 = vector.broadcast %parallel_loop3A_1148 : f32 to vector<16xf32>
        %parallel_loop3A_1150 = arith.mulf %parallel_loop3A_1145, %parallel_loop3A_1149 : vector<16xf32>
        %parallel_loop3A_1151 = arith.addf %parallel_loop3A_1150, %parallel_loop3A_1130 : vector<16xf32>
        %parallel_loop3A_1152 = arith.constant 0 : i32
        %parallel_loop3A_1153 = arith.constant 0 : i32
        %parallel_loop3A_1154 = arith.constant 0 : i32
        %parallel_loop3A_1155 = arith.constant 0 : i32
        %parallel_loop3A_1156 = tpu.memref_slice %arg13[%parallel_loop3A_1089, %parallel_loop3A_1152, %parallel_loop3A_1153, %parallel_loop3A_1154, %parallel_loop3A_1155] : memref<2x8x2x8x128xf32, #tpu.memory_space<vmem>> -> memref<1x8x2x8x128xf32, #tpu.memory_space<vmem>>
        %parallel_loop3A_1157 = tpu.memref_squeeze %parallel_loop3A_1156 : memref<1x8x2x8x128xf32, #tpu.memory_space<vmem>> -> memref<8x2x8x128xf32, #tpu.memory_space<vmem>>
        tpu.vector_store_idx %parallel_loop3A_1157[%parallel_loop3A_1137, %parallel_loop3A_1147, %parallel_loop3A_1140, %get3A_1024], %parallel_loop3A_1151 : memref<8x2x8x128xf32, #tpu.memory_space<vmem>>[vector<16xi32>, vector<16xi32>, vector<16xi32>, vector<16xi32>], vector<16xf32>,
        %parallel_loop3A_1158 = arith.constant 0 : i32
        %parallel_loop3A_1159 = arith.constant 0 : i32
        %parallel_loop3A_1160 = tpu.memref_slice %arg12[%parallel_loop3A_1088, %parallel_loop3A_1158, %parallel_loop3A_1159] : memref<2x256x64xf32, #tpu.memory_space<vmem>> -> memref<1x256x64xf32, #tpu.memory_space<vmem>>
        %parallel_loop3A_1161 = tpu.memref_squeeze %parallel_loop3A_1160 : memref<1x256x64xf32, #tpu.memory_space<vmem>> -> memref<256x64xf32, #tpu.memory_space<vmem>>
        %parallel_loop3A_1162 = tpu.vector_load_idx %parallel_loop3A_1161[%get3A_1028, %parallel_loop3A_1129] : memref<256x64xf32, #tpu.memory_space<vmem>>[vector<16xi32>, vector<16xi32>], vector<16xf32>,
        %parallel_loop3A_1163 = arith.constant 0 : i32
        %parallel_loop3A_1164 = vector.broadcast %parallel_loop3A_1163 : i32 to vector<16xi32>
        %parallel_loop3A_1165 = arith.constant 8.000000e+00 : f32
        %parallel_loop3A_1166 = vector.broadcast %parallel_loop3A_1165 : f32 to vector<16xf32>
        %parallel_loop3A_1167 = arith.mulf %parallel_loop3A_1162, %parallel_loop3A_1166 : vector<16xf32>
        %parallel_loop3A_1168 = arith.addf %parallel_loop3A_1167, %parallel_loop3A_1130 : vector<16xf32>
        %parallel_loop3A_1169 = arith.constant 0 : i32
        %parallel_loop3A_1170 = arith.constant 0 : i32
        %parallel_loop3A_1171 = arith.constant 0 : i32
        %parallel_loop3A_1172 = arith.constant 0 : i32
        %parallel_loop3A_1173 = tpu.memref_slice %arg13[%parallel_loop3A_1089, %parallel_loop3A_1169, %parallel_loop3A_1170, %parallel_loop3A_1171, %parallel_loop3A_1172] : memref<2x8x2x8x128xf32, #tpu.memory_space<vmem>> -> memref<1x8x2x8x128xf32, #tpu.memory_space<vmem>>
        %parallel_loop3A_1174 = tpu.memref_squeeze %parallel_loop3A_1173 : memref<1x8x2x8x128xf32, #tpu.memory_space<vmem>> -> memref<8x2x8x128xf32, #tpu.memory_space<vmem>>
        tpu.vector_store_idx %parallel_loop3A_1174[%parallel_loop3A_1137, %parallel_loop3A_1164, %parallel_loop3A_1140, %get3A_1028], %parallel_loop3A_1168 : memref<8x2x8x128xf32, #tpu.memory_space<vmem>>[vector<16xi32>, vector<16xi32>, vector<16xi32>, vector<16xi32>], vector<16xf32>,
        %parallel_loop3A_1175 = arith.constant 0 : i32
        %parallel_loop3A_1176 = arith.constant 0 : i32
        %parallel_loop3A_1177 = tpu.memref_slice %arg12[%parallel_loop3A_1088, %parallel_loop3A_1175, %parallel_loop3A_1176] : memref<2x256x64xf32, #tpu.memory_space<vmem>> -> memref<1x256x64xf32, #tpu.memory_space<vmem>>
        %parallel_loop3A_1178 = tpu.memref_squeeze %parallel_loop3A_1177 : memref<1x256x64xf32, #tpu.memory_space<vmem>> -> memref<256x64xf32, #tpu.memory_space<vmem>>
        %parallel_loop3A_1179 = tpu.vector_load_idx %parallel_loop3A_1178[%get3A_1032, %parallel_loop3A_1129] : memref<256x64xf32, #tpu.memory_space<vmem>>[vector<16xi32>, vector<16xi32>], vector<16xf32>,
        %parallel_loop3A_1180 = arith.constant 0 : i32
        %parallel_loop3A_1181 = vector.broadcast %parallel_loop3A_1180 : i32 to vector<16xi32>
        %parallel_loop3A_1182 = arith.constant 8.000000e+00 : f32
        %parallel_loop3A_1183 = vector.broadcast %parallel_loop3A_1182 : f32 to vector<16xf32>
        %parallel_loop3A_1184 = arith.mulf %parallel_loop3A_1179, %parallel_loop3A_1183 : vector<16xf32>
        %parallel_loop3A_1185 = arith.addf %parallel_loop3A_1184, %parallel_loop3A_1130 : vector<16xf32>
        %parallel_loop3A_1186 = arith.constant 0 : i32
        %parallel_loop3A_1187 = arith.constant 0 : i32
        %parallel_loop3A_1188 = arith.constant 0 : i32
        %parallel_loop3A_1189 = arith.constant 0 : i32
        %parallel_loop3A_1190 = tpu.memref_slice %arg13[%parallel_loop3A_1089, %parallel_loop3A_1186, %parallel_loop3A_1187, %parallel_loop3A_1188, %parallel_loop3A_1189] : memref<2x8x2x8x128xf32, #tpu.memory_space<vmem>> -> memref<1x8x2x8x128xf32, #tpu.memory_space<vmem>>
        %parallel_loop3A_1191 = tpu.memref_squeeze %parallel_loop3A_1190 : memref<1x8x2x8x128xf32, #tpu.memory_space<vmem>> -> memref<8x2x8x128xf32, #tpu.memory_space<vmem>>
        tpu.vector_store_idx %parallel_loop3A_1191[%parallel_loop3A_1137, %parallel_loop3A_1181, %parallel_loop3A_1140, %get3A_1032], %parallel_loop3A_1185 : memref<8x2x8x128xf32, #tpu.memory_space<vmem>>[vector<16xi32>, vector<16xi32>, vector<16xi32>, vector<16xi32>], vector<16xf32>,
        %parallel_loop3A_1192 = arith.constant 0 : i32
        %parallel_loop3A_1193 = arith.constant 0 : i32
        %parallel_loop3A_1194 = tpu.memref_slice %arg12[%parallel_loop3A_1088, %parallel_loop3A_1192, %parallel_loop3A_1193] : memref<2x256x64xf32, #tpu.memory_space<vmem>> -> memref<1x256x64xf32, #tpu.memory_space<vmem>>
        %parallel_loop3A_1195 = tpu.memref_squeeze %parallel_loop3A_1194 : memref<1x256x64xf32, #tpu.memory_space<vmem>> -> memref<256x64xf32, #tpu.memory_space<vmem>>
        %parallel_loop3A_1196 = tpu.vector_load_idx %parallel_loop3A_1195[%get3A_1036, %parallel_loop3A_1129] : memref<256x64xf32, #tpu.memory_space<vmem>>[vector<16xi32>, vector<16xi32>], vector<16xf32>,
        %parallel_loop3A_1197 = arith.constant 0 : i32
        %parallel_loop3A_1198 = vector.broadcast %parallel_loop3A_1197 : i32 to vector<16xi32>
        %parallel_loop3A_1199 = arith.constant 8.000000e+00 : f32
        %parallel_loop3A_1200 = vector.broadcast %parallel_loop3A_1199 : f32 to vector<16xf32>
        %parallel_loop3A_1201 = arith.mulf %parallel_loop3A_1196, %parallel_loop3A_1200 : vector<16xf32>
        %parallel_loop3A_1202 = arith.addf %parallel_loop3A_1201, %parallel_loop3A_1130 : vector<16xf32>
        %parallel_loop3A_1203 = arith.constant 0 : i32
        %parallel_loop3A_1204 = arith.constant 0 : i32
        %parallel_loop3A_1205 = arith.constant 0 : i32
        %parallel_loop3A_1206 = arith.constant 0 : i32
        %parallel_loop3A_1207 = tpu.memref_slice %arg13[%parallel_loop3A_1089, %parallel_loop3A_1203, %parallel_loop3A_1204, %parallel_loop3A_1205, %parallel_loop3A_1206] : memref<2x8x2x8x128xf32, #tpu.memory_space<vmem>> -> memref<1x8x2x8x128xf32, #tpu.memory_space<vmem>>
        %parallel_loop3A_1208 = tpu.memref_squeeze %parallel_loop3A_1207 : memref<1x8x2x8x128xf32, #tpu.memory_space<vmem>> -> memref<8x2x8x128xf32, #tpu.memory_space<vmem>>
        tpu.vector_store_idx %parallel_loop3A_1208[%parallel_loop3A_1137, %parallel_loop3A_1198, %parallel_loop3A_1140, %get3A_1036], %parallel_loop3A_1202 : memref<8x2x8x128xf32, #tpu.memory_space<vmem>>[vector<16xi32>, vector<16xi32>, vector<16xi32>, vector<16xi32>], vector<16xf32>,
        %parallel_loop3A_1209 = arith.constant 0 : i32
        %parallel_loop3A_1210 = arith.constant 0 : i32
        %parallel_loop3A_1211 = tpu.memref_slice %arg12[%parallel_loop3A_1088, %parallel_loop3A_1209, %parallel_loop3A_1210] : memref<2x256x64xf32, #tpu.memory_space<vmem>> -> memref<1x256x64xf32, #tpu.memory_space<vmem>>
        %parallel_loop3A_1212 = tpu.memref_squeeze %parallel_loop3A_1211 : memref<1x256x64xf32, #tpu.memory_space<vmem>> -> memref<256x64xf32, #tpu.memory_space<vmem>>
        %parallel_loop3A_1213 = tpu.vector_load_idx %parallel_loop3A_1212[%get3A_1040, %parallel_loop3A_1129] : memref<256x64xf32, #tpu.memory_space<vmem>>[vector<16xi32>, vector<16xi32>], vector<16xf32>,
        %parallel_loop3A_1214 = arith.constant 0 : i32
        %parallel_loop3A_1215 = vector.broadcast %parallel_loop3A_1214 : i32 to vector<16xi32>
        %parallel_loop3A_1216 = arith.constant 8.000000e+00 : f32
        %parallel_loop3A_1217 = vector.broadcast %parallel_loop3A_1216 : f32 to vector<16xf32>
        %parallel_loop3A_1218 = arith.mulf %parallel_loop3A_1213, %parallel_loop3A_1217 : vector<16xf32>
        %parallel_loop3A_1219 = arith.addf %parallel_loop3A_1218, %parallel_loop3A_1130 : vector<16xf32>
        %parallel_loop3A_1220 = arith.constant 0 : i32
        %parallel_loop3A_1221 = arith.constant 0 : i32
        %parallel_loop3A_1222 = arith.constant 0 : i32
        %parallel_loop3A_1223 = arith.constant 0 : i32
        %parallel_loop3A_1224 = tpu.memref_slice %arg13[%parallel_loop3A_1089, %parallel_loop3A_1220, %parallel_loop3A_1221, %parallel_loop3A_1222, %parallel_loop3A_1223] : memref<2x8x2x8x128xf32, #tpu.memory_space<vmem>> -> memref<1x8x2x8x128xf32, #tpu.memory_space<vmem>>
        %parallel_loop3A_1225 = tpu.memref_squeeze %parallel_loop3A_1224 : memref<1x8x2x8x128xf32, #tpu.memory_space<vmem>> -> memref<8x2x8x128xf32, #tpu.memory_space<vmem>>
        tpu.vector_store_idx %parallel_loop3A_1225[%parallel_loop3A_1137, %parallel_loop3A_1215, %parallel_loop3A_1140, %get3A_1040], %parallel_loop3A_1219 : memref<8x2x8x128xf32, #tpu.memory_space<vmem>>[vector<16xi32>, vector<16xi32>, vector<16xi32>, vector<16xi32>], vector<16xf32>,
        %parallel_loop3A_1226 = arith.constant 0 : i32
        %parallel_loop3A_1227 = arith.constant 0 : i32
        %parallel_loop3A_1228 = tpu.memref_slice %arg12[%parallel_loop3A_1088, %parallel_loop3A_1226, %parallel_loop3A_1227] : memref<2x256x64xf32, #tpu.memory_space<vmem>> -> memref<1x256x64xf32, #tpu.memory_space<vmem>>
        %parallel_loop3A_1229 = tpu.memref_squeeze %parallel_loop3A_1228 : memref<1x256x64xf32, #tpu.memory_space<vmem>> -> memref<256x64xf32, #tpu.memory_space<vmem>>
        %parallel_loop3A_1230 = tpu.vector_load_idx %parallel_loop3A_1229[%get3A_1044, %parallel_loop3A_1129] : memref<256x64xf32, #tpu.memory_space<vmem>>[vector<16xi32>, vector<16xi32>], vector<16xf32>,
        %parallel_loop3A_1231 = arith.constant 0 : i32
        %parallel_loop3A_1232 = vector.broadcast %parallel_loop3A_1231 : i32 to vector<16xi32>
        %parallel_loop3A_1233 = arith.constant 8.000000e+00 : f32
        %parallel_loop3A_1234 = vector.broadcast %parallel_loop3A_1233 : f32 to vector<16xf32>
        %parallel_loop3A_1235 = arith.mulf %parallel_loop3A_1230, %parallel_loop3A_1234 : vector<16xf32>
        %parallel_loop3A_1236 = arith.addf %parallel_loop3A_1235, %parallel_loop3A_1130 : vector<16xf32>
        %parallel_loop3A_1237 = arith.constant 0 : i32
        %parallel_loop3A_1238 = arith.constant 0 : i32
        %parallel_loop3A_1239 = arith.constant 0 : i32
        %parallel_loop3A_1240 = arith.constant 0 : i32
        %parallel_loop3A_1241 = tpu.memref_slice %arg13[%parallel_loop3A_1089, %parallel_loop3A_1237, %parallel_loop3A_1238, %parallel_loop3A_1239, %parallel_loop3A_1240] : memref<2x8x2x8x128xf32, #tpu.memory_space<vmem>> -> memref<1x8x2x8x128xf32, #tpu.memory_space<vmem>>
        %parallel_loop3A_1242 = tpu.memref_squeeze %parallel_loop3A_1241 : memref<1x8x2x8x128xf32, #tpu.memory_space<vmem>> -> memref<8x2x8x128xf32, #tpu.memory_space<vmem>>
        tpu.vector_store_idx %parallel_loop3A_1242[%parallel_loop3A_1137, %parallel_loop3A_1232, %parallel_loop3A_1140, %get3A_1044], %parallel_loop3A_1236 : memref<8x2x8x128xf32, #tpu.memory_space<vmem>>[vector<16xi32>, vector<16xi32>, vector<16xi32>, vector<16xi32>], vector<16xf32>,
        %parallel_loop3A_1243 = arith.constant 0 : i32
        %parallel_loop3A_1244 = arith.constant 0 : i32
        %parallel_loop3A_1245 = tpu.memref_slice %arg12[%parallel_loop3A_1088, %parallel_loop3A_1243, %parallel_loop3A_1244] : memref<2x256x64xf32, #tpu.memory_space<vmem>> -> memref<1x256x64xf32, #tpu.memory_space<vmem>>
        %parallel_loop3A_1246 = tpu.memref_squeeze %parallel_loop3A_1245 : memref<1x256x64xf32, #tpu.memory_space<vmem>> -> memref<256x64xf32, #tpu.memory_space<vmem>>
        %parallel_loop3A_1247 = tpu.vector_load_idx %parallel_loop3A_1246[%get3A_1048, %parallel_loop3A_1129] : memref<256x64xf32, #tpu.memory_space<vmem>>[vector<16xi32>, vector<16xi32>], vector<16xf32>,
        %parallel_loop3A_1248 = arith.constant 0 : i32
        %parallel_loop3A_1249 = vector.broadcast %parallel_loop3A_1248 : i32 to vector<16xi32>
        %parallel_loop3A_1250 = arith.constant 8.000000e+00 : f32
        %parallel_loop3A_1251 = vector.broadcast %parallel_loop3A_1250 : f32 to vector<16xf32>
        %parallel_loop3A_1252 = arith.mulf %parallel_loop3A_1247, %parallel_loop3A_1251 : vector<16xf32>
        %parallel_loop3A_1253 = arith.addf %parallel_loop3A_1252, %parallel_loop3A_1130 : vector<16xf32>
        %parallel_loop3A_1254 = arith.constant 0 : i32
        %parallel_loop3A_1255 = arith.constant 0 : i32
        %parallel_loop3A_1256 = arith.constant 0 : i32
        %parallel_loop3A_1257 = arith.constant 0 : i32
        %parallel_loop3A_1258 = tpu.memref_slice %arg13[%parallel_loop3A_1089, %parallel_loop3A_1254, %parallel_loop3A_1255, %parallel_loop3A_1256, %parallel_loop3A_1257] : memref<2x8x2x8x128xf32, #tpu.memory_space<vmem>> -> memref<1x8x2x8x128xf32, #tpu.memory_space<vmem>>
        %parallel_loop3A_1259 = tpu.memref_squeeze %parallel_loop3A_1258 : memref<1x8x2x8x128xf32, #tpu.memory_space<vmem>> -> memref<8x2x8x128xf32, #tpu.memory_space<vmem>>
        tpu.vector_store_idx %parallel_loop3A_1259[%parallel_loop3A_1137, %parallel_loop3A_1249, %parallel_loop3A_1140, %get3A_1048], %parallel_loop3A_1253 : memref<8x2x8x128xf32, #tpu.memory_space<vmem>>[vector<16xi32>, vector<16xi32>, vector<16xi32>, vector<16xi32>], vector<16xf32>,
        %parallel_loop3A_1260 = arith.constant 0 : i32
        %parallel_loop3A_1261 = arith.constant 0 : i32
        %parallel_loop3A_1262 = tpu.memref_slice %arg12[%parallel_loop3A_1088, %parallel_loop3A_1260, %parallel_loop3A_1261] : memref<2x256x64xf32, #tpu.memory_space<vmem>> -> memref<1x256x64xf32, #tpu.memory_space<vmem>>
        %parallel_loop3A_1263 = tpu.memref_squeeze %parallel_loop3A_1262 : memref<1x256x64xf32, #tpu.memory_space<vmem>> -> memref<256x64xf32, #tpu.memory_space<vmem>>
        %parallel_loop3A_1264 = tpu.vector_load_idx %parallel_loop3A_1263[%get3A_1052, %parallel_loop3A_1129] : memref<256x64xf32, #tpu.memory_space<vmem>>[vector<16xi32>, vector<16xi32>], vector<16xf32>,
        %parallel_loop3A_1265 = arith.constant 0 : i32
        %parallel_loop3A_1266 = vector.broadcast %parallel_loop3A_1265 : i32 to vector<16xi32>
        %parallel_loop3A_1267 = arith.constant 8.000000e+00 : f32
        %parallel_loop3A_1268 = vector.broadcast %parallel_loop3A_1267 : f32 to vector<16xf32>
        %parallel_loop3A_1269 = arith.mulf %parallel_loop3A_1264, %parallel_loop3A_1268 : vector<16xf32>
        %parallel_loop3A_1270 = arith.addf %parallel_loop3A_1269, %parallel_loop3A_1130 : vector<16xf32>
        %parallel_loop3A_1271 = arith.constant 0 : i32
        %parallel_loop3A_1272 = arith.constant 0 : i32
        %parallel_loop3A_1273 = arith.constant 0 : i32
        %parallel_loop3A_1274 = arith.constant 0 : i32
        %parallel_loop3A_1275 = tpu.memref_slice %arg13[%parallel_loop3A_1089, %parallel_loop3A_1271, %parallel_loop3A_1272, %parallel_loop3A_1273, %parallel_loop3A_1274] : memref<2x8x2x8x128xf32, #tpu.memory_space<vmem>> -> memref<1x8x2x8x128xf32, #tpu.memory_space<vmem>>
        %parallel_loop3A_1276 = tpu.memref_squeeze %parallel_loop3A_1275 : memref<1x8x2x8x128xf32, #tpu.memory_space<vmem>> -> memref<8x2x8x128xf32, #tpu.memory_space<vmem>>
        tpu.vector_store_idx %parallel_loop3A_1276[%parallel_loop3A_1137, %parallel_loop3A_1266, %parallel_loop3A_1140, %get3A_1052], %parallel_loop3A_1270 : memref<8x2x8x128xf32, #tpu.memory_space<vmem>>[vector<16xi32>, vector<16xi32>, vector<16xi32>, vector<16xi32>], vector<16xf32>,
        %parallel_loop3A_1277 = arith.constant 0 : i32
        %parallel_loop3A_1278 = arith.constant 0 : i32
        %parallel_loop3A_1279 = tpu.memref_slice %arg12[%parallel_loop3A_1088, %parallel_loop3A_1277, %parallel_loop3A_1278] : memref<2x256x64xf32, #tpu.memory_space<vmem>> -> memref<1x256x64xf32, #tpu.memory_space<vmem>>
        %parallel_loop3A_1280 = tpu.memref_squeeze %parallel_loop3A_1279 : memref<1x256x64xf32, #tpu.memory_space<vmem>> -> memref<256x64xf32, #tpu.memory_space<vmem>>
        %parallel_loop3A_1281 = tpu.vector_load_idx %parallel_loop3A_1280[%get3A_1056, %parallel_loop3A_1129] : memref<256x64xf32, #tpu.memory_space<vmem>>[vector<16xi32>, vector<16xi32>], vector<16xf32>,
        %parallel_loop3A_1282 = arith.constant 1 : i32
        %parallel_loop3A_1283 = vector.broadcast %parallel_loop3A_1282 : i32 to vector<16xi32>
        %parallel_loop3A_1284 = arith.constant 8.000000e+00 : f32
        %parallel_loop3A_1285 = vector.broadcast %parallel_loop3A_1284 : f32 to vector<16xf32>
        %parallel_loop3A_1286 = arith.mulf %parallel_loop3A_1281, %parallel_loop3A_1285 : vector<16xf32>
        %parallel_loop3A_1287 = arith.addf %parallel_loop3A_1286, %parallel_loop3A_1130 : vector<16xf32>
        %parallel_loop3A_1288 = arith.constant 0 : i32
        %parallel_loop3A_1289 = arith.constant 0 : i32
        %parallel_loop3A_1290 = arith.constant 0 : i32
        %parallel_loop3A_1291 = arith.constant 0 : i32
        %parallel_loop3A_1292 = tpu.memref_slice %arg13[%parallel_loop3A_1089, %parallel_loop3A_1288, %parallel_loop3A_1289, %parallel_loop3A_1290, %parallel_loop3A_1291] : memref<2x8x2x8x128xf32, #tpu.memory_space<vmem>> -> memref<1x8x2x8x128xf32, #tpu.memory_space<vmem>>
        %parallel_loop3A_1293 = tpu.memref_squeeze %parallel_loop3A_1292 : memref<1x8x2x8x128xf32, #tpu.memory_space<vmem>> -> memref<8x2x8x128xf32, #tpu.memory_space<vmem>>
        tpu.vector_store_idx %parallel_loop3A_1293[%parallel_loop3A_1137, %parallel_loop3A_1283, %parallel_loop3A_1140, %get3A_1024], %parallel_loop3A_1287 : memref<8x2x8x128xf32, #tpu.memory_space<vmem>>[vector<16xi32>, vector<16xi32>, vector<16xi32>, vector<16xi32>], vector<16xf32>,
        %parallel_loop3A_1294 = arith.constant 0 : i32
        %parallel_loop3A_1295 = arith.constant 0 : i32
        %parallel_loop3A_1296 = tpu.memref_slice %arg12[%parallel_loop3A_1088, %parallel_loop3A_1294, %parallel_loop3A_1295] : memref<2x256x64xf32, #tpu.memory_space<vmem>> -> memref<1x256x64xf32, #tpu.memory_space<vmem>>
        %parallel_loop3A_1297 = tpu.memref_squeeze %parallel_loop3A_1296 : memref<1x256x64xf32, #tpu.memory_space<vmem>> -> memref<256x64xf32, #tpu.memory_space<vmem>>
        %parallel_loop3A_1298 = tpu.vector_load_idx %parallel_loop3A_1297[%get3A_1060, %parallel_loop3A_1129] : memref<256x64xf32, #tpu.memory_space<vmem>>[vector<16xi32>, vector<16xi32>], vector<16xf32>,
        %parallel_loop3A_1299 = arith.constant 1 : i32
        %parallel_loop3A_1300 = vector.broadcast %parallel_loop3A_1299 : i32 to vector<16xi32>
        %parallel_loop3A_1301 = arith.constant 8.000000e+00 : f32
        %parallel_loop3A_1302 = vector.broadcast %parallel_loop3A_1301 : f32 to vector<16xf32>
        %parallel_loop3A_1303 = arith.mulf %parallel_loop3A_1298, %parallel_loop3A_1302 : vector<16xf32>
        %parallel_loop3A_1304 = arith.addf %parallel_loop3A_1303, %parallel_loop3A_1130 : vector<16xf32>
        %parallel_loop3A_1305 = arith.constant 0 : i32
        %parallel_loop3A_1306 = arith.constant 0 : i32
        %parallel_loop3A_1307 = arith.constant 0 : i32
        %parallel_loop3A_1308 = arith.constant 0 : i32
        %parallel_loop3A_1309 = tpu.memref_slice %arg13[%parallel_loop3A_1089, %parallel_loop3A_1305, %parallel_loop3A_1306, %parallel_loop3A_1307, %parallel_loop3A_1308] : memref<2x8x2x8x128xf32, #tpu.memory_space<vmem>> -> memref<1x8x2x8x128xf32, #tpu.memory_space<vmem>>
        %parallel_loop3A_1310 = tpu.memref_squeeze %parallel_loop3A_1309 : memref<1x8x2x8x128xf32, #tpu.memory_space<vmem>> -> memref<8x2x8x128xf32, #tpu.memory_space<vmem>>
        tpu.vector_store_idx %parallel_loop3A_1310[%parallel_loop3A_1137, %parallel_loop3A_1300, %parallel_loop3A_1140, %get3A_1028], %parallel_loop3A_1304 : memref<8x2x8x128xf32, #tpu.memory_space<vmem>>[vector<16xi32>, vector<16xi32>, vector<16xi32>, vector<16xi32>], vector<16xf32>,
        %parallel_loop3A_1311 = arith.constant 0 : i32
        %parallel_loop3A_1312 = arith.constant 0 : i32
        %parallel_loop3A_1313 = tpu.memref_slice %arg12[%parallel_loop3A_1088, %parallel_loop3A_1311, %parallel_loop3A_1312] : memref<2x256x64xf32, #tpu.memory_space<vmem>> -> memref<1x256x64xf32, #tpu.memory_space<vmem>>
        %parallel_loop3A_1314 = tpu.memref_squeeze %parallel_loop3A_1313 : memref<1x256x64xf32, #tpu.memory_space<vmem>> -> memref<256x64xf32, #tpu.memory_space<vmem>>
        %parallel_loop3A_1315 = tpu.vector_load_idx %parallel_loop3A_1314[%get3A_1064, %parallel_loop3A_1129] : memref<256x64xf32, #tpu.memory_space<vmem>>[vector<16xi32>, vector<16xi32>], vector<16xf32>,
        %parallel_loop3A_1316 = arith.constant 1 : i32
        %parallel_loop3A_1317 = vector.broadcast %parallel_loop3A_1316 : i32 to vector<16xi32>
        %parallel_loop3A_1318 = arith.constant 8.000000e+00 : f32
        %parallel_loop3A_1319 = vector.broadcast %parallel_loop3A_1318 : f32 to vector<16xf32>
        %parallel_loop3A_1320 = arith.mulf %parallel_loop3A_1315, %parallel_loop3A_1319 : vector<16xf32>
        %parallel_loop3A_1321 = arith.addf %parallel_loop3A_1320, %parallel_loop3A_1130 : vector<16xf32>
        %parallel_loop3A_1322 = arith.constant 0 : i32
        %parallel_loop3A_1323 = arith.constant 0 : i32
        %parallel_loop3A_1324 = arith.constant 0 : i32
        %parallel_loop3A_1325 = arith.constant 0 : i32
        %parallel_loop3A_1326 = tpu.memref_slice %arg13[%parallel_loop3A_1089, %parallel_loop3A_1322, %parallel_loop3A_1323, %parallel_loop3A_1324, %parallel_loop3A_1325] : memref<2x8x2x8x128xf32, #tpu.memory_space<vmem>> -> memref<1x8x2x8x128xf32, #tpu.memory_space<vmem>>
        %parallel_loop3A_1327 = tpu.memref_squeeze %parallel_loop3A_1326 : memref<1x8x2x8x128xf32, #tpu.memory_space<vmem>> -> memref<8x2x8x128xf32, #tpu.memory_space<vmem>>
        tpu.vector_store_idx %parallel_loop3A_1327[%parallel_loop3A_1137, %parallel_loop3A_1317, %parallel_loop3A_1140, %get3A_1032], %parallel_loop3A_1321 : memref<8x2x8x128xf32, #tpu.memory_space<vmem>>[vector<16xi32>, vector<16xi32>, vector<16xi32>, vector<16xi32>], vector<16xf32>,
        %parallel_loop3A_1328 = arith.constant 0 : i32
        %parallel_loop3A_1329 = arith.constant 0 : i32
        %parallel_loop3A_1330 = tpu.memref_slice %arg12[%parallel_loop3A_1088, %parallel_loop3A_1328, %parallel_loop3A_1329] : memref<2x256x64xf32, #tpu.memory_space<vmem>> -> memref<1x256x64xf32, #tpu.memory_space<vmem>>
        %parallel_loop3A_1331 = tpu.memref_squeeze %parallel_loop3A_1330 : memref<1x256x64xf32, #tpu.memory_space<vmem>> -> memref<256x64xf32, #tpu.memory_space<vmem>>
        %parallel_loop3A_1332 = tpu.vector_load_idx %parallel_loop3A_1331[%get3A_1068, %parallel_loop3A_1129] : memref<256x64xf32, #tpu.memory_space<vmem>>[vector<16xi32>, vector<16xi32>], vector<16xf32>,
        %parallel_loop3A_1333 = arith.constant 1 : i32
        %parallel_loop3A_1334 = vector.broadcast %parallel_loop3A_1333 : i32 to vector<16xi32>
        %parallel_loop3A_1335 = arith.constant 8.000000e+00 : f32
        %parallel_loop3A_1336 = vector.broadcast %parallel_loop3A_1335 : f32 to vector<16xf32>
        %parallel_loop3A_1337 = arith.mulf %parallel_loop3A_1332, %parallel_loop3A_1336 : vector<16xf32>
        %parallel_loop3A_1338 = arith.addf %parallel_loop3A_1337, %parallel_loop3A_1130 : vector<16xf32>
        %parallel_loop3A_1339 = arith.constant 0 : i32
        %parallel_loop3A_1340 = arith.constant 0 : i32
        %parallel_loop3A_1341 = arith.constant 0 : i32
        %parallel_loop3A_1342 = arith.constant 0 : i32
        %parallel_loop3A_1343 = tpu.memref_slice %arg13[%parallel_loop3A_1089, %parallel_loop3A_1339, %parallel_loop3A_1340, %parallel_loop3A_1341, %parallel_loop3A_1342] : memref<2x8x2x8x128xf32, #tpu.memory_space<vmem>> -> memref<1x8x2x8x128xf32, #tpu.memory_space<vmem>>
        %parallel_loop3A_1344 = tpu.memref_squeeze %parallel_loop3A_1343 : memref<1x8x2x8x128xf32, #tpu.memory_space<vmem>> -> memref<8x2x8x128xf32, #tpu.memory_space<vmem>>
        tpu.vector_store_idx %parallel_loop3A_1344[%parallel_loop3A_1137, %parallel_loop3A_1334, %parallel_loop3A_1140, %get3A_1036], %parallel_loop3A_1338 : memref<8x2x8x128xf32, #tpu.memory_space<vmem>>[vector<16xi32>, vector<16xi32>, vector<16xi32>, vector<16xi32>], vector<16xf32>,
        %parallel_loop3A_1345 = arith.constant 0 : i32
        %parallel_loop3A_1346 = arith.constant 0 : i32
        %parallel_loop3A_1347 = tpu.memref_slice %arg12[%parallel_loop3A_1088, %parallel_loop3A_1345, %parallel_loop3A_1346] : memref<2x256x64xf32, #tpu.memory_space<vmem>> -> memref<1x256x64xf32, #tpu.memory_space<vmem>>
        %parallel_loop3A_1348 = tpu.memref_squeeze %parallel_loop3A_1347 : memref<1x256x64xf32, #tpu.memory_space<vmem>> -> memref<256x64xf32, #tpu.memory_space<vmem>>
        %parallel_loop3A_1349 = tpu.vector_load_idx %parallel_loop3A_1348[%get3A_1072, %parallel_loop3A_1129] : memref<256x64xf32, #tpu.memory_space<vmem>>[vector<16xi32>, vector<16xi32>], vector<16xf32>,
        %parallel_loop3A_1350 = arith.constant 1 : i32
        %parallel_loop3A_1351 = vector.broadcast %parallel_loop3A_1350 : i32 to vector<16xi32>
        %parallel_loop3A_1352 = arith.constant 8.000000e+00 : f32
        %parallel_loop3A_1353 = vector.broadcast %parallel_loop3A_1352 : f32 to vector<16xf32>
        %parallel_loop3A_1354 = arith.mulf %parallel_loop3A_1349, %parallel_loop3A_1353 : vector<16xf32>
        %parallel_loop3A_1355 = arith.addf %parallel_loop3A_1354, %parallel_loop3A_1130 : vector<16xf32>
        %parallel_loop3A_1356 = arith.constant 0 : i32
        %parallel_loop3A_1357 = arith.constant 0 : i32
        %parallel_loop3A_1358 = arith.constant 0 : i32
        %parallel_loop3A_1359 = arith.constant 0 : i32
        %parallel_loop3A_1360 = tpu.memref_slice %arg13[%parallel_loop3A_1089, %parallel_loop3A_1356, %parallel_loop3A_1357, %parallel_loop3A_1358, %parallel_loop3A_1359] : memref<2x8x2x8x128xf32, #tpu.memory_space<vmem>> -> memref<1x8x2x8x128xf32, #tpu.memory_space<vmem>>
        %parallel_loop3A_1361 = tpu.memref_squeeze %parallel_loop3A_1360 : memref<1x8x2x8x128xf32, #tpu.memory_space<vmem>> -> memref<8x2x8x128xf32, #tpu.memory_space<vmem>>
        tpu.vector_store_idx %parallel_loop3A_1361[%parallel_loop3A_1137, %parallel_loop3A_1351, %parallel_loop3A_1140, %get3A_1040], %parallel_loop3A_1355 : memref<8x2x8x128xf32, #tpu.memory_space<vmem>>[vector<16xi32>, vector<16xi32>, vector<16xi32>, vector<16xi32>], vector<16xf32>,
        %parallel_loop3A_1362 = arith.constant 0 : i32
        %parallel_loop3A_1363 = arith.constant 0 : i32
        %parallel_loop3A_1364 = tpu.memref_slice %arg12[%parallel_loop3A_1088, %parallel_loop3A_1362, %parallel_loop3A_1363] : memref<2x256x64xf32, #tpu.memory_space<vmem>> -> memref<1x256x64xf32, #tpu.memory_space<vmem>>
        %parallel_loop3A_1365 = tpu.memref_squeeze %parallel_loop3A_1364 : memref<1x256x64xf32, #tpu.memory_space<vmem>> -> memref<256x64xf32, #tpu.memory_space<vmem>>
        %parallel_loop3A_1366 = tpu.vector_load_idx %parallel_loop3A_1365[%get3A_1076, %parallel_loop3A_1129] : memref<256x64xf32, #tpu.memory_space<vmem>>[vector<16xi32>, vector<16xi32>], vector<16xf32>,
        %parallel_loop3A_1367 = arith.constant 1 : i32
        %parallel_loop3A_1368 = vector.broadcast %parallel_loop3A_1367 : i32 to vector<16xi32>
        %parallel_loop3A_1369 = arith.constant 8.000000e+00 : f32
        %parallel_loop3A_1370 = vector.broadcast %parallel_loop3A_1369 : f32 to vector<16xf32>
        %parallel_loop3A_1371 = arith.mulf %parallel_loop3A_1366, %parallel_loop3A_1370 : vector<16xf32>
        %parallel_loop3A_1372 = arith.addf %parallel_loop3A_1371, %parallel_loop3A_1130 : vector<16xf32>
        %parallel_loop3A_1373 = arith.constant 0 : i32
        %parallel_loop3A_1374 = arith.constant 0 : i32
        %parallel_loop3A_1375 = arith.constant 0 : i32
        %parallel_loop3A_1376 = arith.constant 0 : i32
        %parallel_loop3A_1377 = tpu.memref_slice %arg13[%parallel_loop3A_1089, %parallel_loop3A_1373, %parallel_loop3A_1374, %parallel_loop3A_1375, %parallel_loop3A_1376] : memref<2x8x2x8x128xf32, #tpu.memory_space<vmem>> -> memref<1x8x2x8x128xf32, #tpu.memory_space<vmem>>
        %parallel_loop3A_1378 = tpu.memref_squeeze %parallel_loop3A_1377 : memref<1x8x2x8x128xf32, #tpu.memory_space<vmem>> -> memref<8x2x8x128xf32, #tpu.memory_space<vmem>>
        tpu.vector_store_idx %parallel_loop3A_1378[%parallel_loop3A_1137, %parallel_loop3A_1368, %parallel_loop3A_1140, %get3A_1044], %parallel_loop3A_1372 : memref<8x2x8x128xf32, #tpu.memory_space<vmem>>[vector<16xi32>, vector<16xi32>, vector<16xi32>, vector<16xi32>], vector<16xf32>,
        %parallel_loop3A_1379 = arith.constant 0 : i32
        %parallel_loop3A_1380 = arith.constant 0 : i32
        %parallel_loop3A_1381 = tpu.memref_slice %arg12[%parallel_loop3A_1088, %parallel_loop3A_1379, %parallel_loop3A_1380] : memref<2x256x64xf32, #tpu.memory_space<vmem>> -> memref<1x256x64xf32, #tpu.memory_space<vmem>>
        %parallel_loop3A_1382 = tpu.memref_squeeze %parallel_loop3A_1381 : memref<1x256x64xf32, #tpu.memory_space<vmem>> -> memref<256x64xf32, #tpu.memory_space<vmem>>
        %parallel_loop3A_1383 = tpu.vector_load_idx %parallel_loop3A_1382[%get3A_1080, %parallel_loop3A_1129] : memref<256x64xf32, #tpu.memory_space<vmem>>[vector<16xi32>, vector<16xi32>], vector<16xf32>,
        %parallel_loop3A_1384 = arith.constant 1 : i32
        %parallel_loop3A_1385 = vector.broadcast %parallel_loop3A_1384 : i32 to vector<16xi32>
        %parallel_loop3A_1386 = arith.constant 8.000000e+00 : f32
        %parallel_loop3A_1387 = vector.broadcast %parallel_loop3A_1386 : f32 to vector<16xf32>
        %parallel_loop3A_1388 = arith.mulf %parallel_loop3A_1383, %parallel_loop3A_1387 : vector<16xf32>
        %parallel_loop3A_1389 = arith.addf %parallel_loop3A_1388, %parallel_loop3A_1130 : vector<16xf32>
        %parallel_loop3A_1390 = arith.constant 0 : i32
        %parallel_loop3A_1391 = arith.constant 0 : i32
        %parallel_loop3A_1392 = arith.constant 0 : i32
        %parallel_loop3A_1393 = arith.constant 0 : i32
        %parallel_loop3A_1394 = tpu.memref_slice %arg13[%parallel_loop3A_1089, %parallel_loop3A_1390, %parallel_loop3A_1391, %parallel_loop3A_1392, %parallel_loop3A_1393] : memref<2x8x2x8x128xf32, #tpu.memory_space<vmem>> -> memref<1x8x2x8x128xf32, #tpu.memory_space<vmem>>
        %parallel_loop3A_1395 = tpu.memref_squeeze %parallel_loop3A_1394 : memref<1x8x2x8x128xf32, #tpu.memory_space<vmem>> -> memref<8x2x8x128xf32, #tpu.memory_space<vmem>>
        tpu.vector_store_idx %parallel_loop3A_1395[%parallel_loop3A_1137, %parallel_loop3A_1385, %parallel_loop3A_1140, %get3A_1048], %parallel_loop3A_1389 : memref<8x2x8x128xf32, #tpu.memory_space<vmem>>[vector<16xi32>, vector<16xi32>, vector<16xi32>, vector<16xi32>], vector<16xf32>,
        %parallel_loop3A_1396 = arith.constant 0 : i32
        %parallel_loop3A_1397 = arith.constant 0 : i32
        %parallel_loop3A_1398 = tpu.memref_slice %arg12[%parallel_loop3A_1088, %parallel_loop3A_1396, %parallel_loop3A_1397] : memref<2x256x64xf32, #tpu.memory_space<vmem>> -> memref<1x256x64xf32, #tpu.memory_space<vmem>>
        %parallel_loop3A_1399 = tpu.memref_squeeze %parallel_loop3A_1398 : memref<1x256x64xf32, #tpu.memory_space<vmem>> -> memref<256x64xf32, #tpu.memory_space<vmem>>
        %parallel_loop3A_1400 = tpu.vector_load_idx %parallel_loop3A_1399[%get3A_1084, %parallel_loop3A_1129] : memref<256x64xf32, #tpu.memory_space<vmem>>[vector<16xi32>, vector<16xi32>], vector<16xf32>,
        %parallel_loop3A_1401 = arith.constant 1 : i32
        %parallel_loop3A_1402 = vector.broadcast %parallel_loop3A_1401 : i32 to vector<16xi32>
        %parallel_loop3A_1403 = arith.constant 8.000000e+00 : f32
        %parallel_loop3A_1404 = vector.broadcast %parallel_loop3A_1403 : f32 to vector<16xf32>
        %parallel_loop3A_1405 = arith.mulf %parallel_loop3A_1400, %parallel_loop3A_1404 : vector<16xf32>
        %parallel_loop3A_1406 = arith.addf %parallel_loop3A_1405, %parallel_loop3A_1130 : vector<16xf32>
        %parallel_loop3A_1407 = arith.constant 0 : i32
        %parallel_loop3A_1408 = arith.constant 0 : i32
        %parallel_loop3A_1409 = arith.constant 0 : i32
        %parallel_loop3A_1410 = arith.constant 0 : i32
        %parallel_loop3A_1411 = tpu.memref_slice %arg13[%parallel_loop3A_1089, %parallel_loop3A_1407, %parallel_loop3A_1408, %parallel_loop3A_1409, %parallel_loop3A_1410] : memref<2x8x2x8x128xf32, #tpu.memory_space<vmem>> -> memref<1x8x2x8x128xf32, #tpu.memory_space<vmem>>
        %parallel_loop3A_1412 = tpu.memref_squeeze %parallel_loop3A_1411 : memref<1x8x2x8x128xf32, #tpu.memory_space<vmem>> -> memref<8x2x8x128xf32, #tpu.memory_space<vmem>>
        tpu.vector_store_idx %parallel_loop3A_1412[%parallel_loop3A_1137, %parallel_loop3A_1402, %parallel_loop3A_1140, %get3A_1052], %parallel_loop3A_1406 : memref<8x2x8x128xf32, #tpu.memory_space<vmem>>[vector<16xi32>, vector<16xi32>, vector<16xi32>, vector<16xi32>], vector<16xf32>,
      } {sc.loop_unroll_factor = 1 : i64, sc.parallel_access}
      %mul3A_1090 = arith.constant 2 : i32
      %mul3A_1091 = arith.muli %add3A_973, %mul3A_1090 : i32
      %add3A_1092 = arith.addi %mul3A_1091, %select_n3A_30 : i32
      %mul3A_1093 = arith.constant 2 : i32
      %mul3A_1094 = arith.muli %mul3A_1093, %select_n3A : i32
      %dma_start3A_1095 = arith.constant 1 : i32
      %dma_start3A_1096 = arith.constant 0 : i32
      %dma_start3A_1097 = arith.constant 0 : i32
      %dma_start3A_1098 = arith.constant 0 : i32
      %dma_start3A_1099 = arith.constant 0 : i32
      %dma_start3A_1100 = tpu.memref_slice %arg13[%dma_start3A_1095, %dma_start3A_1096, %dma_start3A_1097, %dma_start3A_1098, %dma_start3A_1099] : memref<2x8x2x8x128xf32, #tpu.memory_space<vmem>> -> memref<1x8x2x8x128xf32, #tpu.memory_space<vmem>>
      %dma_start3A_1101 = tpu.memref_squeeze %dma_start3A_1100 : memref<1x8x2x8x128xf32, #tpu.memory_space<vmem>> -> memref<8x2x8x128xf32, #tpu.memory_space<vmem>>
      %dma_start3A_1102 = arith.constant 0 : i32
      %dma_start3A_1103 = arith.constant 0 : i32
      %dma_start3A_1104 = arith.constant 0 : i32
      %dma_start3A_1105 = tpu.memref_slice %arg5[%add3A_1092, %dma_start3A_1102, %mul3A_1094, %dma_start3A_1103, %dma_start3A_1104] : memref<200x8x32x8x128xf32, #tpu.memory_space<hbm>> -> memref<1x8x2x8x128xf32, #tpu.memory_space<hbm>>
      %dma_start3A_1106 = tpu.memref_squeeze %dma_start3A_1105 : memref<1x8x2x8x128xf32, #tpu.memory_space<hbm>> -> memref<8x2x8x128xf32, #tpu.memory_space<hbm>>
      %dma_start3A_1107 = arith.constant 0 : i32
      %dma_start3A_1108 = arith.constant 0 : i32
      %dma_start3A_1109 = arith.constant 0 : i32
      %dma_start3A_1110 = tpu.memref_slice %arg5[%add3A_1092, %dma_start3A_1107, %mul3A_1094, %dma_start3A_1108, %dma_start3A_1109] : memref<200x8x32x8x128xf32, #tpu.memory_space<hbm>> -> memref<1x8x2x8x128xf32, #tpu.memory_space<hbm>>
      %dma_start3A_1111 = tpu.memref_squeeze %dma_start3A_1110 : memref<1x8x2x8x128xf32, #tpu.memory_space<hbm>> -> memref<8x2x8x128xf32, #tpu.memory_space<hbm>>
      %dma_start3A_1112 = arith.constant 0 : i32
      %dma_start3A_1113 = arith.constant 0 : i32
      %dma_start3A_1114 = arith.constant 0 : i32
      %dma_start3A_1115 = arith.constant 0 : i32
      %dma_start3A_1116 = tpu.memref_slice %arg13[%dma_start3A_1095, %dma_start3A_1112, %dma_start3A_1113, %dma_start3A_1114, %dma_start3A_1115] : memref<2x8x2x8x128xf32, #tpu.memory_space<vmem>> -> memref<1x8x2x8x128xf32, #tpu.memory_space<vmem>>
      %dma_start3A_1117 = tpu.memref_squeeze %dma_start3A_1116 : memref<1x8x2x8x128xf32, #tpu.memory_space<vmem>> -> memref<8x2x8x128xf32, #tpu.memory_space<vmem>>
      tpu.enqueue_dma source(%dma_start3A_1117 : memref<8x2x8x128xf32, #tpu.memory_space<vmem>>) target(%dma_start3A_1111 : memref<8x2x8x128xf32, #tpu.memory_space<hbm>>) target_semaphore(%arg18 : memref<!tpu.dma_semaphore, #tpu.memory_space<semaphore_mem>>)
    }
    %scan3A_770 = arith.constant 50 : i32
    %add3A_771 = arith.constant 196 : i32
    %add3A_772 = arith.addi %add3A_771, %select_n3A_30 : i32
    %mul3A_773 = arith.constant 2 : i32
    %mul3A_774 = arith.muli %mul3A_773, %select_n3A : i32
    %dma_wait3A_775 = arith.constant 0 : i32
    %dma_wait3A_776 = arith.constant 0 : i32
    %dma_wait3A_777 = arith.constant 0 : i32
    %dma_wait3A_778 = arith.constant 0 : i32
    %dma_wait3A_779 = arith.constant 0 : i32
    %dma_wait3A_780 = tpu.memref_slice %arg13[%dma_wait3A_775, %dma_wait3A_776, %dma_wait3A_777, %dma_wait3A_778, %dma_wait3A_779] : memref<2x8x2x8x128xf32, #tpu.memory_space<vmem>> -> memref<1x8x2x8x128xf32, #tpu.memory_space<vmem>>
    %dma_wait3A_781 = tpu.memref_squeeze %dma_wait3A_780 : memref<1x8x2x8x128xf32, #tpu.memory_space<vmem>> -> memref<8x2x8x128xf32, #tpu.memory_space<vmem>>
    %dma_wait3A_782 = arith.constant 0 : i32
    %dma_wait3A_783 = arith.constant 0 : i32
    %dma_wait3A_784 = arith.constant 0 : i32
    %dma_wait3A_785 = tpu.memref_slice %arg5[%add3A_772, %dma_wait3A_782, %mul3A_774, %dma_wait3A_783, %dma_wait3A_784] : memref<200x8x32x8x128xf32, #tpu.memory_space<hbm>> -> memref<1x8x2x8x128xf32, #tpu.memory_space<hbm>>
    %dma_wait3A_786 = tpu.memref_squeeze %dma_wait3A_785 : memref<1x8x2x8x128xf32, #tpu.memory_space<hbm>> -> memref<8x2x8x128xf32, #tpu.memory_space<hbm>>
    %dma_wait3A_787 = arith.constant 0 : i32
    %dma_wait3A_788 = arith.constant 0 : i32
    %dma_wait3A_789 = arith.constant 0 : i32
    %dma_wait3A_790 = tpu.memref_slice %arg5[%add3A_772, %dma_wait3A_787, %mul3A_774, %dma_wait3A_788, %dma_wait3A_789] : memref<200x8x32x8x128xf32, #tpu.memory_space<hbm>> -> memref<1x8x2x8x128xf32, #tpu.memory_space<hbm>>
    %dma_wait3A_791 = tpu.memref_squeeze %dma_wait3A_790 : memref<1x8x2x8x128xf32, #tpu.memory_space<hbm>> -> memref<8x2x8x128xf32, #tpu.memory_space<hbm>>
    %dma_wait3A_792 = arith.constant 0 : i32
    %dma_wait3A_793 = arith.constant 0 : i32
    %dma_wait3A_794 = arith.constant 0 : i32
    %dma_wait3A_795 = arith.constant 0 : i32
    %dma_wait3A_796 = tpu.memref_slice %arg13[%dma_wait3A_775, %dma_wait3A_792, %dma_wait3A_793, %dma_wait3A_794, %dma_wait3A_795] : memref<2x8x2x8x128xf32, #tpu.memory_space<vmem>> -> memref<1x8x2x8x128xf32, #tpu.memory_space<vmem>>
    %dma_wait3A_797 = tpu.memref_squeeze %dma_wait3A_796 : memref<1x8x2x8x128xf32, #tpu.memory_space<vmem>> -> memref<8x2x8x128xf32, #tpu.memory_space<vmem>>
    tpu.wait_dma2 semaphore(%arg17 : memref<!tpu.dma_semaphore, #tpu.memory_space<semaphore_mem>>) src(%dma_wait3A_797 : memref<8x2x8x128xf32, #tpu.memory_space<vmem>>) dst(%dma_wait3A_791 : memref<8x2x8x128xf32, #tpu.memory_space<hbm>>)
    %add3A_798 = arith.constant 198 : i32
    %add3A_799 = arith.addi %add3A_798, %select_n3A_30 : i32
    %mul3A_800 = arith.constant 2 : i32
    %mul3A_801 = arith.muli %mul3A_800, %select_n3A : i32
    %dma_wait3A_802 = arith.constant 1 : i32
    %dma_wait3A_803 = arith.constant 0 : i32
    %dma_wait3A_804 = arith.constant 0 : i32
    %dma_wait3A_805 = arith.constant 0 : i32
    %dma_wait3A_806 = arith.constant 0 : i32
    %dma_wait3A_807 = tpu.memref_slice %arg13[%dma_wait3A_802, %dma_wait3A_803, %dma_wait3A_804, %dma_wait3A_805, %dma_wait3A_806] : memref<2x8x2x8x128xf32, #tpu.memory_space<vmem>> -> memref<1x8x2x8x128xf32, #tpu.memory_space<vmem>>
    %dma_wait3A_808 = tpu.memref_squeeze %dma_wait3A_807 : memref<1x8x2x8x128xf32, #tpu.memory_space<vmem>> -> memref<8x2x8x128xf32, #tpu.memory_space<vmem>>
    %dma_wait3A_809 = arith.constant 0 : i32
    %dma_wait3A_810 = arith.constant 0 : i32
    %dma_wait3A_811 = arith.constant 0 : i32
    %dma_wait3A_812 = tpu.memref_slice %arg5[%add3A_799, %dma_wait3A_809, %mul3A_801, %dma_wait3A_810, %dma_wait3A_811] : memref<200x8x32x8x128xf32, #tpu.memory_space<hbm>> -> memref<1x8x2x8x128xf32, #tpu.memory_space<hbm>>
    %dma_wait3A_813 = tpu.memref_squeeze %dma_wait3A_812 : memref<1x8x2x8x128xf32, #tpu.memory_space<hbm>> -> memref<8x2x8x128xf32, #tpu.memory_space<hbm>>
    %dma_wait3A_814 = arith.constant 0 : i32
    %dma_wait3A_815 = arith.constant 0 : i32
    %dma_wait3A_816 = arith.constant 0 : i32
    %dma_wait3A_817 = tpu.memref_slice %arg5[%add3A_799, %dma_wait3A_814, %mul3A_801, %dma_wait3A_815, %dma_wait3A_816] : memref<200x8x32x8x128xf32, #tpu.memory_space<hbm>> -> memref<1x8x2x8x128xf32, #tpu.memory_space<hbm>>
    %dma_wait3A_818 = tpu.memref_squeeze %dma_wait3A_817 : memref<1x8x2x8x128xf32, #tpu.memory_space<hbm>> -> memref<8x2x8x128xf32, #tpu.memory_space<hbm>>
    %dma_wait3A_819 = arith.constant 0 : i32
    %dma_wait3A_820 = arith.constant 0 : i32
    %dma_wait3A_821 = arith.constant 0 : i32
    %dma_wait3A_822 = arith.constant 0 : i32
    %dma_wait3A_823 = tpu.memref_slice %arg13[%dma_wait3A_802, %dma_wait3A_819, %dma_wait3A_820, %dma_wait3A_821, %dma_wait3A_822] : memref<2x8x2x8x128xf32, #tpu.memory_space<vmem>> -> memref<1x8x2x8x128xf32, #tpu.memory_space<vmem>>
    %dma_wait3A_824 = tpu.memref_squeeze %dma_wait3A_823 : memref<1x8x2x8x128xf32, #tpu.memory_space<vmem>> -> memref<8x2x8x128xf32, #tpu.memory_space<vmem>>
    tpu.wait_dma2 semaphore(%arg18 : memref<!tpu.dma_semaphore, #tpu.memory_space<semaphore_mem>>) src(%dma_wait3A_824 : memref<8x2x8x128xf32, #tpu.memory_space<vmem>>) dst(%dma_wait3A_818 : memref<8x2x8x128xf32, #tpu.memory_space<hbm>>)
    return
  }
}

</mosaic_0001>

<sc_bundles>
// kernel: kernel.3.cloned.1.call-start
scs
__scs_entry_jumppad:
0x0: {  	(pc) =	sbr.rel $0x88, $3  }
0x1: {  	(tag) =	ssettag $0x0;
	lr =	simm.s32 $0x1  }
0x2: {  	[smem:$0x3F9E] =	sst lr;
	_ =	strace $0xD0000000  }
0x3: {  	_ = 	snop  }
0x4: {  	_ = 	snop  }
0x5: {  	_ = 	snop  }
0x6: {  	_ = 	snop  }
0x7: {  	_ = 	snop  }
__scs_overlays_trampoline_lowered:
0x8: {  	[smem:$0x3FAD] =	sst s0  }
0x9: {  	[smem:$0x3FAE] =	sst s1  }
0xa: {  	[smem:$0x3FAF] =	sst s2  }
0xb: {  	[smem:$0x3FB0] =	sst s3  }
0xc: {  	[smem:$0x3FB1] =	sst s4  }
0xd: {  	[smem:$0x3FB2] =	sst s5  }
0xe: {  	[smem:$0x3FB3] =	sst s6  }
0xf: {  	[smem:$0x3FB4] =	sst s7  }
0x10: {  	[smem:$0x3FB5] =	sst s8  }
0x11: {  	[smem:$0x3FB6] =	sst s9;
	s0 =	simm.s32 @!p0 $0x0  }
0x12: {  	s1 =	sld [smem:$0x3F9C];
	s0 =	simm.s32 @p0 $0x1  }
0x13: {  	[smem:$0x3FB7] =	sst s0;
	s0 =	simm.s32 @!p1 $0x0  }
0x14: {  	s2 =	sld [smem:$0x3F9B];
	s0 =	simm.s32 @p1 $0x1  }
0x15: {  	[smem:$0x3FB8] =	sst s0;
	s0 =	simm.s32 @!p2 $0x0  }
0x16: {  	s3 =	sld [smem:$0x3FDB];
	s0 =	simm.s32 @p2 $0x1  }
0x17: {  	s4 =	simm.s32 $0x1BF5;
	[smem:$0x3FBA] =	sst s0  }
0x18: {  	s0 =	sld [smem:$0x3F9D];
	_ =	swait.ge [sflag:s4], $0x0  }
0x19: {  	s7 =	sld [smem:$0x3F9E]  }
0x1a: {  	s8 =	sadd.s32 $0xFFFFE003, lr  }
0x1b: {  	s9 =	sadd.s32 $0xFFFFFEF7, lr;
	s5 =	simm.s32 $0xFFFFFFFF;
	p2 =	slt.u32 s8, $0xFFFFF086  }
0x1c: {  	p1 =	slt.u32 s9, $0xF7A;
	s5 =	simm.s32 @!p2 $0x0  }
0x1d: {  	s5 =	simm.s32 @p1 $0x1;
	p0 =	seq.s32 s7, s2  }
0x1e: {  	s7 =	smul.u32 @!p0 $0xF7A, s2;
	p2 =	seq.s32 @!p0 s5, $0x0  }
0x1f: {  	s9 =	smul.u32 $0xF7A, s1;
	s8 =	simm.s32 @!p0 $0x1BF5;
	p2 =	por !p2, p0  }
0x20: {  	[sflag:s8] =	ssyncset.s32 @!p0 $0xFFFFF086;
	s6 =	sadd.s32 @!p0 s3, s7;
	s7 =	simm.s32 @!p0 $0x108  }
0x21: {  	s3 =	sadd.s32 s3, s9;
	s6 =	sadd.s32 @!p0 $0x88, s6;
	s7 =	simm.s32 @p2 $0x1082  }
0x22: {  	[simem:s7], [sflag:s8] =	dma.local @!p0 [hbm:s6], $0xF7A  }
0x23: {  	s9 =	sor.u32 $0xD0000000, s2;
	s6 =	simm.s32 $0x108;
	_ =	swait.ge @!p0 [sflag:s8], $0x0  }
0x24: {  	s3 =	sadd.s32 $0x88, s3;
	s6 =	simm.s32 @!p1 $0x1082;
	[sflag:s4] =	ssyncset.s32 $0xFFFFF086  }
0x25: {  	[simem:s6], [sflag:s4] =	dma.local [hbm:s3], $0xF7A  }
0x26: {  	[smem:$0x3F9E] =	sst s1;
	(tag) =	ssettag s2;
	_ =	strace s9  }
0x27: {  	s1 =	sld [smem:$0x3FAE]  }
0x28: {  	s2 =	sld [smem:$0x3FAF]  }
0x29: {  	s4 =	sld [smem:$0x3FB1]  }
0x2a: {  	p0 =	seq.s32 s5, $0x0;
	s5 =	sld [smem:$0x3FB2]  }
0x2b: {  	s6 =	sld [smem:$0x3FB3]  }
0x2c: {  	s7 =	sld [smem:$0x3FB4]  }
0x2d: {  	s3 =	simm.s32 $0x108;
	s8 =	sld [smem:$0x3FB5]  }
0x2e: {  	s3 =	simm.s32 @!p0 $0x1082;
	s9 =	sld [smem:$0x3FB6]  }
0x2f: {  	lr =	sadd.s32 s0, s3;
	s0 =	sld [smem:$0x3FAD]  }
0x30: {  	s3 =	sld [smem:$0x3FB0]  }
0x31: {  	[smem:$0x3FB9] =	sst s10  }
0x32: {  	s10 =	sld [smem:$0x3FB7];
	_ =	sdelay $0x3  }
0x33: {  	p0 =	seq.s32 s10, $0x1;
	s10 =	sld [smem:$0x3FB9];
	_ =	sdelay $0x3  }
0x34: {  	[smem:$0x3FB9] =	sst s10  }
0x35: {  	s10 =	sld [smem:$0x3FB8];
	_ =	sdelay $0x3  }
0x36: {  	p1 =	seq.s32 s10, $0x1;
	s10 =	sld [smem:$0x3FB9];
	_ =	sdelay $0x3  }
0x37: {  	[smem:$0x3FB9] =	sst s10  }
0x38: {  	s10 =	sld [smem:$0x3FBA]  }
0x39: {  	_ = 	snop;
	(pc) =	sbr.ind lr, $3  }
0x3a: {  	_ = 	snop  }
0x3b: {  	_ = 	snop  }
0x3c: {  	p2 =	seq.s32 s10, $0x1;
	s10 =	sld [smem:$0x3FB9]  }
0x3d: {  	_ =	shalt  }
0x3e: {  	_ =	shalt  }
0x3f: {  	_ =	shalt  }
0x40: {  	_ =	shalt  }
0x41: {  	_ =	shalt  }
0x42: {  	_ =	shalt  }
0x43: {  	_ =	shalt  }
0x44: {  	_ =	shalt  }
0x45: {  	_ =	shalt  }
0x46: {  	_ =	shalt  }
0x47: {  	_ =	shalt  }
0x48: {  	_ =	shalt  }
0x49: {  	_ =	shalt  }
0x4a: {  	_ =	shalt  }
0x4b: {  	_ =	shalt  }
0x4c: {  	_ =	shalt  }
0x4d: {  	_ =	shalt  }
0x4e: {  	_ =	shalt  }
0x4f: {  	_ =	shalt  }
0x50: {  	_ =	shalt  }
0x51: {  	_ =	shalt  }
0x52: {  	_ =	shalt  }
0x53: {  	_ =	shalt  }
0x54: {  	_ =	shalt  }
0x55: {  	_ =	shalt  }
0x56: {  	_ =	shalt  }
0x57: {  	_ =	shalt  }
0x58: {  	_ =	shalt  }
0x59: {  	_ =	shalt  }
0x5a: {  	_ =	shalt  }
0x5b: {  	_ =	shalt  }
0x5c: {  	_ =	shalt  }
0x5d: {  	_ =	shalt  }
0x5e: {  	_ =	shalt  }
0x5f: {  	_ =	shalt  }
0x60: {  	_ =	shalt  }
0x61: {  	_ =	shalt  }
0x62: {  	_ =	shalt  }
0x63: {  	_ =	shalt  }
0x64: {  	_ =	shalt  }
0x65: {  	_ =	shalt  }
0x66: {  	_ =	shalt  }
0x67: {  	_ =	shalt  }
0x68: {  	_ =	shalt  }
0x69: {  	_ =	shalt  }
0x6a: {  	_ =	shalt  }
0x6b: {  	_ =	shalt  }
0x6c: {  	_ =	shalt  }
0x6d: {  	_ =	shalt  }
0x6e: {  	_ =	shalt  }
0x6f: {  	_ =	shalt  }
0x70: {  	_ =	shalt  }
0x71: {  	_ =	shalt  }
0x72: {  	_ =	shalt  }
0x73: {  	_ =	shalt  }
0x74: {  	_ =	shalt  }
0x75: {  	_ =	shalt  }
0x76: {  	_ =	shalt  }
0x77: {  	_ =	shalt  }
0x78: {  	_ =	shalt  }
0x79: {  	_ =	shalt  }
0x7a: {  	_ =	shalt  }
0x7b: {  	_ =	shalt  }
0x7c: {  	_ =	shalt  }
0x7d: {  	_ =	shalt  }
0x7e: {  	_ =	shalt  }
0x7f: {  	_ =	shalt  }
0x80: {  	_ =	shalt  }
0x81: {  	_ =	shalt  }
0x82: {  	_ =	shalt  }
0x83: {  	_ =	shalt  }
0x84: {  	_ =	shalt  }
0x85: {  	_ =	shalt  }
0x86: {  	_ =	shalt  }
0x87: {  	_ =	shalt  }
.Lfunc_end0:
.L_simem_size_0:
called_computation_lowered:
.L_overlay_start_0:
0x88: {  	s2 =	sld [smem:$0x3FD9]  }
0x89: {  	s3 =	sld [smem:$0x3FFE];
	_ =	sdelay $0x1  }
0x8a: {  	s1 =	srdreg.scid  }
0x8b: {  	s0 =	sand.u32 $0x1, s1  }
0x8c: {  	s17 =	sshll.u32 s0, $0xA;
	s2 =	sadd.s32 s3, s2  }
0x8d: {  	s2 =	sadd.s32 s2, s17  }
0x8e: {  	[smem:$0x3FC5] =	sst s2  }
0x8f: {  	_ = 	snop  }
0x90: {  	s2 =	sld [smem:$0x3FD0];
	(tm) =	ssettm $0x1  }
0x91: {  	s18 =	sld [smem:$0x3FFB];
	_ =	sdelay $0x3  }
0x92: {  	_ =	strace s18  }
0x93: {  	s3 =	sld [smem:$0x3FFC];
	_ =	sdelay $0x3  }
0x94: {  	_ =	strace s3  }
0x95: {  	s3 =	sld [smem:$0x3FFD];
	_ =	sdelay $0x3  }
0x96: {  	_ =	strace s3  }
0x97: {  	_ =	strace $0x8FFFFFFF  }
0x98: {  	s19 =	sld [smem:$0x3FDB];
	_ =	sdelay $0x1  }
0x99: {  	s4 =	simm.s32 $_scs_section_size  }
0x9a: {  	s5 =	simm.s32 $_size__tile_overlayer_lowered;
	s6 =	simm.s32 $_tile_overlayer_lowered  }
0x9b: {  	s22 =	simm.s32 $0x1BFF;
	s21 =	sshll.u32 s6, $0x1;
	s3 =	sadd.s32 s4, s19  }
0x9c: {  	s7 =	simm.s32 $0x0;
	s20 =	sshll.u32 s5, $0x1;
	s5 =	sadd.s32 s21, s3  }
0x9d: {  	[timem:s7], [sflag:s22] =	dma.local [hbm:s5], s20  }
0x9e: {  	_ =	swait.ge [sflag:s22], s20  }
0x9f: {  	s4 =	ssub.s32 $0x0, s20;
	[sflag:s22] =	ssyncset.done $0x0  }
0xa0: {  	[sflag:s22] =	ssyncadd.s32 s4;
	_ =	sdelay $0x1  }
0xa1: {  	s23 =	simm.s32 $0x1B8B  }
0xa2: {  	_ =	swait.ge [sflag:s23], $0x1  }
0xa3: {  	[sflag:s23] =	ssyncset.done $0x0  }
0xa4: {  	s25 =	simm.s32 $0x1B8E;
	s24 =	sld [smem:$0x3FFE];
	[sflag:s23] =	ssyncadd.s32 $0xFFFFFFFF  }
0xa5: {  	s26 =	simm.s32 $execute0_lowered;
	[smem:$0x3FD2] =	sst s25  }
0xa6: {  	s5 =	sshll.u32 s26, $0x1;
	_ =	strace $0x80000046;
	[dreg:$0x1] =	wrdreg $0xFFFFFFFF  }
0xa7: {  	s28 =	simm.s32 $_size_execute0_lowered;
	s3 =	sadd.s32 s3, s5;
	[dreg:$0x0] =	wrdreg $0x0  }
0xa8: {  	s5 =	sshll.u32 s28, $0x1;
	[dreg:$0x2] =	wrdreg s3  }
0xa9: {  	[dreg:$0x3] =	wrdreg s5  }
0xaa: {  	[dreg:$0x4] =	wrdreg $0xC0  }
0xab: {  	_ =	task [dreg:s7], $0x5FFFF  }
0xac: {  	[dreg:$0x1] =	wrdreg $0xFFFFFFFF  }
0xad: {  	[dreg:$0x0] =	wrdreg $0x60  }
0xae: {  	[dreg:$0x2] =	wrdreg s24  }
0xaf: {  	[dreg:$0x3] =	wrdreg s2  }
0xb0: {  	[dreg:$0x4] =	wrdreg $0x9  }
0xb1: {  	_ =	task.clear_ibuf [dreg:s7], $0x5FFFF;
	_ =	strace $0x90000046  }
0xb2: {  	s29 =	simm.s32 $0x9;
	_ =	strace $0x80000048  }
0xb3: {  	_ =	swait.ge [sflag:s29], $0x1  }
0xb4: {  	[sflag:s29] =	ssyncadd.s32 $0xFFFFFFFF  }
0xb5: {  	_ =	strace $0x90000048  }
0xb6: {  	_ =	sfence  }
0xb7: {  	s30 =	sld [smem:$0x0];
	_ =	sdelay $0x2  }
0xb8: {  	s31 =	sshll.u32 s1, $0xD;
	s1 =	sshrl.u32 s1, $0x2  }
0xb9: {  	s3 =	sand.u32 $0x4000, s31;
	s1 =	sadd.s32 s1, s30  }
0xba: {  	s0 =	sor.u32 s3, s0;
	s1 =	sshll.u32 s1, $0x11  }
0xbb: {  	s0 =	sor.u32 s1, s0  }
0xbc: {  	s0 =	sadd.s32 $0x8F2B, s0  }
0xbd: {  	[sflag:s0] =	ssyncadd.remote.s32 $0x1  }
0xbe: {  	_ =	sfence.sel $0xFFFF  }
0xbf: {  	[dreg:$0x0] =	wrdreg $0xFFFFFFFF;
	(pc) =	sbr.abs _section_cstart, $3  }
0xc0: {  	[dreg:$0x1] =	wrdreg $0xFFFFFFFF  }
0xc1: {  	_ =	task.clear_ibuf [dreg:s7], $0x2FFFF;
	_ =	strace $0x9FFFFFFF  }
0xc2: {  	(tm) =	ssettm $0x7FFFFFFF  }
0xc3: {  	_ =	shalt  }
tec
execute0_lowered:
.L_overlay_start_1:
0x0: {  	(tag) =	ssettag $0x1  }
0x1: {  	v5 =	vlaneseq.u32  }
0x2: {  	v0 =	vor.u32 $0x10, v5  }
0x3: {  	v52 =	vor.u32 $0x20, v5;
	[tilespmem:$0x1FCB0] =	vst v0  }
0x4: {  	v53 =	vor.u32 $0x30, v5;
	[tilespmem:$0x1FCC0] =	vst v52  }
0x5: {  	v54 =	vor.u32 $0x40, v5;
	[tilespmem:$0x1FCD0] =	vst v53  }
0x6: {  	v57 =	vimm.s32 $0xFEDCBA9;
	v1 =	vimm.s32 $0x87654321;
	v55 =	vor.u32 $0x50, v5;
	[tilespmem:$0x1FCE0] =	vst v54  }
0x7: {  	v3 =	vimm.s32 $0x10FEDCBA;
	v4 =	vimm.s32 $0x98765432;
	v56 =	vor.u32 $0x60, v5;
	[tilespmem:$0x1FCF0] =	vst v55  }
0x8: {  	vm4 =	vcmask $0x3B1C;
	v20 =	vimm.s32 $0x0;
	v2 =	vor.u32 $0x70, v5;
	[tilespmem:$0x1FD00] =	vst v56  }
0x9: {  	v21 =	vimm.s32 $0x210FEDCB;
	v6 =	vimm.s32 $0xA9876543;
	v59 =	vor.u32 $0x80, v5;
	[tilespmem:$0x1FD10] =	vst v2  }
0xa: {  	v7 =	vimm.s32 $0x7654321;
	v9 =	vimm.s32 $0x10765432;
	v60 =	vor.u32 $0x90, v5;
	[tilespmem:$0x1FD20] =	vst v59  }
0xb: {  	v26 =	vimm.s32 $0x3210FEDC;
	v10 =	vimm.s32 $0xBA987654;
	v61 =	vor.u32 $0xA0, v5;
	[tilespmem:$0x1FD30] =	vst v60  }
0xc: {  	vm5 =	vcmask $0x3718;
	v28 =	vimm.s32 $0x21076543;
	v62 =	vor.u32 $0xB0, v5;
	[tilespmem:$0x1FD40] =	vst v61  }
0xd: {  	vm6 =	vcmask $0x3314;
	v31 =	vimm.s32 $0x43210FED;
	v14 =	vor.u32 $0xC0, v5;
	[tilespmem:$0x1FD50] =	vst v62  }
0xe: {  	v12 =	vimm.s32 $0xCBA98765;
	vm0 =	vcmask $0x2F10;
	v15 =	vor.u32 $0xD0, v5;
	[tilespmem:$0x1FD60] =	vst v14  }
0xf: {  	v36 =	vimm.s32 $0x543210FE;
	v58 =	vunpack.c.l.s4.s8 v1;
	v16 =	vor.u32 $0xE0, v5;
	[tilespmem:$0x1FD70] =	vst v15  }
0x10: {  	v17 =	vor.u32 $0xF0, v5;
	v3 =	vunpack.c.l.s4.s8 v3;
	v19 =	vunpack.c.l.s4.s8 v4;
	[tilespmem:$0x1FD80] =	vst v16  }
0x11: {  	v8 =	vsel vm4, $0x1, v20;
	v7 =	vunpack.c.l.s4.s8 v7;
	v24 =	vunpack.c.l.s4.s8 v9;
	[tilespmem:$0x1FD90] =	vst v17  }
0x12: {  	v9 =	vunpack.c.l.s4.s8 v26;
	v10 =	vunpack.c.l.s4.s8 v10;
	v11 =	vsel vm5, $0x1, v20;
	[tilespmem:$0x1FDC0] =	vst v8  }
0x13: {  	v13 =	vsel vm6, $0x1, v20;
	v33 =	vunpack.c.l.s4.s8 v12;
	v0 =	vunpack.c.l.s4.s8 v57;
	[tilespmem:$0x1FDF0] =	vst v11  }
0x14: {  	v14 =	vshrl.u32 v5, $0x3;
	v5 =	vand.u32 $0x7, v5;
	[tilespmem:$0x1FE20] =	vst v13;
	v15 =	vsel vm0, $0x1, v20  }
0x15: {  	[tilespmem:$0x1FDA0] =	vst v5;
	v3 =	vunpack.c.0.s8.s32 v3;
	v4 =	vunpack.c.0.s8.s32 v19;
	v7 =	vunpack.c.0.s8.s32 v7  }
0x16: {  	v30 =	vunpack.c.0.s8.s32 v10;
	v10 =	vunpack.c.l.s4.s8 v31;
	v35 =	vunpack.c.0.s8.s32 v33;
	[tilespmem:$0x1FE50] =	vst v15  }
0x17: {  	v2 =	vunpack.c.0.s8.s32 v58;
	v63 =	vunpack.c.0.s8.s32 v0;
	[tilespmem:$0x1FDD0] =	vst v7;
	v7 =	vunpack.c.0.s8.s32 v24  }
0x18: {  	v29 =	vunpack.c.0.s8.s32 v9;
	v22 =	vcombine.low v4, v3;
	v34 =	vunpack.c.0.s8.s32 v10;
	[tilespmem:$0x1FE70] =	vst v35  }
0x19: {  	v37 =	vimm.s32 $0xDCBA9876;
	v38 =	vimm.s32 $0x32107654;
	v18 =	vcombine.low v2, v63;
	[tilespmem:$0x1FE00] =	vst v7  }
0x1a: {  	v32 =	vcombine.low v30, v29;
	v23 =	vand.u32 $0xF, v22;
	v7 =	vunpack.c.l.s4.s8 v28;
	[tilespmem:$0x1FE60] =	vst v34  }
0x1b: {  	v6 =	vunpack.c.l.s4.s8 v6;
	v10 =	vunpack.c.l.s4.s8 v37;
	v0 =	vand.u32 $0xF, v18;
	[tilespmem:$0x1FDE0] =	vst v23  }
0x1c: {  	v11 =	vand.u32 $0xF, v32;
	[tilespmem:$0x1FDB0] =	vst v0;
	v0 =	vunpack.c.l.s4.s8 v21;
	v7 =	vunpack.c.0.s8.s32 v7  }
0x1d: {  	v12 =	vcombine.low v35, v34;
	v10 =	vunpack.c.0.s8.s32 v10;
	[tilespmem:$0x1FE40] =	vst v11;
	v11 =	vunpack.c.l.s4.s8 v38  }
0x1e: {  	v6 =	vunpack.c.0.s8.s32 v6;
	v0 =	vunpack.c.0.s8.s32 v0;
	[tilespmem:$0x1FE30] =	vst v7;
	v7 =	vunpack.c.l.s4.s8 v36  }
0x1f: {  	v42 =	vand.u32 $0xF, v12;
	[tilespmem:$0x1FEB0] =	vst v10;
	v41 =	vunpack.c.0.s8.s32 v11  }
0x20: {  	v39 =	vimm.s32 $0x43210765;
	[tilespmem:$0x1FE90] =	vst v42;
	v25 =	vcombine.low v6, v0;
	v40 =	vunpack.c.0.s8.s32 v7  }
0x21: {  	v44 =	vimm.s32 $0x6543210F;
	v45 =	vimm.s32 $0xEDCBA987;
	v43 =	vunpack.c.l.s4.s8 v39;
	[tilespmem:$0x1FE80] =	vst v41  }
0x22: {  	s24 =	rddreg [dreg:$0x0];
	s4 =	simm.s32 $0x0;
	vm1 =	vcmask $0x2B0C;
	v11 =	vunpack.c.l.s4.s8 v44;
	v27 =	vand.u32 $0xF, v25;
	[tilespmem:$0x1FEA0] =	vst v40  }
0x23: {  	[smem:$0x7FF] =	sst s4;
	v46 =	vsel vm1, $0x1, v20;
	v12 =	vunpack.c.l.s4.s8 v45;
	v7 =	vunpack.c.0.s8.s32 v43;
	[tilespmem:$0x1FE10] =	vst v27  }
0x24: {  	s3 =	rddreg [dreg:$0x1];
	v11 =	vunpack.c.0.s8.s32 v11;
	_ =	strace $0x80000047;
	[tilespmem:$0x1FEC0] =	vst v46  }
0x25: {  	v12 =	vunpack.c.0.s8.s32 v12;
	[tilespmem:$0x1FED0] =	vst v7  }
0x26: {  	vm2 =	vcmask $0x2708;
	[tilespmem:$0x1FEF0] =	vst v11  }
0x27: {  	s0 =	srdreg.scid;
	v51 =	vsel vm2, $0x1, v20;
	[tilespmem:$0x1FF00] =	vst v12  }
0x28: {  	s6 =	stileid.u32;
	vm3 =	vcmask $0x2304;
	s15 =	simm.s32 $0x200;
	s17 =	simm.s32 $0x100;
	v54 =	vmul.u32 $0xFFFFFFFF, v14;
	[tilespmem:$0x1FF10] =	vst v51  }
0x29: {  	s18 =	simm.s32 $0x80;
	s19 =	simm.s32 $0x3800;
	s21 =	simm.s32 $0x2;
	v5 =	vsel vm3, $0x1, v20;
	v1 =	vcombine.low v63, v2;
	[tilespmem:$0x1FF40] =	vst v14  }
0x2a: {  	s22 =	simm.s32 $0x7800;
	s23 =	simm.s32 $0x180;
	s1 =	sand.u32 $0x1, s0;
	v2 =	vadd.s32 $0x1, v54;
	[tilespmem:$0x1FF50] =	vst v5  }
0x2b: {  	v48 =	vimm.s32 $0x54321076;
	s28 =	simm.s32 $0x8000;
	s29 =	simm.s32 $0x3;
	s2 =	sor.u32 s1, s6;
	v58 =	vimm.s32 $0x1;
	v1 =	vand.u32 $0xF, v1;
	[tilespmem:$0x1FF80] =	vst v2  }
0x2c: {  	v50 =	vimm.s32 $0x76543210;
	s30 =	simm.s32 $0xF800;
	p1 =	seq.s32 s1, $0x1;
	p0 =	seq.s32 s2, $0x0;
	v60 =	vsel vm4, $0x0, v58;
	v0 =	vcombine.low v0, v6;
	[tilespmem:$0x1FF90] =	vst v1  }
0x2d: {  	v49 =	vimm.s32 $0xFEDCBA98;
	s5 =	sadd.s32 $0xC00, s24;
	s0 =	sadd.s32 $0x400, s24;
	v52 =	vunpack.c.l.s4.s8 v50;
	p0 =	por !p0, !p1;
	v61 =	vsel vm5, $0x0, v58;
	[tilespmem:$0x1FFA0] =	vst v60  }
0x2e: {  	s7 =	ssub.s32 $0x2, s1;
	s2 =	simm.s32 $0x1;
	p0 =	por !p0, !p0;
	v59 =	vcombine.low v29, v30;
	v10 =	vcombine.low v10, v40;
	v0 =	vand.u32 $0xF, v0;
	[tilespmem:$0x1FFC0] =	vst v61  }
0x2f: {  	s9 =	sshll.u32 s1, $0xC;
	s10 =	sshrl.u32 s7, $0x1;
	v62 =	vsel vm6, $0x0, v58;
	s2 =	simm.s32 @!p0 $0x0;
	v7 =	vunpack.c.l.s4.s8 v48;
	v11 =	vcombine.low v12, v11;
	[tilespmem:$0x1FFD0] =	vst v0  }
0x30: {  	s25 =	ssub.s32 s7, s10;
	s2 =	ssub.s32 s6, s2;
	s6 =	sadd.s32 $0x19C00, s24;
	v63 =	vand.u32 $0xF, v59;
	v47 =	vand.u32 $0xF, v10;
	v10 =	vunpack.c.l.s4.s8 v49;
	[tilespmem:$0x1FFE0] =	vst v62  }
0x31: {  	v53 =	vimm.s32 $0x65432107;
	s24 =	simm.s32 $0x9800;
	s8 =	sshll.u32 s2, $0x8;
	s12 =	sshll.u32 s2, $0xB;
	[tilespmem:$0x1FFF0] =	vst v63;
	v7 =	vunpack.c.0.s8.s32 v7;
	v11 =	vand.u32 $0xF, v11  }
0x32: {  	v57 =	vcombine.low v3, v4;
	s2 =	simm.s32 $0x5;
	s9 =	sadd.s32 s9, s8;
	s8 =	simm.s32 $0x1;
	v10 =	vunpack.c.0.s8.s32 v10;
	[tilespmem:$0x1FF30] =	vst v11;
	v11 =	vunpack.c.l.s4.s8 v53  }
0x33: {  	s26 =	sadd.s32 $0x2000, s9;
	s31 =	sshrl.u32 s9, $0x3;
	s11 =	sadd.s32 $0x4000, s9;
	[tilespmem:$0x1FF20] =	vst v7;
	v7 =	vunpack.c.0.s8.s32 v52  }
0x34: {  	s7 =	sshrl.u32 s26, $0x3;
	s10 =	sadd.s32 s5, s31;
	[dreg:$0x3] =	wrdreg s0;
	v1 =	vand.u32 $0xF, v57;
	[tilespmem:$0x1FEE0] =	vst v47;
	v10 =	vand.u32 $0xF, v10;
	v55 =	vunpack.c.0.s8.s32 v11  }
0x35: {  	s13 =	sadd.s32 $0x6000, s9;
	s7 =	sadd.s32 s5, s7;
	[dreg:$0x4] =	wrdreg s10;
	[tilespmem:$0x1FFB0] =	vst v1;
	v56 =	vcombine.low v10, v7  }
0x36: {  	s26 =	simm.s32 $0x800;
	[dreg:$0x5] =	wrdreg s7;
	s0 =	smax.u32 s25, $0x1;
	[tilespmem:$0x1FF60] =	vst v55  }
0x37: {  	s25 =	simm.s32 $0xB800;
	[dreg:$0x6] =	wrdreg s0;
	s0 =	simm.s32 $0x0;
	[tilespmem:$0x1FF70] =	vst v56  }
.LBB2_1:
0x38: {  	s7 =	rddreg [dreg:$0x3];
	s14 =	simm.s32 $0x6  }
0x39: {  	[tilespmem:s15], [sflag:$0x6] =	stream.linear.gather [hbm4b:s7+s4], $0x3200, $0x38;
	[tilespmem:$0x13800] =	vst v63  }
0x3a: {  	_ =	swait.ge [sflag:s14], $0x3200  }
0x3b: {  	[sflag:s14] =	ssyncset.done $0x0  }
0x3c: {  	v0 =	vlaneseq.u32;
	[sflag:s14] =	ssyncadd.s32 $0xFFFFCE00  }
0x3d: {  	v19 =	vimm.s32 $0x1;
	v1 =	vld [tilespmem:$0x1FCB0];
	[tilespmem:$0x3400] =	vst v0  }
0x3e: {  	v20 =	vsel vm0, $0x0, v19;
	v32 =	vld [tilespmem:$0x1FCC0];
	[tilespmem:$0x3500] =	vst v0  }
0x3f: {  	v24 =	vsel vm1, $0x0, v19;
	v33 =	vld [tilespmem:$0x1FCD0];
	[tilespmem:$0x36C0] =	vst v20  }
0x40: {  	v28 =	vsel vm2, $0x0, v19;
	v34 =	vld [tilespmem:$0x1FCE0];
	[tilespmem:$0x36D0] =	vst v24  }
0x41: {  	v35 =	vld [tilespmem:$0x1FCF0];
	[tilespmem:$0x36E0] =	vst v28  }
0x42: {  	v36 =	vld [tilespmem:$0x1FD00];
	[tilespmem:$0x3410] =	vst v1  }
0x43: {  	v37 =	vld [tilespmem:$0x1FD10];
	[tilespmem:$0x3420] =	vst v32  }
0x44: {  	v38 =	vld [tilespmem:$0x1FD20];
	[tilespmem:$0x3430] =	vst v33  }
0x45: {  	v39 =	vld [tilespmem:$0x1FD30];
	[tilespmem:$0x3440] =	vst v34  }
0x46: {  	v40 =	vld [tilespmem:$0x1FD40];
	[tilespmem:$0x3450] =	vst v35  }
0x47: {  	v41 =	vld [tilespmem:$0x1FD50];
	[tilespmem:$0x3460] =	vst v36  }
0x48: {  	v42 =	vld [tilespmem:$0x1FD60];
	[tilespmem:$0x3470] =	vst v37  }
0x49: {  	v43 =	vld [tilespmem:$0x1FD70];
	[tilespmem:$0x3480] =	vst v38  }
0x4a: {  	v44 =	vld [tilespmem:$0x1FD80];
	[tilespmem:$0x3490] =	vst v39  }
0x4b: {  	v45 =	vld [tilespmem:$0x1FD90];
	[tilespmem:$0x34A0] =	vst v40  }
0x4c: {  	v46 =	vld [tilespmem:$0x1FF40];
	[tilespmem:$0x34B0] =	vst v41  }
0x4d: {  	v47 =	vld [tilespmem:$0x1FDA0];
	[tilespmem:$0x34C0] =	vst v42  }
0x4e: {  	v48 =	vld [tilespmem:$0x1FDB0];
	[tilespmem:$0x34D0] =	vst v43  }
0x4f: {  	v49 =	vld [tilespmem:$0x1FDC0];
	[tilespmem:$0x34E0] =	vst v44  }
0x50: {  	v50 =	vld [tilespmem:$0x1FDD0];
	[tilespmem:$0x34F0] =	vst v45  }
0x51: {  	v2 =	vld [tilespmem:$0x1FDE0];
	[tilespmem:$0x3600] =	vst v46  }
0x52: {  	v51 =	vld [tilespmem:$0x1FDF0];
	[tilespmem:$0x3700] =	vst v47  }
0x53: {  	v52 =	vld [tilespmem:$0x1FE00];
	[tilespmem:$0x3510] =	vst v48  }
0x54: {  	v3 =	vld [tilespmem:$0x1FE10];
	[tilespmem:$0x3610] =	vst v49  }
0x55: {  	v53 =	vld [tilespmem:$0x1FE20];
	[tilespmem:$0x3710] =	vst v50  }
0x56: {  	v54 =	vld [tilespmem:$0x1FE30];
	[tilespmem:$0x3520] =	vst v2  }
0x57: {  	v4 =	vld [tilespmem:$0x1FE40];
	[tilespmem:$0x3620] =	vst v51  }
0x58: {  	v55 =	vld [tilespmem:$0x1FE50];
	[tilespmem:$0x3720] =	vst v52  }
0x59: {  	v56 =	vld [tilespmem:$0x1FE80];
	[tilespmem:$0x3530] =	vst v3  }
0x5a: {  	v5 =	vld [tilespmem:$0x1FE90];
	[tilespmem:$0x3630] =	vst v53  }
0x5b: {  	v57 =	vld [tilespmem:$0x1FEC0];
	[tilespmem:$0x3730] =	vst v54  }
0x5c: {  	v58 =	vld [tilespmem:$0x1FED0];
	[tilespmem:$0x3540] =	vst v4  }
0x5d: {  	v6 =	vld [tilespmem:$0x1FEE0];
	[tilespmem:$0x3640] =	vst v55  }
0x5e: {  	v59 =	vld [tilespmem:$0x1FF10];
	[tilespmem:$0x3740] =	vst v56  }
0x5f: {  	v60 =	vld [tilespmem:$0x1FF20];
	[tilespmem:$0x3550] =	vst v5  }
0x60: {  	v7 =	vld [tilespmem:$0x1FF30];
	[tilespmem:$0x3650] =	vst v57  }
0x61: {  	v61 =	vld [tilespmem:$0x1FF50];
	[tilespmem:$0x3750] =	vst v58  }
0x62: {  	v62 =	vld [tilespmem:$0x1FF60];
	[tilespmem:$0x3560] =	vst v6  }
0x63: {  	v8 =	vld [tilespmem:$0x1FF70];
	[tilespmem:$0x3660] =	vst v59  }
0x64: {  	v63 =	vld [tilespmem:$0x1FF80];
	[tilespmem:$0x3760] =	vst v60  }
0x65: {  	[tilespmem:$0x3570] =	vst v7  }
0x66: {  	v12 =	vld [tilespmem:$0x1FF90];
	[tilespmem:$0x3670] =	vst v61  }
0x67: {  	v13 =	vld [tilespmem:$0x1FFA0];
	[tilespmem:$0x3770] =	vst v62  }
0x68: {  	[tilespmem:$0x3580] =	vst v8  }
0x69: {  	v14 =	vld [tilespmem:$0x1FFB0];
	[tilespmem:$0x3680] =	vst v63  }
0x6a: {  	v15 =	vld [tilespmem:$0x1FFC0];
	[tilespmem:$0x3780] =	vst v47  }
0x6b: {  	[tilespmem:$0x3590] =	vst v12  }
0x6c: {  	v16 =	vld [tilespmem:$0x1FFD0];
	[tilespmem:$0x3690] =	vst v13  }
0x6d: {  	v17 =	vld [tilespmem:$0x1FFE0];
	[tilespmem:$0x3790] =	vst v50  }
0x6e: {  	v18 =	vld [tilespmem:$0x1FFF0];
	[tilespmem:$0x35A0] =	vst v14  }
0x6f: {  	v21 =	vld [tilespmem:$0x1FE60];
	[tilespmem:$0x36A0] =	vst v15  }
0x70: {  	v22 =	vld [tilespmem:$0x1FE70];
	[tilespmem:$0x37A0] =	vst v52  }
0x71: {  	v25 =	vld [tilespmem:$0x1FEA0];
	[tilespmem:$0x35B0] =	vst v16  }
0x72: {  	v26 =	vld [tilespmem:$0x1FEB0];
	[tilespmem:$0x36B0] =	vst v17  }
0x73: {  	v29 =	vld [tilespmem:$0x1FEF0];
	[tilespmem:$0x37B0] =	vst v54  }
0x74: {  	v30 =	vld [tilespmem:$0x1FF00];
	[tilespmem:$0x35C0] =	vst v18  }
0x75: {  	v1 =	vcombine.low v21, v22;
	[tilespmem:$0x37C0] =	vst v56  }
0x76: {  	[tilespmem:$0x37D0] =	vst v58  }
0x77: {  	[tilespmem:$0x37E0] =	vst v60;
	v23 =	vand.u32 $0xF, v1;
	v1 =	vcombine.low v25, v26  }
0x78: {  	v32 =	vsel vm3, $0x0, v19;
	[tilespmem:$0x37F0] =	vst v62  }
0x79: {  	[tilespmem:$0x36F0] =	vst v32;
	v27 =	vand.u32 $0xF, v1;
	v1 =	vcombine.low v29, v30  }
0x7a: {  	[tilespmem:$0x35D0] =	vst v23  }
0x7b: {  	[tilespmem:$0x35E0] =	vst v27;
	v31 =	vand.u32 $0xF, v1  }
0x7c: {  	s16 =	rddreg [dreg:$0x4];
	[tilespmem:$0x35F0] =	vst v31  }
0x7d: {  	[tilespmem:s4], [sflag:$0x1] =	stream.linear.gather [hbm4b:s16+s4], $0x100, $0x38;
	[tilespmem:$0x13800] =	vst v63  }
0x7e: {  	s20 =	rddreg [dreg:$0x5]  }
0x7f: {  	[tilespmem:s17], [sflag:$0x1] =	stream.linear.gather [hbm4b:s20+s4], $0x100, $0x38;
	[tilespmem:$0x13800] =	vst v63  }
0x80: {  	_ =	swait.ge [sflag:s8], $0x100  }
0x81: {  	[sflag:s8] =	ssyncset.done $0x0  }
0x82: {  	[sflag:s8] =	ssyncadd.s32 $0xFFFFFF00  }
0x83: {  	v33 =	vld [tilespmem:$0x0]  }
0x84: {  	v34 =	vld [tilespmem:$0x10]  }
0x85: {  	v35 =	vld [tilespmem:$0x20]  }
0x86: {  	v36 =	vld [tilespmem:$0x30]  }
0x87: {  	v37 =	vld [tilespmem:$0x40]  }
0x88: {  	v38 =	vld [tilespmem:$0x50];
	v0 =	vshll.u32 v33, $0x1  }
0x89: {  	v40 =	vld [tilespmem:$0x60];
	v39 =	vshll.u32 v34, $0x1;
	[tilespmem:$0x0] =	vst v0  }
0x8a: {  	v42 =	vld [tilespmem:$0x70];
	v41 =	vshll.u32 v35, $0x1;
	[tilespmem:$0x10] =	vst v39  }
0x8b: {  	v44 =	vld [tilespmem:$0x80];
	v43 =	vshll.u32 v36, $0x1;
	[tilespmem:$0x20] =	vst v41  }
0x8c: {  	v46 =	vld [tilespmem:$0x90];
	v45 =	vshll.u32 v37, $0x1;
	[tilespmem:$0x30] =	vst v43  }
0x8d: {  	v48 =	vld [tilespmem:$0xA0];
	v47 =	vshll.u32 v38, $0x1;
	[tilespmem:$0x40] =	vst v45  }
0x8e: {  	v50 =	vld [tilespmem:$0xB0];
	v49 =	vshll.u32 v40, $0x1;
	[tilespmem:$0x50] =	vst v47  }
0x8f: {  	v52 =	vld [tilespmem:$0xC0];
	v51 =	vshll.u32 v42, $0x1;
	[tilespmem:$0x60] =	vst v49  }
0x90: {  	v54 =	vld [tilespmem:$0xD0];
	v53 =	vshll.u32 v44, $0x1;
	[tilespmem:$0x70] =	vst v51  }
0x91: {  	v56 =	vld [tilespmem:$0xE0];
	v55 =	vshll.u32 v46, $0x1;
	[tilespmem:$0x80] =	vst v53  }
0x92: {  	v58 =	vld [tilespmem:$0xF0];
	v57 =	vshll.u32 v48, $0x1;
	[tilespmem:$0x90] =	vst v55  }
0x93: {  	v59 =	vshll.u32 v50, $0x1;
	[tilespmem:$0xA0] =	vst v57  }
0x94: {  	v60 =	vshll.u32 v52, $0x1;
	[tilespmem:$0xB0] =	vst v59  }
0x95: {  	v61 =	vshll.u32 v54, $0x1;
	[tilespmem:$0xC0] =	vst v60  }
0x96: {  	v62 =	vshll.u32 v56, $0x1;
	[tilespmem:$0xD0] =	vst v61  }
0x97: {  	v63 =	vshll.u32 v58, $0x1;
	[tilespmem:$0xE0] =	vst v62  }
0x98: {  	[tilespmem:$0xF0] =	vst v63  }
0x99: {  	[tilespmem:s19], [sflag:$0x2] =	stream.indirect.gather [hbm4b:s6+s18], $0x40, s4, s18, $0xb8;
	[tilespmem:$0x13800] =	vst v63  }
0x9a: {  	s31 =	simm.s32 $0x5800;
	s20 =	simm.s32 $0x0  }
0x9b: {  	[tilespmem:s31], [sflag:$0x2] =	stream.indirect.gather [hbm4b:s6+s18], $0x40, s18, s18, $0xb8;
	[tilespmem:$0x13800] =	vst v63  }
.LBB2_2:
0x9c: {  	_ =	swait.ge [sflag:s21], $0x2000  }
0x9d: {  	p0 =	seq.s32 s20, $0x31;
	[sflag:s21] =	ssyncset.done $0x0  }
0x9e: {  	s9 =	sshll.u32 @!p0 s20, $0xE;
	[sflag:s21] =	ssyncadd.s32 $0xFFFFE000  }
0x9f: {  	s7 =	sadd.s32 @!p0 s9, s11;
	_ =	swait.ge [sflag:s21], $0x2000  }
0xa0: {  	s7 =	sshrl.u32 @!p0 s7, $0x3;
	[sflag:s21] =	ssyncset.done $0x0  }
0xa1: {  	s10 =	simm.s32 @!p0 $0x0;
	s7 =	sadd.s32 @!p0 s5, s7;
	[sflag:s21] =	ssyncadd.s32 $0xFFFFE000  }
0xa2: {  	[tilespmem:s10], [sflag:$0x1] =	stream.linear.gather @!p0 [hbm4b:s7+s10], $0x100, $0x38;
	[tilespmem:$0x13800] =	vst v63  }
0xa3: {  	_ =	swait.ge [sflag:s8], $0x100  }
0xa4: {  	[sflag:s8] =	ssyncset.done $0x0  }
0xa5: {  	[sflag:s8] =	ssyncadd.s32 $0xFFFFFF00  }
0xa6: {  	v0 =	vld [tilespmem:$0x100]  }
0xa7: {  	v1 =	vld [tilespmem:$0x110]  }
0xa8: {  	v2 =	vld [tilespmem:$0x120]  }
0xa9: {  	v3 =	vld [tilespmem:$0x130]  }
0xaa: {  	v4 =	vld [tilespmem:$0x140]  }
0xab: {  	v5 =	vld [tilespmem:$0x150];
	v0 =	vshll.u32 v0, $0x1  }
0xac: {  	[tilespmem:$0x100] =	vst v0;
	v0 =	vshll.u32 v1, $0x1;
	v1 =	vld [tilespmem:$0x160]  }
0xad: {  	[tilespmem:$0x110] =	vst v0;
	v0 =	vshll.u32 v2, $0x1;
	v2 =	vld [tilespmem:$0x170]  }
0xae: {  	[tilespmem:$0x120] =	vst v0;
	v0 =	vshll.u32 v3, $0x1;
	v3 =	vld [tilespmem:$0x180]  }
0xaf: {  	[tilespmem:$0x130] =	vst v0;
	v0 =	vshll.u32 v4, $0x1;
	v4 =	vld [tilespmem:$0x190]  }
0xb0: {  	[tilespmem:$0x140] =	vst v0;
	v0 =	vshll.u32 v5, $0x1;
	v5 =	vld [tilespmem:$0x1A0]  }
0xb1: {  	[tilespmem:$0x150] =	vst v0;
	v0 =	vshll.u32 v1, $0x1;
	v1 =	vld [tilespmem:$0x1B0]  }
0xb2: {  	[tilespmem:$0x160] =	vst v0;
	v0 =	vshll.u32 v2, $0x1;
	v2 =	vld [tilespmem:$0x1C0]  }
0xb3: {  	[tilespmem:$0x170] =	vst v0;
	v0 =	vshll.u32 v3, $0x1;
	v3 =	vld [tilespmem:$0x1D0]  }
0xb4: {  	[tilespmem:$0x180] =	vst v0;
	v0 =	vshll.u32 v4, $0x1;
	v4 =	vld [tilespmem:$0x1E0]  }
0xb5: {  	[tilespmem:$0x190] =	vst v0;
	v0 =	vshll.u32 v5, $0x1;
	v5 =	vld [tilespmem:$0x1F0]  }
0xb6: {  	[tilespmem:$0x1A0] =	vst v0;
	v0 =	vshll.u32 v1, $0x1  }
0xb7: {  	[tilespmem:$0x1B0] =	vst v0;
	v0 =	vshll.u32 v2, $0x1  }
0xb8: {  	[tilespmem:$0x1C0] =	vst v0;
	v0 =	vshll.u32 v3, $0x1  }
0xb9: {  	[tilespmem:$0x1D0] =	vst v0;
	v0 =	vshll.u32 v4, $0x1  }
0xba: {  	[tilespmem:$0x1E0] =	vst v0;
	v0 =	vshll.u32 v5, $0x1  }
0xbb: {  	p1 =	seq.s32 s20, $0x0;
	[tilespmem:$0x1F0] =	vst v0  }
0xbc: {  	[tilespmem:s22], [sflag:$0x3] =	stream.indirect.gather [hbm4b:s6+s18], $0x40, s17, s18, $0xb8;
	[tilespmem:$0x13800] =	vst v63  }
0xbd: {  	s7 =	simm.s32 @!p1 $0x4  }
0xbe: {  	[tilespmem:s24], [sflag:$0x3] =	stream.indirect.gather [hbm4b:s6+s18], $0x40, s23, s18, $0xb8;
	[tilespmem:$0x13800] =	vst v63  }
0xbf: {  	_ =	swait.ge @!p1 [sflag:s7], $0x4000  }
0xc0: {  	s31 =	simm.s32 $0x0;
	[sflag:s7] =	ssyncset.done @!p1 $0x0  }
0xc1: {  	s14 =	sand.u32 $0xF0, s31;
	[sflag:s7] =	ssyncadd.s32 @!p1 $0xFFFFC000  }
0xc2: {  	v0 =	vld [tilespmem:s14+$0x3500]  }
0xc3: {  	v7 =	vld [tilespmem:$0x3400];
	_ =	sdelay $0x2  }
0xc4: {  	s16 =	sand.u32 $0x30, s31;
	v5 =	vld [tilespmem:$0x3410]  }
0xc5: {  	s31 =	sshll.u32 s20, $0x2;
	v3 =	vld [tilespmem:$0x3420];
	v2 =	vadd.s32 s16, v0  }
0xc6: {  	s7 =	sor.u32 s1, s31;
	v1 =	vld [tilespmem:$0x3430];
	v18 =	vshll.u32 v7, $0x6;
	v47 =	vand.u32 $0xFFFFFFF8, v2  }
0xc7: {  	v61 =	vld [tilespmem:$0x3440];
	s10 =	sshll.u32 s7, $0x6;
	v60 =	vand.u32 $0x7, v0;
	v0 =	vadd.s32 v18, v47  }
0xc8: {  	v58 =	vld [tilespmem:$0x3450];
	v33 =	vmov s10;
	v0 =	vor.u32 v60, v0  }
0xc9: {  	v2 =	vld [tilespmem:s14+$0x3600];
	v4 =	vadd.s32 v33, v47  }
0xca: {  	v6 =	vld [tilespmem:s14+$0x3700];
	v4 =	vor.u32 v60, v4  }
0xcb: {  	v57 =	vld [tilespmem:$0x3460]  }
0xcc: {  	v55 =	vld [tilespmem:$0x3470];
	s14 =	simm.s32 $0x0  }
0xcd: {  	s10 =	sand.u32 $0x6, s14;
	v0 =	vld.idx.msk [tilespmem:v0+s19+$0x0], $0xffff  }
0xce: {  	v9 =	vld [tilespmem:$0x3480];
	v2 =	vadd.s32 s10, v2  }
0xcf: {  	v6 =	vshll.u32 v6, $0x7;
	v2 =	vshll.u32 v2, $0xB;
	v56 =	vld.idx.msk [tilespmem:v4+s15+$0x0], $0xffff  }
0xd0: {  	v8 =	vld [tilespmem:$0x3490];
	v36 =	vshll.u32 v5, $0x6;
	v14 =	vadd.s32 v6, v2  }
0xd1: {  	v10 =	vld [tilespmem:$0x34A0];
	v2 =	vadd.s32 v36, v47;
	v4 =	vadd.s32 v7, v14  }
0xd2: {  	v13 =	vld [tilespmem:$0x34B0];
	v2 =	vor.u32 v60, v2;
	v0 =	vmul.f32 $8.000000000e+00, v0  }
0xd3: {  	v12 =	vld [tilespmem:$0x34C0]  }
0xd4: {  	v15 =	vld [tilespmem:$0x34D0];
	v0 =	vadd.f32 v0, v56  }
0xd5: {  	v31 =	vld [tilespmem:$0x34E0]  }
0xd6: {  	v42 =	vld [tilespmem:$0x34F0];
	[tilespmem:v4+s25+$0x0] =	vst.idx.msk $0xffff, v0  }
0xd7: {  	v0 =	vld.idx.msk [tilespmem:v2+s19+$0x0], $0xffff;
	_ =	sdelay $0x2  }
0xd8: {  	v25 =	vshll.u32 v3, $0x6  }
0xd9: {  	v4 =	vadd.s32 v5, v14;
	v2 =	vadd.s32 v25, v47  }
0xda: {  	v2 =	vor.u32 v60, v2;
	v0 =	vmul.f32 $8.000000000e+00, v0  }
0xdb: {  	s16 =	simm.s32 $0x10  }
0xdc: {  	s10 =	sand.u32 $0xF0, s16;
	v0 =	vadd.f32 v0, v56  }
0xdd: {  	v6 =	vld [tilespmem:s10+$0x3500]  }
0xde: {  	[tilespmem:v4+s25+$0x0] =	vst.idx.msk $0xffff, v0  }
0xdf: {  	v0 =	vld.idx.msk [tilespmem:v2+s19+$0x0], $0xffff  }
0xe0: {  	s31 =	simm.s32 $0x1  }
0xe1: {  	s14 =	sand.u32 $0x30, s31  }
0xe2: {  	v21 =	vshll.u32 v1, $0x6;
	v63 =	vand.u32 $0x7, v6;
	v2 =	vadd.s32 s14, v6  }
0xe3: {  	v4 =	vadd.s32 v3, v14;
	v62 =	vand.u32 $0xFFFFFFF8, v2;
	v2 =	vadd.s32 v21, v47  }
0xe4: {  	v6 =	vadd.s32 v18, v62;
	v2 =	vor.u32 v60, v2;
	v0 =	vmul.f32 $8.000000000e+00, v0  }
0xe5: {  	v6 =	vor.u32 v63, v6  }
0xe6: {  	v11 =	vld [tilespmem:s10+$0x3600];
	v17 =	vadd.s32 v33, v62;
	v0 =	vadd.f32 v0, v56  }
0xe7: {  	v16 =	vld [tilespmem:s10+$0x3700];
	v17 =	vor.u32 v63, v17  }
0xe8: {  	[tilespmem:v4+s25+$0x0] =	vst.idx.msk $0xffff, v0  }
0xe9: {  	s14 =	simm.s32 $0x0;
	v0 =	vld.idx.msk [tilespmem:v2+s19+$0x0], $0xffff  }
0xea: {  	s10 =	sand.u32 $0x6, s14;
	v4 =	vld.idx.msk [tilespmem:v6+s19+$0x0], $0xffff  }
0xeb: {  	v41 =	vshll.u32 v61, $0x6;
	v2 =	vadd.s32 s10, v11  }
0xec: {  	v59 =	vld.idx.msk [tilespmem:v17+s15+$0x0], $0xffff;
	v6 =	vshll.u32 v16, $0x7;
	v11 =	vadd.s32 v1, v14;
	v2 =	vshll.u32 v2, $0xB  }
0xed: {  	v32 =	vadd.s32 v6, v2;
	v2 =	vadd.s32 v36, v62;
	v6 =	vadd.s32 v41, v47  }
0xee: {  	v6 =	vor.u32 v60, v6;
	v16 =	vadd.s32 v7, v32;
	v0 =	vmul.f32 $8.000000000e+00, v0  }
0xef: {  	v2 =	vor.u32 v63, v2;
	v4 =	vmul.f32 $8.000000000e+00, v4  }
0xf0: {  	v0 =	vadd.f32 v0, v56  }
0xf1: {  	v4 =	vadd.f32 v4, v59  }
0xf2: {  	[tilespmem:v11+s25+$0x0] =	vst.idx.msk $0xffff, v0  }
0xf3: {  	[tilespmem:v16+s25+$0x0] =	vst.idx.msk $0xffff, v4;
	v0 =	vld.idx.msk [tilespmem:v6+s19+$0x0], $0xffff  }
0xf4: {  	v2 =	vld.idx.msk [tilespmem:v2+s19+$0x0], $0xffff;
	_ =	sdelay $0x1  }
0xf5: {  	v23 =	vshll.u32 v58, $0x6  }
0xf6: {  	v4 =	vadd.s32 v25, v62;
	v11 =	vadd.s32 v61, v14;
	v6 =	vadd.s32 v23, v47  }
0xf7: {  	v16 =	vadd.s32 v5, v32;
	v6 =	vor.u32 v60, v6;
	v0 =	vmul.f32 $8.000000000e+00, v0  }
0xf8: {  	s16 =	simm.s32 $0x20;
	v4 =	vor.u32 v63, v4;
	v2 =	vmul.f32 $8.000000000e+00, v2  }
0xf9: {  	s10 =	sand.u32 $0xF0, s16;
	v0 =	vadd.f32 v0, v56  }
0xfa: {  	v17 =	vld [tilespmem:s10+$0x3500];
	v2 =	vadd.f32 v2, v59  }
0xfb: {  	[tilespmem:v11+s25+$0x0] =	vst.idx.msk $0xffff, v0  }
0xfc: {  	[tilespmem:v16+s25+$0x0] =	vst.idx.msk $0xffff, v2;
	v0 =	vld.idx.msk [tilespmem:v6+s19+$0x0], $0xffff  }
0xfd: {  	v2 =	vld.idx.msk [tilespmem:v4+s19+$0x0], $0xffff  }
0xfe: {  	v19 =	vshll.u32 v57, $0x6;
	s31 =	simm.s32 $0x2  }
0xff: {  	v20 =	vadd.s32 v58, v14;
	s14 =	sand.u32 $0x30, s31;
	v22 =	vadd.s32 v3, v32;
	v4 =	vand.u32 $0x7, v17  }
0x100: {  	v11 =	vadd.s32 v19, v47;
	v6 =	vadd.s32 s14, v17;
	v17 =	vadd.s32 v21, v62  }
0x101: {  	v11 =	vor.u32 v60, v11;
	v6 =	vand.u32 $0xFFFFFFF8, v6;
	v0 =	vmul.f32 $8.000000000e+00, v0  }
0x102: {  	v17 =	vor.u32 v63, v17;
	v29 =	vadd.s32 v18, v6;
	v2 =	vmul.f32 $8.000000000e+00, v2  }
0x103: {  	v28 =	vld [tilespmem:s10+$0x3600];
	v29 =	vor.u32 v4, v29;
	v0 =	vadd.f32 v0, v56  }
0x104: {  	v37 =	vld [tilespmem:s10+$0x3700];
	v35 =	vadd.s32 v33, v6;
	v2 =	vadd.f32 v2, v59  }
0x105: {  	v38 =	vor.u32 v4, v35;
	[tilespmem:v20+s25+$0x0] =	vst.idx.msk $0xffff, v0  }
0x106: {  	s14 =	simm.s32 $0x0;
	[tilespmem:v22+s25+$0x0] =	vst.idx.msk $0xffff, v2;
	v0 =	vld.idx.msk [tilespmem:v11+s19+$0x0], $0xffff  }
0x107: {  	s10 =	sand.u32 $0x6, s14;
	v11 =	vld.idx.msk [tilespmem:v17+s19+$0x0], $0xffff  }
0x108: {  	v24 =	vshll.u32 v55, $0x6;
	v45 =	vadd.s32 v57, v14;
	v2 =	vadd.s32 s10, v28;
	v20 =	vld.idx.msk [tilespmem:v29+s19+$0x0], $0xffff  }
0x109: {  	v46 =	vadd.s32 v1, v32;
	v2 =	vshll.u32 v2, $0xB;
	v17 =	vshll.u32 v37, $0x7  }
0x10a: {  	v28 =	vadd.s32 v24, v47;
	v29 =	vadd.s32 v41, v62;
	v22 =	vadd.s32 v17, v2;
	v2 =	vld.idx.msk [tilespmem:v38+s15+$0x0], $0xffff  }
0x10b: {  	v28 =	vor.u32 v60, v28;
	v29 =	vor.u32 v63, v29;
	v0 =	vmul.f32 $8.000000000e+00, v0  }
0x10c: {  	v17 =	vadd.s32 v36, v6;
	v39 =	vadd.s32 v7, v22;
	v11 =	vmul.f32 $8.000000000e+00, v11  }
0x10d: {  	v17 =	vor.u32 v4, v17;
	v20 =	vmul.f32 $8.000000000e+00, v20;
	v0 =	vadd.f32 v0, v56  }
0x10e: {  	v11 =	vadd.f32 v11, v59  }
0x10f: {  	v20 =	vadd.f32 v20, v2;
	[tilespmem:v45+s25+$0x0] =	vst.idx.msk $0xffff, v0  }
0x110: {  	[tilespmem:v46+s25+$0x0] =	vst.idx.msk $0xffff, v11;
	v0 =	vld.idx.msk [tilespmem:v28+s19+$0x0], $0xffff  }
0x111: {  	[tilespmem:v39+s25+$0x0] =	vst.idx.msk $0xffff, v20;
	v11 =	vld.idx.msk [tilespmem:v29+s19+$0x0], $0xffff  }
0x112: {  	v17 =	vld.idx.msk [tilespmem:v17+s19+$0x0], $0xffff  }
0x113: {  	v26 =	vshll.u32 v9, $0x6;
	v48 =	vadd.s32 v61, v32  }
0x114: {  	s16 =	simm.s32 $0x30;
	v9 =	vadd.s32 v25, v6;
	[tilespmem:$0x1FC70] =	vst v23;
	v28 =	vadd.s32 v26, v47;
	v29 =	vadd.s32 v55, v14  }
0x115: {  	s10 =	sand.u32 $0xF0, s16;
	v20 =	vadd.s32 v23, v62;
	[tilespmem:$0x1FC80] =	vst v26;
	v28 =	vor.u32 v60, v28;
	v0 =	vmul.f32 $8.000000000e+00, v0  }
0x116: {  	v50 =	vadd.s32 v5, v22;
	v20 =	vor.u32 v63, v20;
	v49 =	vld [tilespmem:s10+$0x3500];
	v11 =	vmul.f32 $8.000000000e+00, v11  }
0x117: {  	v40 =	vor.u32 v4, v9;
	v17 =	vmul.f32 $8.000000000e+00, v17;
	v0 =	vadd.f32 v0, v56  }
0x118: {  	v9 =	vadd.f32 v11, v59  }
0x119: {  	s31 =	simm.s32 $0x3;
	v11 =	vadd.f32 v17, v2;
	[tilespmem:v29+s25+$0x0] =	vst.idx.msk $0xffff, v0  }
0x11a: {  	s14 =	sand.u32 $0x30, s31;
	[tilespmem:v48+s25+$0x0] =	vst.idx.msk $0xffff, v9;
	v0 =	vld.idx.msk [tilespmem:v28+s19+$0x0], $0xffff  }
0x11b: {  	v17 =	vadd.s32 s14, v49;
	[tilespmem:v50+s25+$0x0] =	vst.idx.msk $0xffff, v11;
	v20 =	vld.idx.msk [tilespmem:v20+s19+$0x0], $0xffff  }
0x11c: {  	v53 =	vadd.s32 v58, v32;
	v11 =	vand.u32 $0xFFFFFFF8, v17;
	v17 =	vld.idx.msk [tilespmem:v40+s19+$0x0], $0xffff  }
0x11d: {  	v16 =	vmovc v23;
	v51 =	vadd.s32 v21, v6;
	v23 =	vshll.u32 v8, $0x6;
	v8 =	vadd.s32 $0x400, v14  }
0x11e: {  	v38 =	vor.u32 v4, v51;
	v52 =	vadd.s32 v7, v8;
	v29 =	vadd.s32 v23, v47  }
0x11f: {  	v28 =	vadd.s32 v19, v62;
	v29 =	vor.u32 v60, v29;
	v0 =	vmul.f32 $8.000000000e+00, v0  }
0x120: {  	v45 =	vadd.s32 v3, v22;
	v28 =	vor.u32 v63, v28;
	v20 =	vmul.f32 $8.000000000e+00, v20  }
0x121: {  	v9 =	vand.u32 $0x7, v49;
	v17 =	vmul.f32 $8.000000000e+00, v17;
	v0 =	vadd.f32 v0, v56  }
0x122: {  	v43 =	vld [tilespmem:s10+$0x3600];
	v14 =	vadd.s32 v18, v11;
	v49 =	vadd.s32 v33, v11;
	v20 =	vadd.f32 v20, v59  }
0x123: {  	v46 =	vld [tilespmem:s10+$0x3700];
	v14 =	vor.u32 v9, v14;
	v17 =	vadd.f32 v17, v2;
	[tilespmem:v52+s25+$0x0] =	vst.idx.msk $0xffff, v0  }
0x124: {  	v0 =	vor.u32 v9, v49;
	[tilespmem:v53+s25+$0x0] =	vst.idx.msk $0xffff, v20;
	v20 =	vld.idx.msk [tilespmem:v29+s19+$0x0], $0xffff  }
0x125: {  	v30 =	vshll.u32 v10, $0x6;
	s14 =	simm.s32 $0x0;
	[tilespmem:v45+s25+$0x0] =	vst.idx.msk $0xffff, v17;
	v17 =	vld.idx.msk [tilespmem:v28+s19+$0x0], $0xffff  }
0x126: {  	v54 =	vadd.s32 v30, v47;
	v34 =	vadd.s32 v41, v6;
	s10 =	sand.u32 $0x6, s14;
	v38 =	vld.idx.msk [tilespmem:v38+s19+$0x0], $0xffff  }
0x127: {  	v39 =	vor.u32 v60, v54;
	v35 =	vadd.s32 v5, v8;
	v10 =	vadd.s32 s10, v43  }
0x128: {  	v10 =	vshll.u32 v10, $0xB;
	v14 =	vld.idx.msk [tilespmem:v14+s19+$0x0], $0xffff;
	v28 =	vshll.u32 v46, $0x7;
	v29 =	vadd.s32 v24, v62  }
0x129: {  	v46 =	vadd.s32 v28, v10;
	v10 =	vld.idx.msk [tilespmem:v0+s15+$0x0], $0xffff;
	v0 =	vadd.s32 v57, v32;
	v20 =	vmul.f32 $8.000000000e+00, v20  }
0x12a: {  	v44 =	vadd.s32 v1, v22;
	v29 =	vor.u32 v63, v29;
	v17 =	vmul.f32 $8.000000000e+00, v17  }
0x12b: {  	v43 =	vor.u32 v4, v34;
	v38 =	vmul.f32 $8.000000000e+00, v38;
	v20 =	vadd.f32 v20, v56  }
0x12c: {  	v28 =	vadd.s32 v36, v11;
	v50 =	vadd.s32 v7, v46;
	v17 =	vadd.f32 v17, v59  }
0x12d: {  	v14 =	vmul.f32 $8.000000000e+00, v14;
	v51 =	vor.u32 v9, v28;
	v28 =	vadd.f32 v38, v2;
	[tilespmem:v35+s25+$0x0] =	vst.idx.msk $0xffff, v20  }
0x12e: {  	[tilespmem:v0+s25+$0x0] =	vst.idx.msk $0xffff, v17;
	v0 =	vld.idx.msk [tilespmem:v39+s19+$0x0], $0xffff  }
0x12f: {  	v14 =	vadd.f32 v14, v10;
	[tilespmem:v44+s25+$0x0] =	vst.idx.msk $0xffff, v28;
	v17 =	vld.idx.msk [tilespmem:v29+s19+$0x0], $0xffff  }
0x130: {  	v34 =	vshll.u32 v13, $0x6;
	v13 =	vld.idx.msk [tilespmem:v43+s19+$0x0], $0xffff  }
0x131: {  	v54 =	vadd.s32 v26, v62;
	[tilespmem:v50+s25+$0x0] =	vst.idx.msk $0xffff, v14  }
0x132: {  	v40 =	vadd.s32 v61, v22;
	v53 =	vadd.s32 v16, v6;
	v43 =	vadd.s32 v3, v8;
	v20 =	vld.idx.msk [tilespmem:v51+s19+$0x0], $0xffff  }
0x133: {  	v45 =	vadd.s32 v55, v32;
	v14 =	vadd.s32 v34, v47;
	v0 =	vmul.f32 $8.000000000e+00, v0  }
0x134: {  	s16 =	simm.s32 $0x40;
	v38 =	vor.u32 v4, v53;
	v14 =	vor.u32 v60, v14;
	v17 =	vmul.f32 $8.000000000e+00, v17  }
0x135: {  	s10 =	sand.u32 $0xF0, s16;
	v39 =	vor.u32 v63, v54;
	v13 =	vmul.f32 $8.000000000e+00, v13;
	v0 =	vadd.f32 v0, v56  }
0x136: {  	v35 =	vld [tilespmem:s10+$0x3500];
	v44 =	vadd.s32 v5, v46;
	v29 =	vadd.s32 v25, v11;
	v17 =	vadd.f32 v17, v59  }
0x137: {  	v52 =	vor.u32 v9, v29;
	v20 =	vmul.f32 $8.000000000e+00, v20;
	v13 =	vadd.f32 v13, v2;
	[tilespmem:v43+s25+$0x0] =	vst.idx.msk $0xffff, v0  }
0x138: {  	v12 =	vshll.u32 v12, $0x6;
	[tilespmem:v45+s25+$0x0] =	vst.idx.msk $0xffff, v17  }
0x139: {  	s31 =	simm.s32 $0x4;
	v49 =	vadd.s32 v21, v11;
	v0 =	vadd.f32 v20, v10;
	[tilespmem:v40+s25+$0x0] =	vst.idx.msk $0xffff, v13;
	v17 =	vld.idx.msk [tilespmem:v14+s19+$0x0], $0xffff  }
0x13a: {  	s14 =	sand.u32 $0x30, s31;
	v26 =	vor.u32 v9, v49;
	v54 =	vadd.s32 v19, v6;
	v20 =	vld.idx.msk [tilespmem:v39+s19+$0x0], $0xffff;
	[tilespmem:$0x1FC90] =	vst v12  }
0x13b: {  	v13 =	vand.u32 $0x7, v35;
	v14 =	vadd.s32 s14, v35;
	v12 =	vadd.s32 v12, v47;
	[tilespmem:v44+s25+$0x0] =	vst.idx.msk $0xffff, v0;
	v0 =	vld.idx.msk [tilespmem:v38+s19+$0x0], $0xffff  }
0x13c: {  	v40 =	vmovc v23;
	v35 =	vadd.s32 v23, v62;
	v23 =	vadd.s32 v3, v46;
	v14 =	vand.u32 $0xFFFFFFF8, v14;
	v43 =	vld.idx.msk [tilespmem:v52+s19+$0x0], $0xffff  }
0x13d: {  	v51 =	vor.u32 v60, v12;
	v12 =	vadd.s32 $0x400, v32;
	v32 =	vadd.s32 v1, v8  }
0x13e: {  	v39 =	vor.u32 v63, v35;
	v52 =	vadd.s32 v7, v12;
	v17 =	vmul.f32 $8.000000000e+00, v17  }
0x13f: {  	v38 =	vor.u32 v4, v54;
	v54 =	vadd.s32 v58, v22;
	v20 =	vmul.f32 $8.000000000e+00, v20  }
0x140: {  	v50 =	vld [tilespmem:s10+$0x3600];
	v45 =	vadd.s32 v18, v14;
	v0 =	vmul.f32 $8.000000000e+00, v0;
	v17 =	vadd.f32 v17, v56  }
0x141: {  	v16 =	vmovc v19;
	v19 =	vmovc v18;
	v53 =	vld [tilespmem:s10+$0x3700];
	v18 =	vor.u32 v13, v45;
	v43 =	vmul.f32 $8.000000000e+00, v43;
	v20 =	vadd.f32 v20, v59  }
0x142: {  	v0 =	vadd.f32 v0, v2;
	[tilespmem:v32+s25+$0x0] =	vst.idx.msk $0xffff, v17;
	v17 =	vadd.s32 v33, v14  }
0x143: {  	v43 =	vadd.f32 v43, v10;
	[tilespmem:v52+s25+$0x0] =	vst.idx.msk $0xffff, v20;
	v20 =	vld.idx.msk [tilespmem:v51+s19+$0x0], $0xffff;
	v17 =	vor.u32 v13, v17  }
0x144: {  	s16 =	simm.s32 $0x0;
	[tilespmem:v54+s25+$0x0] =	vst.idx.msk $0xffff, v0;
	v0 =	vld.idx.msk [tilespmem:v39+s19+$0x0], $0xffff  }
0x145: {  	v28 =	vshll.u32 v15, $0x6;
	s10 =	sand.u32 $0x6, s16;
	v44 =	vadd.s32 v41, v11;
	[tilespmem:v23+s25+$0x0] =	vst.idx.msk $0xffff, v43;
	v23 =	vld.idx.msk [tilespmem:v38+s19+$0x0], $0xffff  }
0x146: {  	v37 =	vadd.s32 s10, v50;
	v15 =	vshll.u32 v53, $0x7;
	v50 =	vadd.s32 v36, v14;
	v26 =	vld.idx.msk [tilespmem:v26+s19+$0x0], $0xffff  }
0x147: {  	v53 =	vadd.s32 v57, v22;
	v49 =	vshll.u32 v37, $0xB;
	v18 =	vld.idx.msk [tilespmem:v18+s19+$0x0], $0xffff;
	v52 =	vadd.s32 v61, v8  }
0x148: {  	v49 =	vadd.s32 v15, v49;
	v15 =	vld.idx.msk [tilespmem:v17+s15+$0x0], $0xffff;
	v17 =	vadd.s32 v5, v12;
	v20 =	vmul.f32 $8.000000000e+00, v20  }
0x149: {  	v37 =	vmovc v24;
	v32 =	vadd.s32 v24, v6;
	v24 =	vmovc v36;
	v36 =	vadd.s32 v1, v46;
	v0 =	vmul.f32 $8.000000000e+00, v0  }
0x14a: {  	v35 =	vadd.s32 v7, v49;
	v23 =	vmul.f32 $8.000000000e+00, v23;
	v20 =	vadd.f32 v20, v56  }
0x14b: {  	v39 =	vadd.s32 v28, v47;
	v26 =	vmul.f32 $8.000000000e+00, v26;
	v0 =	vadd.f32 v0, v59  }
0x14c: {  	v51 =	vor.u32 v9, v44;
	v44 =	vmul.f32 $8.000000000e+00, v18;
	v23 =	vadd.f32 v23, v2;
	[tilespmem:v52+s25+$0x0] =	vst.idx.msk $0xffff, v20  }
0x14d: {  	v43 =	vadd.s32 v30, v62;
	v26 =	vadd.f32 v26, v10;
	[tilespmem:v17+s25+$0x0] =	vst.idx.msk $0xffff, v0  }
0x14e: {  	s10 =	simm.s32 $0x50;
	v39 =	vor.u32 v60, v39;
	v17 =	vadd.f32 v44, v15;
	[tilespmem:v53+s25+$0x0] =	vst.idx.msk $0xffff, v23  }
0x14f: {  	s31 =	sand.u32 $0xF0, s10;
	v38 =	vor.u32 v63, v43;
	[tilespmem:v36+s25+$0x0] =	vst.idx.msk $0xffff, v26  }
0x150: {  	v27 =	vmov v21;
	v21 =	vmov v33;
	v33 =	vld [tilespmem:s31+$0x3600];
	v32 =	vor.u32 v4, v32;
	[tilespmem:v35+s25+$0x0] =	vst.idx.msk $0xffff, v17  }
0x151: {  	v23 =	vld [tilespmem:$0x1FC70]  }
0x152: {  	v54 =	vld [tilespmem:s31+$0x3700]  }
0x153: {  	s16 =	simm.s32 $0x0;
	v0 =	vld.idx.msk [tilespmem:v39+s19+$0x0], $0xffff  }
0x154: {  	s16 =	sand.u32 $0x6, s16;
	v48 =	vld.idx.msk [tilespmem:v38+s19+$0x0], $0xffff  }
0x155: {  	v18 =	vshll.u32 v42, $0x6;
	v42 =	vmov v34;
	v43 =	vadd.s32 s16, v33;
	v26 =	vld.idx.msk [tilespmem:v32+s19+$0x0], $0xffff  }
0x156: {  	v20 =	vor.u32 v13, v50;
	v17 =	vadd.s32 v34, v62;
	v34 =	vmovc v23;
	v33 =	vadd.s32 v23, v11;
	v23 =	vld [tilespmem:$0x1FC80]  }
0x157: {  	v29 =	vshll.u32 v31, $0x6;
	v32 =	vld.idx.msk [tilespmem:v51+s19+$0x0], $0xffff  }
0x158: {  	v31 =	vadd.s32 v29, v47;
	v45 =	vmov v28;
	v53 =	vshll.u32 v54, $0x7  }
0x159: {  	v28 =	vmovc v30;
	v44 =	vadd.s32 v58, v8;
	v39 =	vadd.s32 v3, v12;
	v51 =	vadd.s32 v55, v22  }
0x15a: {  	v30 =	vmovc v41;
	v35 =	vmovc v29;
	v41 =	vor.u32 v63, v17;
	v0 =	vmul.f32 $8.000000000e+00, v0;
	v38 =	vor.u32 v9, v33  }
0x15b: {  	v26 =	vmul.f32 $8.000000000e+00, v26;
	v33 =	vadd.s32 v61, v46;
	v29 =	vmovc v23;
	v52 =	vadd.s32 v23, v6;
	v23 =	vld.idx.msk [tilespmem:v20+s19+$0x0], $0xffff  }
0x15c: {  	v17 =	vmul.f32 $8.000000000e+00, v48;
	v54 =	vadd.f32 v0, v56;
	v48 =	vmul.f32 $8.000000000e+00, v32  }
0x15d: {  	v26 =	vadd.f32 v26, v2  }
0x15e: {  	[tilespmem:v44+s25+$0x0] =	vst.idx.msk $0xffff, v54;
	v54 =	vadd.f32 v48, v10  }
0x15f: {  	[tilespmem:v51+s25+$0x0] =	vst.idx.msk $0xffff, v26;
	v20 =	vadd.f32 v17, v59  }
0x160: {  	v31 =	vor.u32 v60, v31;
	v50 =	vld [tilespmem:s31+$0x3500];
	[tilespmem:v33+s25+$0x0] =	vst.idx.msk $0xffff, v54;
	v23 =	vmul.f32 $8.000000000e+00, v23  }
0x161: {  	[tilespmem:v39+s25+$0x0] =	vst.idx.msk $0xffff, v20  }
0x162: {  	v52 =	vor.u32 v4, v52;
	v20 =	vadd.f32 v23, v15;
	v23 =	vld [tilespmem:$0x1FC90]  }
0x163: {  	s31 =	simm.s32 $0x5  }
0x164: {  	s14 =	sand.u32 $0x30, s31;
	v36 =	vadd.s32 v25, v14;
	v0 =	vadd.s32 v5, v49  }
0x165: {  	v32 =	vand.u32 $0x7, v50;
	v17 =	vor.u32 v13, v36;
	v36 =	vadd.s32 s14, v50;
	v50 =	vld.idx.msk [tilespmem:v31+s19+$0x0], $0xffff  }
0x166: {  	v47 =	vadd.s32 v18, v47;
	v51 =	vld.idx.msk [tilespmem:v41+s19+$0x0], $0xffff  }
0x167: {  	s14 =	simm.s32 $0x6;
	v31 =	vand.u32 $0xFFFFFFF8, v36;
	v39 =	vshll.u32 v43, $0xB;
	v54 =	vld.idx.msk [tilespmem:v52+s19+$0x0], $0xffff;
	[tilespmem:$0x1FCA0] =	vst v18;
	v43 =	vmovc v23;
	v52 =	vadd.s32 v23, v62  }
.LBB2_3:
0x168: {  	_ =	sdelay $0x1  }
0x169: {  	v23 =	vadd.s32 v40, v6;
	v33 =	vadd.s32 v27, v14;
	[tilespmem:v0+s25+$0x0] =	vst.idx.msk $0xffff, v20  }
0x16a: {  	v36 =	vor.u32 v60, v47;
	v41 =	vadd.s32 v57, v8;
	v44 =	vadd.s32 $0x400, v22;
	v0 =	vld.idx.msk [tilespmem:v38+s19+$0x0], $0xffff  }
0x16b: {  	v60 =	vmovc v63;
	v48 =	vadd.s32 v1, v12;
	v18 =	vmul.f32 $8.000000000e+00, v50;
	v22 =	vmovc v46;
	v47 =	vmul.f32 $8.000000000e+00, v51;
	v17 =	vld.idx.msk [tilespmem:v17+s19+$0x0], $0xffff  }
0x16c: {  	v46 =	vmovc v49;
	v20 =	vadd.s32 v16, v11;
	v23 =	vor.u32 v4, v23;
	v49 =	vadd.s32 v7, v44  }
0x16d: {  	v51 =	vadd.s32 v58, v22;
	v38 =	vor.u32 v63, v52;
	v20 =	vor.u32 v9, v20;
	v63 =	vmovc v4  }
0x16e: {  	v4 =	vmovc v9;
	v9 =	vmovc v13;
	v13 =	vmov v32;
	v52 =	vmul.f32 $8.000000000e+00, v54;
	v54 =	vadd.f32 v18, v56  }
0x16f: {  	v32 =	vadd.s32 v3, v46;
	v50 =	vadd.f32 v47, v59;
	v47 =	vmovc v62;
	v62 =	vmovc v6;
	v0 =	vmul.f32 $8.000000000e+00, v0  }
0x170: {  	[tilespmem:v41+s25+$0x0] =	vst.idx.msk $0xffff, v54;
	v6 =	vmul.f32 $8.000000000e+00, v17;
	v17 =	vor.u32 v9, v33;
	v33 =	vadd.f32 v52, v2  }
0x171: {  	v26 =	vadd.s32 v19, v31;
	[tilespmem:v48+s25+$0x0] =	vst.idx.msk $0xffff, v50;
	v0 =	vadd.f32 v0, v10  }
0x172: {  	v26 =	vor.u32 v13, v26;
	v36 =	vld.idx.msk [tilespmem:v36+s19+$0x0], $0xffff;
	v6 =	vadd.f32 v6, v15;
	[tilespmem:v49+s25+$0x0] =	vst.idx.msk $0xffff, v33  }
0x173: {  	v54 =	vadd.s32 v28, v62;
	v41 =	vadd.s32 v30, v14;
	v33 =	vld.idx.msk [tilespmem:v38+s19+$0x0], $0xffff;
	[tilespmem:v51+s25+$0x0] =	vst.idx.msk $0xffff, v0  }
0x174: {  	v52 =	vadd.s32 v21, v31;
	v48 =	vadd.s32 v55, v8;
	v0 =	vld.idx.msk [tilespmem:v23+s19+$0x0], $0xffff;
	[tilespmem:v32+s25+$0x0] =	vst.idx.msk $0xffff, v6  }
0x175: {  	v49 =	vadd.s32 v53, v39;
	v38 =	vor.u32 v13, v52;
	v51 =	vadd.s32 v61, v12;
	v20 =	vld.idx.msk [tilespmem:v20+s19+$0x0], $0xffff  }
0x176: {  	v8 =	vmovc v12;
	v12 =	vmov v44;
	v44 =	vadd.s32 v57, v22;
	v6 =	vadd.s32 v37, v11;
	v17 =	vld.idx.msk [tilespmem:v17+s19+$0x0], $0xffff  }
0x177: {  	s10 =	sadd.s32 $0x10, s10;
	v23 =	vadd.s32 v45, v47;
	v32 =	vor.u32 v63, v54;
	v36 =	vmul.f32 $8.000000000e+00, v36  }
0x178: {  	s16 =	sand.u32 $0xF0, s10;
	v52 =	vadd.s32 v5, v12;
	v26 =	vld.idx.msk [tilespmem:v26+s19+$0x0], $0xffff;
	v23 =	vor.u32 v60, v23;
	v33 =	vmul.f32 $8.000000000e+00, v33  }
0x179: {  	v50 =	vor.u32 v4, v6;
	v53 =	vld [tilespmem:s16+$0x3700];
	v6 =	vmovc v11;
	v11 =	vadd.f32 v36, v56;
	v56 =	vmovc v59;
	v0 =	vmul.f32 $8.000000000e+00, v0  }
0x17a: {  	v54 =	vadd.s32 v1, v46;
	v38 =	vld.idx.msk [tilespmem:v38+s15+$0x0], $0xffff;
	v59 =	vmovc v2;
	v33 =	vadd.f32 v33, v56;
	v20 =	vmul.f32 $8.000000000e+00, v20  }
0x17b: {  	v36 =	vld [tilespmem:s16+$0x3600];
	v2 =	vmovc v10;
	v10 =	vmov v15;
	[tilespmem:v48+s25+$0x0] =	vst.idx.msk $0xffff, v11;
	v15 =	vmul.f32 $8.000000000e+00, v17;
	v0 =	vadd.f32 v0, v59  }
0x17c: {  	v18 =	vadd.s32 v7, v49;
	[tilespmem:v51+s25+$0x0] =	vst.idx.msk $0xffff, v33;
	v20 =	vadd.f32 v20, v2  }
0x17d: {  	v41 =	vor.u32 v9, v41;
	v17 =	vmul.f32 $8.000000000e+00, v26;
	v48 =	vadd.f32 v15, v10;
	[tilespmem:v52+s25+$0x0] =	vst.idx.msk $0xffff, v0  }
0x17e: {  	v0 =	vld.idx.msk [tilespmem:v23+s19+$0x0], $0xffff;
	[tilespmem:v44+s25+$0x0] =	vst.idx.msk $0xffff, v20  }
0x17f: {  	v39 =	vadd.s32 v24, v31;
	v17 =	vadd.f32 v17, v38;
	v20 =	vld.idx.msk [tilespmem:v32+s19+$0x0], $0xffff;
	[tilespmem:v54+s25+$0x0] =	vst.idx.msk $0xffff, v48  }
0x180: {  	s31 =	sshrl.u32 s14, $0x3;
	v26 =	vor.u32 v13, v39;
	v11 =	vmov v14;
	v14 =	vmov v31;
	v31 =	vld.idx.msk [tilespmem:v50+s19+$0x0], $0xffff  }
0x181: {  	s31 =	sand.u32 $0x6, s31;
	v39 =	vadd.s32 v58, v8;
	v51 =	vadd.s32 v35, v47;
	[tilespmem:v18+s25+$0x0] =	vst.idx.msk $0xffff, v17  }
0x182: {  	v33 =	vadd.s32 v25, v14;
	v23 =	vadd.s32 s31, v36;
	v36 =	vadd.s32 v55, v22;
	v17 =	vld.idx.msk [tilespmem:v41+s19+$0x0], $0xffff  }
0x183: {  	v54 =	vadd.s32 v34, v11;
	v48 =	vadd.s32 v3, v12;
	v0 =	vmul.f32 $8.000000000e+00, v0  }
0x184: {  	v18 =	vadd.s32 v42, v62;
	v41 =	vor.u32 v60, v51;
	v20 =	vmul.f32 $8.000000000e+00, v20  }
0x185: {  	v18 =	vor.u32 v63, v18;
	v31 =	vmul.f32 $8.000000000e+00, v31;
	v50 =	vadd.f32 v0, v56  }
0x186: {  	v15 =	vmov v38;
	v38 =	vor.u32 v9, v54;
	v26 =	vld.idx.msk [tilespmem:v26+s19+$0x0], $0xffff;
	v20 =	vadd.f32 v20, v59  }
0x187: {  	v32 =	vld [tilespmem:s16+$0x3500];
	v54 =	vmul.f32 $8.000000000e+00, v17;
	v17 =	vor.u32 v13, v33;
	v33 =	vadd.f32 v31, v2;
	[tilespmem:v39+s25+$0x0] =	vst.idx.msk $0xffff, v50  }
0x188: {  	[tilespmem:v48+s25+$0x0] =	vst.idx.msk $0xffff, v20  }
0x189: {  	v52 =	vadd.s32 v29, v6;
	v50 =	vld.idx.msk [tilespmem:v41+s19+$0x0], $0xffff;
	[tilespmem:v36+s25+$0x0] =	vst.idx.msk $0xffff, v33  }
0x18a: {  	v44 =	vor.u32 v4, v52;
	v52 =	vadd.s32 v61, v46;
	v51 =	vld.idx.msk [tilespmem:v18+s19+$0x0], $0xffff  }
0x18b: {  	p1 =	sne.s32 s14, $0x3F;
	v18 =	vld [tilespmem:$0x1FCA0]  }
.Ltmp0:
0x18c: {  	_ = 	snop;
	(pc) =	sbr.rel @p1 .LBB2_3-.Ltmp0, $4  }
0x18d: {  	v53 =	vshll.u32 v53, $0x7;
	s31 =	sand.u32 $0x30, s14;
	v54 =	vadd.f32 v54, v10  }
0x18e: {  	v0 =	vadd.s32 v5, v49;
	v26 =	vmul.f32 $8.000000000e+00, v26;
	v31 =	vadd.s32 s31, v32  }
0x18f: {  	v32 =	vand.u32 $0x7, v32;
	v39 =	vshll.u32 v23, $0xB;
	v31 =	vand.u32 $0xFFFFFFF8, v31;
	[tilespmem:v52+s25+$0x0] =	vst.idx.msk $0xffff, v54  }
0x190: {  	s14 =	sadd.s32 $0x1, s14;
	v20 =	vadd.f32 v26, v15;
	v52 =	vadd.s32 v43, v62;
	v54 =	vld.idx.msk [tilespmem:v44+s19+$0x0], $0xffff;
	v47 =	vadd.s32 v18, v47  }
0x191: {  	v18 =	vadd.s32 v19, v31  }
0x192: {  	v18 =	vor.u32 v32, v18  }
0x193: {  	v19 =	vadd.s32 v21, v31  }
0x194: {  	v19 =	vor.u32 v32, v19;
	_ =	sdelay $0x2  }
0x195: {  	v23 =	vld.idx.msk [tilespmem:v18+s19+$0x0], $0xffff;
	_ =	sdelay $0x1  }
0x196: {  	v18 =	vld.idx.msk [tilespmem:v19+s15+$0x0], $0xffff  }
0x197: {  	v53 =	vadd.s32 v53, v39  }
0x198: {  	v21 =	vadd.s32 v7, v53;
	v19 =	vadd.s32 v24, v31  }
0x199: {  	v19 =	vor.u32 v32, v19;
	v23 =	vmul.f32 $8.000000000e+00, v23;
	_ =	sdelay $0x1  }
0x19a: {  	v23 =	vadd.f32 v23, v18;
	_ =	sdelay $0x1  }
0x19b: {  	[tilespmem:v21+s25+$0x0] =	vst.idx.msk $0xffff, v23  }
0x19c: {  	v19 =	vld.idx.msk [tilespmem:v19+s19+$0x0], $0xffff;
	_ =	sdelay $0x3  }
0x19d: {  	v21 =	vadd.s32 v25, v31;
	v23 =	vadd.s32 v5, v53  }
0x19e: {  	v21 =	vor.u32 v32, v21;
	v19 =	vmul.f32 $8.000000000e+00, v19;
	_ =	sdelay $0x1  }
0x19f: {  	[tilespmem:v0+s25+$0x0] =	vst.idx.msk $0xffff, v20;
	v0 =	vadd.f32 v19, v18  }
0x1a0: {  	v17 =	vld.idx.msk [tilespmem:v17+s19+$0x0], $0xffff  }
0x1a1: {  	[tilespmem:v23+s25+$0x0] =	vst.idx.msk $0xffff, v0  }
0x1a2: {  	v0 =	vld.idx.msk [tilespmem:v21+s19+$0x0], $0xffff;
	_ =	sdelay $0x2  }
0x1a3: {  	v20 =	vadd.s32 v3, v49;
	v17 =	vmul.f32 $8.000000000e+00, v17;
	v19 =	vadd.s32 v27, v14  }
0x1a4: {  	v19 =	vor.u32 v13, v19;
	v23 =	vadd.s32 v3, v53;
	v21 =	vadd.s32 v27, v31  }
0x1a5: {  	v21 =	vor.u32 v32, v21;
	v0 =	vmul.f32 $8.000000000e+00, v0  }
0x1a6: {  	v17 =	vadd.f32 v17, v15  }
0x1a7: {  	v0 =	vadd.f32 v0, v18  }
0x1a8: {  	[tilespmem:v20+s25+$0x0] =	vst.idx.msk $0xffff, v17  }
0x1a9: {  	v17 =	vld.idx.msk [tilespmem:v19+s19+$0x0], $0xffff;
	[tilespmem:v23+s25+$0x0] =	vst.idx.msk $0xffff, v0  }
0x1aa: {  	v0 =	vld.idx.msk [tilespmem:v21+s19+$0x0], $0xffff;
	_ =	sdelay $0x1  }
0x1ab: {  	v19 =	vadd.s32 v30, v14  }
0x1ac: {  	v20 =	vadd.s32 v1, v49;
	v19 =	vor.u32 v13, v19  }
0x1ad: {  	v17 =	vmul.f32 $8.000000000e+00, v17;
	v23 =	vadd.s32 v1, v53;
	v21 =	vadd.s32 v30, v31  }
0x1ae: {  	v21 =	vor.u32 v32, v21;
	v0 =	vmul.f32 $8.000000000e+00, v0  }
0x1af: {  	v17 =	vadd.f32 v17, v15  }
0x1b0: {  	v0 =	vadd.f32 v0, v18  }
0x1b1: {  	[tilespmem:v20+s25+$0x0] =	vst.idx.msk $0xffff, v17  }
0x1b2: {  	v17 =	vld.idx.msk [tilespmem:v19+s19+$0x0], $0xffff;
	[tilespmem:v23+s25+$0x0] =	vst.idx.msk $0xffff, v0  }
0x1b3: {  	v0 =	vld.idx.msk [tilespmem:v21+s19+$0x0], $0xffff;
	_ =	sdelay $0x1  }
0x1b4: {  	v19 =	vadd.s32 v34, v14  }
0x1b5: {  	v20 =	vadd.s32 v61, v49;
	v19 =	vor.u32 v13, v19  }
0x1b6: {  	v17 =	vmul.f32 $8.000000000e+00, v17;
	v23 =	vadd.s32 v61, v53;
	v21 =	vadd.s32 v34, v31  }
0x1b7: {  	v21 =	vor.u32 v32, v21;
	v0 =	vmul.f32 $8.000000000e+00, v0  }
0x1b8: {  	v24 =	vld.idx.msk [tilespmem:v38+s19+$0x0], $0xffff;
	v17 =	vadd.f32 v17, v15  }
0x1b9: {  	v0 =	vadd.f32 v0, v18  }
0x1ba: {  	[tilespmem:v20+s25+$0x0] =	vst.idx.msk $0xffff, v17  }
0x1bb: {  	v17 =	vld.idx.msk [tilespmem:v19+s19+$0x0], $0xffff;
	[tilespmem:v23+s25+$0x0] =	vst.idx.msk $0xffff, v0  }
0x1bc: {  	v19 =	vadd.s32 v58, v46;
	v0 =	vadd.s32 v16, v11;
	v20 =	vld.idx.msk [tilespmem:v21+s19+$0x0], $0xffff  }
0x1bd: {  	v0 =	vor.u32 v9, v0;
	v21 =	vmul.f32 $8.000000000e+00, v24  }
0x1be: {  	v26 =	vadd.s32 v16, v31  }
0x1bf: {  	v23 =	vadd.s32 v16, v14;
	v24 =	vadd.s32 v58, v49;
	v21 =	vadd.f32 v21, v10  }
0x1c0: {  	v25 =	vadd.s32 v58, v53;
	v17 =	vmul.f32 $8.000000000e+00, v17;
	v23 =	vor.u32 v13, v23  }
0x1c1: {  	[tilespmem:v19+s25+$0x0] =	vst.idx.msk $0xffff, v21;
	v21 =	vor.u32 v32, v26;
	v19 =	vmul.f32 $8.000000000e+00, v20  }
0x1c2: {  	v17 =	vadd.f32 v17, v15;
	v0 =	vld.idx.msk [tilespmem:v0+s19+$0x0], $0xffff  }
0x1c3: {  	v19 =	vadd.f32 v19, v18  }
0x1c4: {  	[tilespmem:v24+s25+$0x0] =	vst.idx.msk $0xffff, v17  }
0x1c5: {  	v17 =	vld.idx.msk [tilespmem:v23+s19+$0x0], $0xffff;
	[tilespmem:v25+s25+$0x0] =	vst.idx.msk $0xffff, v19  }
0x1c6: {  	v20 =	vadd.s32 v57, v46;
	v26 =	vld.idx.msk [tilespmem:v21+s19+$0x0], $0xffff  }
0x1c7: {  	v19 =	vadd.s32 v37, v11;
	v0 =	vmul.f32 $8.000000000e+00, v0  }
0x1c8: {  	v24 =	vadd.s32 v37, v31;
	v19 =	vor.u32 v9, v19  }
0x1c9: {  	v23 =	vadd.s32 v57, v49;
	v21 =	vadd.s32 v37, v14;
	v0 =	vadd.f32 v0, v10  }
0x1ca: {  	v25 =	vadd.s32 v57, v53;
	v21 =	vor.u32 v13, v21;
	v17 =	vmul.f32 $8.000000000e+00, v17  }
0x1cb: {  	[tilespmem:v20+s25+$0x0] =	vst.idx.msk $0xffff, v0;
	v0 =	vor.u32 v32, v24;
	v16 =	vmul.f32 $8.000000000e+00, v26  }
0x1cc: {  	v17 =	vadd.f32 v17, v15  }
0x1cd: {  	v19 =	vld.idx.msk [tilespmem:v19+s19+$0x0], $0xffff;
	v16 =	vadd.f32 v16, v18  }
0x1ce: {  	[tilespmem:v23+s25+$0x0] =	vst.idx.msk $0xffff, v17  }
0x1cf: {  	v17 =	vld.idx.msk [tilespmem:v21+s19+$0x0], $0xffff;
	[tilespmem:v25+s25+$0x0] =	vst.idx.msk $0xffff, v16  }
0x1d0: {  	v0 =	vld.idx.msk [tilespmem:v0+s19+$0x0], $0xffff  }
0x1d1: {  	v20 =	vadd.s32 v55, v46;
	v16 =	vadd.s32 v29, v11  }
0x1d2: {  	v19 =	vmul.f32 $8.000000000e+00, v19;
	v21 =	vor.u32 v9, v16;
	v16 =	vadd.s32 v29, v14  }
0x1d3: {  	v24 =	vadd.s32 v55, v49;
	v25 =	vadd.s32 v55, v53;
	v23 =	vor.u32 v13, v16  }
0x1d4: {  	v16 =	vmul.f32 $8.000000000e+00, v17;
	v17 =	vadd.s32 v29, v31;
	v19 =	vadd.f32 v19, v10  }
0x1d5: {  	v17 =	vor.u32 v32, v17;
	v0 =	vmul.f32 $8.000000000e+00, v0  }
0x1d6: {  	[tilespmem:v20+s25+$0x0] =	vst.idx.msk $0xffff, v19;
	v19 =	vadd.f32 v16, v15  }
0x1d7: {  	v16 =	vadd.s32 $0x400, v22;
	v20 =	vld.idx.msk [tilespmem:v21+s19+$0x0], $0xffff;
	v0 =	vadd.f32 v0, v18  }
0x1d8: {  	v21 =	vadd.s32 v40, v6;
	v26 =	vadd.s32 v7, v16;
	[tilespmem:v24+s25+$0x0] =	vst.idx.msk $0xffff, v19  }
0x1d9: {  	v24 =	vor.u32 v4, v21;
	v21 =	vmul.f32 $8.000000000e+00, v54;
	v23 =	vld.idx.msk [tilespmem:v23+s19+$0x0], $0xffff;
	[tilespmem:v25+s25+$0x0] =	vst.idx.msk $0xffff, v0  }
0x1da: {  	v27 =	vadd.s32 v40, v14;
	v22 =	vadd.s32 $0x400, v49;
	v17 =	vld.idx.msk [tilespmem:v17+s19+$0x0], $0xffff  }
0x1db: {  	v19 =	vadd.s32 $0x400, v46;
	v21 =	vadd.f32 v21, v2;
	v0 =	vadd.s32 v40, v11  }
0x1dc: {  	v25 =	vadd.s32 v7, v19;
	v0 =	vor.u32 v9, v0;
	v20 =	vmul.f32 $8.000000000e+00, v20  }
0x1dd: {  	[tilespmem:v26+s25+$0x0] =	vst.idx.msk $0xffff, v21;
	v26 =	vor.u32 v13, v27;
	v27 =	vadd.s32 v7, v22;
	v21 =	vadd.s32 $0x400, v53  }
0x1de: {  	v33 =	vadd.s32 v40, v31;
	v24 =	vld.idx.msk [tilespmem:v24+s19+$0x0], $0xffff;
	v7 =	vadd.s32 v7, v21;
	v23 =	vmul.f32 $8.000000000e+00, v23  }
0x1df: {  	v33 =	vor.u32 v32, v33;
	v20 =	vadd.f32 v20, v10;
	v17 =	vmul.f32 $8.000000000e+00, v17  }
0x1e0: {  	v23 =	vadd.f32 v23, v15  }
0x1e1: {  	[tilespmem:v25+s25+$0x0] =	vst.idx.msk $0xffff, v20;
	v17 =	vadd.f32 v17, v18  }
0x1e2: {  	v20 =	vadd.s32 v28, v6;
	v25 =	vadd.s32 v5, v16;
	v0 =	vld.idx.msk [tilespmem:v0+s19+$0x0], $0xffff;
	[tilespmem:v27+s25+$0x0] =	vst.idx.msk $0xffff, v23  }
0x1e3: {  	v20 =	vor.u32 v4, v20;
	v23 =	vmul.f32 $8.000000000e+00, v24;
	v24 =	vld.idx.msk [tilespmem:v26+s19+$0x0], $0xffff;
	[tilespmem:v7+s25+$0x0] =	vst.idx.msk $0xffff, v17  }
0x1e4: {  	v39 =	vadd.s32 v28, v14;
	v7 =	vld.idx.msk [tilespmem:v33+s19+$0x0], $0xffff  }
0x1e5: {  	v41 =	vadd.s32 v1, v12;
	v26 =	vadd.s32 v28, v11;
	v23 =	vadd.f32 v23, v2  }
0x1e6: {  	v40 =	vadd.s32 v28, v31;
	v27 =	vadd.s32 v5, v19;
	v26 =	vor.u32 v9, v26  }
0x1e7: {  	v17 =	vmul.f32 $8.000000000e+00, v51;
	[tilespmem:v25+s25+$0x0] =	vst.idx.msk $0xffff, v23;
	v0 =	vmul.f32 $8.000000000e+00, v0;
	v25 =	vadd.s32 v5, v22  }
0x1e8: {  	v23 =	vor.u32 v13, v39;
	v5 =	vadd.s32 v5, v21;
	v20 =	vld.idx.msk [tilespmem:v20+s19+$0x0], $0xffff;
	v24 =	vmul.f32 $8.000000000e+00, v24  }
0x1e9: {  	v33 =	vor.u32 v32, v40;
	v0 =	vadd.f32 v0, v10;
	v7 =	vmul.f32 $8.000000000e+00, v7  }
0x1ea: {  	v30 =	vor.u32 v63, v52;
	v24 =	vadd.f32 v24, v15  }
0x1eb: {  	v17 =	vadd.f32 v17, v59;
	[tilespmem:v27+s25+$0x0] =	vst.idx.msk $0xffff, v0;
	v0 =	vadd.f32 v7, v18  }
0x1ec: {  	v27 =	vadd.s32 v3, v16;
	v26 =	vld.idx.msk [tilespmem:v26+s19+$0x0], $0xffff;
	[tilespmem:v25+s25+$0x0] =	vst.idx.msk $0xffff, v24;
	v7 =	vadd.s32 v42, v6  }
0x1ed: {  	v20 =	vmul.f32 $8.000000000e+00, v20;
	v23 =	vld.idx.msk [tilespmem:v23+s19+$0x0], $0xffff;
	v7 =	vor.u32 v4, v7;
	[tilespmem:v5+s25+$0x0] =	vst.idx.msk $0xffff, v0  }
0x1ee: {  	[tilespmem:v41+s25+$0x0] =	vst.idx.msk $0xffff, v17;
	v0 =	vld.idx.msk [tilespmem:v33+s19+$0x0], $0xffff  }
0x1ef: {  	v17 =	vadd.s32 v42, v11;
	v25 =	vadd.s32 v42, v14;
	v5 =	vadd.f32 v20, v2  }
0x1f0: {  	v17 =	vor.u32 v9, v17;
	v24 =	vadd.s32 v3, v19;
	v25 =	vor.u32 v13, v25  }
0x1f1: {  	v20 =	vld.idx.msk [tilespmem:v30+s19+$0x0], $0xffff;
	[tilespmem:v27+s25+$0x0] =	vst.idx.msk $0xffff, v5;
	v5 =	vmul.f32 $8.000000000e+00, v26;
	v26 =	vadd.s32 v3, v22  }
0x1f2: {  	v27 =	vadd.s32 v42, v31;
	v3 =	vadd.s32 v3, v21;
	v23 =	vmul.f32 $8.000000000e+00, v23;
	v7 =	vld.idx.msk [tilespmem:v7+s19+$0x0], $0xffff  }
0x1f3: {  	v27 =	vor.u32 v32, v27;
	v5 =	vadd.f32 v5, v10;
	v0 =	vmul.f32 $8.000000000e+00, v0  }
0x1f4: {  	v23 =	vadd.f32 v23, v15  }
0x1f5: {  	[tilespmem:v24+s25+$0x0] =	vst.idx.msk $0xffff, v5;
	v0 =	vadd.f32 v0, v18  }
0x1f6: {  	v5 =	vadd.s32 v43, v6;
	v24 =	vadd.s32 v1, v16;
	v17 =	vld.idx.msk [tilespmem:v17+s19+$0x0], $0xffff;
	[tilespmem:v26+s25+$0x0] =	vst.idx.msk $0xffff, v23  }
0x1f7: {  	v20 =	vmul.f32 $8.000000000e+00, v20;
	v5 =	vor.u32 v4, v5;
	v23 =	vld.idx.msk [tilespmem:v25+s19+$0x0], $0xffff;
	v7 =	vmul.f32 $8.000000000e+00, v7;
	[tilespmem:v3+s25+$0x0] =	vst.idx.msk $0xffff, v0  }
0x1f8: {  	v28 =	vadd.s32 v45, v62;
	v26 =	vadd.s32 v43, v11;
	v3 =	vadd.s32 v61, v12;
	v25 =	vld.idx.msk [tilespmem:v27+s19+$0x0], $0xffff  }
0x1f9: {  	v20 =	vadd.f32 v20, v59;
	v26 =	vor.u32 v9, v26;
	v7 =	vadd.f32 v7, v2  }
0x1fa: {  	v0 =	vor.u32 v63, v28;
	v28 =	vadd.s32 v43, v14;
	v27 =	vadd.s32 v1, v19  }
0x1fb: {  	[tilespmem:v24+s25+$0x0] =	vst.idx.msk $0xffff, v7;
	v7 =	vmul.f32 $8.000000000e+00, v17;
	v17 =	vor.u32 v13, v28;
	v24 =	vadd.s32 v1, v22  }
0x1fc: {  	v23 =	vmul.f32 $8.000000000e+00, v23;
	v28 =	vadd.s32 v43, v31;
	v1 =	vadd.s32 v1, v21;
	v5 =	vld.idx.msk [tilespmem:v5+s19+$0x0], $0xffff  }
0x1fd: {  	[tilespmem:v3+s25+$0x0] =	vst.idx.msk $0xffff, v20;
	v3 =	vadd.f32 v7, v10;
	v7 =	vor.u32 v32, v28;
	v20 =	vmul.f32 $8.000000000e+00, v25  }
0x1fe: {  	v23 =	vadd.f32 v23, v15  }
0x1ff: {  	v0 =	vld.idx.msk [tilespmem:v0+s19+$0x0], $0xffff;
	[tilespmem:v27+s25+$0x0] =	vst.idx.msk $0xffff, v3;
	v3 =	vadd.f32 v20, v18  }
0x200: {  	v25 =	vadd.s32 v61, v16;
	v20 =	vadd.s32 v45, v6;
	v26 =	vld.idx.msk [tilespmem:v26+s19+$0x0], $0xffff;
	[tilespmem:v24+s25+$0x0] =	vst.idx.msk $0xffff, v23  }
0x201: {  	v20 =	vor.u32 v4, v20;
	v5 =	vmul.f32 $8.000000000e+00, v5;
	v17 =	vld.idx.msk [tilespmem:v17+s19+$0x0], $0xffff;
	[tilespmem:v1+s25+$0x0] =	vst.idx.msk $0xffff, v3  }
0x202: {  	v28 =	vadd.s32 v58, v12;
	v27 =	vadd.s32 v61, v21;
	v24 =	vadd.s32 v45, v14;
	v3 =	vld.idx.msk [tilespmem:v7+s19+$0x0], $0xffff  }
0x203: {  	v23 =	vadd.s32 v61, v19;
	v24 =	vor.u32 v13, v24;
	v5 =	vadd.f32 v5, v2  }
0x204: {  	v1 =	vadd.s32 v35, v62;
	v0 =	vmul.f32 $8.000000000e+00, v0;
	v7 =	vadd.s32 v45, v11  }
0x205: {  	v7 =	vor.u32 v9, v7;
	[tilespmem:v25+s25+$0x0] =	vst.idx.msk $0xffff, v5;
	v5 =	vmul.f32 $8.000000000e+00, v26;
	v25 =	vadd.s32 v61, v22  }
0x206: {  	v26 =	vadd.s32 v45, v31;
	v0 =	vadd.f32 v0, v59;
	v20 =	vld.idx.msk [tilespmem:v20+s19+$0x0], $0xffff;
	v17 =	vmul.f32 $8.000000000e+00, v17  }
0x207: {  	v26 =	vor.u32 v32, v26;
	v5 =	vadd.f32 v5, v10;
	v3 =	vmul.f32 $8.000000000e+00, v3  }
0x208: {  	v1 =	vor.u32 v63, v1;
	[tilespmem:v28+s25+$0x0] =	vst.idx.msk $0xffff, v0;
	v17 =	vadd.f32 v17, v15  }
0x209: {  	[tilespmem:v23+s25+$0x0] =	vst.idx.msk $0xffff, v5;
	v3 =	vadd.f32 v3, v18  }
0x20a: {  	v23 =	vadd.s32 v58, v16;
	v7 =	vld.idx.msk [tilespmem:v7+s19+$0x0], $0xffff;
	[tilespmem:v25+s25+$0x0] =	vst.idx.msk $0xffff, v17  }
0x20b: {  	v29 =	vadd.s32 v57, v8;
	v17 =	vmul.f32 $8.000000000e+00, v20;
	v20 =	vld.idx.msk [tilespmem:v24+s19+$0x0], $0xffff;
	[tilespmem:v27+s25+$0x0] =	vst.idx.msk $0xffff, v3  }
0x20c: {  	v28 =	vadd.s32 v58, v21;
	v5 =	vadd.s32 v35, v6;
	v25 =	vmul.f32 $8.000000000e+00, v50;
	v24 =	vld.idx.msk [tilespmem:v26+s19+$0x0], $0xffff  }
0x20d: {  	v1 =	vld.idx.msk [tilespmem:v1+s19+$0x0], $0xffff;
	v5 =	vor.u32 v4, v5;
	v27 =	vadd.s32 v35, v14;
	v0 =	vadd.f32 v17, v2  }
0x20e: {  	v25 =	vadd.f32 v25, v56;
	v17 =	vadd.s32 v35, v11;
	v26 =	vadd.s32 v58, v19  }
0x20f: {  	v17 =	vor.u32 v9, v17;
	[tilespmem:v23+s25+$0x0] =	vst.idx.msk $0xffff, v0;
	v0 =	vmul.f32 $8.000000000e+00, v7;
	v7 =	vadd.s32 v58, v22  }
0x210: {  	v23 =	vor.u32 v13, v27;
	v27 =	vadd.s32 v35, v31;
	v20 =	vmul.f32 $8.000000000e+00, v20;
	v34 =	vld [tilespmem:$0x1FCA0]  }
0x211: {  	v27 =	vor.u32 v32, v27;
	v0 =	vadd.f32 v0, v10;
	v24 =	vmul.f32 $8.000000000e+00, v24  }
0x212: {  	v1 =	vmul.f32 $8.000000000e+00, v1;
	v5 =	vld.idx.msk [tilespmem:v5+s19+$0x0], $0xffff;
	[tilespmem:v29+s25+$0x0] =	vst.idx.msk $0xffff, v25;
	v20 =	vadd.f32 v20, v15  }
0x213: {  	v3 =	vor.u32 v60, v47;
	[tilespmem:v26+s25+$0x0] =	vst.idx.msk $0xffff, v0;
	v0 =	vadd.f32 v24, v18  }
0x214: {  	v1 =	vadd.f32 v1, v59;
	v25 =	vadd.s32 v57, v21;
	v17 =	vld.idx.msk [tilespmem:v17+s19+$0x0], $0xffff;
	[tilespmem:v7+s25+$0x0] =	vst.idx.msk $0xffff, v20  }
0x215: {  	v20 =	vadd.s32 v57, v16;
	v6 =	vadd.s32 v34, v6;
	v7 =	vld.idx.msk [tilespmem:v23+s19+$0x0], $0xffff;
	[tilespmem:v28+s25+$0x0] =	vst.idx.msk $0xffff, v0  }
0x216: {  	v44 =	vadd.s32 v34, v62;
	v0 =	vadd.s32 v57, v12;
	v4 =	vor.u32 v4, v6;
	v6 =	vld.idx.msk [tilespmem:v27+s19+$0x0], $0xffff  }
0x217: {  	v5 =	vmul.f32 $8.000000000e+00, v5;
	v11 =	vadd.s32 v34, v11;
	v24 =	vor.u32 v63, v44  }
0x218: {  	v14 =	vadd.s32 v34, v14;
	v9 =	vor.u32 v9, v11;
	v11 =	vadd.s32 v57, v19  }
0x219: {  	v13 =	vor.u32 v13, v14;
	v14 =	vadd.s32 v57, v22;
	v17 =	vmul.f32 $8.000000000e+00, v17  }
0x21a: {  	v3 =	vld.idx.msk [tilespmem:v3+s19+$0x0], $0xffff;
	v23 =	vadd.s32 v34, v31;
	v5 =	vadd.f32 v5, v2;
	v7 =	vmul.f32 $8.000000000e+00, v7  }
0x21b: {  	[tilespmem:v0+s25+$0x0] =	vst.idx.msk $0xffff, v1;
	v0 =	vadd.f32 v17, v10;
	v1 =	vor.u32 v32, v23;
	v6 =	vmul.f32 $8.000000000e+00, v6  }
0x21c: {  	[tilespmem:v20+s25+$0x0] =	vst.idx.msk $0xffff, v5;
	v17 =	vld.idx.msk [tilespmem:v24+s19+$0x0], $0xffff;
	v5 =	vadd.f32 v7, v15  }
0x21d: {  	v4 =	vld.idx.msk [tilespmem:v4+s19+$0x0], $0xffff;
	[tilespmem:v11+s25+$0x0] =	vst.idx.msk $0xffff, v0;
	v0 =	vadd.f32 v6, v18  }
0x21e: {  	v6 =	vld.idx.msk [tilespmem:v9+s19+$0x0], $0xffff;
	[tilespmem:v14+s25+$0x0] =	vst.idx.msk $0xffff, v5  }
0x21f: {  	v5 =	vadd.s32 v55, v8;
	v7 =	vld.idx.msk [tilespmem:v13+s19+$0x0], $0xffff;
	[tilespmem:v25+s25+$0x0] =	vst.idx.msk $0xffff, v0  }
0x220: {  	v0 =	vmul.f32 $8.000000000e+00, v3;
	v3 =	vadd.s32 v55, v12;
	v1 =	vld.idx.msk [tilespmem:v1+s19+$0x0], $0xffff  }
0x221: {  	v9 =	vadd.s32 v55, v16;
	v8 =	vmul.f32 $8.000000000e+00, v17  }
0x222: {  	v11 =	vadd.s32 v55, v19;
	v4 =	vmul.f32 $8.000000000e+00, v4;
	v0 =	vadd.f32 v0, v56  }
0x223: {  	v12 =	vadd.s32 v55, v22;
	v8 =	vadd.f32 v8, v59;
	v6 =	vmul.f32 $8.000000000e+00, v6  }
0x224: {  	[tilespmem:v5+s25+$0x0] =	vst.idx.msk $0xffff, v0;
	v0 =	vadd.f32 v4, v2;
	v2 =	vmul.f32 $8.000000000e+00, v7;
	v4 =	vadd.s32 v55, v21  }
0x225: {  	[tilespmem:v3+s25+$0x0] =	vst.idx.msk $0xffff, v8;
	v3 =	vadd.f32 v6, v10;
	v1 =	vmul.f32 $8.000000000e+00, v1  }
0x226: {  	s10 =	sshll.u32 s7, $0x12;
	[tilespmem:v9+s25+$0x0] =	vst.idx.msk $0xffff, v0;
	v0 =	vadd.f32 v2, v15  }
0x227: {  	s10 =	sadd.s32 s12, s10;
	[tilespmem:v11+s25+$0x0] =	vst.idx.msk $0xffff, v3;
	v1 =	vadd.f32 v1, v18  }
0x228: {  	s10 =	sshrl.u32 s10, $0x3;
	[tilespmem:v12+s25+$0x0] =	vst.idx.msk $0xffff, v0  }
0x229: {  	s10 =	sadd.s32 s3, s10;
	[tilespmem:v4+s25+$0x0] =	vst.idx.msk $0xffff, v1  }
0x22a: {  	[hbm4b:s10+s26] =	stream.strided.scatter [tilespmem:s25], [sflag:$0x4], $0x4000, s28, s26, $0x38;
	[tilespmem:$0x13800] =	vst v63  }
0x22b: {  	_ =	swait.ge [sflag:s29], $0x2000  }
0x22c: {  	[sflag:s29] =	ssyncset.done $0x0  }
0x22d: {  	[sflag:s29] =	ssyncadd.s32 $0xFFFFE000  }
0x22e: {  	s9 =	sadd.s32 @!p0 s9, s13;
	_ =	swait.ge [sflag:s29], $0x2000  }
0x22f: {  	s14 =	simm.s32 @!p0 $0x100;
	s9 =	sshrl.u32 @!p0 s9, $0x3;
	[sflag:s29] =	ssyncset.done $0x0  }
0x230: {  	s9 =	sadd.s32 @!p0 s5, s9;
	s10 =	simm.s32 @!p0 $0x0;
	[sflag:s29] =	ssyncadd.s32 $0xFFFFE000  }
0x231: {  	[tilespmem:s14], [sflag:$0x1] =	stream.linear.gather @!p0 [hbm4b:s9+s10], $0x100, $0x38;
	[tilespmem:$0x13800] =	vst v63  }
0x232: {  	s9 =	simm.s32 @!p0 $0x1  }
0x233: {  	_ =	swait.ge @!p0 [sflag:s9], $0x100  }
0x234: {  	[sflag:s9] =	ssyncset.done @!p0 $0x0  }
0x235: {  	[sflag:s9] =	ssyncadd.s32 @!p0 $0xFFFFFF00  }
0x236: {  	v0 =	vld @!p0 [tilespmem:$0x0]  }
0x237: {  	v1 =	vld @!p0 [tilespmem:$0x10]  }
0x238: {  	v2 =	vld @!p0 [tilespmem:$0x20]  }
0x239: {  	v3 =	vld @!p0 [tilespmem:$0x30]  }
0x23a: {  	v4 =	vld @!p0 [tilespmem:$0x40]  }
0x23b: {  	v5 =	vld @!p0 [tilespmem:$0x50];
	v0 =	vshll.u32 @!p0 v0, $0x1  }
0x23c: {  	[tilespmem:$0x0] =	vst @!p0 v0;
	v0 =	vshll.u32 @!p0 v1, $0x1;
	v1 =	vld @!p0 [tilespmem:$0x60]  }
0x23d: {  	[tilespmem:$0x10] =	vst @!p0 v0;
	v0 =	vshll.u32 @!p0 v2, $0x1;
	v2 =	vld @!p0 [tilespmem:$0x70]  }
0x23e: {  	[tilespmem:$0x20] =	vst @!p0 v0;
	v0 =	vshll.u32 @!p0 v3, $0x1;
	v3 =	vld @!p0 [tilespmem:$0x80]  }
0x23f: {  	[tilespmem:$0x30] =	vst @!p0 v0;
	v0 =	vshll.u32 @!p0 v4, $0x1;
	v4 =	vld @!p0 [tilespmem:$0x90]  }
0x240: {  	[tilespmem:$0x40] =	vst @!p0 v0;
	v0 =	vshll.u32 @!p0 v5, $0x1;
	v5 =	vld @!p0 [tilespmem:$0xA0]  }
0x241: {  	[tilespmem:$0x50] =	vst @!p0 v0;
	v0 =	vshll.u32 @!p0 v1, $0x1;
	v1 =	vld @!p0 [tilespmem:$0xB0]  }
0x242: {  	[tilespmem:$0x60] =	vst @!p0 v0;
	v0 =	vshll.u32 @!p0 v2, $0x1;
	v2 =	vld @!p0 [tilespmem:$0xC0]  }
0x243: {  	[tilespmem:$0x70] =	vst @!p0 v0;
	v0 =	vshll.u32 @!p0 v3, $0x1;
	v3 =	vld @!p0 [tilespmem:$0xD0]  }
0x244: {  	[tilespmem:$0x80] =	vst @!p0 v0;
	v0 =	vshll.u32 @!p0 v4, $0x1;
	v4 =	vld @!p0 [tilespmem:$0xE0]  }
0x245: {  	[tilespmem:$0x90] =	vst @!p0 v0;
	v0 =	vshll.u32 @!p0 v5, $0x1;
	v5 =	vld @!p0 [tilespmem:$0xF0]  }
0x246: {  	[tilespmem:$0xA0] =	vst @!p0 v0;
	v0 =	vshll.u32 @!p0 v1, $0x1  }
0x247: {  	[tilespmem:$0xB0] =	vst @!p0 v0;
	v0 =	vshll.u32 @!p0 v2, $0x1  }
0x248: {  	[tilespmem:$0xC0] =	vst @!p0 v0;
	v0 =	vshll.u32 @!p0 v3, $0x1  }
0x249: {  	[tilespmem:$0xD0] =	vst @!p0 v0;
	v0 =	vshll.u32 @!p0 v4, $0x1  }
0x24a: {  	[tilespmem:$0xE0] =	vst @!p0 v0;
	v0 =	vshll.u32 @!p0 v5, $0x1  }
0x24b: {  	s14 =	simm.s32 @!p0 $0x3800;
	s9 =	simm.s32 @!p0 $0x80;
	[tilespmem:$0xF0] =	vst @!p0 v0  }
0x24c: {  	[tilespmem:s14], [sflag:$0x2] =	stream.indirect.gather @!p0 [hbm4b:s6+s9], $0x40, s10, s9, $0xb8;
	[tilespmem:$0x13800] =	vst v63  }
0x24d: {  	p1 =	seq.s32 @!p0 s20, $0x0;
	s10 =	simm.s32 @!p0 $0x5800  }
0x24e: {  	[tilespmem:s10], [sflag:$0x2] =	stream.indirect.gather @!p0 [hbm4b:s6+s9], $0x40, s9, s9, $0xb8;
	[tilespmem:$0x13800] =	vst v63  }
0x24f: {  	p0 =	por p0, !p1  }
0x250: {  	_ =	swait.ge @p0 [sflag:s2], $0x4000  }
0x251: {  	s14 =	simm.s32 $0x0;
	[sflag:s2] =	ssyncset.done @p0 $0x0  }
0x252: {  	s16 =	sand.u32 $0xF0, s14;
	[sflag:s2] =	ssyncadd.s32 @p0 $0xFFFFC000  }
0x253: {  	v0 =	vld [tilespmem:s16+$0x3500]  }
0x254: {  	v7 =	vld [tilespmem:$0x3400];
	_ =	sdelay $0x2  }
0x255: {  	s9 =	sand.u32 $0x30, s14;
	v5 =	vld [tilespmem:$0x3410]  }
0x256: {  	v4 =	vld [tilespmem:$0x3420];
	v2 =	vadd.s32 s9, v0  }
0x257: {  	s7 =	sor.u32 $0x2, s7;
	v1 =	vld [tilespmem:$0x3430];
	v18 =	vshll.u32 v7, $0x6;
	v47 =	vand.u32 $0xFFFFFFF8, v2  }
0x258: {  	s31 =	sshll.u32 s7, $0x6;
	v61 =	vld [tilespmem:$0x3440];
	v60 =	vand.u32 $0x7, v0;
	v0 =	vadd.s32 v18, v47  }
0x259: {  	v49 =	vmov s31;
	v58 =	vld [tilespmem:$0x3450];
	v0 =	vor.u32 v60, v0  }
0x25a: {  	v2 =	vld [tilespmem:s16+$0x3600];
	v3 =	vadd.s32 v49, v47  }
0x25b: {  	v6 =	vld [tilespmem:s16+$0x3700];
	v3 =	vor.u32 v60, v3  }
0x25c: {  	v57 =	vld [tilespmem:$0x3460]  }
0x25d: {  	s14 =	simm.s32 $0x0;
	v55 =	vld [tilespmem:$0x3470]  }
0x25e: {  	s9 =	sand.u32 $0x6, s14;
	v0 =	vld.idx.msk [tilespmem:v0+s22+$0x0], $0xffff  }
0x25f: {  	v9 =	vld [tilespmem:$0x3480];
	v2 =	vadd.s32 s9, v2  }
0x260: {  	v6 =	vshll.u32 v6, $0x7;
	v2 =	vshll.u32 v2, $0xB;
	v56 =	vld.idx.msk [tilespmem:v3+s15+$0x0], $0xffff  }
0x261: {  	v8 =	vld [tilespmem:$0x3490];
	v50 =	vshll.u32 v5, $0x6;
	v14 =	vadd.s32 v6, v2  }
0x262: {  	v10 =	vld [tilespmem:$0x34A0];
	v2 =	vadd.s32 v50, v47;
	v3 =	vadd.s32 v7, v14  }
0x263: {  	v13 =	vld [tilespmem:$0x34B0];
	v2 =	vor.u32 v60, v2;
	v0 =	vmul.f32 $8.000000000e+00, v0  }
0x264: {  	v12 =	vld [tilespmem:$0x34C0]  }
0x265: {  	v15 =	vld [tilespmem:$0x34D0];
	v0 =	vadd.f32 v0, v56  }
0x266: {  	v31 =	vld [tilespmem:$0x34E0]  }
0x267: {  	v35 =	vld [tilespmem:$0x34F0];
	[tilespmem:v3+s30+$0x0] =	vst.idx.msk $0xffff, v0  }
0x268: {  	v0 =	vld.idx.msk [tilespmem:v2+s22+$0x0], $0xffff;
	_ =	sdelay $0x2  }
0x269: {  	v25 =	vshll.u32 v4, $0x6  }
0x26a: {  	v3 =	vadd.s32 v5, v14;
	v2 =	vadd.s32 v25, v47  }
0x26b: {  	v2 =	vor.u32 v60, v2;
	v0 =	vmul.f32 $8.000000000e+00, v0  }
0x26c: {  	s16 =	simm.s32 $0x10  }
0x26d: {  	s9 =	sand.u32 $0xF0, s16;
	v0 =	vadd.f32 v0, v56  }
0x26e: {  	v6 =	vld [tilespmem:s9+$0x3500]  }
0x26f: {  	[tilespmem:v3+s30+$0x0] =	vst.idx.msk $0xffff, v0  }
0x270: {  	v0 =	vld.idx.msk [tilespmem:v2+s22+$0x0], $0xffff  }
0x271: {  	s31 =	simm.s32 $0x1  }
0x272: {  	s10 =	sand.u32 $0x30, s31  }
0x273: {  	v21 =	vshll.u32 v1, $0x6;
	v63 =	vand.u32 $0x7, v6;
	v2 =	vadd.s32 s10, v6  }
0x274: {  	v3 =	vadd.s32 v4, v14;
	v62 =	vand.u32 $0xFFFFFFF8, v2;
	v2 =	vadd.s32 v21, v47  }
0x275: {  	v6 =	vadd.s32 v18, v62;
	v2 =	vor.u32 v60, v2;
	v0 =	vmul.f32 $8.000000000e+00, v0  }
0x276: {  	v6 =	vor.u32 v63, v6  }
0x277: {  	v11 =	vld [tilespmem:s9+$0x3600];
	v17 =	vadd.s32 v49, v62;
	v0 =	vadd.f32 v0, v56  }
0x278: {  	v16 =	vld [tilespmem:s9+$0x3700];
	v17 =	vor.u32 v63, v17  }
0x279: {  	[tilespmem:v3+s30+$0x0] =	vst.idx.msk $0xffff, v0  }
0x27a: {  	s14 =	simm.s32 $0x0;
	v0 =	vld.idx.msk [tilespmem:v2+s22+$0x0], $0xffff  }
0x27b: {  	s9 =	sand.u32 $0x6, s14;
	v3 =	vld.idx.msk [tilespmem:v6+s22+$0x0], $0xffff  }
0x27c: {  	v51 =	vshll.u32 v61, $0x6;
	v2 =	vadd.s32 s9, v11  }
0x27d: {  	v59 =	vld.idx.msk [tilespmem:v17+s15+$0x0], $0xffff;
	v6 =	vshll.u32 v16, $0x7;
	v11 =	vadd.s32 v1, v14;
	v2 =	vshll.u32 v2, $0xB  }
0x27e: {  	v32 =	vadd.s32 v6, v2;
	v2 =	vadd.s32 v50, v62;
	v6 =	vadd.s32 v51, v47  }
0x27f: {  	v6 =	vor.u32 v60, v6;
	v16 =	vadd.s32 v7, v32;
	v0 =	vmul.f32 $8.000000000e+00, v0  }
0x280: {  	v2 =	vor.u32 v63, v2;
	v3 =	vmul.f32 $8.000000000e+00, v3  }
0x281: {  	v0 =	vadd.f32 v0, v56  }
0x282: {  	v3 =	vadd.f32 v3, v59  }
0x283: {  	[tilespmem:v11+s30+$0x0] =	vst.idx.msk $0xffff, v0  }
0x284: {  	[tilespmem:v16+s30+$0x0] =	vst.idx.msk $0xffff, v3;
	v0 =	vld.idx.msk [tilespmem:v6+s22+$0x0], $0xffff  }
0x285: {  	v2 =	vld.idx.msk [tilespmem:v2+s22+$0x0], $0xffff;
	_ =	sdelay $0x1  }
0x286: {  	v42 =	vshll.u32 v58, $0x6  }
0x287: {  	v3 =	vadd.s32 v25, v62;
	v11 =	vadd.s32 v61, v14;
	v6 =	vadd.s32 v42, v47  }
0x288: {  	v16 =	vadd.s32 v5, v32;
	v6 =	vor.u32 v60, v6;
	v0 =	vmul.f32 $8.000000000e+00, v0  }
0x289: {  	s16 =	simm.s32 $0x20;
	v3 =	vor.u32 v63, v3;
	v2 =	vmul.f32 $8.000000000e+00, v2  }
0x28a: {  	s9 =	sand.u32 $0xF0, s16;
	v0 =	vadd.f32 v0, v56  }
0x28b: {  	v17 =	vld [tilespmem:s9+$0x3500];
	v2 =	vadd.f32 v2, v59  }
0x28c: {  	[tilespmem:v11+s30+$0x0] =	vst.idx.msk $0xffff, v0  }
0x28d: {  	[tilespmem:v16+s30+$0x0] =	vst.idx.msk $0xffff, v2;
	v0 =	vld.idx.msk [tilespmem:v6+s22+$0x0], $0xffff  }
0x28e: {  	v2 =	vld.idx.msk [tilespmem:v3+s22+$0x0], $0xffff  }
0x28f: {  	s31 =	simm.s32 $0x2;
	v19 =	vshll.u32 v57, $0x6  }
0x290: {  	v20 =	vadd.s32 v58, v14;
	s10 =	sand.u32 $0x30, s31;
	v22 =	vadd.s32 v4, v32;
	v3 =	vand.u32 $0x7, v17  }
0x291: {  	v11 =	vadd.s32 v19, v47;
	v6 =	vadd.s32 s10, v17;
	v17 =	vadd.s32 v21, v62  }
0x292: {  	v11 =	vor.u32 v60, v11;
	v6 =	vand.u32 $0xFFFFFFF8, v6;
	v0 =	vmul.f32 $8.000000000e+00, v0  }
0x293: {  	v17 =	vor.u32 v63, v17;
	v26 =	vadd.s32 v18, v6;
	v2 =	vmul.f32 $8.000000000e+00, v2  }
0x294: {  	v23 =	vld [tilespmem:s9+$0x3600];
	v26 =	vor.u32 v3, v26;
	v0 =	vadd.f32 v0, v56  }
0x295: {  	v28 =	vld [tilespmem:s9+$0x3700];
	v29 =	vadd.s32 v49, v6;
	v2 =	vadd.f32 v2, v59  }
0x296: {  	v29 =	vor.u32 v3, v29;
	[tilespmem:v20+s30+$0x0] =	vst.idx.msk $0xffff, v0  }
0x297: {  	s10 =	simm.s32 $0x0;
	[tilespmem:v22+s30+$0x0] =	vst.idx.msk $0xffff, v2;
	v0 =	vld.idx.msk [tilespmem:v11+s22+$0x0], $0xffff  }
0x298: {  	v24 =	vshll.u32 v55, $0x6;
	s9 =	sand.u32 $0x6, s10;
	v11 =	vld.idx.msk [tilespmem:v17+s22+$0x0], $0xffff  }
0x299: {  	v2 =	vadd.s32 s9, v23;
	v23 =	vadd.s32 v24, v47;
	v20 =	vld.idx.msk [tilespmem:v26+s22+$0x0], $0xffff  }
0x29a: {  	v2 =	vshll.u32 v2, $0xB;
	v26 =	vadd.s32 v51, v62;
	v17 =	vshll.u32 v28, $0x7  }
0x29b: {  	v23 =	vor.u32 v60, v23;
	v28 =	vadd.s32 v57, v14;
	v22 =	vadd.s32 v17, v2;
	v2 =	vld.idx.msk [tilespmem:v29+s15+$0x0], $0xffff  }
0x29c: {  	v26 =	vor.u32 v63, v26;
	v29 =	vadd.s32 v1, v32;
	v0 =	vmul.f32 $8.000000000e+00, v0  }
0x29d: {  	v17 =	vadd.s32 v50, v6;
	v45 =	vadd.s32 v7, v22;
	v11 =	vmul.f32 $8.000000000e+00, v11  }
0x29e: {  	v17 =	vor.u32 v3, v17;
	v20 =	vmul.f32 $8.000000000e+00, v20;
	v0 =	vadd.f32 v0, v56  }
0x29f: {  	v11 =	vadd.f32 v11, v59  }
0x2a0: {  	v20 =	vadd.f32 v20, v2;
	[tilespmem:v28+s30+$0x0] =	vst.idx.msk $0xffff, v0  }
0x2a1: {  	[tilespmem:v29+s30+$0x0] =	vst.idx.msk $0xffff, v11;
	v0 =	vld.idx.msk [tilespmem:v23+s22+$0x0], $0xffff  }
0x2a2: {  	[tilespmem:v45+s30+$0x0] =	vst.idx.msk $0xffff, v20;
	v11 =	vld.idx.msk [tilespmem:v26+s22+$0x0], $0xffff  }
0x2a3: {  	v17 =	vld.idx.msk [tilespmem:v17+s22+$0x0], $0xffff  }
0x2a4: {  	v16 =	vshll.u32 v9, $0x6;
	v9 =	vadd.s32 v25, v6  }
0x2a5: {  	s14 =	simm.s32 $0x30;
	v20 =	vadd.s32 v42, v62;
	v23 =	vadd.s32 v16, v47;
	v26 =	vadd.s32 v55, v14  }
0x2a6: {  	s9 =	sand.u32 $0xF0, s14;
	v29 =	vadd.s32 v61, v32;
	[tilespmem:$0x1FC40] =	vst v16;
	v23 =	vor.u32 v60, v23;
	v0 =	vmul.f32 $8.000000000e+00, v0  }
0x2a7: {  	v36 =	vadd.s32 v5, v22;
	v20 =	vor.u32 v63, v20;
	v46 =	vld [tilespmem:s9+$0x3500];
	v11 =	vmul.f32 $8.000000000e+00, v11  }
0x2a8: {  	v48 =	vor.u32 v3, v9;
	v17 =	vmul.f32 $8.000000000e+00, v17;
	v0 =	vadd.f32 v0, v56  }
0x2a9: {  	v9 =	vadd.f32 v11, v59  }
0x2aa: {  	s16 =	simm.s32 $0x3;
	v11 =	vadd.f32 v17, v2;
	[tilespmem:v26+s30+$0x0] =	vst.idx.msk $0xffff, v0  }
0x2ab: {  	s10 =	sand.u32 $0x30, s16;
	[tilespmem:v29+s30+$0x0] =	vst.idx.msk $0xffff, v9;
	v0 =	vld.idx.msk [tilespmem:v23+s22+$0x0], $0xffff  }
0x2ac: {  	v17 =	vadd.s32 s10, v46;
	[tilespmem:v36+s30+$0x0] =	vst.idx.msk $0xffff, v11;
	v20 =	vld.idx.msk [tilespmem:v20+s22+$0x0], $0xffff  }
0x2ad: {  	v27 =	vshll.u32 v8, $0x6;
	v8 =	vadd.s32 $0x400, v14;
	v11 =	vand.u32 $0xFFFFFFF8, v17;
	v17 =	vld.idx.msk [tilespmem:v48+s22+$0x0], $0xffff  }
0x2ae: {  	v52 =	vadd.s32 v7, v8;
	v53 =	vadd.s32 v58, v32  }
0x2af: {  	v34 =	vadd.s32 v4, v22;
	v9 =	vand.u32 $0x7, v46;
	v26 =	vadd.s32 v27, v47  }
0x2b0: {  	v23 =	vadd.s32 v19, v62;
	v26 =	vor.u32 v60, v26;
	v0 =	vmul.f32 $8.000000000e+00, v0  }
0x2b1: {  	v29 =	vadd.s32 v21, v6;
	v23 =	vor.u32 v63, v23;
	v20 =	vmul.f32 $8.000000000e+00, v20  }
0x2b2: {  	v54 =	vld [tilespmem:s9+$0x3600];
	v29 =	vor.u32 v3, v29;
	v17 =	vmul.f32 $8.000000000e+00, v17;
	v0 =	vadd.f32 v0, v56  }
0x2b3: {  	v41 =	vld [tilespmem:s9+$0x3700];
	v14 =	vadd.s32 v18, v11;
	v37 =	vadd.s32 v49, v11;
	v20 =	vadd.f32 v20, v59  }
0x2b4: {  	v14 =	vor.u32 v9, v14;
	v17 =	vadd.f32 v17, v2;
	[tilespmem:v52+s30+$0x0] =	vst.idx.msk $0xffff, v0  }
0x2b5: {  	s31 =	simm.s32 $0x0;
	v0 =	vor.u32 v9, v37;
	[tilespmem:v53+s30+$0x0] =	vst.idx.msk $0xffff, v20;
	v20 =	vld.idx.msk [tilespmem:v26+s22+$0x0], $0xffff  }
0x2b6: {  	s9 =	sand.u32 $0x6, s31;
	[tilespmem:v34+s30+$0x0] =	vst.idx.msk $0xffff, v17;
	v17 =	vld.idx.msk [tilespmem:v23+s22+$0x0], $0xffff  }
0x2b7: {  	v30 =	vshll.u32 v10, $0x6;
	v44 =	vadd.s32 v5, v8;
	v10 =	vadd.s32 s9, v54;
	v29 =	vld.idx.msk [tilespmem:v29+s22+$0x0], $0xffff  }
0x2b8: {  	v43 =	vadd.s32 v51, v6;
	v10 =	vshll.u32 v10, $0xB;
	v23 =	vshll.u32 v41, $0x7  }
0x2b9: {  	v14 =	vld.idx.msk [tilespmem:v14+s22+$0x0], $0xffff;
	v26 =	vadd.s32 v24, v62;
	v41 =	vadd.s32 v30, v47;
	v46 =	vadd.s32 v23, v10  }
0x2ba: {  	v33 =	vor.u32 v60, v41;
	v10 =	vld.idx.msk [tilespmem:v0+s15+$0x0], $0xffff;
	v0 =	vadd.s32 v57, v32;
	v20 =	vmul.f32 $8.000000000e+00, v20  }
0x2bb: {  	v45 =	vadd.s32 v1, v22;
	v26 =	vor.u32 v63, v26;
	v17 =	vmul.f32 $8.000000000e+00, v17  }
0x2bc: {  	v36 =	vor.u32 v3, v43;
	v29 =	vmul.f32 $8.000000000e+00, v29;
	v20 =	vadd.f32 v20, v56  }
0x2bd: {  	v23 =	vadd.s32 v50, v11;
	v48 =	vadd.s32 v7, v46;
	v17 =	vadd.f32 v17, v59  }
0x2be: {  	v14 =	vmul.f32 $8.000000000e+00, v14;
	v23 =	vor.u32 v9, v23;
	v29 =	vadd.f32 v29, v2;
	[tilespmem:v44+s30+$0x0] =	vst.idx.msk $0xffff, v20  }
0x2bf: {  	[tilespmem:v0+s30+$0x0] =	vst.idx.msk $0xffff, v17;
	v0 =	vld.idx.msk [tilespmem:v33+s22+$0x0], $0xffff  }
0x2c0: {  	v14 =	vadd.f32 v14, v10;
	[tilespmem:v45+s30+$0x0] =	vst.idx.msk $0xffff, v29;
	v17 =	vld.idx.msk [tilespmem:v26+s22+$0x0], $0xffff  }
0x2c1: {  	v34 =	vshll.u32 v13, $0x6;
	v13 =	vld.idx.msk [tilespmem:v36+s22+$0x0], $0xffff  }
0x2c2: {  	v52 =	vadd.s32 v4, v8;
	[tilespmem:v48+s30+$0x0] =	vst.idx.msk $0xffff, v14  }
0x2c3: {  	v53 =	vadd.s32 v55, v32;
	v29 =	vadd.s32 v16, v62;
	v44 =	vadd.s32 v61, v22;
	v20 =	vld.idx.msk [tilespmem:v23+s22+$0x0], $0xffff  }
0x2c4: {  	v45 =	vadd.s32 v5, v46;
	v14 =	vadd.s32 v34, v47;
	v0 =	vmul.f32 $8.000000000e+00, v0  }
0x2c5: {  	s10 =	simm.s32 $0x40;
	v26 =	vadd.s32 v42, v6;
	v14 =	vor.u32 v60, v14;
	v17 =	vmul.f32 $8.000000000e+00, v17  }
0x2c6: {  	s9 =	sand.u32 $0xF0, s10;
	v29 =	vor.u32 v63, v29;
	v13 =	vmul.f32 $8.000000000e+00, v13;
	v0 =	vadd.f32 v0, v56  }
0x2c7: {  	v54 =	vld [tilespmem:s9+$0x3500];
	v26 =	vor.u32 v3, v26;
	v23 =	vadd.s32 v25, v11;
	v17 =	vadd.f32 v17, v59  }
0x2c8: {  	v23 =	vor.u32 v9, v23;
	v20 =	vmul.f32 $8.000000000e+00, v20;
	v13 =	vadd.f32 v13, v2;
	[tilespmem:v52+s30+$0x0] =	vst.idx.msk $0xffff, v0  }
0x2c9: {  	v12 =	vshll.u32 v12, $0x6;
	v38 =	vadd.s32 v21, v11;
	[tilespmem:v53+s30+$0x0] =	vst.idx.msk $0xffff, v17  }
0x2ca: {  	v48 =	vadd.s32 v27, v62;
	v0 =	vadd.f32 v20, v10;
	[tilespmem:v44+s30+$0x0] =	vst.idx.msk $0xffff, v13;
	v17 =	vld.idx.msk [tilespmem:v14+s22+$0x0], $0xffff  }
0x2cb: {  	s14 =	simm.s32 $0x4;
	v38 =	vor.u32 v9, v38;
	v33 =	vor.u32 v63, v48;
	v20 =	vld.idx.msk [tilespmem:v29+s22+$0x0], $0xffff;
	[tilespmem:$0x1FC50] =	vst v12  }
0x2cc: {  	s10 =	sand.u32 $0x30, s14;
	v48 =	vadd.s32 v4, v46;
	v13 =	vand.u32 $0x7, v54;
	[tilespmem:v45+s30+$0x0] =	vst.idx.msk $0xffff, v0;
	v0 =	vld.idx.msk [tilespmem:v26+s22+$0x0], $0xffff  }
0x2cd: {  	v52 =	vadd.s32 v1, v8;
	v14 =	vadd.s32 s10, v54;
	v12 =	vadd.s32 v12, v47;
	v23 =	vld.idx.msk [tilespmem:v23+s22+$0x0], $0xffff  }
0x2ce: {  	v54 =	vadd.s32 v58, v22;
	v41 =	vor.u32 v60, v12;
	v12 =	vadd.s32 $0x400, v32  }
0x2cf: {  	v14 =	vand.u32 $0xFFFFFFF8, v14;
	v53 =	vadd.s32 v7, v12;
	v17 =	vmul.f32 $8.000000000e+00, v17  }
0x2d0: {  	v26 =	vadd.s32 v19, v6;
	v39 =	vld [tilespmem:s9+$0x3600];
	v36 =	vadd.s32 v18, v14;
	v20 =	vmul.f32 $8.000000000e+00, v20  }
0x2d1: {  	v44 =	vld [tilespmem:s9+$0x3700];
	v26 =	vor.u32 v3, v26;
	v0 =	vmul.f32 $8.000000000e+00, v0;
	v17 =	vadd.f32 v17, v56  }
0x2d2: {  	v36 =	vor.u32 v13, v36;
	v23 =	vmul.f32 $8.000000000e+00, v23;
	v20 =	vadd.f32 v20, v59  }
0x2d3: {  	v40 =	vmov v27;
	v0 =	vadd.f32 v0, v2;
	[tilespmem:v52+s30+$0x0] =	vst.idx.msk $0xffff, v17;
	v17 =	vadd.s32 v49, v14  }
0x2d4: {  	s16 =	simm.s32 $0x0;
	v23 =	vadd.f32 v23, v10;
	[tilespmem:v53+s30+$0x0] =	vst.idx.msk $0xffff, v20;
	v20 =	vld.idx.msk [tilespmem:v41+s22+$0x0], $0xffff;
	v17 =	vor.u32 v13, v17  }
0x2d5: {  	v16 =	vmovc v19;
	v27 =	vmov v21;
	v19 =	vmov v18;
	s9 =	sand.u32 $0x6, s16;
	v18 =	vshll.u32 v15, $0x6;
	[tilespmem:v54+s30+$0x0] =	vst.idx.msk $0xffff, v0;
	v0 =	vld.idx.msk [tilespmem:v33+s22+$0x0], $0xffff  }
0x2d6: {  	v32 =	vadd.s32 v50, v14;
	v39 =	vadd.s32 s9, v39;
	v15 =	vshll.u32 v44, $0x7;
	[tilespmem:v48+s30+$0x0] =	vst.idx.msk $0xffff, v23;
	v23 =	vld.idx.msk [tilespmem:v26+s22+$0x0], $0xffff  }
0x2d7: {  	v21 =	vmovc v49;
	v44 =	vadd.s32 v61, v8;
	v52 =	vshll.u32 v39, $0xB;
	v53 =	vadd.s32 v18, v47;
	v38 =	vld.idx.msk [tilespmem:v38+s22+$0x0], $0xffff  }
0x2d8: {  	v36 =	vld.idx.msk [tilespmem:v36+s22+$0x0], $0xffff;
	v54 =	vadd.s32 v30, v62;
	v49 =	vadd.s32 v15, v52;
	v41 =	vadd.s32 v51, v11  }
0x2d9: {  	v33 =	vor.u32 v60, v53;
	v15 =	vld.idx.msk [tilespmem:v17+s15+$0x0], $0xffff;
	v17 =	vadd.s32 v5, v12;
	v20 =	vmul.f32 $8.000000000e+00, v20  }
0x2da: {  	v52 =	vadd.s32 v1, v46;
	v48 =	vadd.s32 v57, v22;
	v0 =	vmul.f32 $8.000000000e+00, v0  }
0x2db: {  	v39 =	vor.u32 v63, v54;
	v23 =	vmul.f32 $8.000000000e+00, v23;
	v20 =	vadd.f32 v20, v56  }
0x2dc: {  	v28 =	vmovc v30;
	v37 =	vmovc v24;
	s9 =	simm.s32 $0x50;
	v54 =	vadd.s32 v7, v49;
	v38 =	vmul.f32 $8.000000000e+00, v38;
	v0 =	vadd.f32 v0, v59  }
0x2dd: {  	s31 =	sand.u32 $0xF0, s9;
	v26 =	vadd.s32 v24, v6;
	v36 =	vmul.f32 $8.000000000e+00, v36;
	v23 =	vadd.f32 v23, v2;
	[tilespmem:v44+s30+$0x0] =	vst.idx.msk $0xffff, v20  }
0x2de: {  	v30 =	vmov v51;
	v51 =	vld [tilespmem:s31+$0x3600];
	v26 =	vor.u32 v3, v26;
	v38 =	vadd.f32 v38, v10;
	[tilespmem:v17+s30+$0x0] =	vst.idx.msk $0xffff, v0  }
0x2df: {  	v24 =	vmov v50;
	v50 =	vld [tilespmem:s31+$0x3700];
	v41 =	vor.u32 v9, v41;
	v17 =	vadd.f32 v36, v15;
	[tilespmem:v48+s30+$0x0] =	vst.idx.msk $0xffff, v23  }
0x2e0: {  	v0 =	vld.idx.msk [tilespmem:v33+s22+$0x0], $0xffff;
	[tilespmem:v52+s30+$0x0] =	vst.idx.msk $0xffff, v38  }
0x2e1: {  	v33 =	vld.idx.msk [tilespmem:v39+s22+$0x0], $0xffff;
	[tilespmem:v54+s30+$0x0] =	vst.idx.msk $0xffff, v17  }
0x2e2: {  	s16 =	simm.s32 $0x0;
	v20 =	vor.u32 v13, v32;
	v23 =	vld [tilespmem:$0x1FC40]  }
0x2e3: {  	s14 =	sand.u32 $0x6, s16;
	v26 =	vld.idx.msk [tilespmem:v26+s22+$0x0], $0xffff  }
0x2e4: {  	v43 =	vadd.s32 s14, v51;
	v51 =	vadd.s32 v55, v22;
	v32 =	vld.idx.msk [tilespmem:v41+s22+$0x0], $0xffff  }
0x2e5: {  	v53 =	vshll.u32 v50, $0x7;
	v44 =	vadd.s32 v58, v8;
	v38 =	vadd.s32 v42, v11  }
0x2e6: {  	v29 =	vmovc v34;
	v39 =	vadd.s32 v4, v12;
	v17 =	vadd.s32 v34, v62;
	v34 =	vmovc v42;
	v0 =	vmul.f32 $8.000000000e+00, v0  }
0x2e7: {  	v41 =	vor.u32 v63, v17;
	v17 =	vmul.f32 $8.000000000e+00, v33;
	v42 =	vmovc v23;
	v52 =	vadd.s32 v23, v6;
	v23 =	vld.idx.msk [tilespmem:v20+s22+$0x0], $0xffff  }
0x2e8: {  	v33 =	vadd.s32 v61, v46;
	v26 =	vmul.f32 $8.000000000e+00, v26;
	v50 =	vadd.f32 v0, v56  }
0x2e9: {  	v54 =	vmul.f32 $8.000000000e+00, v32;
	v20 =	vadd.f32 v17, v59  }
0x2ea: {  	v31 =	vshll.u32 v31, $0x6;
	v45 =	vmovc v18;
	v18 =	vshll.u32 v35, $0x6;
	v26 =	vadd.f32 v26, v2;
	[tilespmem:v44+s30+$0x0] =	vst.idx.msk $0xffff, v50  }
0x2eb: {  	v35 =	vmov v31;
	v31 =	vadd.s32 v31, v47;
	v54 =	vadd.f32 v54, v10;
	[tilespmem:v39+s30+$0x0] =	vst.idx.msk $0xffff, v20  }
0x2ec: {  	v31 =	vor.u32 v60, v31;
	[tilespmem:v51+s30+$0x0] =	vst.idx.msk $0xffff, v26;
	v23 =	vmul.f32 $8.000000000e+00, v23  }
0x2ed: {  	v48 =	vld [tilespmem:s31+$0x3500];
	[tilespmem:v33+s30+$0x0] =	vst.idx.msk $0xffff, v54  }
0x2ee: {  	v52 =	vor.u32 v3, v52;
	v20 =	vadd.f32 v23, v15;
	v23 =	vld [tilespmem:$0x1FC50];
	_ =	sdelay $0x1  }
0x2ef: {  	v47 =	vadd.s32 v18, v47;
	s31 =	simm.s32 $0x5  }
0x2f0: {  	v36 =	vadd.s32 v25, v14;
	s10 =	sand.u32 $0x30, s31;
	v38 =	vor.u32 v9, v38;
	v0 =	vadd.s32 v5, v49;
	v50 =	vld.idx.msk [tilespmem:v31+s22+$0x0], $0xffff  }
0x2f1: {  	v32 =	vand.u32 $0x7, v48;
	v17 =	vor.u32 v13, v36;
	v36 =	vadd.s32 s10, v48;
	v51 =	vld.idx.msk [tilespmem:v41+s22+$0x0], $0xffff  }
0x2f2: {  	s10 =	simm.s32 $0x6;
	v31 =	vand.u32 $0xFFFFFFF8, v36;
	v39 =	vshll.u32 v43, $0xB;
	v54 =	vld.idx.msk [tilespmem:v52+s22+$0x0], $0xffff;
	[tilespmem:$0x1FC60] =	vst v18;
	v43 =	vmovc v23;
	v52 =	vadd.s32 v23, v62  }
.LBB2_5:
0x2f3: {  	_ =	sdelay $0x1  }
0x2f4: {  	v23 =	vadd.s32 v40, v6;
	v33 =	vadd.s32 v27, v14;
	[tilespmem:v0+s30+$0x0] =	vst.idx.msk $0xffff, v20  }
0x2f5: {  	v36 =	vor.u32 v60, v47;
	v41 =	vadd.s32 v57, v8;
	v44 =	vadd.s32 $0x400, v22;
	v0 =	vld.idx.msk [tilespmem:v38+s22+$0x0], $0xffff  }
0x2f6: {  	v60 =	vmovc v63;
	v48 =	vadd.s32 v1, v12;
	v18 =	vmul.f32 $8.000000000e+00, v50;
	v22 =	vmovc v46;
	v47 =	vmul.f32 $8.000000000e+00, v51;
	v17 =	vld.idx.msk [tilespmem:v17+s22+$0x0], $0xffff  }
0x2f7: {  	v46 =	vmovc v49;
	v20 =	vadd.s32 v16, v11;
	v23 =	vor.u32 v3, v23;
	v49 =	vadd.s32 v7, v44  }
0x2f8: {  	v51 =	vadd.s32 v58, v22;
	v38 =	vor.u32 v63, v52;
	v20 =	vor.u32 v9, v20;
	v63 =	vmovc v3  }
0x2f9: {  	v3 =	vmovc v9;
	v9 =	vmovc v13;
	v13 =	vmov v32;
	v52 =	vmul.f32 $8.000000000e+00, v54;
	v54 =	vadd.f32 v18, v56  }
0x2fa: {  	v32 =	vadd.s32 v4, v46;
	v50 =	vadd.f32 v47, v59;
	v47 =	vmovc v62;
	v62 =	vmovc v6;
	v0 =	vmul.f32 $8.000000000e+00, v0  }
0x2fb: {  	[tilespmem:v41+s30+$0x0] =	vst.idx.msk $0xffff, v54;
	v6 =	vmul.f32 $8.000000000e+00, v17;
	v17 =	vor.u32 v9, v33;
	v33 =	vadd.f32 v52, v2  }
0x2fc: {  	v26 =	vadd.s32 v19, v31;
	[tilespmem:v48+s30+$0x0] =	vst.idx.msk $0xffff, v50;
	v0 =	vadd.f32 v0, v10  }
0x2fd: {  	v26 =	vor.u32 v13, v26;
	v36 =	vld.idx.msk [tilespmem:v36+s22+$0x0], $0xffff;
	v6 =	vadd.f32 v6, v15;
	[tilespmem:v49+s30+$0x0] =	vst.idx.msk $0xffff, v33  }
0x2fe: {  	v54 =	vadd.s32 v28, v62;
	v41 =	vadd.s32 v30, v14;
	v33 =	vld.idx.msk [tilespmem:v38+s22+$0x0], $0xffff;
	[tilespmem:v51+s30+$0x0] =	vst.idx.msk $0xffff, v0  }
0x2ff: {  	v52 =	vadd.s32 v21, v31;
	v48 =	vadd.s32 v55, v8;
	v0 =	vld.idx.msk [tilespmem:v23+s22+$0x0], $0xffff;
	[tilespmem:v32+s30+$0x0] =	vst.idx.msk $0xffff, v6  }
0x300: {  	v49 =	vadd.s32 v53, v39;
	v38 =	vor.u32 v13, v52;
	v51 =	vadd.s32 v61, v12;
	v20 =	vld.idx.msk [tilespmem:v20+s22+$0x0], $0xffff  }
0x301: {  	v8 =	vmovc v12;
	v12 =	vmov v44;
	v44 =	vadd.s32 v57, v22;
	v6 =	vadd.s32 v37, v11;
	v17 =	vld.idx.msk [tilespmem:v17+s22+$0x0], $0xffff  }
0x302: {  	s9 =	sadd.s32 $0x10, s9;
	v23 =	vadd.s32 v45, v47;
	v32 =	vor.u32 v63, v54;
	v36 =	vmul.f32 $8.000000000e+00, v36  }
0x303: {  	s14 =	sand.u32 $0xF0, s9;
	v52 =	vadd.s32 v5, v12;
	v26 =	vld.idx.msk [tilespmem:v26+s22+$0x0], $0xffff;
	v23 =	vor.u32 v60, v23;
	v33 =	vmul.f32 $8.000000000e+00, v33  }
0x304: {  	v50 =	vor.u32 v3, v6;
	v53 =	vld [tilespmem:s14+$0x3700];
	v6 =	vmovc v11;
	v11 =	vadd.f32 v36, v56;
	v56 =	vmovc v59;
	v0 =	vmul.f32 $8.000000000e+00, v0  }
0x305: {  	v54 =	vadd.s32 v1, v46;
	v38 =	vld.idx.msk [tilespmem:v38+s15+$0x0], $0xffff;
	v59 =	vmovc v2;
	v33 =	vadd.f32 v33, v56;
	v20 =	vmul.f32 $8.000000000e+00, v20  }
0x306: {  	v36 =	vld [tilespmem:s14+$0x3600];
	v2 =	vmovc v10;
	v10 =	vmov v15;
	[tilespmem:v48+s30+$0x0] =	vst.idx.msk $0xffff, v11;
	v15 =	vmul.f32 $8.000000000e+00, v17;
	v0 =	vadd.f32 v0, v59  }
0x307: {  	v18 =	vadd.s32 v7, v49;
	[tilespmem:v51+s30+$0x0] =	vst.idx.msk $0xffff, v33;
	v20 =	vadd.f32 v20, v2  }
0x308: {  	v41 =	vor.u32 v9, v41;
	v17 =	vmul.f32 $8.000000000e+00, v26;
	v48 =	vadd.f32 v15, v10;
	[tilespmem:v52+s30+$0x0] =	vst.idx.msk $0xffff, v0  }
0x309: {  	v0 =	vld.idx.msk [tilespmem:v23+s22+$0x0], $0xffff;
	[tilespmem:v44+s30+$0x0] =	vst.idx.msk $0xffff, v20  }
0x30a: {  	v39 =	vadd.s32 v24, v31;
	v17 =	vadd.f32 v17, v38;
	v20 =	vld.idx.msk [tilespmem:v32+s22+$0x0], $0xffff;
	[tilespmem:v54+s30+$0x0] =	vst.idx.msk $0xffff, v48  }
0x30b: {  	s16 =	sshrl.u32 s10, $0x3;
	v26 =	vor.u32 v13, v39;
	v11 =	vmov v14;
	v14 =	vmov v31;
	v31 =	vld.idx.msk [tilespmem:v50+s22+$0x0], $0xffff  }
0x30c: {  	s16 =	sand.u32 $0x6, s16;
	v39 =	vadd.s32 v58, v8;
	v51 =	vadd.s32 v35, v47;
	[tilespmem:v18+s30+$0x0] =	vst.idx.msk $0xffff, v17  }
0x30d: {  	v33 =	vadd.s32 v25, v14;
	v23 =	vadd.s32 s16, v36;
	v36 =	vadd.s32 v55, v22;
	v17 =	vld.idx.msk [tilespmem:v41+s22+$0x0], $0xffff  }
0x30e: {  	v54 =	vadd.s32 v34, v11;
	v48 =	vadd.s32 v4, v12;
	v0 =	vmul.f32 $8.000000000e+00, v0  }
0x30f: {  	v18 =	vadd.s32 v29, v62;
	v41 =	vor.u32 v60, v51;
	v20 =	vmul.f32 $8.000000000e+00, v20  }
0x310: {  	v18 =	vor.u32 v63, v18;
	v31 =	vmul.f32 $8.000000000e+00, v31;
	v50 =	vadd.f32 v0, v56  }
0x311: {  	v15 =	vmov v38;
	v38 =	vor.u32 v9, v54;
	v26 =	vld.idx.msk [tilespmem:v26+s22+$0x0], $0xffff;
	v20 =	vadd.f32 v20, v59  }
0x312: {  	v32 =	vld [tilespmem:s14+$0x3500];
	v54 =	vmul.f32 $8.000000000e+00, v17;
	v17 =	vor.u32 v13, v33;
	v33 =	vadd.f32 v31, v2;
	[tilespmem:v39+s30+$0x0] =	vst.idx.msk $0xffff, v50  }
0x313: {  	[tilespmem:v48+s30+$0x0] =	vst.idx.msk $0xffff, v20  }
0x314: {  	v52 =	vadd.s32 v42, v6;
	v50 =	vld.idx.msk [tilespmem:v41+s22+$0x0], $0xffff;
	[tilespmem:v36+s30+$0x0] =	vst.idx.msk $0xffff, v33  }
0x315: {  	v44 =	vor.u32 v3, v52;
	v52 =	vadd.s32 v61, v46;
	v51 =	vld.idx.msk [tilespmem:v18+s22+$0x0], $0xffff  }
0x316: {  	p0 =	sne.s32 s10, $0x3F;
	v18 =	vld [tilespmem:$0x1FC60]  }
.Ltmp1:
0x317: {  	_ = 	snop;
	(pc) =	sbr.rel @p0 .LBB2_5-.Ltmp1, $4  }
0x318: {  	s31 =	sand.u32 $0x30, s10;
	v53 =	vshll.u32 v53, $0x7;
	v54 =	vadd.f32 v54, v10  }
0x319: {  	v0 =	vadd.s32 v5, v49;
	v26 =	vmul.f32 $8.000000000e+00, v26;
	v31 =	vadd.s32 s31, v32  }
0x31a: {  	v32 =	vand.u32 $0x7, v32;
	v39 =	vshll.u32 v23, $0xB;
	v31 =	vand.u32 $0xFFFFFFF8, v31;
	[tilespmem:v52+s30+$0x0] =	vst.idx.msk $0xffff, v54  }
0x31b: {  	s10 =	sadd.s32 $0x1, s10;
	v20 =	vadd.f32 v26, v15;
	v52 =	vadd.s32 v43, v62;
	v54 =	vld.idx.msk [tilespmem:v44+s22+$0x0], $0xffff;
	v47 =	vadd.s32 v18, v47  }
0x31c: {  	v18 =	vadd.s32 v19, v31  }
0x31d: {  	v18 =	vor.u32 v32, v18  }
0x31e: {  	v44 =	vadd.s32 v21, v31  }
0x31f: {  	v19 =	vor.u32 v32, v44;
	_ =	sdelay $0x2  }
0x320: {  	v23 =	vld.idx.msk [tilespmem:v18+s22+$0x0], $0xffff;
	_ =	sdelay $0x1  }
0x321: {  	v18 =	vld.idx.msk [tilespmem:v19+s15+$0x0], $0xffff  }
0x322: {  	v53 =	vadd.s32 v53, v39  }
0x323: {  	v48 =	vadd.s32 v24, v31;
	v24 =	vadd.s32 v7, v53  }
0x324: {  	v19 =	vor.u32 v32, v48;
	v23 =	vmul.f32 $8.000000000e+00, v23;
	_ =	sdelay $0x1  }
0x325: {  	v23 =	vadd.f32 v23, v18;
	_ =	sdelay $0x1  }
0x326: {  	[tilespmem:v24+s30+$0x0] =	vst.idx.msk $0xffff, v23  }
0x327: {  	v19 =	vld.idx.msk [tilespmem:v19+s22+$0x0], $0xffff;
	_ =	sdelay $0x3  }
0x328: {  	v26 =	vadd.s32 v25, v31;
	v33 =	vadd.s32 v5, v53  }
0x329: {  	v21 =	vor.u32 v32, v26;
	[tilespmem:v0+s30+$0x0] =	vst.idx.msk $0xffff, v20;
	v19 =	vmul.f32 $8.000000000e+00, v19  }
0x32a: {  	v17 =	vld.idx.msk [tilespmem:v17+s22+$0x0], $0xffff  }
0x32b: {  	v36 =	vadd.f32 v19, v18;
	_ =	sdelay $0x1  }
0x32c: {  	[tilespmem:v33+s30+$0x0] =	vst.idx.msk $0xffff, v36  }
0x32d: {  	v39 =	vadd.s32 v27, v14;
	v41 =	vadd.s32 v4, v49;
	v0 =	vld.idx.msk [tilespmem:v21+s22+$0x0], $0xffff  }
0x32e: {  	v17 =	vmul.f32 $8.000000000e+00, v17;
	v19 =	vor.u32 v13, v39;
	_ =	sdelay $0x1  }
0x32f: {  	v17 =	vadd.f32 v17, v15  }
0x330: {  	v44 =	vadd.s32 v27, v31;
	v48 =	vadd.s32 v4, v53  }
0x331: {  	[tilespmem:v41+s30+$0x0] =	vst.idx.msk $0xffff, v17;
	v21 =	vor.u32 v32, v44;
	v0 =	vmul.f32 $8.000000000e+00, v0  }
0x332: {  	v17 =	vld.idx.msk [tilespmem:v19+s22+$0x0], $0xffff  }
0x333: {  	v0 =	vadd.f32 v0, v18;
	_ =	sdelay $0x1  }
0x334: {  	[tilespmem:v48+s30+$0x0] =	vst.idx.msk $0xffff, v0  }
0x335: {  	v25 =	vadd.s32 v1, v49;
	v24 =	vadd.s32 v30, v14;
	v0 =	vld.idx.msk [tilespmem:v21+s22+$0x0], $0xffff  }
0x336: {  	v19 =	vor.u32 v13, v24;
	v17 =	vmul.f32 $8.000000000e+00, v17;
	_ =	sdelay $0x1  }
0x337: {  	v17 =	vadd.f32 v17, v15  }
0x338: {  	v26 =	vadd.s32 v30, v31;
	v27 =	vadd.s32 v1, v53  }
0x339: {  	v21 =	vor.u32 v32, v26;
	[tilespmem:v25+s30+$0x0] =	vst.idx.msk $0xffff, v17;
	v0 =	vmul.f32 $8.000000000e+00, v0  }
0x33a: {  	v17 =	vld.idx.msk [tilespmem:v19+s22+$0x0], $0xffff  }
0x33b: {  	v0 =	vadd.f32 v0, v18;
	_ =	sdelay $0x1  }
0x33c: {  	[tilespmem:v27+s30+$0x0] =	vst.idx.msk $0xffff, v0  }
0x33d: {  	v30 =	vadd.s32 v34, v14;
	v33 =	vadd.s32 v61, v49;
	v0 =	vld.idx.msk [tilespmem:v21+s22+$0x0], $0xffff  }
0x33e: {  	v19 =	vor.u32 v13, v30;
	v17 =	vmul.f32 $8.000000000e+00, v17;
	_ =	sdelay $0x1  }
0x33f: {  	v17 =	vadd.f32 v17, v15  }
0x340: {  	v34 =	vadd.s32 v34, v31;
	v36 =	vadd.s32 v61, v53  }
0x341: {  	v21 =	vor.u32 v32, v34;
	[tilespmem:v33+s30+$0x0] =	vst.idx.msk $0xffff, v17;
	v0 =	vmul.f32 $8.000000000e+00, v0  }
0x342: {  	v17 =	vld.idx.msk [tilespmem:v19+s22+$0x0], $0xffff  }
0x343: {  	v0 =	vadd.f32 v0, v18;
	_ =	sdelay $0x1  }
0x344: {  	v39 =	vld.idx.msk [tilespmem:v38+s22+$0x0], $0xffff;
	[tilespmem:v36+s30+$0x0] =	vst.idx.msk $0xffff, v0  }
0x345: {  	v30 =	vadd.s32 v16, v14;
	v33 =	vadd.s32 v58, v49;
	v48 =	vld.idx.msk [tilespmem:v21+s22+$0x0], $0xffff  }
0x346: {  	v23 =	vor.u32 v13, v30;
	v17 =	vmul.f32 $8.000000000e+00, v17  }
0x347: {  	v41 =	vadd.s32 v16, v11  }
0x348: {  	v44 =	vadd.s32 v58, v46;
	v26 =	vadd.s32 v16, v31;
	v17 =	vadd.f32 v17, v15  }
0x349: {  	v27 =	vmul.f32 $8.000000000e+00, v39;
	v34 =	vadd.s32 v58, v53;
	v0 =	vor.u32 v9, v41  }
0x34a: {  	v36 =	vor.u32 v32, v26;
	[tilespmem:v33+s30+$0x0] =	vst.idx.msk $0xffff, v17;
	v38 =	vmul.f32 $8.000000000e+00, v48  }
0x34b: {  	v21 =	vadd.f32 v27, v10;
	v17 =	vld.idx.msk [tilespmem:v23+s22+$0x0], $0xffff  }
0x34c: {  	v19 =	vadd.f32 v38, v18  }
0x34d: {  	[tilespmem:v44+s30+$0x0] =	vst.idx.msk $0xffff, v21  }
0x34e: {  	v0 =	vld.idx.msk [tilespmem:v0+s22+$0x0], $0xffff;
	[tilespmem:v34+s30+$0x0] =	vst.idx.msk $0xffff, v19  }
0x34f: {  	v44 =	vadd.s32 v37, v14;
	v48 =	vadd.s32 v57, v49;
	v26 =	vld.idx.msk [tilespmem:v36+s22+$0x0], $0xffff  }
0x350: {  	v21 =	vor.u32 v13, v44;
	v17 =	vmul.f32 $8.000000000e+00, v17  }
0x351: {  	v16 =	vadd.s32 v37, v31  }
0x352: {  	v39 =	vadd.s32 v37, v11;
	v41 =	vadd.s32 v57, v46;
	v17 =	vadd.f32 v17, v15  }
0x353: {  	v30 =	vadd.s32 v57, v53;
	v19 =	vor.u32 v9, v39;
	v0 =	vmul.f32 $8.000000000e+00, v0  }
0x354: {  	v33 =	vor.u32 v32, v16;
	[tilespmem:v48+s30+$0x0] =	vst.idx.msk $0xffff, v17;
	v34 =	vmul.f32 $8.000000000e+00, v26  }
0x355: {  	v0 =	vadd.f32 v0, v10;
	v17 =	vld.idx.msk [tilespmem:v21+s22+$0x0], $0xffff  }
0x356: {  	v16 =	vadd.f32 v34, v18  }
0x357: {  	[tilespmem:v41+s30+$0x0] =	vst.idx.msk $0xffff, v0  }
0x358: {  	v19 =	vld.idx.msk [tilespmem:v19+s22+$0x0], $0xffff;
	[tilespmem:v30+s30+$0x0] =	vst.idx.msk $0xffff, v16  }
0x359: {  	v44 =	vadd.s32 v55, v49;
	v39 =	vadd.s32 v42, v14;
	v0 =	vld.idx.msk [tilespmem:v33+s22+$0x0], $0xffff  }
0x35a: {  	v41 =	vor.u32 v13, v39;
	v48 =	vmul.f32 $8.000000000e+00, v17  }
0x35b: {  	v36 =	vadd.s32 v42, v11  }
0x35c: {  	v37 =	vadd.s32 v55, v46;
	v38 =	vor.u32 v9, v36;
	v34 =	vadd.f32 v48, v15  }
0x35d: {  	v19 =	vmul.f32 $8.000000000e+00, v19;
	v30 =	vadd.s32 v42, v31;
	v33 =	vadd.s32 v55, v53  }
0x35e: {  	v17 =	vor.u32 v32, v30;
	[tilespmem:v44+s30+$0x0] =	vst.idx.msk $0xffff, v34;
	v0 =	vmul.f32 $8.000000000e+00, v0  }
0x35f: {  	v19 =	vadd.f32 v19, v10;
	v23 =	vld.idx.msk [tilespmem:v41+s22+$0x0], $0xffff  }
0x360: {  	v16 =	vadd.s32 $0x400, v22;
	v0 =	vadd.f32 v0, v18  }
0x361: {  	v36 =	vadd.s32 v40, v6;
	v39 =	vmul.f32 $8.000000000e+00, v54;
	[tilespmem:v37+s30+$0x0] =	vst.idx.msk $0xffff, v19;
	v37 =	vadd.s32 v7, v16  }
0x362: {  	v22 =	vadd.s32 $0x400, v49;
	v20 =	vld.idx.msk [tilespmem:v38+s22+$0x0], $0xffff;
	v38 =	vor.u32 v3, v36;
	[tilespmem:v33+s30+$0x0] =	vst.idx.msk $0xffff, v0  }
0x363: {  	v21 =	vadd.f32 v39, v2;
	v48 =	vadd.s32 v7, v22;
	v44 =	vadd.s32 v40, v14;
	v17 =	vld.idx.msk [tilespmem:v17+s22+$0x0], $0xffff  }
0x364: {  	v19 =	vadd.s32 $0x400, v46;
	v46 =	vor.u32 v13, v44;
	v23 =	vmul.f32 $8.000000000e+00, v23  }
0x365: {  	v49 =	vadd.s32 v40, v31;
	v41 =	vadd.s32 v40, v11  }
0x366: {  	v42 =	vadd.s32 v7, v19;
	[tilespmem:v37+s30+$0x0] =	vst.idx.msk $0xffff, v21;
	v21 =	vadd.s32 $0x400, v53;
	v23 =	vadd.f32 v23, v15  }
0x367: {  	v0 =	vor.u32 v9, v41;
	v20 =	vmul.f32 $8.000000000e+00, v20;
	v24 =	vld.idx.msk [tilespmem:v38+s22+$0x0], $0xffff;
	v53 =	vadd.s32 v7, v21  }
0x368: {  	v30 =	vor.u32 v32, v49;
	[tilespmem:v48+s30+$0x0] =	vst.idx.msk $0xffff, v23;
	v17 =	vmul.f32 $8.000000000e+00, v17  }
0x369: {  	v20 =	vadd.f32 v20, v10;
	v37 =	vld.idx.msk [tilespmem:v46+s22+$0x0], $0xffff  }
0x36a: {  	v17 =	vadd.f32 v17, v18  }
0x36b: {  	v54 =	vadd.s32 v28, v6;
	v34 =	vadd.s32 v5, v16;
	[tilespmem:v42+s30+$0x0] =	vst.idx.msk $0xffff, v20  }
0x36c: {  	v20 =	vor.u32 v3, v54;
	v0 =	vld.idx.msk [tilespmem:v0+s22+$0x0], $0xffff;
	v36 =	vmul.f32 $8.000000000e+00, v24;
	[tilespmem:v53+s30+$0x0] =	vst.idx.msk $0xffff, v17  }
0x36d: {  	v39 =	vadd.s32 v28, v11;
	v44 =	vadd.s32 v5, v22;
	v41 =	vadd.s32 v28, v14;
	v7 =	vld.idx.msk [tilespmem:v30+s22+$0x0], $0xffff  }
0x36e: {  	v42 =	vor.u32 v13, v41;
	v23 =	vadd.f32 v36, v2;
	v24 =	vmul.f32 $8.000000000e+00, v37  }
0x36f: {  	v26 =	vor.u32 v9, v39  }
0x370: {  	v40 =	vadd.s32 v5, v19;
	v33 =	vmov v28;
	[tilespmem:v34+s30+$0x0] =	vst.idx.msk $0xffff, v23;
	v24 =	vadd.f32 v24, v15  }
0x371: {  	v48 =	vadd.s32 v5, v21;
	v46 =	vadd.s32 v33, v31;
	v0 =	vmul.f32 $8.000000000e+00, v0;
	v20 =	vld.idx.msk [tilespmem:v20+s22+$0x0], $0xffff  }
0x372: {  	v28 =	vor.u32 v32, v46;
	[tilespmem:v44+s30+$0x0] =	vst.idx.msk $0xffff, v24;
	v7 =	vmul.f32 $8.000000000e+00, v7  }
0x373: {  	v49 =	vor.u32 v63, v52;
	v0 =	vadd.f32 v0, v10;
	v23 =	vld.idx.msk [tilespmem:v42+s22+$0x0], $0xffff  }
0x374: {  	v38 =	vmul.f32 $8.000000000e+00, v51;
	v51 =	vadd.s32 v1, v12;
	v52 =	vadd.f32 v7, v18  }
0x375: {  	v54 =	vadd.s32 v4, v16;
	v53 =	vadd.s32 v29, v6;
	[tilespmem:v40+s30+$0x0] =	vst.idx.msk $0xffff, v0  }
0x376: {  	v26 =	vld.idx.msk [tilespmem:v26+s22+$0x0], $0xffff;
	v20 =	vmul.f32 $8.000000000e+00, v20;
	v7 =	vor.u32 v3, v53;
	[tilespmem:v48+s30+$0x0] =	vst.idx.msk $0xffff, v52  }
0x377: {  	v17 =	vadd.f32 v38, v59;
	v38 =	vadd.s32 v29, v14;
	v40 =	vadd.s32 v4, v22;
	v0 =	vld.idx.msk [tilespmem:v28+s22+$0x0], $0xffff  }
0x378: {  	v25 =	vor.u32 v13, v38;
	v30 =	vadd.f32 v20, v2;
	v23 =	vmul.f32 $8.000000000e+00, v23  }
0x379: {  	v41 =	vadd.s32 v29, v31;
	v37 =	vadd.s32 v4, v19;
	[tilespmem:v51+s30+$0x0] =	vst.idx.msk $0xffff, v17  }
0x37a: {  	v34 =	vadd.s32 v29, v11;
	[tilespmem:v54+s30+$0x0] =	vst.idx.msk $0xffff, v30;
	v23 =	vadd.f32 v23, v15  }
0x37b: {  	v17 =	vor.u32 v9, v34;
	v42 =	vadd.s32 v4, v21;
	v39 =	vmul.f32 $8.000000000e+00, v26;
	v7 =	vld.idx.msk [tilespmem:v7+s22+$0x0], $0xffff  }
0x37c: {  	v27 =	vor.u32 v32, v41;
	v36 =	vld.idx.msk [tilespmem:v49+s22+$0x0], $0xffff;
	[tilespmem:v40+s30+$0x0] =	vst.idx.msk $0xffff, v23;
	v0 =	vmul.f32 $8.000000000e+00, v0  }
0x37d: {  	v5 =	vadd.f32 v39, v10;
	v23 =	vld.idx.msk [tilespmem:v25+s22+$0x0], $0xffff  }
0x37e: {  	v0 =	vadd.f32 v0, v18  }
0x37f: {  	v46 =	vadd.s32 v43, v6;
	v48 =	vadd.s32 v1, v16;
	[tilespmem:v37+s30+$0x0] =	vst.idx.msk $0xffff, v5  }
0x380: {  	v5 =	vor.u32 v3, v46;
	v17 =	vld.idx.msk [tilespmem:v17+s22+$0x0], $0xffff;
	v7 =	vmul.f32 $8.000000000e+00, v7;
	[tilespmem:v42+s30+$0x0] =	vst.idx.msk $0xffff, v0  }
0x381: {  	v33 =	vadd.s32 v43, v14;
	v20 =	vmul.f32 $8.000000000e+00, v36;
	v37 =	vadd.s32 v1, v22;
	v52 =	vld.idx.msk [tilespmem:v27+s22+$0x0], $0xffff  }
0x382: {  	v36 =	vor.u32 v13, v33;
	v23 =	vmul.f32 $8.000000000e+00, v23;
	v7 =	vadd.f32 v7, v2  }
0x383: {  	v38 =	vadd.s32 v43, v31;
	v51 =	vadd.s32 v61, v12;
	v53 =	vadd.s32 v43, v11  }
0x384: {  	v54 =	vadd.s32 v1, v19;
	v23 =	vadd.f32 v23, v15;
	[tilespmem:v48+s30+$0x0] =	vst.idx.msk $0xffff, v7  }
0x385: {  	v26 =	vor.u32 v9, v53;
	v39 =	vadd.s32 v1, v21;
	v34 =	vmul.f32 $8.000000000e+00, v17;
	v5 =	vld.idx.msk [tilespmem:v5+s22+$0x0], $0xffff  }
0x386: {  	v41 =	vor.u32 v32, v38;
	v20 =	vadd.f32 v20, v59;
	[tilespmem:v37+s30+$0x0] =	vst.idx.msk $0xffff, v23;
	v42 =	vmul.f32 $8.000000000e+00, v52  }
0x387: {  	v44 =	vadd.s32 v45, v62;
	v40 =	vadd.f32 v34, v10;
	v17 =	vld.idx.msk [tilespmem:v36+s22+$0x0], $0xffff  }
0x388: {  	v49 =	vor.u32 v63, v44;
	[tilespmem:v51+s30+$0x0] =	vst.idx.msk $0xffff, v20;
	v43 =	vadd.f32 v42, v18  }
0x389: {  	v44 =	vadd.s32 v45, v6;
	v46 =	vadd.s32 v61, v16;
	[tilespmem:v54+s30+$0x0] =	vst.idx.msk $0xffff, v40  }
0x38a: {  	v20 =	vor.u32 v3, v44;
	v26 =	vld.idx.msk [tilespmem:v26+s22+$0x0], $0xffff;
	v5 =	vmul.f32 $8.000000000e+00, v5;
	[tilespmem:v39+s30+$0x0] =	vst.idx.msk $0xffff, v43  }
0x38b: {  	v54 =	vadd.s32 v61, v22;
	v52 =	vadd.s32 v45, v14;
	v4 =	vld.idx.msk [tilespmem:v41+s22+$0x0], $0xffff  }
0x38c: {  	v24 =	vor.u32 v13, v52;
	v17 =	vmul.f32 $8.000000000e+00, v17;
	v5 =	vadd.f32 v5, v2  }
0x38d: {  	v33 =	vadd.s32 v45, v31;
	v51 =	vadd.s32 v61, v19;
	v0 =	vld.idx.msk [tilespmem:v49+s22+$0x0], $0xffff  }
0x38e: {  	v49 =	vadd.s32 v45, v11;
	v17 =	vadd.f32 v17, v15;
	[tilespmem:v46+s30+$0x0] =	vst.idx.msk $0xffff, v5  }
0x38f: {  	v7 =	vor.u32 v9, v49;
	v34 =	vadd.s32 v61, v21;
	v53 =	vmul.f32 $8.000000000e+00, v26;
	v20 =	vld.idx.msk [tilespmem:v20+s22+$0x0], $0xffff  }
0x390: {  	v38 =	vadd.s32 v58, v16;
	v26 =	vor.u32 v32, v33;
	[tilespmem:v54+s30+$0x0] =	vst.idx.msk $0xffff, v17;
	v4 =	vmul.f32 $8.000000000e+00, v4  }
0x391: {  	v48 =	vadd.s32 v35, v62;
	v36 =	vadd.s32 v58, v12;
	v5 =	vadd.f32 v53, v10;
	v40 =	vld.idx.msk [tilespmem:v24+s22+$0x0], $0xffff  }
0x392: {  	v1 =	vor.u32 v63, v48;
	v0 =	vmul.f32 $8.000000000e+00, v0;
	v4 =	vadd.f32 v4, v18  }
0x393: {  	v37 =	vadd.s32 v35, v6;
	v49 =	vadd.s32 v58, v22;
	[tilespmem:v51+s30+$0x0] =	vst.idx.msk $0xffff, v5  }
0x394: {  	v0 =	vadd.f32 v0, v59;
	v7 =	vld.idx.msk [tilespmem:v7+s22+$0x0], $0xffff;
	v39 =	vmul.f32 $8.000000000e+00, v20;
	[tilespmem:v34+s30+$0x0] =	vst.idx.msk $0xffff, v4  }
0x395: {  	v43 =	vmul.f32 $8.000000000e+00, v50;
	v41 =	vor.u32 v60, v47;
	v47 =	vadd.s32 v35, v14;
	v42 =	vld.idx.msk [tilespmem:v26+s22+$0x0], $0xffff  }
0x396: {  	[tilespmem:v36+s30+$0x0] =	vst.idx.msk $0xffff, v0;
	v50 =	vor.u32 v13, v47;
	v20 =	vmul.f32 $8.000000000e+00, v40;
	v44 =	vadd.f32 v39, v2  }
0x397: {  	v45 =	vadd.s32 v35, v11;
	v52 =	vadd.s32 v58, v21;
	v1 =	vld.idx.msk [tilespmem:v1+s22+$0x0], $0xffff;
	v5 =	vor.u32 v3, v37  }
0x398: {  	v46 =	vadd.s32 v58, v19;
	v20 =	vadd.f32 v20, v15;
	[tilespmem:v38+s30+$0x0] =	vst.idx.msk $0xffff, v44  }
0x399: {  	v17 =	vor.u32 v9, v45;
	v51 =	vadd.s32 v35, v31;
	v48 =	vmul.f32 $8.000000000e+00, v7;
	v54 =	vld [tilespmem:$0x1FC60]  }
0x39a: {  	v27 =	vor.u32 v32, v51;
	[tilespmem:v49+s30+$0x0] =	vst.idx.msk $0xffff, v20;
	v24 =	vmul.f32 $8.000000000e+00, v42  }
0x39b: {  	v33 =	vadd.s32 v57, v16;
	v0 =	vadd.f32 v48, v10;
	v7 =	vld.idx.msk [tilespmem:v50+s22+$0x0], $0xffff  }
0x39c: {  	v53 =	vadd.s32 v57, v8;
	v1 =	vmul.f32 $8.000000000e+00, v1;
	v5 =	vld.idx.msk [tilespmem:v5+s22+$0x0], $0xffff;
	v60 =	vadd.f32 v24, v18  }
0x39d: {  	v25 =	vadd.f32 v43, v56;
	v37 =	vadd.s32 v57, v19;
	[tilespmem:v46+s30+$0x0] =	vst.idx.msk $0xffff, v0  }
0x39e: {  	v1 =	vadd.f32 v1, v59;
	v17 =	vld.idx.msk [tilespmem:v17+s22+$0x0], $0xffff;
	v58 =	vadd.s32 v54, v62;
	[tilespmem:v52+s30+$0x0] =	vst.idx.msk $0xffff, v60  }
0x39f: {  	v40 =	vadd.s32 v57, v22;
	v38 =	vadd.s32 v54, v14;
	v61 =	vor.u32 v63, v58;
	v30 =	vld.idx.msk [tilespmem:v27+s22+$0x0], $0xffff  }
0x3a0: {  	v63 =	vadd.s32 v57, v12;
	v39 =	vor.u32 v13, v38;
	v7 =	vmul.f32 $8.000000000e+00, v7  }
0x3a1: {  	[tilespmem:v53+s30+$0x0] =	vst.idx.msk $0xffff, v25;
	v42 =	vadd.s32 v57, v21;
	v62 =	vadd.s32 v54, v6;
	v5 =	vmul.f32 $8.000000000e+00, v5  }
0x3a2: {  	v35 =	vadd.s32 v54, v11;
	v28 =	vor.u32 v3, v62;
	v46 =	vadd.f32 v7, v15  }
0x3a3: {  	v4 =	vld.idx.msk [tilespmem:v41+s22+$0x0], $0xffff;
	v41 =	vadd.s32 v54, v31;
	v36 =	vor.u32 v9, v35;
	v17 =	vmul.f32 $8.000000000e+00, v17  }
0x3a4: {  	v44 =	vor.u32 v32, v41;
	v5 =	vadd.f32 v5, v2;
	[tilespmem:v40+s30+$0x0] =	vst.idx.msk $0xffff, v46;
	v6 =	vmul.f32 $8.000000000e+00, v30  }
0x3a5: {  	v43 =	vadd.f32 v17, v10;
	[tilespmem:v63+s30+$0x0] =	vst.idx.msk $0xffff, v1;
	v50 =	vld.idx.msk [tilespmem:v39+s22+$0x0], $0xffff  }
0x3a6: {  	[tilespmem:v33+s30+$0x0] =	vst.idx.msk $0xffff, v5;
	v45 =	vld.idx.msk [tilespmem:v61+s22+$0x0], $0xffff;
	v47 =	vadd.f32 v6, v18  }
0x3a7: {  	v3 =	vld.idx.msk [tilespmem:v28+s22+$0x0], $0xffff;
	[tilespmem:v37+s30+$0x0] =	vst.idx.msk $0xffff, v43  }
0x3a8: {  	v49 =	vadd.s32 v55, v8;
	v48 =	vld.idx.msk [tilespmem:v36+s22+$0x0], $0xffff;
	[tilespmem:v42+s30+$0x0] =	vst.idx.msk $0xffff, v47  }
0x3a9: {  	v51 =	vmul.f32 $8.000000000e+00, v4;
	v58 =	vadd.s32 v55, v22;
	v1 =	vld.idx.msk [tilespmem:v44+s22+$0x0], $0xffff  }
0x3aa: {  	v52 =	vadd.s32 v55, v12;
	v60 =	vmul.f32 $8.000000000e+00, v50  }
0x3ab: {  	v54 =	vadd.s32 v55, v16;
	v0 =	vadd.f32 v51, v56;
	v53 =	vmul.f32 $8.000000000e+00, v45  }
0x3ac: {  	v57 =	vadd.s32 v55, v19;
	v3 =	vmul.f32 $8.000000000e+00, v3;
	v63 =	vadd.f32 v60, v15  }
0x3ad: {  	s20 =	sadd.s32 $0x1, s20;
	[tilespmem:v49+s30+$0x0] =	vst.idx.msk $0xffff, v0;
	v61 =	vadd.s32 v55, v21;
	v6 =	vmul.f32 $8.000000000e+00, v48;
	v8 =	vadd.f32 v53, v59  }
0x3ae: {  	p0 =	sne.s32 s20, $0x32;
	v59 =	vadd.f32 v3, v2;
	[tilespmem:v58+s30+$0x0] =	vst.idx.msk $0xffff, v63;
	v1 =	vmul.f32 $8.000000000e+00, v1  }
.Ltmp2:
0x3af: {  	s7 =	sshll.u32 s7, $0x12;
	v62 =	vadd.f32 v6, v10;
	[tilespmem:v52+s30+$0x0] =	vst.idx.msk $0xffff, v8;
	(pc) =	sbr.rel @p0 .LBB2_2-.Ltmp2, $4  }
0x3b0: {  	s7 =	sadd.s32 s12, s7;
	[tilespmem:v54+s30+$0x0] =	vst.idx.msk $0xffff, v59;
	v1 =	vadd.f32 v1, v18  }
0x3b1: {  	s7 =	sshrl.u32 s7, $0x3;
	[tilespmem:v57+s30+$0x0] =	vst.idx.msk $0xffff, v62  }
0x3b2: {  	s7 =	sadd.s32 s3, s7;
	[tilespmem:v61+s30+$0x0] =	vst.idx.msk $0xffff, v1  }
0x3b3: {  	[hbm4b:s7+s26] =	stream.strided.scatter [tilespmem:s30], [sflag:$0x5], $0x4000, s28, s26, $0x38;
	[tilespmem:$0x13800] =	vst v63  }
0x3b4: {  	s7 =	simm.s32 $0x4  }
0x3b5: {  	_ =	swait.ge [sflag:s7], $0x4000  }
0x3b6: {  	[sflag:s7] =	ssyncset.done $0x0  }
0x3b7: {  	[sflag:s7] =	ssyncadd.s32 $0xFFFFC000  }
0x3b8: {  	_ =	swait.ge [sflag:s2], $0x4000  }
0x3b9: {  	s0 =	sadd.s32 $0x1, s0;
	s31 =	rddreg [dreg:$0x6]  }
0x3ba: {  	p0 =	sne.s32 s0, s31  }
.Ltmp3:
0x3bb: {  	_ = 	snop;
	(pc) =	sbr.rel @p0 .LBB2_1-.Ltmp3, $3  }
0x3bc: {  	_ =	sdelay $0x1  }
0x3bd: {  	[sflag:s2] =	ssyncset.done $0x0  }
0x3be: {  	[sflag:s2] =	ssyncadd.s32 $0xFFFFC000  }
0x3bf: {  	_ =	sfence.sel $0x180000  }
0x3c0: {  	[bflag:$0x0] =	sbarrier.arrive $0xFFFF  }
0x3c1: {  	_ =	strace $0x90000047  }
0x3c2: {  	s0 =	stileid.u32;
	[bflag:$0x2] =	sbarrier.arrive $0xFFFF  }
0x3c3: {  	p0 =	sne.s32 s0, $0x0;
	s0 =	rddreg [dreg:$0x2]  }
0x3c4: {  	s0 =	sadd.s32 @!p0 $0x100000, s0  }
0x3c5: {  	[sflag:s0] =	ssyncadd.tile.s32 @!p0 $0x1;
	_ =	shalt  }
.Lfunc_end2:
_tile_overlayer_lowered:
.L_overlay_start_2:
0x3c6: {  	(tag) =	ssettag $0x2  }
0x3c7: {  	s0 =	rddreg [dreg:$0x0];
	s2 =	stileid.u32  }
0x3c8: {  	s1 =	rddreg [dreg:$0x1];
	p0 =	sne.s32 s2, $0x0  }
0x3c9: {  	s3 =	rddreg [dreg:$0x2];
	[bflag:$0x3] =	sbarrier.arrive $0xFFFF;
	s2 =	simm.s32 @!p0 $0x1C06  }
0x3ca: {  	[timem:s3], [sflag:s2] =	dma.local @!p0 [hbm:s0], s1  }
0x3cb: {  	s0 =	simm.s32 @!p0 $0x6  }
0x3cc: {  	_ =	swait.ge @!p0 [sflag:s0], s1  }
0x3cd: {  	s1 =	ssub.s32 @!p0 $0x0, s1;
	[sflag:s0] =	ssyncset.done @!p0 $0x0  }
0x3ce: {  	[sflag:s0] =	ssyncadd.s32 @!p0 s1  }
0x3cf: {  	[bflag:$0x3] =	sbarrier.arrive $0xFFFF  }
0x3d0: {  	_ =	shalt  }

</sc_bundles>
